<compile_context>
chip_gen: v7x
topology: tpu7x:2x2x1
jax: 0.10.2.dev20260603
libtpu: 0.0.44.dev20260713+nightly
codegen_flags: <defaults>
</compile_context>

<pallas_src>
import functools

import jax
import jax.numpy as jnp
from jax import lax
from jax.experimental import pallas as pl
from jax.experimental.pallas import tpu as pltpu
from jax.experimental.pallas import tpu_sc as plsc

N_NODES = 10000
N_EDGES = 320000
NPAD = 10240
EPAD = 327680
D_NODE = 128
D_EDGE = 16
HID = 128

NCORES = 2
NSUB = 16
NTILES = NCORES * NSUB
CHUNK = 128
CH_PER_TILE = EPAD // NTILES // CHUNK
ROWS_PER_TILE = NPAD // NSUB

_DOT = functools.partial(
    lax.dot_general,
    precision=lax.Precision.HIGHEST,
    preferred_element_type=jnp.float32,
)


def _mm(a, b):
    return _DOT(a, b, (((1,), (0,)), ((), ())))


_sc_mesh = plsc.VectorSubcoreMesh(core_axis_name="c", subcore_axis_name="s")

_NBUF = 2
_GCHUNK = 128
_NCHUNKS = EPAD // _GCHUNK
_SLAB = 40

_SLOW_C = 1
_SLOW_SLABS = 2
_FAST_SLABS = 2
_SLOW_TOTAL = NSUB * _SLAB * _SLOW_SLABS


@functools.partial(
    pl.kernel,
    out_type=jax.ShapeDtypeStruct((NCORES, NPAD, HID), jnp.float32),
    mesh=_sc_mesh,
    scratch_types=[
        pltpu.VMEM((_SLAB, _GCHUNK), jnp.int32),
        pltpu.VMEM((_SLAB, _GCHUNK), jnp.int32),
        pltpu.VMEM((_NBUF, _GCHUNK, HID), jnp.float32),
        pltpu.VMEM_SHARED((NPAD, HID), jnp.float32),
        pltpu.SemaphoreType.DMA((_NBUF,)),
        pltpu.SemaphoreType.DMA((_NBUF,)),
    ],
)
def _sc_agg(table, srcm, dstm, zeros_hbm, parts, src_v, dst_v, rows_v, acc,
            gsem, ssem):
    c = lax.axis_index("c")
    s = lax.axis_index("s")

    for i in range(ROWS_PER_TILE // CHUNK):
        pltpu.sync_copy(
            zeros_hbm, acc.at[pl.ds(s * ROWS_PER_TILE + i * CHUNK, CHUNK)]
        )
    plsc.subcore_barrier()

    slow = c == _SLOW_C
    nslab = jnp.where(slow, _SLOW_SLABS, _FAST_SLABS)
    tile_base = jnp.where(slow, s * (_SLAB * _SLOW_SLABS),
                          _SLOW_TOTAL + s * (_SLAB * _FAST_SLABS))

    def slab_body(h, carry):
        base_ch = tile_base + h * _SLAB
        pltpu.sync_copy(srcm.at[pl.ds(base_ch, _SLAB)], src_v)
        pltpu.sync_copy(dstm.at[pl.ds(base_ch, _SLAB)], dst_v)

        for b in range(_NBUF):
            pltpu.async_copy(table.at[src_v.at[b]], rows_v.at[b], gsem.at[b])

        def group(jj, carry2):
            base = jj * _NBUF
            for b in range(_NBUF):
                j = base + b
                pltpu.make_async_copy(
                    table.at[src_v.at[j]], rows_v.at[b], gsem.at[b]
                ).wait()
                pltpu.async_copy(
                    rows_v.at[b], acc.at[dst_v.at[j]], ssem.at[b], add=True
                )
            for b in range(_NBUF):
                j = base + b
                jn = j + _NBUF
                pltpu.make_async_copy(
                    rows_v.at[b], acc.at[dst_v.at[j]], ssem.at[b]
                ).wait()

                @pl.when(jn < _SLAB)
                def _():
                    pltpu.async_copy(table.at[src_v.at[jn]], rows_v.at[b],
                                     gsem.at[b])

            return carry2

        lax.fori_loop(0, _SLAB // _NBUF, group, 0)
        return carry

    lax.fori_loop(0, nslab, slab_body, 0)

    plsc.subcore_barrier()

    pltpu.sync_copy(
        acc.at[pl.ds(s * ROWS_PER_TILE, ROWS_PER_TILE)],
        parts.at[c, pl.ds(s * ROWS_PER_TILE, ROWS_PER_TILE)],
    )


_CGRP = 8


@functools.partial(
    pl.kernel,
    out_type=jax.ShapeDtypeStruct((NCORES, NPAD, HID), jnp.float32),
    mesh=_sc_mesh,
    scratch_types=[
        pltpu.VMEM((CH_PER_TILE, CHUNK), jnp.int32),
        pltpu.VMEM((CHUNK, HID), jnp.float32),
        pltpu.VMEM_SHARED((NPAD, HID), jnp.float32),
        pltpu.SemaphoreType.DMA,
    ],
)
def _sc_count(dstm, ones_hbm, zeros_hbm, parts, dst_v, ones_v, acc, sem):
    c = lax.axis_index("c")
    s = lax.axis_index("s")
    wid = c * NSUB + s

    for i in range(ROWS_PER_TILE // CHUNK):
        pltpu.sync_copy(
            zeros_hbm, acc.at[pl.ds(s * ROWS_PER_TILE + i * CHUNK, CHUNK)]
        )
    plsc.subcore_barrier()
    pltpu.sync_copy(ones_hbm, ones_v)
    pltpu.sync_copy(dstm.at[pl.ds(wid * CH_PER_TILE, CH_PER_TILE)], dst_v)

    def group(jj, carry):
        base = jj * _CGRP
        for b in range(_CGRP):
            pltpu.async_copy(ones_v, acc.at[dst_v.at[base + b]], sem,
                             add=True)
        for b in range(_CGRP):
            pltpu.make_async_copy(ones_v, acc.at[dst_v.at[base + b]],
                                  sem).wait()
        return carry

    lax.fori_loop(0, CH_PER_TILE // _CGRP, group, 0)
    plsc.subcore_barrier()

    pltpu.sync_copy(
        acc.at[pl.ds(s * ROWS_PER_TILE, ROWS_PER_TILE)],
        parts.at[c, pl.ds(s * ROWS_PER_TILE, ROWS_PER_TILE)],
    )


@functools.partial(
    pl.kernel,
    out_type=jax.ShapeDtypeStruct((EPAD, HID), jnp.float32),
    mesh=_sc_mesh,
    scratch_types=[
        pltpu.VMEM((_SLAB * _FAST_SLABS, _GCHUNK), jnp.int32),
        pltpu.VMEM((_SLAB * _FAST_SLABS, _GCHUNK), jnp.int32),
        pltpu.VMEM((_NBUF, _GCHUNK, HID), jnp.float32),
        pltpu.VMEM((_NBUF, _GCHUNK, HID), jnp.float32),
        pltpu.SemaphoreType.DMA((_NBUF,)),
        pltpu.SemaphoreType.DMA((_NBUF,)),
        pltpu.SemaphoreType.DMA((_NBUF,)),
    ],
)
def _sc_edge_gather(ptab, qtab, srcm, dstm, s_out, src_v, dst_v, bufp, bufq,
                    psem, qsem, wsem):
    c = lax.axis_index("c")
    s = lax.axis_index("s")

    slow = c == _SLOW_C
    nslab = jnp.where(slow, _SLOW_SLABS, _FAST_SLABS)
    nch = nslab * _SLAB
    tile_base = jnp.where(slow, s * (_SLAB * _SLOW_SLABS),
                          _SLOW_TOTAL + s * (_SLAB * _FAST_SLABS))
    ebase = tile_base * _GCHUNK

    def ld_slab(h, carry):
        pltpu.sync_copy(srcm.at[pl.ds(tile_base + h * _SLAB, _SLAB)],
                        src_v.at[pl.ds(h * _SLAB, _SLAB)])
        pltpu.sync_copy(dstm.at[pl.ds(tile_base + h * _SLAB, _SLAB)],
                        dst_v.at[pl.ds(h * _SLAB, _SLAB)])
        return carry

    lax.fori_loop(0, nslab, ld_slab, 0)

    for b in range(_NBUF):
        pltpu.async_copy(ptab.at[src_v.at[b]], bufp.at[b], psem.at[b])
        pltpu.async_copy(qtab.at[dst_v.at[b]], bufq.at[b], qsem.at[b])

    def group(jj, carry):
        for b in range(_NBUF):
            j = jj * _NBUF + b
            jn = j + _NBUF
            pltpu.make_async_copy(ptab.at[src_v.at[j]], bufp.at[b],
                                  psem.at[b]).wait()
            pltpu.make_async_copy(qtab.at[dst_v.at[j]], bufq.at[b],
                                  qsem.at[b]).wait()

            def add_row(r, inner):
                for k in range(HID // 16):
                    sl = pl.ds(k * 16, 16)
                    bufp[b, r, sl] = bufp[b, r, sl] + bufq[b, r, sl]
                return inner

            lax.fori_loop(0, _GCHUNK, add_row, 0)
            pltpu.async_copy(
                bufp.at[b], s_out.at[pl.ds(ebase + j * _GCHUNK, _GCHUNK)],
                wsem.at[b]
            )

            @pl.when(jn < nch)
            def _():
                pltpu.make_async_copy(
                    bufp.at[b], s_out.at[pl.ds(ebase + j * _GCHUNK, _GCHUNK)],
                    wsem.at[b]
                ).wait()
                pltpu.async_copy(ptab.at[src_v.at[jn]], bufp.at[b],
                                 psem.at[b])
                pltpu.async_copy(qtab.at[dst_v.at[jn]], bufq.at[b],
                                 qsem.at[b])

        return carry

    lax.fori_loop(0, nch // _NBUF, group, 0)
    for i in range(_NBUF):
        j = nch - _NBUF + i
        pltpu.make_async_copy(
            bufp.at[i], s_out.at[pl.ds(ebase + j * _GCHUNK, _GCHUNK)],
            wsem.at[i]
        ).wait()


_NODE_BLK = 1024
_NODE_GRID = NPAD // _NODE_BLK


def _tc_layer1(parts, cparts, x, wn, ws, b):

    def kern(p_ref, c_ref, x_ref, wn_ref, ws_ref, b_ref, h_ref, inv_ref):
        cnt = (c_ref[0] + c_ref[1])[:, 0:1]
        inv = 1.0 / jnp.maximum(cnt, 1.0)
        mean = (p_ref[0] + p_ref[1]) * inv
        h = _mm(mean, wn_ref[...]) + _mm(x_ref[...], ws_ref[...]) + b_ref[...]
        h_ref[...] = jnp.maximum(h, 0.0)
        inv_ref[...] = inv

    return pl.pallas_call(
        kern,
        grid=(_NODE_GRID,),
        in_specs=[
            pl.BlockSpec((NCORES, _NODE_BLK, HID), lambda i: (0, i, 0)),
            pl.BlockSpec((NCORES, _NODE_BLK, HID), lambda i: (0, i, 0)),
            pl.BlockSpec((_NODE_BLK, D_NODE), lambda i: (i, 0)),
            pl.BlockSpec((D_NODE, HID), lambda i: (0, 0)),
            pl.BlockSpec((D_NODE, HID), lambda i: (0, 0)),
            pl.BlockSpec((1, HID), lambda i: (0, 0)),
        ],
        out_specs=[
            pl.BlockSpec((_NODE_BLK, HID), lambda i: (i, 0)),
            pl.BlockSpec((_NODE_BLK, 1), lambda i: (i, 0)),
        ],
        out_shape=[
            jax.ShapeDtypeStruct((NPAD, HID), jnp.float32),
            jax.ShapeDtypeStruct((NPAD, 1), jnp.float32),
        ],
    )(parts, cparts, x, wn, ws, b)


def _tc_layer2(parts, inv, h1, wn, ws, b, w3a, w3b, b3):

    def kern(p_ref, inv_ref, h1_ref, wn_ref, ws_ref, b_ref, w3a_ref, w3b_ref,
             b3_ref, p_out, q_out):
        mean = (p_ref[0] + p_ref[1]) * inv_ref[...]
        h2 = _mm(mean, wn_ref[...]) + _mm(h1_ref[...], ws_ref[...]) + b_ref[...]
        h2 = jnp.maximum(h2, 0.0)
        p_out[...] = _mm(h2, w3a_ref[...]) + b3_ref[...]
        q_out[...] = _mm(h2, w3b_ref[...])

    return pl.pallas_call(
        kern,
        grid=(_NODE_GRID,),
        in_specs=[
            pl.BlockSpec((NCORES, _NODE_BLK, HID), lambda i: (0, i, 0)),
            pl.BlockSpec((_NODE_BLK, 1), lambda i: (i, 0)),
            pl.BlockSpec((_NODE_BLK, HID), lambda i: (i, 0)),
            pl.BlockSpec((HID, HID), lambda i: (0, 0)),
            pl.BlockSpec((HID, HID), lambda i: (0, 0)),
            pl.BlockSpec((1, HID), lambda i: (0, 0)),
            pl.BlockSpec((HID, HID), lambda i: (0, 0)),
            pl.BlockSpec((HID, HID), lambda i: (0, 0)),
            pl.BlockSpec((1, HID), lambda i: (0, 0)),
        ],
        out_specs=[
            pl.BlockSpec((_NODE_BLK, HID), lambda i: (i, 0)),
            pl.BlockSpec((_NODE_BLK, HID), lambda i: (i, 0)),
        ],
        out_shape=[
            jax.ShapeDtypeStruct((NPAD, HID), jnp.float32),
            jax.ShapeDtypeStruct((NPAD, HID), jnp.float32),
        ],
    )(parts, inv, h1, wn, ws, b, w3a, w3b, b3)


_EDGE_BLK = 8192
_EDGE_GRID = EPAD // _EDGE_BLK


def _tc_edge_mlp(s_arr, attrT, w3c, w4r, b4):

    def kern(s_ref, a_ref, w3c_ref, w4_ref, b4_ref, o_ref):
        r = lax.dot_general(a_ref[...], w3c_ref[...], (((0,), (0,)), ((), ())),
                            preferred_element_type=jnp.float32)
        u = jnp.maximum(s_ref[...] + r, 0.0)
        o_ref[...] = jnp.sum(u * w4_ref[...], axis=1) + b4_ref[0, 0]

    return pl.pallas_call(
        kern,
        grid=(_EDGE_GRID,),
        in_specs=[
            pl.BlockSpec((_EDGE_BLK, HID), lambda i: (i, 0)),
            pl.BlockSpec((D_EDGE, _EDGE_BLK), lambda i: (0, i)),
            pl.BlockSpec((D_EDGE, HID), lambda i: (0, 0)),
            pl.BlockSpec((1, HID), lambda i: (0, 0)),
            pl.BlockSpec((1, 1), lambda i: (0, 0)),
        ],
        out_specs=pl.BlockSpec((_EDGE_BLK,), lambda i: (i,)),
        out_shape=jax.ShapeDtypeStruct((EPAD,), jnp.float32),
    )(s_arr, attrT, w3c, w4r, b4)


def kernel(x, edge_index, edge_attr, Wn1, Ws1, b1, Wn2, Ws2, b2, W3, b3, W4, b4):
    f32 = jnp.float32

    src = edge_index[0].astype(jnp.int32)
    dst = edge_index[1].astype(jnp.int32)
    pad = N_NODES + (jnp.arange(EPAD - N_EDGES, dtype=jnp.int32) % 128)
    srcp = jnp.concatenate([src, pad])
    dstp = jnp.concatenate([dst, pad])
    srcg = srcp.reshape(EPAD // _GCHUNK, _GCHUNK)
    dstg = dstp.reshape(EPAD // _GCHUNK, _GCHUNK)
    dstm = dstp.reshape(EPAD // CHUNK, CHUNK)

    xpad = jnp.zeros((NPAD, D_NODE), f32).at[:N_NODES].set(x.astype(f32))
    zeros_blk = jnp.zeros((CHUNK, HID), f32)
    ones_blk = jnp.ones((CHUNK, HID), f32)

    cparts = _sc_count(dstm, ones_blk, zeros_blk)

    parts1 = _sc_agg(xpad, srcg, dstg, zeros_blk)
    h1, inv = _tc_layer1(parts1, cparts, xpad, Wn1, Ws1, b1.reshape(1, HID))

    parts2 = _sc_agg(h1, srcg, dstg, zeros_blk)
    p_tab, q_tab = _tc_layer2(
        parts2, inv, h1, Wn2, Ws2, b2.reshape(1, HID),
        W3[:HID], W3[HID:2 * HID], b3.reshape(1, HID),
    )

    s_arr = _sc_edge_gather(p_tab, q_tab, srcg, dstg)
    attrT = jnp.zeros((D_EDGE, EPAD), f32).at[:, :N_EDGES].set(
        edge_attr.astype(f32).T)
    out = _tc_edge_mlp(s_arr, attrT, W3[2 * HID:], W4.reshape(1, HID),
                       b4.reshape(1, 1))
    return out[:N_EDGES]

# --- scband reference (transcript-rebuilt; emitter-appended) ---
"""Pipeline reference for scband-edge-sage-17325898072720 (READ-ONLY COPY).

The authoritative reference and input builder live on the scoring server;
editing this copy changes nothing except your own understanding.
"""

import jax, jax.numpy as jnp
import numpy as np

N_NODES = 10000
N_EDGES = 320000
D_NODE = 128
D_EDGE = 16
HID = 128


def _init_w(key, shape, fan_in):
    return jax.random.normal(key, shape, dtype=jnp.float32) * np.sqrt(2.0 / fan_in)


def setup_inputs(seed: int = 0) -> dict:
    key = jax.random.key(seed)
    ks = jax.random.split(key, 16)
    x = jax.random.normal(ks[0], (N_NODES, D_NODE), dtype=jnp.float32)
    edge_index = jax.random.randint(ks[1], (2, N_EDGES), 0, N_NODES, dtype=jnp.int64)
    edge_attr = jax.random.normal(ks[2], (N_EDGES, D_EDGE), dtype=jnp.float32)
    # SAGEConv1: lin_l (neighbors) + lin_r (self), bias on lin_l
    Wn1 = _init_w(ks[3], (D_NODE, HID), D_NODE)
    Ws1 = _init_w(ks[4], (D_NODE, HID), D_NODE)
    b1 = jnp.zeros((HID,), dtype=jnp.float32)
    # SAGEConv2
    Wn2 = _init_w(ks[5], (HID, HID), HID)
    Ws2 = _init_w(ks[6], (HID, HID), HID)
    b2 = jnp.zeros((HID,), dtype=jnp.float32)
    # edge_mlp: Linear(2*HID + D_EDGE -> HID), ReLU, Dropout(eval=identity), Linear(HID -> 1)
    W3 = _init_w(ks[7], (2 * HID + D_EDGE, HID), 2 * HID + D_EDGE)
    b3 = jnp.zeros((HID,), dtype=jnp.float32)
    W4 = _init_w(ks[8], (HID, 1), HID)
    b4 = jnp.zeros((1,), dtype=jnp.float32)
    return {
        "x": x, "edge_index": edge_index, "edge_attr": edge_attr,
        "Wn1": Wn1, "Ws1": Ws1, "b1": b1,
        "Wn2": Wn2, "Ws2": Ws2, "b2": b2,
        "W3": W3, "b3": b3, "W4": W4, "b4": b4,
    }


def _sage_conv(x, edge_index, Wn, Ws, b):
    src = edge_index[0]
    dst = edge_index[1]
    n = x.shape[0]
    # mean aggregation of source-node features into destination nodes
    msg = jnp.take(x, src, axis=0)
    agg = jax.ops.segment_sum(msg, dst, num_segments=n)
    cnt = jax.ops.segment_sum(jnp.ones((edge_index.shape[1],), dtype=x.dtype), dst, num_segments=n)
    mean = agg / jnp.clip(cnt, 1.0, None)[:, None]
    return mean @ Wn + x @ Ws + b


def reference(x, edge_index, edge_attr, Wn1, Ws1, b1, Wn2, Ws2, b2, W3, b3, W4, b4):
    h = jax.nn.relu(_sage_conv(x, edge_index, Wn1, Ws1, b1))
    h = jax.nn.relu(_sage_conv(h, edge_index, Wn2, Ws2, b2))
    src = edge_index[0]
    dst = edge_index[1]
    src_emb = jnp.take(h, src, axis=0)
    dst_emb = jnp.take(h, dst, axis=0)
    edge_feat = jnp.concatenate([src_emb, dst_emb, edge_attr], axis=1)
    hidden = jax.nn.relu(edge_feat @ W3 + b3)
    # Dropout(0.2) is identity in eval mode
    out = hidden @ W4 + b4
    return out.reshape(-1)

if __name__ == "__main__":
    import jax
    _d = setup_inputs()
    print(jax.jit(kernel)(*tuple(_d.values())))

</pallas_src>

<mosaic_0001>
#map = affine_map<(d0, d1) -> (0, 0)>
#map1 = affine_map<(d0, d1) -> (0, 0, 0)>
module attributes {stable_mosaic.version = 14 : i64} {
  func.func @_sc_agg(%arg0: i32, %arg1: i32, %arg2: memref<10240x128xf32, #tpu.memory_space<hbm>>, %arg3: memref<2560x128xi32, #tpu.memory_space<hbm>>, %arg4: memref<2560x128xi32, #tpu.memory_space<hbm>>, %arg5: memref<128x128xf32, #tpu.memory_space<hbm>>, %arg6: memref<2x10240x128xf32, #tpu.memory_space<hbm>>, %arg7: memref<40x128xi32, #tpu.memory_space<vmem>>, %arg8: memref<40x128xi32, #tpu.memory_space<vmem>>, %arg9: memref<2x128x128xf32, #tpu.memory_space<vmem>>, %arg10: memref<10240x128xf32, #tpu.memory_space<vmem_shared>>, %arg11: memref<2x!tpu.dma_semaphore, #tpu.memory_space<semaphore_mem>>, %arg12: memref<2x!tpu.dma_semaphore, #tpu.memory_space<semaphore_mem>>) attributes {dimension_semantics = [#tpu.dimension_semantics<core_parallel>, #tpu.dimension_semantics<subcore_parallel>], iteration_bounds = array<i64: 2, 16>, scalar_prefetch = 0 : i64, scratch_operands = 6 : i64, tpu.core_type = #tpu.core_type<sc_vector_subcore>, window_params = [{transform_indices = #map}, {transform_indices = #map}, {transform_indices = #map}, {transform_indices = #map}, {transform_indices = #map1}]} {
    %mul3A = arith.constant 640 : i32
    %mul3A_0 = arith.muli %arg1, %mul3A : i32
    %add3A = arith.constant 0 : i32
    %add3A_1 = arith.addi %mul3A_0, %add3A : i32
    "tpu.region"() ({
      %run_scoped3A = tpu.sem_alloc : memref<!tpu.dma_semaphore, #tpu.memory_space<semaphore_mem>>
      %dma_start3A = arith.constant 0 : i32
      %dma_start3A_41 = tpu.memref_slice %arg10[%add3A_1, %dma_start3A] : memref<10240x128xf32, #tpu.memory_space<vmem_shared>> -> memref<128x128xf32, #tpu.memory_space<vmem_shared>>
      tpu.enqueue_dma source(%arg5 : memref<128x128xf32, #tpu.memory_space<hbm>>) target(%dma_start3A_41 : memref<128x128xf32, #tpu.memory_space<vmem_shared>>) target_semaphore(%run_scoped3A : memref<!tpu.dma_semaphore, #tpu.memory_space<semaphore_mem>>)
      %dma_wait3A = arith.constant 0 : i32
      %dma_wait3A_42 = tpu.memref_slice %arg10[%add3A_1, %dma_wait3A] : memref<10240x128xf32, #tpu.memory_space<vmem_shared>> -> memref<128x128xf32, #tpu.memory_space<vmem_shared>>
      tpu.wait_dma2 semaphore(%run_scoped3A : memref<!tpu.dma_semaphore, #tpu.memory_space<semaphore_mem>>) src(%arg5 : memref<128x128xf32, #tpu.memory_space<hbm>>) dst(%dma_wait3A_42 : memref<128x128xf32, #tpu.memory_space<vmem_shared>>)
      tpu.yield
    }) : () -> ()
    %mul3A_2 = arith.constant 640 : i32
    %mul3A_3 = arith.muli %arg1, %mul3A_2 : i32
    %add3A_4 = arith.constant 128 : i32
    %add3A_5 = arith.addi %mul3A_3, %add3A_4 : i32
    "tpu.region"() ({
      %run_scoped3A = tpu.sem_alloc : memref<!tpu.dma_semaphore, #tpu.memory_space<semaphore_mem>>
      %dma_start3A = arith.constant 0 : i32
      %dma_start3A_41 = tpu.memref_slice %arg10[%add3A_5, %dma_start3A] : memref<10240x128xf32, #tpu.memory_space<vmem_shared>> -> memref<128x128xf32, #tpu.memory_space<vmem_shared>>
      tpu.enqueue_dma source(%arg5 : memref<128x128xf32, #tpu.memory_space<hbm>>) target(%dma_start3A_41 : memref<128x128xf32, #tpu.memory_space<vmem_shared>>) target_semaphore(%run_scoped3A : memref<!tpu.dma_semaphore, #tpu.memory_space<semaphore_mem>>)
      %dma_wait3A = arith.constant 0 : i32
      %dma_wait3A_42 = tpu.memref_slice %arg10[%add3A_5, %dma_wait3A] : memref<10240x128xf32, #tpu.memory_space<vmem_shared>> -> memref<128x128xf32, #tpu.memory_space<vmem_shared>>
      tpu.wait_dma2 semaphore(%run_scoped3A : memref<!tpu.dma_semaphore, #tpu.memory_space<semaphore_mem>>) src(%arg5 : memref<128x128xf32, #tpu.memory_space<hbm>>) dst(%dma_wait3A_42 : memref<128x128xf32, #tpu.memory_space<vmem_shared>>)
      tpu.yield
    }) : () -> ()
    %mul3A_6 = arith.constant 640 : i32
    %mul3A_7 = arith.muli %arg1, %mul3A_6 : i32
    %add3A_8 = arith.constant 256 : i32
    %add3A_9 = arith.addi %mul3A_7, %add3A_8 : i32
    "tpu.region"() ({
      %run_scoped3A = tpu.sem_alloc : memref<!tpu.dma_semaphore, #tpu.memory_space<semaphore_mem>>
      %dma_start3A = arith.constant 0 : i32
      %dma_start3A_41 = tpu.memref_slice %arg10[%add3A_9, %dma_start3A] : memref<10240x128xf32, #tpu.memory_space<vmem_shared>> -> memref<128x128xf32, #tpu.memory_space<vmem_shared>>
      tpu.enqueue_dma source(%arg5 : memref<128x128xf32, #tpu.memory_space<hbm>>) target(%dma_start3A_41 : memref<128x128xf32, #tpu.memory_space<vmem_shared>>) target_semaphore(%run_scoped3A : memref<!tpu.dma_semaphore, #tpu.memory_space<semaphore_mem>>)
      %dma_wait3A = arith.constant 0 : i32
      %dma_wait3A_42 = tpu.memref_slice %arg10[%add3A_9, %dma_wait3A] : memref<10240x128xf32, #tpu.memory_space<vmem_shared>> -> memref<128x128xf32, #tpu.memory_space<vmem_shared>>
      tpu.wait_dma2 semaphore(%run_scoped3A : memref<!tpu.dma_semaphore, #tpu.memory_space<semaphore_mem>>) src(%arg5 : memref<128x128xf32, #tpu.memory_space<hbm>>) dst(%dma_wait3A_42 : memref<128x128xf32, #tpu.memory_space<vmem_shared>>)
      tpu.yield
    }) : () -> ()
    %mul3A_10 = arith.constant 640 : i32
    %mul3A_11 = arith.muli %arg1, %mul3A_10 : i32
    %add3A_12 = arith.constant 384 : i32
    %add3A_13 = arith.addi %mul3A_11, %add3A_12 : i32
    "tpu.region"() ({
      %run_scoped3A = tpu.sem_alloc : memref<!tpu.dma_semaphore, #tpu.memory_space<semaphore_mem>>
      %dma_start3A = arith.constant 0 : i32
      %dma_start3A_41 = tpu.memref_slice %arg10[%add3A_13, %dma_start3A] : memref<10240x128xf32, #tpu.memory_space<vmem_shared>> -> memref<128x128xf32, #tpu.memory_space<vmem_shared>>
      tpu.enqueue_dma source(%arg5 : memref<128x128xf32, #tpu.memory_space<hbm>>) target(%dma_start3A_41 : memref<128x128xf32, #tpu.memory_space<vmem_shared>>) target_semaphore(%run_scoped3A : memref<!tpu.dma_semaphore, #tpu.memory_space<semaphore_mem>>)
      %dma_wait3A = arith.constant 0 : i32
      %dma_wait3A_42 = tpu.memref_slice %arg10[%add3A_13, %dma_wait3A] : memref<10240x128xf32, #tpu.memory_space<vmem_shared>> -> memref<128x128xf32, #tpu.memory_space<vmem_shared>>
      tpu.wait_dma2 semaphore(%run_scoped3A : memref<!tpu.dma_semaphore, #tpu.memory_space<semaphore_mem>>) src(%arg5 : memref<128x128xf32, #tpu.memory_space<hbm>>) dst(%dma_wait3A_42 : memref<128x128xf32, #tpu.memory_space<vmem_shared>>)
      tpu.yield
    }) : () -> ()
    %mul3A_14 = arith.constant 640 : i32
    %mul3A_15 = arith.muli %arg1, %mul3A_14 : i32
    %add3A_16 = arith.constant 512 : i32
    %add3A_17 = arith.addi %mul3A_15, %add3A_16 : i32
    "tpu.region"() ({
      %run_scoped3A = tpu.sem_alloc : memref<!tpu.dma_semaphore, #tpu.memory_space<semaphore_mem>>
      %dma_start3A = arith.constant 0 : i32
      %dma_start3A_41 = tpu.memref_slice %arg10[%add3A_17, %dma_start3A] : memref<10240x128xf32, #tpu.memory_space<vmem_shared>> -> memref<128x128xf32, #tpu.memory_space<vmem_shared>>
      tpu.enqueue_dma source(%arg5 : memref<128x128xf32, #tpu.memory_space<hbm>>) target(%dma_start3A_41 : memref<128x128xf32, #tpu.memory_space<vmem_shared>>) target_semaphore(%run_scoped3A : memref<!tpu.dma_semaphore, #tpu.memory_space<semaphore_mem>>)
      %dma_wait3A = arith.constant 0 : i32
      %dma_wait3A_42 = tpu.memref_slice %arg10[%add3A_17, %dma_wait3A] : memref<10240x128xf32, #tpu.memory_space<vmem_shared>> -> memref<128x128xf32, #tpu.memory_space<vmem_shared>>
      tpu.wait_dma2 semaphore(%run_scoped3A : memref<!tpu.dma_semaphore, #tpu.memory_space<semaphore_mem>>) src(%arg5 : memref<128x128xf32, #tpu.memory_space<hbm>>) dst(%dma_wait3A_42 : memref<128x128xf32, #tpu.memory_space<vmem_shared>>)
      tpu.yield
    }) : () -> ()
    %barrier3A = arith.constant 0 : index
    tpu.barrier barrier_id(%barrier3A)
    %eq3A = arith.constant 1 : i32
    %eq3A_18 = arith.cmpi eq, %arg0, %eq3A : i32
    %jit3A = arith.constant 2 : i32
    %jit3A_19 = arith.constant 2 : i32
    %select_n3A = arith.select %eq3A_18, %jit3A, %jit3A_19 : i32
    %mul3A_20 = arith.constant 80 : i32
    %mul3A_21 = arith.muli %arg1, %mul3A_20 : i32
    %mul3A_22 = arith.constant 80 : i32
    %mul3A_23 = arith.muli %arg1, %mul3A_22 : i32
    %add3A_24 = arith.constant 1280 : i32
    %add3A_25 = arith.addi %add3A_24, %mul3A_23 : i32
    %select_n3A_26 = arith.select %eq3A_18, %mul3A_21, %add3A_25 : i32
    %while3A = arith.constant 0 : i32
    %while3A_27 = arith.constant 0 : i32
    %while3A_28 = arith.subi %select_n3A, %while3A_27 : i32
    %while3A_29 = arith.addi %while3A_27, %while3A_28 : i32
    %while3A_30 = arith.constant 1 : i32
    %while3A_31 = arith.divsi %while3A_28, %while3A_30 : i32
    %while3A_32 = arith.muli %while3A_31, %while3A_30 : i32
    %while3A_33 = arith.addi %while3A_27, %while3A_32 : i32
    %while3A_34 = arith.constant 1 : i32
    scf.for %while3A_41 = %while3A_27 to %while3A_33 step %while3A_34  : i32 {
      %mul3A_42 = arith.constant 40 : i32
      %mul3A_43 = arith.muli %while3A_41, %mul3A_42 : i32
      %add3A_44 = arith.addi %select_n3A_26, %mul3A_43 : i32
      "tpu.region"() ({
        %run_scoped3A = tpu.sem_alloc : memref<!tpu.dma_semaphore, #tpu.memory_space<semaphore_mem>>
        %dma_start3A_79 = arith.constant 0 : i32
        %dma_start3A_80 = tpu.memref_slice %arg3[%add3A_44, %dma_start3A_79] : memref<2560x128xi32, #tpu.memory_space<hbm>> -> memref<40x128xi32, #tpu.memory_space<hbm>>
        %dma_start3A_81 = arith.constant 0 : i32
        %dma_start3A_82 = tpu.memref_slice %arg3[%add3A_44, %dma_start3A_81] : memref<2560x128xi32, #tpu.memory_space<hbm>> -> memref<40x128xi32, #tpu.memory_space<hbm>>
        tpu.enqueue_dma source(%dma_start3A_82 : memref<40x128xi32, #tpu.memory_space<hbm>>) target(%arg7 : memref<40x128xi32, #tpu.memory_space<vmem>>) target_semaphore(%run_scoped3A : memref<!tpu.dma_semaphore, #tpu.memory_space<semaphore_mem>>)
        %dma_wait3A = arith.constant 0 : i32
        %dma_wait3A_83 = tpu.memref_slice %arg3[%add3A_44, %dma_wait3A] : memref<2560x128xi32, #tpu.memory_space<hbm>> -> memref<40x128xi32, #tpu.memory_space<hbm>>
        %dma_wait3A_84 = arith.constant 0 : i32
        %dma_wait3A_85 = tpu.memref_slice %arg3[%add3A_44, %dma_wait3A_84] : memref<2560x128xi32, #tpu.memory_space<hbm>> -> memref<40x128xi32, #tpu.memory_space<hbm>>
        tpu.wait_dma2 semaphore(%run_scoped3A : memref<!tpu.dma_semaphore, #tpu.memory_space<semaphore_mem>>) src(%dma_wait3A_85 : memref<40x128xi32, #tpu.memory_space<hbm>>) dst(%arg7 : memref<40x128xi32, #tpu.memory_space<vmem>>)
        tpu.yield
      }) : () -> ()
      "tpu.region"() ({
        %run_scoped3A = tpu.sem_alloc : memref<!tpu.dma_semaphore, #tpu.memory_space<semaphore_mem>>
        %dma_start3A_79 = arith.constant 0 : i32
        %dma_start3A_80 = tpu.memref_slice %arg4[%add3A_44, %dma_start3A_79] : memref<2560x128xi32, #tpu.memory_space<hbm>> -> memref<40x128xi32, #tpu.memory_space<hbm>>
        %dma_start3A_81 = arith.constant 0 : i32
        %dma_start3A_82 = tpu.memref_slice %arg4[%add3A_44, %dma_start3A_81] : memref<2560x128xi32, #tpu.memory_space<hbm>> -> memref<40x128xi32, #tpu.memory_space<hbm>>
        tpu.enqueue_dma source(%dma_start3A_82 : memref<40x128xi32, #tpu.memory_space<hbm>>) target(%arg8 : memref<40x128xi32, #tpu.memory_space<vmem>>) target_semaphore(%run_scoped3A : memref<!tpu.dma_semaphore, #tpu.memory_space<semaphore_mem>>)
        %dma_wait3A = arith.constant 0 : i32
        %dma_wait3A_83 = tpu.memref_slice %arg4[%add3A_44, %dma_wait3A] : memref<2560x128xi32, #tpu.memory_space<hbm>> -> memref<40x128xi32, #tpu.memory_space<hbm>>
        %dma_wait3A_84 = arith.constant 0 : i32
        %dma_wait3A_85 = tpu.memref_slice %arg4[%add3A_44, %dma_wait3A_84] : memref<2560x128xi32, #tpu.memory_space<hbm>> -> memref<40x128xi32, #tpu.memory_space<hbm>>
        tpu.wait_dma2 semaphore(%run_scoped3A : memref<!tpu.dma_semaphore, #tpu.memory_space<semaphore_mem>>) src(%dma_wait3A_85 : memref<40x128xi32, #tpu.memory_space<hbm>>) dst(%arg8 : memref<40x128xi32, #tpu.memory_space<vmem>>)
        tpu.yield
      }) : () -> ()
      %dma_start3A = arith.constant 0 : i32
      %dma_start3A_45 = arith.constant 0 : i32
      %dma_start3A_46 = arith.constant 0 : i32
      %dma_start3A_47 = arith.constant 0 : i32
      %dma_start3A_48 = arith.constant 0 : i32
      %dma_start3A_49 = tpu.memref_slice %arg9[%dma_start3A_45, %dma_start3A_47, %dma_start3A_48] : memref<2x128x128xf32, #tpu.memory_space<vmem>> -> memref<1x128x128xf32, #tpu.memory_space<vmem>>
      %dma_start3A_50 = tpu.memref_squeeze %dma_start3A_49 : memref<1x128x128xf32, #tpu.memory_space<vmem>> -> memref<128x128xf32, #tpu.memory_space<vmem>>
      %dma_start3A_51 = arith.constant 0 : i32
      %dma_start3A_52 = tpu.memref_slice %arg7[%dma_start3A, %dma_start3A_51] : memref<40x128xi32, #tpu.memory_space<vmem>> -> memref<1x128xi32, #tpu.memory_space<vmem>>
      %dma_start3A_53 = tpu.memref_squeeze %dma_start3A_52 : memref<1x128xi32, #tpu.memory_space<vmem>> -> memref<128xi32, #tpu.memory_space<vmem>>
      %dma_start3A_54 = arith.constant 0 : i32
      %dma_start3A_55 = arith.constant 0 : i32
      %dma_start3A_56 = tpu.memref_slice %arg2[%dma_start3A_54, %dma_start3A_55] : memref<10240x128xf32, #tpu.memory_space<hbm>> -> memref<10240x128xf32, #tpu.memory_space<hbm>>
      %dma_start3A_57 = tpu.memref_slice %arg11[%dma_start3A_46] : memref<2x!tpu.dma_semaphore, #tpu.memory_space<semaphore_mem>> -> memref<1x!tpu.dma_semaphore, #tpu.memory_space<semaphore_mem>>
      %dma_start3A_58 = tpu.memref_squeeze %dma_start3A_57 : memref<1x!tpu.dma_semaphore, #tpu.memory_space<semaphore_mem>> -> memref<!tpu.dma_semaphore, #tpu.memory_space<semaphore_mem>>
      tpu.enqueue_indirect_dma source(%dma_start3A_56 : memref<10240x128xf32, #tpu.memory_space<hbm>>) target(%dma_start3A_50 : memref<128x128xf32, #tpu.memory_space<vmem>>) offsets(%dma_start3A_53 : memref<128xi32, #tpu.memory_space<vmem>>) semaphore(%dma_start3A_58 : memref<!tpu.dma_semaphore, #tpu.memory_space<semaphore_mem>>)
      %dma_start3A_59 = arith.constant 1 : i32
      %dma_start3A_60 = arith.constant 1 : i32
      %dma_start3A_61 = arith.constant 1 : i32
      %dma_start3A_62 = arith.constant 0 : i32
      %dma_start3A_63 = arith.constant 0 : i32
      %dma_start3A_64 = tpu.memref_slice %arg9[%dma_start3A_60, %dma_start3A_62, %dma_start3A_63] : memref<2x128x128xf32, #tpu.memory_space<vmem>> -> memref<1x128x128xf32, #tpu.memory_space<vmem>>
      %dma_start3A_65 = tpu.memref_squeeze %dma_start3A_64 : memref<1x128x128xf32, #tpu.memory_space<vmem>> -> memref<128x128xf32, #tpu.memory_space<vmem>>
      %dma_start3A_66 = arith.constant 0 : i32
      %dma_start3A_67 = tpu.memref_slice %arg7[%dma_start3A_59, %dma_start3A_66] : memref<40x128xi32, #tpu.memory_space<vmem>> -> memref<1x128xi32, #tpu.memory_space<vmem>>
      %dma_start3A_68 = tpu.memref_squeeze %dma_start3A_67 : memref<1x128xi32, #tpu.memory_space<vmem>> -> memref<128xi32, #tpu.memory_space<vmem>>
      %dma_start3A_69 = arith.constant 0 : i32
      %dma_start3A_70 = arith.constant 0 : i32
      %dma_start3A_71 = tpu.memref_slice %arg2[%dma_start3A_69, %dma_start3A_70] : memref<10240x128xf32, #tpu.memory_space<hbm>> -> memref<10240x128xf32, #tpu.memory_space<hbm>>
      %dma_start3A_72 = tpu.memref_slice %arg11[%dma_start3A_61] : memref<2x!tpu.dma_semaphore, #tpu.memory_space<semaphore_mem>> -> memref<1x!tpu.dma_semaphore, #tpu.memory_space<semaphore_mem>>
      %dma_start3A_73 = tpu.memref_squeeze %dma_start3A_72 : memref<1x!tpu.dma_semaphore, #tpu.memory_space<semaphore_mem>> -> memref<!tpu.dma_semaphore, #tpu.memory_space<semaphore_mem>>
      tpu.enqueue_indirect_dma source(%dma_start3A_71 : memref<10240x128xf32, #tpu.memory_space<hbm>>) target(%dma_start3A_65 : memref<128x128xf32, #tpu.memory_space<vmem>>) offsets(%dma_start3A_68 : memref<128xi32, #tpu.memory_space<vmem>>) semaphore(%dma_start3A_73 : memref<!tpu.dma_semaphore, #tpu.memory_space<semaphore_mem>>)
      %scan3A = arith.constant 0 : i32
      %scan3A_74 = arith.constant 0 : i32
      %scan3A_75 = arith.constant 20 : i32
      %scan3A_76 = arith.addi %scan3A_74, %scan3A_75 : i32
      %scan3A_77 = arith.constant 1 : i32
      scf.for %scan3A_79 = %scan3A_74 to %scan3A_76 step %scan3A_77  : i32 {
        %mul3A_80 = arith.constant 2 : i32
        %mul3A_81 = arith.muli %scan3A_79, %mul3A_80 : i32
        %add3A_82 = arith.constant 0 : i32
        %add3A_83 = arith.addi %mul3A_81, %add3A_82 : i32
        %dma_wait3A = arith.constant 0 : i32
        %dma_wait3A_84 = arith.constant 0 : i32
        %dma_wait3A_85 = arith.constant 0 : i32
        %dma_wait3A_86 = arith.constant 0 : i32
        %dma_wait3A_87 = tpu.memref_slice %arg9[%dma_wait3A, %dma_wait3A_85, %dma_wait3A_86] : memref<2x128x128xf32, #tpu.memory_space<vmem>> -> memref<1x128x128xf32, #tpu.memory_space<vmem>>
        %dma_wait3A_88 = tpu.memref_squeeze %dma_wait3A_87 : memref<1x128x128xf32, #tpu.memory_space<vmem>> -> memref<128x128xf32, #tpu.memory_space<vmem>>
        %dma_wait3A_89 = arith.constant 0 : i32
        %dma_wait3A_90 = tpu.memref_slice %arg7[%add3A_83, %dma_wait3A_89] : memref<40x128xi32, #tpu.memory_space<vmem>> -> memref<1x128xi32, #tpu.memory_space<vmem>>
        %dma_wait3A_91 = tpu.memref_squeeze %dma_wait3A_90 : memref<1x128xi32, #tpu.memory_space<vmem>> -> memref<128xi32, #tpu.memory_space<vmem>>
        %dma_wait3A_92 = arith.constant 0 : i32
        %dma_wait3A_93 = arith.constant 0 : i32
        %dma_wait3A_94 = tpu.memref_slice %arg2[%dma_wait3A_92, %dma_wait3A_93] : memref<10240x128xf32, #tpu.memory_space<hbm>> -> memref<10240x128xf32, #tpu.memory_space<hbm>>
        %dma_wait3A_95 = tpu.memref_slice %arg11[%dma_wait3A_84] : memref<2x!tpu.dma_semaphore, #tpu.memory_space<semaphore_mem>> -> memref<1x!tpu.dma_semaphore, #tpu.memory_space<semaphore_mem>>
        %dma_wait3A_96 = tpu.memref_squeeze %dma_wait3A_95 : memref<1x!tpu.dma_semaphore, #tpu.memory_space<semaphore_mem>> -> memref<!tpu.dma_semaphore, #tpu.memory_space<semaphore_mem>>
        tpu.wait_indirect_dma semaphore(%dma_wait3A_96 : memref<!tpu.dma_semaphore, #tpu.memory_space<semaphore_mem>>) src(%dma_wait3A_94 : memref<10240x128xf32, #tpu.memory_space<hbm>>) dst(%dma_wait3A_88 : memref<128x128xf32, #tpu.memory_space<vmem>>)
        %dma_start3A_97 = arith.constant 0 : i32
        %dma_start3A_98 = arith.constant 0 : i32
        %dma_start3A_99 = arith.constant 0 : i32
        %dma_start3A_100 = arith.constant 0 : i32
        %dma_start3A_101 = tpu.memref_slice %arg9[%dma_start3A_97, %dma_start3A_99, %dma_start3A_100] : memref<2x128x128xf32, #tpu.memory_space<vmem>> -> memref<1x128x128xf32, #tpu.memory_space<vmem>>
        %dma_start3A_102 = tpu.memref_squeeze %dma_start3A_101 : memref<1x128x128xf32, #tpu.memory_space<vmem>> -> memref<128x128xf32, #tpu.memory_space<vmem>>
        %dma_start3A_103 = arith.constant 0 : i32
        %dma_start3A_104 = tpu.memref_slice %arg8[%add3A_83, %dma_start3A_103] : memref<40x128xi32, #tpu.memory_space<vmem>> -> memref<1x128xi32, #tpu.memory_space<vmem>>
        %dma_start3A_105 = tpu.memref_squeeze %dma_start3A_104 : memref<1x128xi32, #tpu.memory_space<vmem>> -> memref<128xi32, #tpu.memory_space<vmem>>
        %dma_start3A_106 = arith.constant 0 : i32
        %dma_start3A_107 = arith.constant 0 : i32
        %dma_start3A_108 = tpu.memref_slice %arg10[%dma_start3A_106, %dma_start3A_107] : memref<10240x128xf32, #tpu.memory_space<vmem_shared>> -> memref<10240x128xf32, #tpu.memory_space<vmem_shared>>
        %dma_start3A_109 = tpu.memref_slice %arg12[%dma_start3A_98] : memref<2x!tpu.dma_semaphore, #tpu.memory_space<semaphore_mem>> -> memref<1x!tpu.dma_semaphore, #tpu.memory_space<semaphore_mem>>
        %dma_start3A_110 = tpu.memref_squeeze %dma_start3A_109 : memref<1x!tpu.dma_semaphore, #tpu.memory_space<semaphore_mem>> -> memref<!tpu.dma_semaphore, #tpu.memory_space<semaphore_mem>>
        tpu.enqueue_indirect_dma source(%dma_start3A_102 : memref<128x128xf32, #tpu.memory_space<vmem>>) target(%dma_start3A_108 : memref<10240x128xf32, #tpu.memory_space<vmem_shared>>) offsets(%dma_start3A_105 : memref<128xi32, #tpu.memory_space<vmem>>) semaphore(%dma_start3A_110 : memref<!tpu.dma_semaphore, #tpu.memory_space<semaphore_mem>>) {add = true}
        %add3A_111 = arith.constant 1 : i32
        %add3A_112 = arith.addi %mul3A_81, %add3A_111 : i32
        %dma_wait3A_113 = arith.constant 1 : i32
        %dma_wait3A_114 = arith.constant 1 : i32
        %dma_wait3A_115 = arith.constant 0 : i32
        %dma_wait3A_116 = arith.constant 0 : i32
        %dma_wait3A_117 = tpu.memref_slice %arg9[%dma_wait3A_113, %dma_wait3A_115, %dma_wait3A_116] : memref<2x128x128xf32, #tpu.memory_space<vmem>> -> memref<1x128x128xf32, #tpu.memory_space<vmem>>
        %dma_wait3A_118 = tpu.memref_squeeze %dma_wait3A_117 : memref<1x128x128xf32, #tpu.memory_space<vmem>> -> memref<128x128xf32, #tpu.memory_space<vmem>>
        %dma_wait3A_119 = arith.constant 0 : i32
        %dma_wait3A_120 = tpu.memref_slice %arg7[%add3A_112, %dma_wait3A_119] : memref<40x128xi32, #tpu.memory_space<vmem>> -> memref<1x128xi32, #tpu.memory_space<vmem>>
        %dma_wait3A_121 = tpu.memref_squeeze %dma_wait3A_120 : memref<1x128xi32, #tpu.memory_space<vmem>> -> memref<128xi32, #tpu.memory_space<vmem>>
        %dma_wait3A_122 = arith.constant 0 : i32
        %dma_wait3A_123 = arith.constant 0 : i32
        %dma_wait3A_124 = tpu.memref_slice %arg2[%dma_wait3A_122, %dma_wait3A_123] : memref<10240x128xf32, #tpu.memory_space<hbm>> -> memref<10240x128xf32, #tpu.memory_space<hbm>>
        %dma_wait3A_125 = tpu.memref_slice %arg11[%dma_wait3A_114] : memref<2x!tpu.dma_semaphore, #tpu.memory_space<semaphore_mem>> -> memref<1x!tpu.dma_semaphore, #tpu.memory_space<semaphore_mem>>
        %dma_wait3A_126 = tpu.memref_squeeze %dma_wait3A_125 : memref<1x!tpu.dma_semaphore, #tpu.memory_space<semaphore_mem>> -> memref<!tpu.dma_semaphore, #tpu.memory_space<semaphore_mem>>
        tpu.wait_indirect_dma semaphore(%dma_wait3A_126 : memref<!tpu.dma_semaphore, #tpu.memory_space<semaphore_mem>>) src(%dma_wait3A_124 : memref<10240x128xf32, #tpu.memory_space<hbm>>) dst(%dma_wait3A_118 : memref<128x128xf32, #tpu.memory_space<vmem>>)
        %dma_start3A_127 = arith.constant 1 : i32
        %dma_start3A_128 = arith.constant 1 : i32
        %dma_start3A_129 = arith.constant 0 : i32
        %dma_start3A_130 = arith.constant 0 : i32
        %dma_start3A_131 = tpu.memref_slice %arg9[%dma_start3A_127, %dma_start3A_129, %dma_start3A_130] : memref<2x128x128xf32, #tpu.memory_space<vmem>> -> memref<1x128x128xf32, #tpu.memory_space<vmem>>
        %dma_start3A_132 = tpu.memref_squeeze %dma_start3A_131 : memref<1x128x128xf32, #tpu.memory_space<vmem>> -> memref<128x128xf32, #tpu.memory_space<vmem>>
        %dma_start3A_133 = arith.constant 0 : i32
        %dma_start3A_134 = tpu.memref_slice %arg8[%add3A_112, %dma_start3A_133] : memref<40x128xi32, #tpu.memory_space<vmem>> -> memref<1x128xi32, #tpu.memory_space<vmem>>
        %dma_start3A_135 = tpu.memref_squeeze %dma_start3A_134 : memref<1x128xi32, #tpu.memory_space<vmem>> -> memref<128xi32, #tpu.memory_space<vmem>>
        %dma_start3A_136 = arith.constant 0 : i32
        %dma_start3A_137 = arith.constant 0 : i32
        %dma_start3A_138 = tpu.memref_slice %arg10[%dma_start3A_136, %dma_start3A_137] : memref<10240x128xf32, #tpu.memory_space<vmem_shared>> -> memref<10240x128xf32, #tpu.memory_space<vmem_shared>>
        %dma_start3A_139 = tpu.memref_slice %arg12[%dma_start3A_128] : memref<2x!tpu.dma_semaphore, #tpu.memory_space<semaphore_mem>> -> memref<1x!tpu.dma_semaphore, #tpu.memory_space<semaphore_mem>>
        %dma_start3A_140 = tpu.memref_squeeze %dma_start3A_139 : memref<1x!tpu.dma_semaphore, #tpu.memory_space<semaphore_mem>> -> memref<!tpu.dma_semaphore, #tpu.memory_space<semaphore_mem>>
        tpu.enqueue_indirect_dma source(%dma_start3A_132 : memref<128x128xf32, #tpu.memory_space<vmem>>) target(%dma_start3A_138 : memref<10240x128xf32, #tpu.memory_space<vmem_shared>>) offsets(%dma_start3A_135 : memref<128xi32, #tpu.memory_space<vmem>>) semaphore(%dma_start3A_140 : memref<!tpu.dma_semaphore, #tpu.memory_space<semaphore_mem>>) {add = true}
        %add3A_141 = arith.constant 0 : i32
        %add3A_142 = arith.addi %mul3A_81, %add3A_141 : i32
        %add3A_143 = arith.constant 2 : i32
        %add3A_144 = arith.addi %add3A_142, %add3A_143 : i32
        %dma_wait3A_145 = arith.constant 0 : i32
        %dma_wait3A_146 = arith.constant 0 : i32
        %dma_wait3A_147 = arith.constant 0 : i32
        %dma_wait3A_148 = arith.constant 0 : i32
        %dma_wait3A_149 = tpu.memref_slice %arg9[%dma_wait3A_145, %dma_wait3A_147, %dma_wait3A_148] : memref<2x128x128xf32, #tpu.memory_space<vmem>> -> memref<1x128x128xf32, #tpu.memory_space<vmem>>
        %dma_wait3A_150 = tpu.memref_squeeze %dma_wait3A_149 : memref<1x128x128xf32, #tpu.memory_space<vmem>> -> memref<128x128xf32, #tpu.memory_space<vmem>>
        %dma_wait3A_151 = arith.constant 0 : i32
        %dma_wait3A_152 = tpu.memref_slice %arg8[%add3A_142, %dma_wait3A_151] : memref<40x128xi32, #tpu.memory_space<vmem>> -> memref<1x128xi32, #tpu.memory_space<vmem>>
        %dma_wait3A_153 = tpu.memref_squeeze %dma_wait3A_152 : memref<1x128xi32, #tpu.memory_space<vmem>> -> memref<128xi32, #tpu.memory_space<vmem>>
        %dma_wait3A_154 = arith.constant 0 : i32
        %dma_wait3A_155 = arith.constant 0 : i32
        %dma_wait3A_156 = tpu.memref_slice %arg10[%dma_wait3A_154, %dma_wait3A_155] : memref<10240x128xf32, #tpu.memory_space<vmem_shared>> -> memref<10240x128xf32, #tpu.memory_space<vmem_shared>>
        %dma_wait3A_157 = tpu.memref_slice %arg12[%dma_wait3A_146] : memref<2x!tpu.dma_semaphore, #tpu.memory_space<semaphore_mem>> -> memref<1x!tpu.dma_semaphore, #tpu.memory_space<semaphore_mem>>
        %dma_wait3A_158 = tpu.memref_squeeze %dma_wait3A_157 : memref<1x!tpu.dma_semaphore, #tpu.memory_space<semaphore_mem>> -> memref<!tpu.dma_semaphore, #tpu.memory_space<semaphore_mem>>
        tpu.wait_indirect_dma semaphore(%dma_wait3A_158 : memref<!tpu.dma_semaphore, #tpu.memory_space<semaphore_mem>>) src(%dma_wait3A_150 : memref<128x128xf32, #tpu.memory_space<vmem>>) dst(%dma_wait3A_156 : memref<10240x128xf32, #tpu.memory_space<vmem_shared>>)
        %lt3A = arith.constant 40 : i32
        %lt3A_159 = arith.cmpi slt, %add3A_144, %lt3A : i32
        %convert_element_type3A = arith.extui %lt3A_159 : i1 to i32
        %cond3A = arith.constant 0 : i32
        %cond3A_160 = arith.cmpi ne, %convert_element_type3A, %cond3A : i32
        scf.if %cond3A_160 {
          %dma_start3A_184 = arith.constant 0 : i32
          %dma_start3A_185 = arith.constant 0 : i32
          %dma_start3A_186 = arith.constant 0 : i32
          %dma_start3A_187 = arith.constant 0 : i32
          %dma_start3A_188 = tpu.memref_slice %arg9[%dma_start3A_184, %dma_start3A_186, %dma_start3A_187] : memref<2x128x128xf32, #tpu.memory_space<vmem>> -> memref<1x128x128xf32, #tpu.memory_space<vmem>>
          %dma_start3A_189 = tpu.memref_squeeze %dma_start3A_188 : memref<1x128x128xf32, #tpu.memory_space<vmem>> -> memref<128x128xf32, #tpu.memory_space<vmem>>
          %dma_start3A_190 = arith.constant 0 : i32
          %dma_start3A_191 = tpu.memref_slice %arg7[%add3A_144, %dma_start3A_190] : memref<40x128xi32, #tpu.memory_space<vmem>> -> memref<1x128xi32, #tpu.memory_space<vmem>>
          %dma_start3A_192 = tpu.memref_squeeze %dma_start3A_191 : memref<1x128xi32, #tpu.memory_space<vmem>> -> memref<128xi32, #tpu.memory_space<vmem>>
          %dma_start3A_193 = arith.constant 0 : i32
          %dma_start3A_194 = arith.constant 0 : i32
          %dma_start3A_195 = tpu.memref_slice %arg2[%dma_start3A_193, %dma_start3A_194] : memref<10240x128xf32, #tpu.memory_space<hbm>> -> memref<10240x128xf32, #tpu.memory_space<hbm>>
          %dma_start3A_196 = tpu.memref_slice %arg11[%dma_start3A_185] : memref<2x!tpu.dma_semaphore, #tpu.memory_space<semaphore_mem>> -> memref<1x!tpu.dma_semaphore, #tpu.memory_space<semaphore_mem>>
          %dma_start3A_197 = tpu.memref_squeeze %dma_start3A_196 : memref<1x!tpu.dma_semaphore, #tpu.memory_space<semaphore_mem>> -> memref<!tpu.dma_semaphore, #tpu.memory_space<semaphore_mem>>
          tpu.enqueue_indirect_dma source(%dma_start3A_195 : memref<10240x128xf32, #tpu.memory_space<hbm>>) target(%dma_start3A_189 : memref<128x128xf32, #tpu.memory_space<vmem>>) offsets(%dma_start3A_192 : memref<128xi32, #tpu.memory_space<vmem>>) semaphore(%dma_start3A_197 : memref<!tpu.dma_semaphore, #tpu.memory_space<semaphore_mem>>)
        } else {
        }
        %add3A_161 = arith.constant 1 : i32
        %add3A_162 = arith.addi %mul3A_81, %add3A_161 : i32
        %add3A_163 = arith.constant 2 : i32
        %add3A_164 = arith.addi %add3A_162, %add3A_163 : i32
        %dma_wait3A_165 = arith.constant 1 : i32
        %dma_wait3A_166 = arith.constant 1 : i32
        %dma_wait3A_167 = arith.constant 0 : i32
        %dma_wait3A_168 = arith.constant 0 : i32
        %dma_wait3A_169 = tpu.memref_slice %arg9[%dma_wait3A_165, %dma_wait3A_167, %dma_wait3A_168] : memref<2x128x128xf32, #tpu.memory_space<vmem>> -> memref<1x128x128xf32, #tpu.memory_space<vmem>>
        %dma_wait3A_170 = tpu.memref_squeeze %dma_wait3A_169 : memref<1x128x128xf32, #tpu.memory_space<vmem>> -> memref<128x128xf32, #tpu.memory_space<vmem>>
        %dma_wait3A_171 = arith.constant 0 : i32
        %dma_wait3A_172 = tpu.memref_slice %arg8[%add3A_162, %dma_wait3A_171] : memref<40x128xi32, #tpu.memory_space<vmem>> -> memref<1x128xi32, #tpu.memory_space<vmem>>
        %dma_wait3A_173 = tpu.memref_squeeze %dma_wait3A_172 : memref<1x128xi32, #tpu.memory_space<vmem>> -> memref<128xi32, #tpu.memory_space<vmem>>
        %dma_wait3A_174 = arith.constant 0 : i32
        %dma_wait3A_175 = arith.constant 0 : i32
        %dma_wait3A_176 = tpu.memref_slice %arg10[%dma_wait3A_174, %dma_wait3A_175] : memref<10240x128xf32, #tpu.memory_space<vmem_shared>> -> memref<10240x128xf32, #tpu.memory_space<vmem_shared>>
        %dma_wait3A_177 = tpu.memref_slice %arg12[%dma_wait3A_166] : memref<2x!tpu.dma_semaphore, #tpu.memory_space<semaphore_mem>> -> memref<1x!tpu.dma_semaphore, #tpu.memory_space<semaphore_mem>>
        %dma_wait3A_178 = tpu.memref_squeeze %dma_wait3A_177 : memref<1x!tpu.dma_semaphore, #tpu.memory_space<semaphore_mem>> -> memref<!tpu.dma_semaphore, #tpu.memory_space<semaphore_mem>>
        tpu.wait_indirect_dma semaphore(%dma_wait3A_178 : memref<!tpu.dma_semaphore, #tpu.memory_space<semaphore_mem>>) src(%dma_wait3A_170 : memref<128x128xf32, #tpu.memory_space<vmem>>) dst(%dma_wait3A_176 : memref<10240x128xf32, #tpu.memory_space<vmem_shared>>)
        %lt3A_179 = arith.constant 40 : i32
        %lt3A_180 = arith.cmpi slt, %add3A_164, %lt3A_179 : i32
        %convert_element_type3A_181 = arith.extui %lt3A_180 : i1 to i32
        %cond3A_182 = arith.constant 0 : i32
        %cond3A_183 = arith.cmpi ne, %convert_element_type3A_181, %cond3A_182 : i32
        scf.if %cond3A_183 {
          %dma_start3A_184 = arith.constant 1 : i32
          %dma_start3A_185 = arith.constant 1 : i32
          %dma_start3A_186 = arith.constant 0 : i32
          %dma_start3A_187 = arith.constant 0 : i32
          %dma_start3A_188 = tpu.memref_slice %arg9[%dma_start3A_184, %dma_start3A_186, %dma_start3A_187] : memref<2x128x128xf32, #tpu.memory_space<vmem>> -> memref<1x128x128xf32, #tpu.memory_space<vmem>>
          %dma_start3A_189 = tpu.memref_squeeze %dma_start3A_188 : memref<1x128x128xf32, #tpu.memory_space<vmem>> -> memref<128x128xf32, #tpu.memory_space<vmem>>
          %dma_start3A_190 = arith.constant 0 : i32
          %dma_start3A_191 = tpu.memref_slice %arg7[%add3A_164, %dma_start3A_190] : memref<40x128xi32, #tpu.memory_space<vmem>> -> memref<1x128xi32, #tpu.memory_space<vmem>>
          %dma_start3A_192 = tpu.memref_squeeze %dma_start3A_191 : memref<1x128xi32, #tpu.memory_space<vmem>> -> memref<128xi32, #tpu.memory_space<vmem>>
          %dma_start3A_193 = arith.constant 0 : i32
          %dma_start3A_194 = arith.constant 0 : i32
          %dma_start3A_195 = tpu.memref_slice %arg2[%dma_start3A_193, %dma_start3A_194] : memref<10240x128xf32, #tpu.memory_space<hbm>> -> memref<10240x128xf32, #tpu.memory_space<hbm>>
          %dma_start3A_196 = tpu.memref_slice %arg11[%dma_start3A_185] : memref<2x!tpu.dma_semaphore, #tpu.memory_space<semaphore_mem>> -> memref<1x!tpu.dma_semaphore, #tpu.memory_space<semaphore_mem>>
          %dma_start3A_197 = tpu.memref_squeeze %dma_start3A_196 : memref<1x!tpu.dma_semaphore, #tpu.memory_space<semaphore_mem>> -> memref<!tpu.dma_semaphore, #tpu.memory_space<semaphore_mem>>
          tpu.enqueue_indirect_dma source(%dma_start3A_195 : memref<10240x128xf32, #tpu.memory_space<hbm>>) target(%dma_start3A_189 : memref<128x128xf32, #tpu.memory_space<vmem>>) offsets(%dma_start3A_192 : memref<128xi32, #tpu.memory_space<vmem>>) semaphore(%dma_start3A_197 : memref<!tpu.dma_semaphore, #tpu.memory_space<semaphore_mem>>)
        } else {
        }
      }
      %scan3A_78 = arith.constant 20 : i32
    }
    %while3A_35 = arith.constant 1 : i32
    scf.for %while3A_41 = %while3A_33 to %while3A_29 step %while3A_35  : i32 {
      %mul3A_42 = arith.constant 40 : i32
      %mul3A_43 = arith.muli %while3A_41, %mul3A_42 : i32
      %add3A_44 = arith.addi %select_n3A_26, %mul3A_43 : i32
      "tpu.region"() ({
        %run_scoped3A = tpu.sem_alloc : memref<!tpu.dma_semaphore, #tpu.memory_space<semaphore_mem>>
        %dma_start3A_79 = arith.constant 0 : i32
        %dma_start3A_80 = tpu.memref_slice %arg3[%add3A_44, %dma_start3A_79] : memref<2560x128xi32, #tpu.memory_space<hbm>> -> memref<40x128xi32, #tpu.memory_space<hbm>>
        %dma_start3A_81 = arith.constant 0 : i32
        %dma_start3A_82 = tpu.memref_slice %arg3[%add3A_44, %dma_start3A_81] : memref<2560x128xi32, #tpu.memory_space<hbm>> -> memref<40x128xi32, #tpu.memory_space<hbm>>
        tpu.enqueue_dma source(%dma_start3A_82 : memref<40x128xi32, #tpu.memory_space<hbm>>) target(%arg7 : memref<40x128xi32, #tpu.memory_space<vmem>>) target_semaphore(%run_scoped3A : memref<!tpu.dma_semaphore, #tpu.memory_space<semaphore_mem>>)
        %dma_wait3A = arith.constant 0 : i32
        %dma_wait3A_83 = tpu.memref_slice %arg3[%add3A_44, %dma_wait3A] : memref<2560x128xi32, #tpu.memory_space<hbm>> -> memref<40x128xi32, #tpu.memory_space<hbm>>
        %dma_wait3A_84 = arith.constant 0 : i32
        %dma_wait3A_85 = tpu.memref_slice %arg3[%add3A_44, %dma_wait3A_84] : memref<2560x128xi32, #tpu.memory_space<hbm>> -> memref<40x128xi32, #tpu.memory_space<hbm>>
        tpu.wait_dma2 semaphore(%run_scoped3A : memref<!tpu.dma_semaphore, #tpu.memory_space<semaphore_mem>>) src(%dma_wait3A_85 : memref<40x128xi32, #tpu.memory_space<hbm>>) dst(%arg7 : memref<40x128xi32, #tpu.memory_space<vmem>>)
        tpu.yield
      }) : () -> ()
      "tpu.region"() ({
        %run_scoped3A = tpu.sem_alloc : memref<!tpu.dma_semaphore, #tpu.memory_space<semaphore_mem>>
        %dma_start3A_79 = arith.constant 0 : i32
        %dma_start3A_80 = tpu.memref_slice %arg4[%add3A_44, %dma_start3A_79] : memref<2560x128xi32, #tpu.memory_space<hbm>> -> memref<40x128xi32, #tpu.memory_space<hbm>>
        %dma_start3A_81 = arith.constant 0 : i32
        %dma_start3A_82 = tpu.memref_slice %arg4[%add3A_44, %dma_start3A_81] : memref<2560x128xi32, #tpu.memory_space<hbm>> -> memref<40x128xi32, #tpu.memory_space<hbm>>
        tpu.enqueue_dma source(%dma_start3A_82 : memref<40x128xi32, #tpu.memory_space<hbm>>) target(%arg8 : memref<40x128xi32, #tpu.memory_space<vmem>>) target_semaphore(%run_scoped3A : memref<!tpu.dma_semaphore, #tpu.memory_space<semaphore_mem>>)
        %dma_wait3A = arith.constant 0 : i32
        %dma_wait3A_83 = tpu.memref_slice %arg4[%add3A_44, %dma_wait3A] : memref<2560x128xi32, #tpu.memory_space<hbm>> -> memref<40x128xi32, #tpu.memory_space<hbm>>
        %dma_wait3A_84 = arith.constant 0 : i32
        %dma_wait3A_85 = tpu.memref_slice %arg4[%add3A_44, %dma_wait3A_84] : memref<2560x128xi32, #tpu.memory_space<hbm>> -> memref<40x128xi32, #tpu.memory_space<hbm>>
        tpu.wait_dma2 semaphore(%run_scoped3A : memref<!tpu.dma_semaphore, #tpu.memory_space<semaphore_mem>>) src(%dma_wait3A_85 : memref<40x128xi32, #tpu.memory_space<hbm>>) dst(%arg8 : memref<40x128xi32, #tpu.memory_space<vmem>>)
        tpu.yield
      }) : () -> ()
      %dma_start3A = arith.constant 0 : i32
      %dma_start3A_45 = arith.constant 0 : i32
      %dma_start3A_46 = arith.constant 0 : i32
      %dma_start3A_47 = arith.constant 0 : i32
      %dma_start3A_48 = arith.constant 0 : i32
      %dma_start3A_49 = tpu.memref_slice %arg9[%dma_start3A_45, %dma_start3A_47, %dma_start3A_48] : memref<2x128x128xf32, #tpu.memory_space<vmem>> -> memref<1x128x128xf32, #tpu.memory_space<vmem>>
      %dma_start3A_50 = tpu.memref_squeeze %dma_start3A_49 : memref<1x128x128xf32, #tpu.memory_space<vmem>> -> memref<128x128xf32, #tpu.memory_space<vmem>>
      %dma_start3A_51 = arith.constant 0 : i32
      %dma_start3A_52 = tpu.memref_slice %arg7[%dma_start3A, %dma_start3A_51] : memref<40x128xi32, #tpu.memory_space<vmem>> -> memref<1x128xi32, #tpu.memory_space<vmem>>
      %dma_start3A_53 = tpu.memref_squeeze %dma_start3A_52 : memref<1x128xi32, #tpu.memory_space<vmem>> -> memref<128xi32, #tpu.memory_space<vmem>>
      %dma_start3A_54 = arith.constant 0 : i32
      %dma_start3A_55 = arith.constant 0 : i32
      %dma_start3A_56 = tpu.memref_slice %arg2[%dma_start3A_54, %dma_start3A_55] : memref<10240x128xf32, #tpu.memory_space<hbm>> -> memref<10240x128xf32, #tpu.memory_space<hbm>>
      %dma_start3A_57 = tpu.memref_slice %arg11[%dma_start3A_46] : memref<2x!tpu.dma_semaphore, #tpu.memory_space<semaphore_mem>> -> memref<1x!tpu.dma_semaphore, #tpu.memory_space<semaphore_mem>>
      %dma_start3A_58 = tpu.memref_squeeze %dma_start3A_57 : memref<1x!tpu.dma_semaphore, #tpu.memory_space<semaphore_mem>> -> memref<!tpu.dma_semaphore, #tpu.memory_space<semaphore_mem>>
      tpu.enqueue_indirect_dma source(%dma_start3A_56 : memref<10240x128xf32, #tpu.memory_space<hbm>>) target(%dma_start3A_50 : memref<128x128xf32, #tpu.memory_space<vmem>>) offsets(%dma_start3A_53 : memref<128xi32, #tpu.memory_space<vmem>>) semaphore(%dma_start3A_58 : memref<!tpu.dma_semaphore, #tpu.memory_space<semaphore_mem>>)
      %dma_start3A_59 = arith.constant 1 : i32
      %dma_start3A_60 = arith.constant 1 : i32
      %dma_start3A_61 = arith.constant 1 : i32
      %dma_start3A_62 = arith.constant 0 : i32
      %dma_start3A_63 = arith.constant 0 : i32
      %dma_start3A_64 = tpu.memref_slice %arg9[%dma_start3A_60, %dma_start3A_62, %dma_start3A_63] : memref<2x128x128xf32, #tpu.memory_space<vmem>> -> memref<1x128x128xf32, #tpu.memory_space<vmem>>
      %dma_start3A_65 = tpu.memref_squeeze %dma_start3A_64 : memref<1x128x128xf32, #tpu.memory_space<vmem>> -> memref<128x128xf32, #tpu.memory_space<vmem>>
      %dma_start3A_66 = arith.constant 0 : i32
      %dma_start3A_67 = tpu.memref_slice %arg7[%dma_start3A_59, %dma_start3A_66] : memref<40x128xi32, #tpu.memory_space<vmem>> -> memref<1x128xi32, #tpu.memory_space<vmem>>
      %dma_start3A_68 = tpu.memref_squeeze %dma_start3A_67 : memref<1x128xi32, #tpu.memory_space<vmem>> -> memref<128xi32, #tpu.memory_space<vmem>>
      %dma_start3A_69 = arith.constant 0 : i32
      %dma_start3A_70 = arith.constant 0 : i32
      %dma_start3A_71 = tpu.memref_slice %arg2[%dma_start3A_69, %dma_start3A_70] : memref<10240x128xf32, #tpu.memory_space<hbm>> -> memref<10240x128xf32, #tpu.memory_space<hbm>>
      %dma_start3A_72 = tpu.memref_slice %arg11[%dma_start3A_61] : memref<2x!tpu.dma_semaphore, #tpu.memory_space<semaphore_mem>> -> memref<1x!tpu.dma_semaphore, #tpu.memory_space<semaphore_mem>>
      %dma_start3A_73 = tpu.memref_squeeze %dma_start3A_72 : memref<1x!tpu.dma_semaphore, #tpu.memory_space<semaphore_mem>> -> memref<!tpu.dma_semaphore, #tpu.memory_space<semaphore_mem>>
      tpu.enqueue_indirect_dma source(%dma_start3A_71 : memref<10240x128xf32, #tpu.memory_space<hbm>>) target(%dma_start3A_65 : memref<128x128xf32, #tpu.memory_space<vmem>>) offsets(%dma_start3A_68 : memref<128xi32, #tpu.memory_space<vmem>>) semaphore(%dma_start3A_73 : memref<!tpu.dma_semaphore, #tpu.memory_space<semaphore_mem>>)
      %scan3A = arith.constant 0 : i32
      %scan3A_74 = arith.constant 0 : i32
      %scan3A_75 = arith.constant 20 : i32
      %scan3A_76 = arith.addi %scan3A_74, %scan3A_75 : i32
      %scan3A_77 = arith.constant 1 : i32
      scf.for %scan3A_79 = %scan3A_74 to %scan3A_76 step %scan3A_77  : i32 {
        %mul3A_80 = arith.constant 2 : i32
        %mul3A_81 = arith.muli %scan3A_79, %mul3A_80 : i32
        %add3A_82 = arith.constant 0 : i32
        %add3A_83 = arith.addi %mul3A_81, %add3A_82 : i32
        %dma_wait3A = arith.constant 0 : i32
        %dma_wait3A_84 = arith.constant 0 : i32
        %dma_wait3A_85 = arith.constant 0 : i32
        %dma_wait3A_86 = arith.constant 0 : i32
        %dma_wait3A_87 = tpu.memref_slice %arg9[%dma_wait3A, %dma_wait3A_85, %dma_wait3A_86] : memref<2x128x128xf32, #tpu.memory_space<vmem>> -> memref<1x128x128xf32, #tpu.memory_space<vmem>>
        %dma_wait3A_88 = tpu.memref_squeeze %dma_wait3A_87 : memref<1x128x128xf32, #tpu.memory_space<vmem>> -> memref<128x128xf32, #tpu.memory_space<vmem>>
        %dma_wait3A_89 = arith.constant 0 : i32
        %dma_wait3A_90 = tpu.memref_slice %arg7[%add3A_83, %dma_wait3A_89] : memref<40x128xi32, #tpu.memory_space<vmem>> -> memref<1x128xi32, #tpu.memory_space<vmem>>
        %dma_wait3A_91 = tpu.memref_squeeze %dma_wait3A_90 : memref<1x128xi32, #tpu.memory_space<vmem>> -> memref<128xi32, #tpu.memory_space<vmem>>
        %dma_wait3A_92 = arith.constant 0 : i32
        %dma_wait3A_93 = arith.constant 0 : i32
        %dma_wait3A_94 = tpu.memref_slice %arg2[%dma_wait3A_92, %dma_wait3A_93] : memref<10240x128xf32, #tpu.memory_space<hbm>> -> memref<10240x128xf32, #tpu.memory_space<hbm>>
        %dma_wait3A_95 = tpu.memref_slice %arg11[%dma_wait3A_84] : memref<2x!tpu.dma_semaphore, #tpu.memory_space<semaphore_mem>> -> memref<1x!tpu.dma_semaphore, #tpu.memory_space<semaphore_mem>>
        %dma_wait3A_96 = tpu.memref_squeeze %dma_wait3A_95 : memref<1x!tpu.dma_semaphore, #tpu.memory_space<semaphore_mem>> -> memref<!tpu.dma_semaphore, #tpu.memory_space<semaphore_mem>>
        tpu.wait_indirect_dma semaphore(%dma_wait3A_96 : memref<!tpu.dma_semaphore, #tpu.memory_space<semaphore_mem>>) src(%dma_wait3A_94 : memref<10240x128xf32, #tpu.memory_space<hbm>>) dst(%dma_wait3A_88 : memref<128x128xf32, #tpu.memory_space<vmem>>)
        %dma_start3A_97 = arith.constant 0 : i32
        %dma_start3A_98 = arith.constant 0 : i32
        %dma_start3A_99 = arith.constant 0 : i32
        %dma_start3A_100 = arith.constant 0 : i32
        %dma_start3A_101 = tpu.memref_slice %arg9[%dma_start3A_97, %dma_start3A_99, %dma_start3A_100] : memref<2x128x128xf32, #tpu.memory_space<vmem>> -> memref<1x128x128xf32, #tpu.memory_space<vmem>>
        %dma_start3A_102 = tpu.memref_squeeze %dma_start3A_101 : memref<1x128x128xf32, #tpu.memory_space<vmem>> -> memref<128x128xf32, #tpu.memory_space<vmem>>
        %dma_start3A_103 = arith.constant 0 : i32
        %dma_start3A_104 = tpu.memref_slice %arg8[%add3A_83, %dma_start3A_103] : memref<40x128xi32, #tpu.memory_space<vmem>> -> memref<1x128xi32, #tpu.memory_space<vmem>>
        %dma_start3A_105 = tpu.memref_squeeze %dma_start3A_104 : memref<1x128xi32, #tpu.memory_space<vmem>> -> memref<128xi32, #tpu.memory_space<vmem>>
        %dma_start3A_106 = arith.constant 0 : i32
        %dma_start3A_107 = arith.constant 0 : i32
        %dma_start3A_108 = tpu.memref_slice %arg10[%dma_start3A_106, %dma_start3A_107] : memref<10240x128xf32, #tpu.memory_space<vmem_shared>> -> memref<10240x128xf32, #tpu.memory_space<vmem_shared>>
        %dma_start3A_109 = tpu.memref_slice %arg12[%dma_start3A_98] : memref<2x!tpu.dma_semaphore, #tpu.memory_space<semaphore_mem>> -> memref<1x!tpu.dma_semaphore, #tpu.memory_space<semaphore_mem>>
        %dma_start3A_110 = tpu.memref_squeeze %dma_start3A_109 : memref<1x!tpu.dma_semaphore, #tpu.memory_space<semaphore_mem>> -> memref<!tpu.dma_semaphore, #tpu.memory_space<semaphore_mem>>
        tpu.enqueue_indirect_dma source(%dma_start3A_102 : memref<128x128xf32, #tpu.memory_space<vmem>>) target(%dma_start3A_108 : memref<10240x128xf32, #tpu.memory_space<vmem_shared>>) offsets(%dma_start3A_105 : memref<128xi32, #tpu.memory_space<vmem>>) semaphore(%dma_start3A_110 : memref<!tpu.dma_semaphore, #tpu.memory_space<semaphore_mem>>) {add = true}
        %add3A_111 = arith.constant 1 : i32
        %add3A_112 = arith.addi %mul3A_81, %add3A_111 : i32
        %dma_wait3A_113 = arith.constant 1 : i32
        %dma_wait3A_114 = arith.constant 1 : i32
        %dma_wait3A_115 = arith.constant 0 : i32
        %dma_wait3A_116 = arith.constant 0 : i32
        %dma_wait3A_117 = tpu.memref_slice %arg9[%dma_wait3A_113, %dma_wait3A_115, %dma_wait3A_116] : memref<2x128x128xf32, #tpu.memory_space<vmem>> -> memref<1x128x128xf32, #tpu.memory_space<vmem>>
        %dma_wait3A_118 = tpu.memref_squeeze %dma_wait3A_117 : memref<1x128x128xf32, #tpu.memory_space<vmem>> -> memref<128x128xf32, #tpu.memory_space<vmem>>
        %dma_wait3A_119 = arith.constant 0 : i32
        %dma_wait3A_120 = tpu.memref_slice %arg7[%add3A_112, %dma_wait3A_119] : memref<40x128xi32, #tpu.memory_space<vmem>> -> memref<1x128xi32, #tpu.memory_space<vmem>>
        %dma_wait3A_121 = tpu.memref_squeeze %dma_wait3A_120 : memref<1x128xi32, #tpu.memory_space<vmem>> -> memref<128xi32, #tpu.memory_space<vmem>>
        %dma_wait3A_122 = arith.constant 0 : i32
        %dma_wait3A_123 = arith.constant 0 : i32
        %dma_wait3A_124 = tpu.memref_slice %arg2[%dma_wait3A_122, %dma_wait3A_123] : memref<10240x128xf32, #tpu.memory_space<hbm>> -> memref<10240x128xf32, #tpu.memory_space<hbm>>
        %dma_wait3A_125 = tpu.memref_slice %arg11[%dma_wait3A_114] : memref<2x!tpu.dma_semaphore, #tpu.memory_space<semaphore_mem>> -> memref<1x!tpu.dma_semaphore, #tpu.memory_space<semaphore_mem>>
        %dma_wait3A_126 = tpu.memref_squeeze %dma_wait3A_125 : memref<1x!tpu.dma_semaphore, #tpu.memory_space<semaphore_mem>> -> memref<!tpu.dma_semaphore, #tpu.memory_space<semaphore_mem>>
        tpu.wait_indirect_dma semaphore(%dma_wait3A_126 : memref<!tpu.dma_semaphore, #tpu.memory_space<semaphore_mem>>) src(%dma_wait3A_124 : memref<10240x128xf32, #tpu.memory_space<hbm>>) dst(%dma_wait3A_118 : memref<128x128xf32, #tpu.memory_space<vmem>>)
        %dma_start3A_127 = arith.constant 1 : i32
        %dma_start3A_128 = arith.constant 1 : i32
        %dma_start3A_129 = arith.constant 0 : i32
        %dma_start3A_130 = arith.constant 0 : i32
        %dma_start3A_131 = tpu.memref_slice %arg9[%dma_start3A_127, %dma_start3A_129, %dma_start3A_130] : memref<2x128x128xf32, #tpu.memory_space<vmem>> -> memref<1x128x128xf32, #tpu.memory_space<vmem>>
        %dma_start3A_132 = tpu.memref_squeeze %dma_start3A_131 : memref<1x128x128xf32, #tpu.memory_space<vmem>> -> memref<128x128xf32, #tpu.memory_space<vmem>>
        %dma_start3A_133 = arith.constant 0 : i32
        %dma_start3A_134 = tpu.memref_slice %arg8[%add3A_112, %dma_start3A_133] : memref<40x128xi32, #tpu.memory_space<vmem>> -> memref<1x128xi32, #tpu.memory_space<vmem>>
        %dma_start3A_135 = tpu.memref_squeeze %dma_start3A_134 : memref<1x128xi32, #tpu.memory_space<vmem>> -> memref<128xi32, #tpu.memory_space<vmem>>
        %dma_start3A_136 = arith.constant 0 : i32
        %dma_start3A_137 = arith.constant 0 : i32
        %dma_start3A_138 = tpu.memref_slice %arg10[%dma_start3A_136, %dma_start3A_137] : memref<10240x128xf32, #tpu.memory_space<vmem_shared>> -> memref<10240x128xf32, #tpu.memory_space<vmem_shared>>
        %dma_start3A_139 = tpu.memref_slice %arg12[%dma_start3A_128] : memref<2x!tpu.dma_semaphore, #tpu.memory_space<semaphore_mem>> -> memref<1x!tpu.dma_semaphore, #tpu.memory_space<semaphore_mem>>
        %dma_start3A_140 = tpu.memref_squeeze %dma_start3A_139 : memref<1x!tpu.dma_semaphore, #tpu.memory_space<semaphore_mem>> -> memref<!tpu.dma_semaphore, #tpu.memory_space<semaphore_mem>>
        tpu.enqueue_indirect_dma source(%dma_start3A_132 : memref<128x128xf32, #tpu.memory_space<vmem>>) target(%dma_start3A_138 : memref<10240x128xf32, #tpu.memory_space<vmem_shared>>) offsets(%dma_start3A_135 : memref<128xi32, #tpu.memory_space<vmem>>) semaphore(%dma_start3A_140 : memref<!tpu.dma_semaphore, #tpu.memory_space<semaphore_mem>>) {add = true}
        %add3A_141 = arith.constant 0 : i32
        %add3A_142 = arith.addi %mul3A_81, %add3A_141 : i32
        %add3A_143 = arith.constant 2 : i32
        %add3A_144 = arith.addi %add3A_142, %add3A_143 : i32
        %dma_wait3A_145 = arith.constant 0 : i32
        %dma_wait3A_146 = arith.constant 0 : i32
        %dma_wait3A_147 = arith.constant 0 : i32
        %dma_wait3A_148 = arith.constant 0 : i32
        %dma_wait3A_149 = tpu.memref_slice %arg9[%dma_wait3A_145, %dma_wait3A_147, %dma_wait3A_148] : memref<2x128x128xf32, #tpu.memory_space<vmem>> -> memref<1x128x128xf32, #tpu.memory_space<vmem>>
        %dma_wait3A_150 = tpu.memref_squeeze %dma_wait3A_149 : memref<1x128x128xf32, #tpu.memory_space<vmem>> -> memref<128x128xf32, #tpu.memory_space<vmem>>
        %dma_wait3A_151 = arith.constant 0 : i32
        %dma_wait3A_152 = tpu.memref_slice %arg8[%add3A_142, %dma_wait3A_151] : memref<40x128xi32, #tpu.memory_space<vmem>> -> memref<1x128xi32, #tpu.memory_space<vmem>>
        %dma_wait3A_153 = tpu.memref_squeeze %dma_wait3A_152 : memref<1x128xi32, #tpu.memory_space<vmem>> -> memref<128xi32, #tpu.memory_space<vmem>>
        %dma_wait3A_154 = arith.constant 0 : i32
        %dma_wait3A_155 = arith.constant 0 : i32
        %dma_wait3A_156 = tpu.memref_slice %arg10[%dma_wait3A_154, %dma_wait3A_155] : memref<10240x128xf32, #tpu.memory_space<vmem_shared>> -> memref<10240x128xf32, #tpu.memory_space<vmem_shared>>
        %dma_wait3A_157 = tpu.memref_slice %arg12[%dma_wait3A_146] : memref<2x!tpu.dma_semaphore, #tpu.memory_space<semaphore_mem>> -> memref<1x!tpu.dma_semaphore, #tpu.memory_space<semaphore_mem>>
        %dma_wait3A_158 = tpu.memref_squeeze %dma_wait3A_157 : memref<1x!tpu.dma_semaphore, #tpu.memory_space<semaphore_mem>> -> memref<!tpu.dma_semaphore, #tpu.memory_space<semaphore_mem>>
        tpu.wait_indirect_dma semaphore(%dma_wait3A_158 : memref<!tpu.dma_semaphore, #tpu.memory_space<semaphore_mem>>) src(%dma_wait3A_150 : memref<128x128xf32, #tpu.memory_space<vmem>>) dst(%dma_wait3A_156 : memref<10240x128xf32, #tpu.memory_space<vmem_shared>>)
        %lt3A = arith.constant 40 : i32
        %lt3A_159 = arith.cmpi slt, %add3A_144, %lt3A : i32
        %convert_element_type3A = arith.extui %lt3A_159 : i1 to i32
        %cond3A = arith.constant 0 : i32
        %cond3A_160 = arith.cmpi ne, %convert_element_type3A, %cond3A : i32
        scf.if %cond3A_160 {
          %dma_start3A_184 = arith.constant 0 : i32
          %dma_start3A_185 = arith.constant 0 : i32
          %dma_start3A_186 = arith.constant 0 : i32
          %dma_start3A_187 = arith.constant 0 : i32
          %dma_start3A_188 = tpu.memref_slice %arg9[%dma_start3A_184, %dma_start3A_186, %dma_start3A_187] : memref<2x128x128xf32, #tpu.memory_space<vmem>> -> memref<1x128x128xf32, #tpu.memory_space<vmem>>
          %dma_start3A_189 = tpu.memref_squeeze %dma_start3A_188 : memref<1x128x128xf32, #tpu.memory_space<vmem>> -> memref<128x128xf32, #tpu.memory_space<vmem>>
          %dma_start3A_190 = arith.constant 0 : i32
          %dma_start3A_191 = tpu.memref_slice %arg7[%add3A_144, %dma_start3A_190] : memref<40x128xi32, #tpu.memory_space<vmem>> -> memref<1x128xi32, #tpu.memory_space<vmem>>
          %dma_start3A_192 = tpu.memref_squeeze %dma_start3A_191 : memref<1x128xi32, #tpu.memory_space<vmem>> -> memref<128xi32, #tpu.memory_space<vmem>>
          %dma_start3A_193 = arith.constant 0 : i32
          %dma_start3A_194 = arith.constant 0 : i32
          %dma_start3A_195 = tpu.memref_slice %arg2[%dma_start3A_193, %dma_start3A_194] : memref<10240x128xf32, #tpu.memory_space<hbm>> -> memref<10240x128xf32, #tpu.memory_space<hbm>>
          %dma_start3A_196 = tpu.memref_slice %arg11[%dma_start3A_185] : memref<2x!tpu.dma_semaphore, #tpu.memory_space<semaphore_mem>> -> memref<1x!tpu.dma_semaphore, #tpu.memory_space<semaphore_mem>>
          %dma_start3A_197 = tpu.memref_squeeze %dma_start3A_196 : memref<1x!tpu.dma_semaphore, #tpu.memory_space<semaphore_mem>> -> memref<!tpu.dma_semaphore, #tpu.memory_space<semaphore_mem>>
          tpu.enqueue_indirect_dma source(%dma_start3A_195 : memref<10240x128xf32, #tpu.memory_space<hbm>>) target(%dma_start3A_189 : memref<128x128xf32, #tpu.memory_space<vmem>>) offsets(%dma_start3A_192 : memref<128xi32, #tpu.memory_space<vmem>>) semaphore(%dma_start3A_197 : memref<!tpu.dma_semaphore, #tpu.memory_space<semaphore_mem>>)
        } else {
        }
        %add3A_161 = arith.constant 1 : i32
        %add3A_162 = arith.addi %mul3A_81, %add3A_161 : i32
        %add3A_163 = arith.constant 2 : i32
        %add3A_164 = arith.addi %add3A_162, %add3A_163 : i32
        %dma_wait3A_165 = arith.constant 1 : i32
        %dma_wait3A_166 = arith.constant 1 : i32
        %dma_wait3A_167 = arith.constant 0 : i32
        %dma_wait3A_168 = arith.constant 0 : i32
        %dma_wait3A_169 = tpu.memref_slice %arg9[%dma_wait3A_165, %dma_wait3A_167, %dma_wait3A_168] : memref<2x128x128xf32, #tpu.memory_space<vmem>> -> memref<1x128x128xf32, #tpu.memory_space<vmem>>
        %dma_wait3A_170 = tpu.memref_squeeze %dma_wait3A_169 : memref<1x128x128xf32, #tpu.memory_space<vmem>> -> memref<128x128xf32, #tpu.memory_space<vmem>>
        %dma_wait3A_171 = arith.constant 0 : i32
        %dma_wait3A_172 = tpu.memref_slice %arg8[%add3A_162, %dma_wait3A_171] : memref<40x128xi32, #tpu.memory_space<vmem>> -> memref<1x128xi32, #tpu.memory_space<vmem>>
        %dma_wait3A_173 = tpu.memref_squeeze %dma_wait3A_172 : memref<1x128xi32, #tpu.memory_space<vmem>> -> memref<128xi32, #tpu.memory_space<vmem>>
        %dma_wait3A_174 = arith.constant 0 : i32
        %dma_wait3A_175 = arith.constant 0 : i32
        %dma_wait3A_176 = tpu.memref_slice %arg10[%dma_wait3A_174, %dma_wait3A_175] : memref<10240x128xf32, #tpu.memory_space<vmem_shared>> -> memref<10240x128xf32, #tpu.memory_space<vmem_shared>>
        %dma_wait3A_177 = tpu.memref_slice %arg12[%dma_wait3A_166] : memref<2x!tpu.dma_semaphore, #tpu.memory_space<semaphore_mem>> -> memref<1x!tpu.dma_semaphore, #tpu.memory_space<semaphore_mem>>
        %dma_wait3A_178 = tpu.memref_squeeze %dma_wait3A_177 : memref<1x!tpu.dma_semaphore, #tpu.memory_space<semaphore_mem>> -> memref<!tpu.dma_semaphore, #tpu.memory_space<semaphore_mem>>
        tpu.wait_indirect_dma semaphore(%dma_wait3A_178 : memref<!tpu.dma_semaphore, #tpu.memory_space<semaphore_mem>>) src(%dma_wait3A_170 : memref<128x128xf32, #tpu.memory_space<vmem>>) dst(%dma_wait3A_176 : memref<10240x128xf32, #tpu.memory_space<vmem_shared>>)
        %lt3A_179 = arith.constant 40 : i32
        %lt3A_180 = arith.cmpi slt, %add3A_164, %lt3A_179 : i32
        %convert_element_type3A_181 = arith.extui %lt3A_180 : i1 to i32
        %cond3A_182 = arith.constant 0 : i32
        %cond3A_183 = arith.cmpi ne, %convert_element_type3A_181, %cond3A_182 : i32
        scf.if %cond3A_183 {
          %dma_start3A_184 = arith.constant 1 : i32
          %dma_start3A_185 = arith.constant 1 : i32
          %dma_start3A_186 = arith.constant 0 : i32
          %dma_start3A_187 = arith.constant 0 : i32
          %dma_start3A_188 = tpu.memref_slice %arg9[%dma_start3A_184, %dma_start3A_186, %dma_start3A_187] : memref<2x128x128xf32, #tpu.memory_space<vmem>> -> memref<1x128x128xf32, #tpu.memory_space<vmem>>
          %dma_start3A_189 = tpu.memref_squeeze %dma_start3A_188 : memref<1x128x128xf32, #tpu.memory_space<vmem>> -> memref<128x128xf32, #tpu.memory_space<vmem>>
          %dma_start3A_190 = arith.constant 0 : i32
          %dma_start3A_191 = tpu.memref_slice %arg7[%add3A_164, %dma_start3A_190] : memref<40x128xi32, #tpu.memory_space<vmem>> -> memref<1x128xi32, #tpu.memory_space<vmem>>
          %dma_start3A_192 = tpu.memref_squeeze %dma_start3A_191 : memref<1x128xi32, #tpu.memory_space<vmem>> -> memref<128xi32, #tpu.memory_space<vmem>>
          %dma_start3A_193 = arith.constant 0 : i32
          %dma_start3A_194 = arith.constant 0 : i32
          %dma_start3A_195 = tpu.memref_slice %arg2[%dma_start3A_193, %dma_start3A_194] : memref<10240x128xf32, #tpu.memory_space<hbm>> -> memref<10240x128xf32, #tpu.memory_space<hbm>>
          %dma_start3A_196 = tpu.memref_slice %arg11[%dma_start3A_185] : memref<2x!tpu.dma_semaphore, #tpu.memory_space<semaphore_mem>> -> memref<1x!tpu.dma_semaphore, #tpu.memory_space<semaphore_mem>>
          %dma_start3A_197 = tpu.memref_squeeze %dma_start3A_196 : memref<1x!tpu.dma_semaphore, #tpu.memory_space<semaphore_mem>> -> memref<!tpu.dma_semaphore, #tpu.memory_space<semaphore_mem>>
          tpu.enqueue_indirect_dma source(%dma_start3A_195 : memref<10240x128xf32, #tpu.memory_space<hbm>>) target(%dma_start3A_189 : memref<128x128xf32, #tpu.memory_space<vmem>>) offsets(%dma_start3A_192 : memref<128xi32, #tpu.memory_space<vmem>>) semaphore(%dma_start3A_197 : memref<!tpu.dma_semaphore, #tpu.memory_space<semaphore_mem>>)
        } else {
        }
      }
      %scan3A_78 = arith.constant 20 : i32
    }
    %barrier3A_36 = arith.constant 0 : index
    tpu.barrier barrier_id(%barrier3A_36)
    %mul3A_37 = arith.constant 640 : i32
    %mul3A_38 = arith.muli %arg1, %mul3A_37 : i32
    %mul3A_39 = arith.constant 640 : i32
    %mul3A_40 = arith.muli %arg1, %mul3A_39 : i32
    "tpu.region"() ({
      %run_scoped3A = tpu.sem_alloc : memref<!tpu.dma_semaphore, #tpu.memory_space<semaphore_mem>>
      %dma_start3A = arith.constant 0 : i32
      %dma_start3A_41 = tpu.memref_slice %arg6[%arg0, %mul3A_40, %dma_start3A] : memref<2x10240x128xf32, #tpu.memory_space<hbm>> -> memref<1x640x128xf32, #tpu.memory_space<hbm>>
      %dma_start3A_42 = tpu.memref_squeeze %dma_start3A_41 : memref<1x640x128xf32, #tpu.memory_space<hbm>> -> memref<640x128xf32, #tpu.memory_space<hbm>>
      %dma_start3A_43 = arith.constant 0 : i32
      %dma_start3A_44 = tpu.memref_slice %arg10[%mul3A_38, %dma_start3A_43] : memref<10240x128xf32, #tpu.memory_space<vmem_shared>> -> memref<640x128xf32, #tpu.memory_space<vmem_shared>>
      tpu.enqueue_dma source(%dma_start3A_44 : memref<640x128xf32, #tpu.memory_space<vmem_shared>>) target(%dma_start3A_42 : memref<640x128xf32, #tpu.memory_space<hbm>>) target_semaphore(%run_scoped3A : memref<!tpu.dma_semaphore, #tpu.memory_space<semaphore_mem>>)
      %dma_wait3A = arith.constant 0 : i32
      %dma_wait3A_45 = tpu.memref_slice %arg6[%arg0, %mul3A_40, %dma_wait3A] : memref<2x10240x128xf32, #tpu.memory_space<hbm>> -> memref<1x640x128xf32, #tpu.memory_space<hbm>>
      %dma_wait3A_46 = tpu.memref_squeeze %dma_wait3A_45 : memref<1x640x128xf32, #tpu.memory_space<hbm>> -> memref<640x128xf32, #tpu.memory_space<hbm>>
      %dma_wait3A_47 = arith.constant 0 : i32
      %dma_wait3A_48 = tpu.memref_slice %arg10[%mul3A_38, %dma_wait3A_47] : memref<10240x128xf32, #tpu.memory_space<vmem_shared>> -> memref<640x128xf32, #tpu.memory_space<vmem_shared>>
      tpu.wait_dma2 semaphore(%run_scoped3A : memref<!tpu.dma_semaphore, #tpu.memory_space<semaphore_mem>>) src(%dma_wait3A_48 : memref<640x128xf32, #tpu.memory_space<vmem_shared>>) dst(%dma_wait3A_46 : memref<640x128xf32, #tpu.memory_space<hbm>>)
      tpu.yield
    }) : () -> ()
    return
  }
}

#map = affine_map<(d0, d1) -> (0, 0)>
#map1 = affine_map<(d0, d1) -> (0, 0, 0)>
module attributes {stable_mosaic.version = 14 : i64} {
  func.func @_sc_count(%arg0: i32, %arg1: i32, %arg2: memref<2560x128xi32, #tpu.memory_space<hbm>>, %arg3: memref<128x128xf32, #tpu.memory_space<hbm>>, %arg4: memref<128x128xf32, #tpu.memory_space<hbm>>, %arg5: memref<2x10240x128xf32, #tpu.memory_space<hbm>>, %arg6: memref<80x128xi32, #tpu.memory_space<vmem>>, %arg7: memref<128x128xf32, #tpu.memory_space<vmem>>, %arg8: memref<10240x128xf32, #tpu.memory_space<vmem_shared>>, %arg9: memref<!tpu.dma_semaphore, #tpu.memory_space<semaphore_mem>>) attributes {dimension_semantics = [#tpu.dimension_semantics<core_parallel>, #tpu.dimension_semantics<subcore_parallel>], iteration_bounds = array<i64: 2, 16>, scalar_prefetch = 0 : i64, scratch_operands = 4 : i64, tpu.core_type = #tpu.core_type<sc_vector_subcore>, window_params = [{transform_indices = #map}, {transform_indices = #map}, {transform_indices = #map}, {transform_indices = #map1}]} {
    %mul3A = arith.constant 16 : i32
    %mul3A_0 = arith.muli %arg0, %mul3A : i32
    %add3A = arith.addi %mul3A_0, %arg1 : i32
    %mul3A_1 = arith.constant 640 : i32
    %mul3A_2 = arith.muli %arg1, %mul3A_1 : i32
    %add3A_3 = arith.constant 0 : i32
    %add3A_4 = arith.addi %mul3A_2, %add3A_3 : i32
    "tpu.region"() ({
      %run_scoped3A = tpu.sem_alloc : memref<!tpu.dma_semaphore, #tpu.memory_space<semaphore_mem>>
      %dma_start3A = arith.constant 0 : i32
      %dma_start3A_33 = tpu.memref_slice %arg8[%add3A_4, %dma_start3A] : memref<10240x128xf32, #tpu.memory_space<vmem_shared>> -> memref<128x128xf32, #tpu.memory_space<vmem_shared>>
      tpu.enqueue_dma source(%arg4 : memref<128x128xf32, #tpu.memory_space<hbm>>) target(%dma_start3A_33 : memref<128x128xf32, #tpu.memory_space<vmem_shared>>) target_semaphore(%run_scoped3A : memref<!tpu.dma_semaphore, #tpu.memory_space<semaphore_mem>>)
      %dma_wait3A = arith.constant 0 : i32
      %dma_wait3A_34 = tpu.memref_slice %arg8[%add3A_4, %dma_wait3A] : memref<10240x128xf32, #tpu.memory_space<vmem_shared>> -> memref<128x128xf32, #tpu.memory_space<vmem_shared>>
      tpu.wait_dma2 semaphore(%run_scoped3A : memref<!tpu.dma_semaphore, #tpu.memory_space<semaphore_mem>>) src(%arg4 : memref<128x128xf32, #tpu.memory_space<hbm>>) dst(%dma_wait3A_34 : memref<128x128xf32, #tpu.memory_space<vmem_shared>>)
      tpu.yield
    }) : () -> ()
    %mul3A_5 = arith.constant 640 : i32
    %mul3A_6 = arith.muli %arg1, %mul3A_5 : i32
    %add3A_7 = arith.constant 128 : i32
    %add3A_8 = arith.addi %mul3A_6, %add3A_7 : i32
    "tpu.region"() ({
      %run_scoped3A = tpu.sem_alloc : memref<!tpu.dma_semaphore, #tpu.memory_space<semaphore_mem>>
      %dma_start3A = arith.constant 0 : i32
      %dma_start3A_33 = tpu.memref_slice %arg8[%add3A_8, %dma_start3A] : memref<10240x128xf32, #tpu.memory_space<vmem_shared>> -> memref<128x128xf32, #tpu.memory_space<vmem_shared>>
      tpu.enqueue_dma source(%arg4 : memref<128x128xf32, #tpu.memory_space<hbm>>) target(%dma_start3A_33 : memref<128x128xf32, #tpu.memory_space<vmem_shared>>) target_semaphore(%run_scoped3A : memref<!tpu.dma_semaphore, #tpu.memory_space<semaphore_mem>>)
      %dma_wait3A = arith.constant 0 : i32
      %dma_wait3A_34 = tpu.memref_slice %arg8[%add3A_8, %dma_wait3A] : memref<10240x128xf32, #tpu.memory_space<vmem_shared>> -> memref<128x128xf32, #tpu.memory_space<vmem_shared>>
      tpu.wait_dma2 semaphore(%run_scoped3A : memref<!tpu.dma_semaphore, #tpu.memory_space<semaphore_mem>>) src(%arg4 : memref<128x128xf32, #tpu.memory_space<hbm>>) dst(%dma_wait3A_34 : memref<128x128xf32, #tpu.memory_space<vmem_shared>>)
      tpu.yield
    }) : () -> ()
    %mul3A_9 = arith.constant 640 : i32
    %mul3A_10 = arith.muli %arg1, %mul3A_9 : i32
    %add3A_11 = arith.constant 256 : i32
    %add3A_12 = arith.addi %mul3A_10, %add3A_11 : i32
    "tpu.region"() ({
      %run_scoped3A = tpu.sem_alloc : memref<!tpu.dma_semaphore, #tpu.memory_space<semaphore_mem>>
      %dma_start3A = arith.constant 0 : i32
      %dma_start3A_33 = tpu.memref_slice %arg8[%add3A_12, %dma_start3A] : memref<10240x128xf32, #tpu.memory_space<vmem_shared>> -> memref<128x128xf32, #tpu.memory_space<vmem_shared>>
      tpu.enqueue_dma source(%arg4 : memref<128x128xf32, #tpu.memory_space<hbm>>) target(%dma_start3A_33 : memref<128x128xf32, #tpu.memory_space<vmem_shared>>) target_semaphore(%run_scoped3A : memref<!tpu.dma_semaphore, #tpu.memory_space<semaphore_mem>>)
      %dma_wait3A = arith.constant 0 : i32
      %dma_wait3A_34 = tpu.memref_slice %arg8[%add3A_12, %dma_wait3A] : memref<10240x128xf32, #tpu.memory_space<vmem_shared>> -> memref<128x128xf32, #tpu.memory_space<vmem_shared>>
      tpu.wait_dma2 semaphore(%run_scoped3A : memref<!tpu.dma_semaphore, #tpu.memory_space<semaphore_mem>>) src(%arg4 : memref<128x128xf32, #tpu.memory_space<hbm>>) dst(%dma_wait3A_34 : memref<128x128xf32, #tpu.memory_space<vmem_shared>>)
      tpu.yield
    }) : () -> ()
    %mul3A_13 = arith.constant 640 : i32
    %mul3A_14 = arith.muli %arg1, %mul3A_13 : i32
    %add3A_15 = arith.constant 384 : i32
    %add3A_16 = arith.addi %mul3A_14, %add3A_15 : i32
    "tpu.region"() ({
      %run_scoped3A = tpu.sem_alloc : memref<!tpu.dma_semaphore, #tpu.memory_space<semaphore_mem>>
      %dma_start3A = arith.constant 0 : i32
      %dma_start3A_33 = tpu.memref_slice %arg8[%add3A_16, %dma_start3A] : memref<10240x128xf32, #tpu.memory_space<vmem_shared>> -> memref<128x128xf32, #tpu.memory_space<vmem_shared>>
      tpu.enqueue_dma source(%arg4 : memref<128x128xf32, #tpu.memory_space<hbm>>) target(%dma_start3A_33 : memref<128x128xf32, #tpu.memory_space<vmem_shared>>) target_semaphore(%run_scoped3A : memref<!tpu.dma_semaphore, #tpu.memory_space<semaphore_mem>>)
      %dma_wait3A = arith.constant 0 : i32
      %dma_wait3A_34 = tpu.memref_slice %arg8[%add3A_16, %dma_wait3A] : memref<10240x128xf32, #tpu.memory_space<vmem_shared>> -> memref<128x128xf32, #tpu.memory_space<vmem_shared>>
      tpu.wait_dma2 semaphore(%run_scoped3A : memref<!tpu.dma_semaphore, #tpu.memory_space<semaphore_mem>>) src(%arg4 : memref<128x128xf32, #tpu.memory_space<hbm>>) dst(%dma_wait3A_34 : memref<128x128xf32, #tpu.memory_space<vmem_shared>>)
      tpu.yield
    }) : () -> ()
    %mul3A_17 = arith.constant 640 : i32
    %mul3A_18 = arith.muli %arg1, %mul3A_17 : i32
    %add3A_19 = arith.constant 512 : i32
    %add3A_20 = arith.addi %mul3A_18, %add3A_19 : i32
    "tpu.region"() ({
      %run_scoped3A = tpu.sem_alloc : memref<!tpu.dma_semaphore, #tpu.memory_space<semaphore_mem>>
      %dma_start3A = arith.constant 0 : i32
      %dma_start3A_33 = tpu.memref_slice %arg8[%add3A_20, %dma_start3A] : memref<10240x128xf32, #tpu.memory_space<vmem_shared>> -> memref<128x128xf32, #tpu.memory_space<vmem_shared>>
      tpu.enqueue_dma source(%arg4 : memref<128x128xf32, #tpu.memory_space<hbm>>) target(%dma_start3A_33 : memref<128x128xf32, #tpu.memory_space<vmem_shared>>) target_semaphore(%run_scoped3A : memref<!tpu.dma_semaphore, #tpu.memory_space<semaphore_mem>>)
      %dma_wait3A = arith.constant 0 : i32
      %dma_wait3A_34 = tpu.memref_slice %arg8[%add3A_20, %dma_wait3A] : memref<10240x128xf32, #tpu.memory_space<vmem_shared>> -> memref<128x128xf32, #tpu.memory_space<vmem_shared>>
      tpu.wait_dma2 semaphore(%run_scoped3A : memref<!tpu.dma_semaphore, #tpu.memory_space<semaphore_mem>>) src(%arg4 : memref<128x128xf32, #tpu.memory_space<hbm>>) dst(%dma_wait3A_34 : memref<128x128xf32, #tpu.memory_space<vmem_shared>>)
      tpu.yield
    }) : () -> ()
    %barrier3A = arith.constant 0 : index
    tpu.barrier barrier_id(%barrier3A)
    "tpu.region"() ({
      %run_scoped3A = tpu.sem_alloc : memref<!tpu.dma_semaphore, #tpu.memory_space<semaphore_mem>>
      tpu.enqueue_dma source(%arg3 : memref<128x128xf32, #tpu.memory_space<hbm>>) target(%arg7 : memref<128x128xf32, #tpu.memory_space<vmem>>) target_semaphore(%run_scoped3A : memref<!tpu.dma_semaphore, #tpu.memory_space<semaphore_mem>>)
      tpu.wait_dma2 semaphore(%run_scoped3A : memref<!tpu.dma_semaphore, #tpu.memory_space<semaphore_mem>>) src(%arg3 : memref<128x128xf32, #tpu.memory_space<hbm>>) dst(%arg7 : memref<128x128xf32, #tpu.memory_space<vmem>>)
      tpu.yield
    }) : () -> ()
    %mul3A_21 = arith.constant 80 : i32
    %mul3A_22 = arith.muli %add3A, %mul3A_21 : i32
    "tpu.region"() ({
      %run_scoped3A = tpu.sem_alloc : memref<!tpu.dma_semaphore, #tpu.memory_space<semaphore_mem>>
      %dma_start3A = arith.constant 0 : i32
      %dma_start3A_33 = tpu.memref_slice %arg2[%mul3A_22, %dma_start3A] : memref<2560x128xi32, #tpu.memory_space<hbm>> -> memref<80x128xi32, #tpu.memory_space<hbm>>
      %dma_start3A_34 = arith.constant 0 : i32
      %dma_start3A_35 = tpu.memref_slice %arg2[%mul3A_22, %dma_start3A_34] : memref<2560x128xi32, #tpu.memory_space<hbm>> -> memref<80x128xi32, #tpu.memory_space<hbm>>
      tpu.enqueue_dma source(%dma_start3A_35 : memref<80x128xi32, #tpu.memory_space<hbm>>) target(%arg6 : memref<80x128xi32, #tpu.memory_space<vmem>>) target_semaphore(%run_scoped3A : memref<!tpu.dma_semaphore, #tpu.memory_space<semaphore_mem>>)
      %dma_wait3A = arith.constant 0 : i32
      %dma_wait3A_36 = tpu.memref_slice %arg2[%mul3A_22, %dma_wait3A] : memref<2560x128xi32, #tpu.memory_space<hbm>> -> memref<80x128xi32, #tpu.memory_space<hbm>>
      %dma_wait3A_37 = arith.constant 0 : i32
      %dma_wait3A_38 = tpu.memref_slice %arg2[%mul3A_22, %dma_wait3A_37] : memref<2560x128xi32, #tpu.memory_space<hbm>> -> memref<80x128xi32, #tpu.memory_space<hbm>>
      tpu.wait_dma2 semaphore(%run_scoped3A : memref<!tpu.dma_semaphore, #tpu.memory_space<semaphore_mem>>) src(%dma_wait3A_38 : memref<80x128xi32, #tpu.memory_space<hbm>>) dst(%arg6 : memref<80x128xi32, #tpu.memory_space<vmem>>)
      tpu.yield
    }) : () -> ()
    %scan3A = arith.constant 0 : i32
    %scan3A_23 = arith.constant 0 : i32
    %scan3A_24 = arith.constant 10 : i32
    %scan3A_25 = arith.addi %scan3A_23, %scan3A_24 : i32
    %scan3A_26 = arith.constant 1 : i32
    scf.for %scan3A_33 = %scan3A_23 to %scan3A_25 step %scan3A_26  : i32 {
      %mul3A_34 = arith.constant 8 : i32
      %mul3A_35 = arith.muli %scan3A_33, %mul3A_34 : i32
      %add3A_36 = arith.constant 0 : i32
      %add3A_37 = arith.addi %mul3A_35, %add3A_36 : i32
      %dma_start3A = arith.constant 0 : i32
      %dma_start3A_38 = tpu.memref_slice %arg6[%add3A_37, %dma_start3A] : memref<80x128xi32, #tpu.memory_space<vmem>> -> memref<1x128xi32, #tpu.memory_space<vmem>>
      %dma_start3A_39 = tpu.memref_squeeze %dma_start3A_38 : memref<1x128xi32, #tpu.memory_space<vmem>> -> memref<128xi32, #tpu.memory_space<vmem>>
      %dma_start3A_40 = arith.constant 0 : i32
      %dma_start3A_41 = arith.constant 0 : i32
      %dma_start3A_42 = tpu.memref_slice %arg8[%dma_start3A_40, %dma_start3A_41] : memref<10240x128xf32, #tpu.memory_space<vmem_shared>> -> memref<10240x128xf32, #tpu.memory_space<vmem_shared>>
      tpu.enqueue_indirect_dma source(%arg7 : memref<128x128xf32, #tpu.memory_space<vmem>>) target(%dma_start3A_42 : memref<10240x128xf32, #tpu.memory_space<vmem_shared>>) offsets(%dma_start3A_39 : memref<128xi32, #tpu.memory_space<vmem>>) semaphore(%arg9 : memref<!tpu.dma_semaphore, #tpu.memory_space<semaphore_mem>>) {add = true}
      %add3A_43 = arith.constant 1 : i32
      %add3A_44 = arith.addi %mul3A_35, %add3A_43 : i32
      %dma_start3A_45 = arith.constant 0 : i32
      %dma_start3A_46 = tpu.memref_slice %arg6[%add3A_44, %dma_start3A_45] : memref<80x128xi32, #tpu.memory_space<vmem>> -> memref<1x128xi32, #tpu.memory_space<vmem>>
      %dma_start3A_47 = tpu.memref_squeeze %dma_start3A_46 : memref<1x128xi32, #tpu.memory_space<vmem>> -> memref<128xi32, #tpu.memory_space<vmem>>
      %dma_start3A_48 = arith.constant 0 : i32
      %dma_start3A_49 = arith.constant 0 : i32
      %dma_start3A_50 = tpu.memref_slice %arg8[%dma_start3A_48, %dma_start3A_49] : memref<10240x128xf32, #tpu.memory_space<vmem_shared>> -> memref<10240x128xf32, #tpu.memory_space<vmem_shared>>
      tpu.enqueue_indirect_dma source(%arg7 : memref<128x128xf32, #tpu.memory_space<vmem>>) target(%dma_start3A_50 : memref<10240x128xf32, #tpu.memory_space<vmem_shared>>) offsets(%dma_start3A_47 : memref<128xi32, #tpu.memory_space<vmem>>) semaphore(%arg9 : memref<!tpu.dma_semaphore, #tpu.memory_space<semaphore_mem>>) {add = true}
      %add3A_51 = arith.constant 2 : i32
      %add3A_52 = arith.addi %mul3A_35, %add3A_51 : i32
      %dma_start3A_53 = arith.constant 0 : i32
      %dma_start3A_54 = tpu.memref_slice %arg6[%add3A_52, %dma_start3A_53] : memref<80x128xi32, #tpu.memory_space<vmem>> -> memref<1x128xi32, #tpu.memory_space<vmem>>
      %dma_start3A_55 = tpu.memref_squeeze %dma_start3A_54 : memref<1x128xi32, #tpu.memory_space<vmem>> -> memref<128xi32, #tpu.memory_space<vmem>>
      %dma_start3A_56 = arith.constant 0 : i32
      %dma_start3A_57 = arith.constant 0 : i32
      %dma_start3A_58 = tpu.memref_slice %arg8[%dma_start3A_56, %dma_start3A_57] : memref<10240x128xf32, #tpu.memory_space<vmem_shared>> -> memref<10240x128xf32, #tpu.memory_space<vmem_shared>>
      tpu.enqueue_indirect_dma source(%arg7 : memref<128x128xf32, #tpu.memory_space<vmem>>) target(%dma_start3A_58 : memref<10240x128xf32, #tpu.memory_space<vmem_shared>>) offsets(%dma_start3A_55 : memref<128xi32, #tpu.memory_space<vmem>>) semaphore(%arg9 : memref<!tpu.dma_semaphore, #tpu.memory_space<semaphore_mem>>) {add = true}
      %add3A_59 = arith.constant 3 : i32
      %add3A_60 = arith.addi %mul3A_35, %add3A_59 : i32
      %dma_start3A_61 = arith.constant 0 : i32
      %dma_start3A_62 = tpu.memref_slice %arg6[%add3A_60, %dma_start3A_61] : memref<80x128xi32, #tpu.memory_space<vmem>> -> memref<1x128xi32, #tpu.memory_space<vmem>>
      %dma_start3A_63 = tpu.memref_squeeze %dma_start3A_62 : memref<1x128xi32, #tpu.memory_space<vmem>> -> memref<128xi32, #tpu.memory_space<vmem>>
      %dma_start3A_64 = arith.constant 0 : i32
      %dma_start3A_65 = arith.constant 0 : i32
      %dma_start3A_66 = tpu.memref_slice %arg8[%dma_start3A_64, %dma_start3A_65] : memref<10240x128xf32, #tpu.memory_space<vmem_shared>> -> memref<10240x128xf32, #tpu.memory_space<vmem_shared>>
      tpu.enqueue_indirect_dma source(%arg7 : memref<128x128xf32, #tpu.memory_space<vmem>>) target(%dma_start3A_66 : memref<10240x128xf32, #tpu.memory_space<vmem_shared>>) offsets(%dma_start3A_63 : memref<128xi32, #tpu.memory_space<vmem>>) semaphore(%arg9 : memref<!tpu.dma_semaphore, #tpu.memory_space<semaphore_mem>>) {add = true}
      %add3A_67 = arith.constant 4 : i32
      %add3A_68 = arith.addi %mul3A_35, %add3A_67 : i32
      %dma_start3A_69 = arith.constant 0 : i32
      %dma_start3A_70 = tpu.memref_slice %arg6[%add3A_68, %dma_start3A_69] : memref<80x128xi32, #tpu.memory_space<vmem>> -> memref<1x128xi32, #tpu.memory_space<vmem>>
      %dma_start3A_71 = tpu.memref_squeeze %dma_start3A_70 : memref<1x128xi32, #tpu.memory_space<vmem>> -> memref<128xi32, #tpu.memory_space<vmem>>
      %dma_start3A_72 = arith.constant 0 : i32
      %dma_start3A_73 = arith.constant 0 : i32
      %dma_start3A_74 = tpu.memref_slice %arg8[%dma_start3A_72, %dma_start3A_73] : memref<10240x128xf32, #tpu.memory_space<vmem_shared>> -> memref<10240x128xf32, #tpu.memory_space<vmem_shared>>
      tpu.enqueue_indirect_dma source(%arg7 : memref<128x128xf32, #tpu.memory_space<vmem>>) target(%dma_start3A_74 : memref<10240x128xf32, #tpu.memory_space<vmem_shared>>) offsets(%dma_start3A_71 : memref<128xi32, #tpu.memory_space<vmem>>) semaphore(%arg9 : memref<!tpu.dma_semaphore, #tpu.memory_space<semaphore_mem>>) {add = true}
      %add3A_75 = arith.constant 5 : i32
      %add3A_76 = arith.addi %mul3A_35, %add3A_75 : i32
      %dma_start3A_77 = arith.constant 0 : i32
      %dma_start3A_78 = tpu.memref_slice %arg6[%add3A_76, %dma_start3A_77] : memref<80x128xi32, #tpu.memory_space<vmem>> -> memref<1x128xi32, #tpu.memory_space<vmem>>
      %dma_start3A_79 = tpu.memref_squeeze %dma_start3A_78 : memref<1x128xi32, #tpu.memory_space<vmem>> -> memref<128xi32, #tpu.memory_space<vmem>>
      %dma_start3A_80 = arith.constant 0 : i32
      %dma_start3A_81 = arith.constant 0 : i32
      %dma_start3A_82 = tpu.memref_slice %arg8[%dma_start3A_80, %dma_start3A_81] : memref<10240x128xf32, #tpu.memory_space<vmem_shared>> -> memref<10240x128xf32, #tpu.memory_space<vmem_shared>>
      tpu.enqueue_indirect_dma source(%arg7 : memref<128x128xf32, #tpu.memory_space<vmem>>) target(%dma_start3A_82 : memref<10240x128xf32, #tpu.memory_space<vmem_shared>>) offsets(%dma_start3A_79 : memref<128xi32, #tpu.memory_space<vmem>>) semaphore(%arg9 : memref<!tpu.dma_semaphore, #tpu.memory_space<semaphore_mem>>) {add = true}
      %add3A_83 = arith.constant 6 : i32
      %add3A_84 = arith.addi %mul3A_35, %add3A_83 : i32
      %dma_start3A_85 = arith.constant 0 : i32
      %dma_start3A_86 = tpu.memref_slice %arg6[%add3A_84, %dma_start3A_85] : memref<80x128xi32, #tpu.memory_space<vmem>> -> memref<1x128xi32, #tpu.memory_space<vmem>>
      %dma_start3A_87 = tpu.memref_squeeze %dma_start3A_86 : memref<1x128xi32, #tpu.memory_space<vmem>> -> memref<128xi32, #tpu.memory_space<vmem>>
      %dma_start3A_88 = arith.constant 0 : i32
      %dma_start3A_89 = arith.constant 0 : i32
      %dma_start3A_90 = tpu.memref_slice %arg8[%dma_start3A_88, %dma_start3A_89] : memref<10240x128xf32, #tpu.memory_space<vmem_shared>> -> memref<10240x128xf32, #tpu.memory_space<vmem_shared>>
      tpu.enqueue_indirect_dma source(%arg7 : memref<128x128xf32, #tpu.memory_space<vmem>>) target(%dma_start3A_90 : memref<10240x128xf32, #tpu.memory_space<vmem_shared>>) offsets(%dma_start3A_87 : memref<128xi32, #tpu.memory_space<vmem>>) semaphore(%arg9 : memref<!tpu.dma_semaphore, #tpu.memory_space<semaphore_mem>>) {add = true}
      %add3A_91 = arith.constant 7 : i32
      %add3A_92 = arith.addi %mul3A_35, %add3A_91 : i32
      %dma_start3A_93 = arith.constant 0 : i32
      %dma_start3A_94 = tpu.memref_slice %arg6[%add3A_92, %dma_start3A_93] : memref<80x128xi32, #tpu.memory_space<vmem>> -> memref<1x128xi32, #tpu.memory_space<vmem>>
      %dma_start3A_95 = tpu.memref_squeeze %dma_start3A_94 : memref<1x128xi32, #tpu.memory_space<vmem>> -> memref<128xi32, #tpu.memory_space<vmem>>
      %dma_start3A_96 = arith.constant 0 : i32
      %dma_start3A_97 = arith.constant 0 : i32
      %dma_start3A_98 = tpu.memref_slice %arg8[%dma_start3A_96, %dma_start3A_97] : memref<10240x128xf32, #tpu.memory_space<vmem_shared>> -> memref<10240x128xf32, #tpu.memory_space<vmem_shared>>
      tpu.enqueue_indirect_dma source(%arg7 : memref<128x128xf32, #tpu.memory_space<vmem>>) target(%dma_start3A_98 : memref<10240x128xf32, #tpu.memory_space<vmem_shared>>) offsets(%dma_start3A_95 : memref<128xi32, #tpu.memory_space<vmem>>) semaphore(%arg9 : memref<!tpu.dma_semaphore, #tpu.memory_space<semaphore_mem>>) {add = true}
      %add3A_99 = arith.constant 0 : i32
      %add3A_100 = arith.addi %mul3A_35, %add3A_99 : i32
      %dma_wait3A = arith.constant 0 : i32
      %dma_wait3A_101 = tpu.memref_slice %arg6[%add3A_100, %dma_wait3A] : memref<80x128xi32, #tpu.memory_space<vmem>> -> memref<1x128xi32, #tpu.memory_space<vmem>>
      %dma_wait3A_102 = tpu.memref_squeeze %dma_wait3A_101 : memref<1x128xi32, #tpu.memory_space<vmem>> -> memref<128xi32, #tpu.memory_space<vmem>>
      %dma_wait3A_103 = arith.constant 0 : i32
      %dma_wait3A_104 = arith.constant 0 : i32
      %dma_wait3A_105 = tpu.memref_slice %arg8[%dma_wait3A_103, %dma_wait3A_104] : memref<10240x128xf32, #tpu.memory_space<vmem_shared>> -> memref<10240x128xf32, #tpu.memory_space<vmem_shared>>
      tpu.wait_indirect_dma semaphore(%arg9 : memref<!tpu.dma_semaphore, #tpu.memory_space<semaphore_mem>>) src(%arg7 : memref<128x128xf32, #tpu.memory_space<vmem>>) dst(%dma_wait3A_105 : memref<10240x128xf32, #tpu.memory_space<vmem_shared>>)
      %add3A_106 = arith.constant 1 : i32
      %add3A_107 = arith.addi %mul3A_35, %add3A_106 : i32
      %dma_wait3A_108 = arith.constant 0 : i32
      %dma_wait3A_109 = tpu.memref_slice %arg6[%add3A_107, %dma_wait3A_108] : memref<80x128xi32, #tpu.memory_space<vmem>> -> memref<1x128xi32, #tpu.memory_space<vmem>>
      %dma_wait3A_110 = tpu.memref_squeeze %dma_wait3A_109 : memref<1x128xi32, #tpu.memory_space<vmem>> -> memref<128xi32, #tpu.memory_space<vmem>>
      %dma_wait3A_111 = arith.constant 0 : i32
      %dma_wait3A_112 = arith.constant 0 : i32
      %dma_wait3A_113 = tpu.memref_slice %arg8[%dma_wait3A_111, %dma_wait3A_112] : memref<10240x128xf32, #tpu.memory_space<vmem_shared>> -> memref<10240x128xf32, #tpu.memory_space<vmem_shared>>
      tpu.wait_indirect_dma semaphore(%arg9 : memref<!tpu.dma_semaphore, #tpu.memory_space<semaphore_mem>>) src(%arg7 : memref<128x128xf32, #tpu.memory_space<vmem>>) dst(%dma_wait3A_113 : memref<10240x128xf32, #tpu.memory_space<vmem_shared>>)
      %add3A_114 = arith.constant 2 : i32
      %add3A_115 = arith.addi %mul3A_35, %add3A_114 : i32
      %dma_wait3A_116 = arith.constant 0 : i32
      %dma_wait3A_117 = tpu.memref_slice %arg6[%add3A_115, %dma_wait3A_116] : memref<80x128xi32, #tpu.memory_space<vmem>> -> memref<1x128xi32, #tpu.memory_space<vmem>>
      %dma_wait3A_118 = tpu.memref_squeeze %dma_wait3A_117 : memref<1x128xi32, #tpu.memory_space<vmem>> -> memref<128xi32, #tpu.memory_space<vmem>>
      %dma_wait3A_119 = arith.constant 0 : i32
      %dma_wait3A_120 = arith.constant 0 : i32
      %dma_wait3A_121 = tpu.memref_slice %arg8[%dma_wait3A_119, %dma_wait3A_120] : memref<10240x128xf32, #tpu.memory_space<vmem_shared>> -> memref<10240x128xf32, #tpu.memory_space<vmem_shared>>
      tpu.wait_indirect_dma semaphore(%arg9 : memref<!tpu.dma_semaphore, #tpu.memory_space<semaphore_mem>>) src(%arg7 : memref<128x128xf32, #tpu.memory_space<vmem>>) dst(%dma_wait3A_121 : memref<10240x128xf32, #tpu.memory_space<vmem_shared>>)
      %add3A_122 = arith.constant 3 : i32
      %add3A_123 = arith.addi %mul3A_35, %add3A_122 : i32
      %dma_wait3A_124 = arith.constant 0 : i32
      %dma_wait3A_125 = tpu.memref_slice %arg6[%add3A_123, %dma_wait3A_124] : memref<80x128xi32, #tpu.memory_space<vmem>> -> memref<1x128xi32, #tpu.memory_space<vmem>>
      %dma_wait3A_126 = tpu.memref_squeeze %dma_wait3A_125 : memref<1x128xi32, #tpu.memory_space<vmem>> -> memref<128xi32, #tpu.memory_space<vmem>>
      %dma_wait3A_127 = arith.constant 0 : i32
      %dma_wait3A_128 = arith.constant 0 : i32
      %dma_wait3A_129 = tpu.memref_slice %arg8[%dma_wait3A_127, %dma_wait3A_128] : memref<10240x128xf32, #tpu.memory_space<vmem_shared>> -> memref<10240x128xf32, #tpu.memory_space<vmem_shared>>
      tpu.wait_indirect_dma semaphore(%arg9 : memref<!tpu.dma_semaphore, #tpu.memory_space<semaphore_mem>>) src(%arg7 : memref<128x128xf32, #tpu.memory_space<vmem>>) dst(%dma_wait3A_129 : memref<10240x128xf32, #tpu.memory_space<vmem_shared>>)
      %add3A_130 = arith.constant 4 : i32
      %add3A_131 = arith.addi %mul3A_35, %add3A_130 : i32
      %dma_wait3A_132 = arith.constant 0 : i32
      %dma_wait3A_133 = tpu.memref_slice %arg6[%add3A_131, %dma_wait3A_132] : memref<80x128xi32, #tpu.memory_space<vmem>> -> memref<1x128xi32, #tpu.memory_space<vmem>>
      %dma_wait3A_134 = tpu.memref_squeeze %dma_wait3A_133 : memref<1x128xi32, #tpu.memory_space<vmem>> -> memref<128xi32, #tpu.memory_space<vmem>>
      %dma_wait3A_135 = arith.constant 0 : i32
      %dma_wait3A_136 = arith.constant 0 : i32
      %dma_wait3A_137 = tpu.memref_slice %arg8[%dma_wait3A_135, %dma_wait3A_136] : memref<10240x128xf32, #tpu.memory_space<vmem_shared>> -> memref<10240x128xf32, #tpu.memory_space<vmem_shared>>
      tpu.wait_indirect_dma semaphore(%arg9 : memref<!tpu.dma_semaphore, #tpu.memory_space<semaphore_mem>>) src(%arg7 : memref<128x128xf32, #tpu.memory_space<vmem>>) dst(%dma_wait3A_137 : memref<10240x128xf32, #tpu.memory_space<vmem_shared>>)
      %add3A_138 = arith.constant 5 : i32
      %add3A_139 = arith.addi %mul3A_35, %add3A_138 : i32
      %dma_wait3A_140 = arith.constant 0 : i32
      %dma_wait3A_141 = tpu.memref_slice %arg6[%add3A_139, %dma_wait3A_140] : memref<80x128xi32, #tpu.memory_space<vmem>> -> memref<1x128xi32, #tpu.memory_space<vmem>>
      %dma_wait3A_142 = tpu.memref_squeeze %dma_wait3A_141 : memref<1x128xi32, #tpu.memory_space<vmem>> -> memref<128xi32, #tpu.memory_space<vmem>>
      %dma_wait3A_143 = arith.constant 0 : i32
      %dma_wait3A_144 = arith.constant 0 : i32
      %dma_wait3A_145 = tpu.memref_slice %arg8[%dma_wait3A_143, %dma_wait3A_144] : memref<10240x128xf32, #tpu.memory_space<vmem_shared>> -> memref<10240x128xf32, #tpu.memory_space<vmem_shared>>
      tpu.wait_indirect_dma semaphore(%arg9 : memref<!tpu.dma_semaphore, #tpu.memory_space<semaphore_mem>>) src(%arg7 : memref<128x128xf32, #tpu.memory_space<vmem>>) dst(%dma_wait3A_145 : memref<10240x128xf32, #tpu.memory_space<vmem_shared>>)
      %add3A_146 = arith.constant 6 : i32
      %add3A_147 = arith.addi %mul3A_35, %add3A_146 : i32
      %dma_wait3A_148 = arith.constant 0 : i32
      %dma_wait3A_149 = tpu.memref_slice %arg6[%add3A_147, %dma_wait3A_148] : memref<80x128xi32, #tpu.memory_space<vmem>> -> memref<1x128xi32, #tpu.memory_space<vmem>>
      %dma_wait3A_150 = tpu.memref_squeeze %dma_wait3A_149 : memref<1x128xi32, #tpu.memory_space<vmem>> -> memref<128xi32, #tpu.memory_space<vmem>>
      %dma_wait3A_151 = arith.constant 0 : i32
      %dma_wait3A_152 = arith.constant 0 : i32
      %dma_wait3A_153 = tpu.memref_slice %arg8[%dma_wait3A_151, %dma_wait3A_152] : memref<10240x128xf32, #tpu.memory_space<vmem_shared>> -> memref<10240x128xf32, #tpu.memory_space<vmem_shared>>
      tpu.wait_indirect_dma semaphore(%arg9 : memref<!tpu.dma_semaphore, #tpu.memory_space<semaphore_mem>>) src(%arg7 : memref<128x128xf32, #tpu.memory_space<vmem>>) dst(%dma_wait3A_153 : memref<10240x128xf32, #tpu.memory_space<vmem_shared>>)
      %add3A_154 = arith.constant 7 : i32
      %add3A_155 = arith.addi %mul3A_35, %add3A_154 : i32
      %dma_wait3A_156 = arith.constant 0 : i32
      %dma_wait3A_157 = tpu.memref_slice %arg6[%add3A_155, %dma_wait3A_156] : memref<80x128xi32, #tpu.memory_space<vmem>> -> memref<1x128xi32, #tpu.memory_space<vmem>>
      %dma_wait3A_158 = tpu.memref_squeeze %dma_wait3A_157 : memref<1x128xi32, #tpu.memory_space<vmem>> -> memref<128xi32, #tpu.memory_space<vmem>>
      %dma_wait3A_159 = arith.constant 0 : i32
      %dma_wait3A_160 = arith.constant 0 : i32
      %dma_wait3A_161 = tpu.memref_slice %arg8[%dma_wait3A_159, %dma_wait3A_160] : memref<10240x128xf32, #tpu.memory_space<vmem_shared>> -> memref<10240x128xf32, #tpu.memory_space<vmem_shared>>
      tpu.wait_indirect_dma semaphore(%arg9 : memref<!tpu.dma_semaphore, #tpu.memory_space<semaphore_mem>>) src(%arg7 : memref<128x128xf32, #tpu.memory_space<vmem>>) dst(%dma_wait3A_161 : memref<10240x128xf32, #tpu.memory_space<vmem_shared>>)
    }
    %scan3A_27 = arith.constant 10 : i32
    %barrier3A_28 = arith.constant 0 : index
    tpu.barrier barrier_id(%barrier3A_28)
    %mul3A_29 = arith.constant 640 : i32
    %mul3A_30 = arith.muli %arg1, %mul3A_29 : i32
    %mul3A_31 = arith.constant 640 : i32
    %mul3A_32 = arith.muli %arg1, %mul3A_31 : i32
    "tpu.region"() ({
      %run_scoped3A = tpu.sem_alloc : memref<!tpu.dma_semaphore, #tpu.memory_space<semaphore_mem>>
      %dma_start3A = arith.constant 0 : i32
      %dma_start3A_33 = tpu.memref_slice %arg5[%arg0, %mul3A_32, %dma_start3A] : memref<2x10240x128xf32, #tpu.memory_space<hbm>> -> memref<1x640x128xf32, #tpu.memory_space<hbm>>
      %dma_start3A_34 = tpu.memref_squeeze %dma_start3A_33 : memref<1x640x128xf32, #tpu.memory_space<hbm>> -> memref<640x128xf32, #tpu.memory_space<hbm>>
      %dma_start3A_35 = arith.constant 0 : i32
      %dma_start3A_36 = tpu.memref_slice %arg8[%mul3A_30, %dma_start3A_35] : memref<10240x128xf32, #tpu.memory_space<vmem_shared>> -> memref<640x128xf32, #tpu.memory_space<vmem_shared>>
      tpu.enqueue_dma source(%dma_start3A_36 : memref<640x128xf32, #tpu.memory_space<vmem_shared>>) target(%dma_start3A_34 : memref<640x128xf32, #tpu.memory_space<hbm>>) target_semaphore(%run_scoped3A : memref<!tpu.dma_semaphore, #tpu.memory_space<semaphore_mem>>)
      %dma_wait3A = arith.constant 0 : i32
      %dma_wait3A_37 = tpu.memref_slice %arg5[%arg0, %mul3A_32, %dma_wait3A] : memref<2x10240x128xf32, #tpu.memory_space<hbm>> -> memref<1x640x128xf32, #tpu.memory_space<hbm>>
      %dma_wait3A_38 = tpu.memref_squeeze %dma_wait3A_37 : memref<1x640x128xf32, #tpu.memory_space<hbm>> -> memref<640x128xf32, #tpu.memory_space<hbm>>
      %dma_wait3A_39 = arith.constant 0 : i32
      %dma_wait3A_40 = tpu.memref_slice %arg8[%mul3A_30, %dma_wait3A_39] : memref<10240x128xf32, #tpu.memory_space<vmem_shared>> -> memref<640x128xf32, #tpu.memory_space<vmem_shared>>
      tpu.wait_dma2 semaphore(%run_scoped3A : memref<!tpu.dma_semaphore, #tpu.memory_space<semaphore_mem>>) src(%dma_wait3A_40 : memref<640x128xf32, #tpu.memory_space<vmem_shared>>) dst(%dma_wait3A_38 : memref<640x128xf32, #tpu.memory_space<hbm>>)
      tpu.yield
    }) : () -> ()
    return
  }
}

#map = affine_map<(d0, d1) -> (0, 0)>
#map1 = affine_map<(d0, d1) -> (0, 0, 0)>
module attributes {stable_mosaic.version = 14 : i64} {
  func.func @_sc_agg(%arg0: i32, %arg1: i32, %arg2: memref<10240x128xf32, #tpu.memory_space<hbm>>, %arg3: memref<2560x128xi32, #tpu.memory_space<hbm>>, %arg4: memref<2560x128xi32, #tpu.memory_space<hbm>>, %arg5: memref<128x128xf32, #tpu.memory_space<hbm>>, %arg6: memref<2x10240x128xf32, #tpu.memory_space<hbm>>, %arg7: memref<40x128xi32, #tpu.memory_space<vmem>>, %arg8: memref<40x128xi32, #tpu.memory_space<vmem>>, %arg9: memref<2x128x128xf32, #tpu.memory_space<vmem>>, %arg10: memref<10240x128xf32, #tpu.memory_space<vmem_shared>>, %arg11: memref<2x!tpu.dma_semaphore, #tpu.memory_space<semaphore_mem>>, %arg12: memref<2x!tpu.dma_semaphore, #tpu.memory_space<semaphore_mem>>) attributes {dimension_semantics = [#tpu.dimension_semantics<core_parallel>, #tpu.dimension_semantics<subcore_parallel>], iteration_bounds = array<i64: 2, 16>, scalar_prefetch = 0 : i64, scratch_operands = 6 : i64, tpu.core_type = #tpu.core_type<sc_vector_subcore>, window_params = [{transform_indices = #map}, {transform_indices = #map}, {transform_indices = #map}, {transform_indices = #map}, {transform_indices = #map1}]} {
    %mul3A = arith.constant 640 : i32
    %mul3A_0 = arith.muli %arg1, %mul3A : i32
    %add3A = arith.constant 0 : i32
    %add3A_1 = arith.addi %mul3A_0, %add3A : i32
    "tpu.region"() ({
      %run_scoped3A = tpu.sem_alloc : memref<!tpu.dma_semaphore, #tpu.memory_space<semaphore_mem>>
      %dma_start3A = arith.constant 0 : i32
      %dma_start3A_41 = tpu.memref_slice %arg10[%add3A_1, %dma_start3A] : memref<10240x128xf32, #tpu.memory_space<vmem_shared>> -> memref<128x128xf32, #tpu.memory_space<vmem_shared>>
      tpu.enqueue_dma source(%arg5 : memref<128x128xf32, #tpu.memory_space<hbm>>) target(%dma_start3A_41 : memref<128x128xf32, #tpu.memory_space<vmem_shared>>) target_semaphore(%run_scoped3A : memref<!tpu.dma_semaphore, #tpu.memory_space<semaphore_mem>>)
      %dma_wait3A = arith.constant 0 : i32
      %dma_wait3A_42 = tpu.memref_slice %arg10[%add3A_1, %dma_wait3A] : memref<10240x128xf32, #tpu.memory_space<vmem_shared>> -> memref<128x128xf32, #tpu.memory_space<vmem_shared>>
      tpu.wait_dma2 semaphore(%run_scoped3A : memref<!tpu.dma_semaphore, #tpu.memory_space<semaphore_mem>>) src(%arg5 : memref<128x128xf32, #tpu.memory_space<hbm>>) dst(%dma_wait3A_42 : memref<128x128xf32, #tpu.memory_space<vmem_shared>>)
      tpu.yield
    }) : () -> ()
    %mul3A_2 = arith.constant 640 : i32
    %mul3A_3 = arith.muli %arg1, %mul3A_2 : i32
    %add3A_4 = arith.constant 128 : i32
    %add3A_5 = arith.addi %mul3A_3, %add3A_4 : i32
    "tpu.region"() ({
      %run_scoped3A = tpu.sem_alloc : memref<!tpu.dma_semaphore, #tpu.memory_space<semaphore_mem>>
      %dma_start3A = arith.constant 0 : i32
      %dma_start3A_41 = tpu.memref_slice %arg10[%add3A_5, %dma_start3A] : memref<10240x128xf32, #tpu.memory_space<vmem_shared>> -> memref<128x128xf32, #tpu.memory_space<vmem_shared>>
      tpu.enqueue_dma source(%arg5 : memref<128x128xf32, #tpu.memory_space<hbm>>) target(%dma_start3A_41 : memref<128x128xf32, #tpu.memory_space<vmem_shared>>) target_semaphore(%run_scoped3A : memref<!tpu.dma_semaphore, #tpu.memory_space<semaphore_mem>>)
      %dma_wait3A = arith.constant 0 : i32
      %dma_wait3A_42 = tpu.memref_slice %arg10[%add3A_5, %dma_wait3A] : memref<10240x128xf32, #tpu.memory_space<vmem_shared>> -> memref<128x128xf32, #tpu.memory_space<vmem_shared>>
      tpu.wait_dma2 semaphore(%run_scoped3A : memref<!tpu.dma_semaphore, #tpu.memory_space<semaphore_mem>>) src(%arg5 : memref<128x128xf32, #tpu.memory_space<hbm>>) dst(%dma_wait3A_42 : memref<128x128xf32, #tpu.memory_space<vmem_shared>>)
      tpu.yield
    }) : () -> ()
    %mul3A_6 = arith.constant 640 : i32
    %mul3A_7 = arith.muli %arg1, %mul3A_6 : i32
    %add3A_8 = arith.constant 256 : i32
    %add3A_9 = arith.addi %mul3A_7, %add3A_8 : i32
    "tpu.region"() ({
      %run_scoped3A = tpu.sem_alloc : memref<!tpu.dma_semaphore, #tpu.memory_space<semaphore_mem>>
      %dma_start3A = arith.constant 0 : i32
      %dma_start3A_41 = tpu.memref_slice %arg10[%add3A_9, %dma_start3A] : memref<10240x128xf32, #tpu.memory_space<vmem_shared>> -> memref<128x128xf32, #tpu.memory_space<vmem_shared>>
      tpu.enqueue_dma source(%arg5 : memref<128x128xf32, #tpu.memory_space<hbm>>) target(%dma_start3A_41 : memref<128x128xf32, #tpu.memory_space<vmem_shared>>) target_semaphore(%run_scoped3A : memref<!tpu.dma_semaphore, #tpu.memory_space<semaphore_mem>>)
      %dma_wait3A = arith.constant 0 : i32
      %dma_wait3A_42 = tpu.memref_slice %arg10[%add3A_9, %dma_wait3A] : memref<10240x128xf32, #tpu.memory_space<vmem_shared>> -> memref<128x128xf32, #tpu.memory_space<vmem_shared>>
      tpu.wait_dma2 semaphore(%run_scoped3A : memref<!tpu.dma_semaphore, #tpu.memory_space<semaphore_mem>>) src(%arg5 : memref<128x128xf32, #tpu.memory_space<hbm>>) dst(%dma_wait3A_42 : memref<128x128xf32, #tpu.memory_space<vmem_shared>>)
      tpu.yield
    }) : () -> ()
    %mul3A_10 = arith.constant 640 : i32
    %mul3A_11 = arith.muli %arg1, %mul3A_10 : i32
    %add3A_12 = arith.constant 384 : i32
    %add3A_13 = arith.addi %mul3A_11, %add3A_12 : i32
    "tpu.region"() ({
      %run_scoped3A = tpu.sem_alloc : memref<!tpu.dma_semaphore, #tpu.memory_space<semaphore_mem>>
      %dma_start3A = arith.constant 0 : i32
      %dma_start3A_41 = tpu.memref_slice %arg10[%add3A_13, %dma_start3A] : memref<10240x128xf32, #tpu.memory_space<vmem_shared>> -> memref<128x128xf32, #tpu.memory_space<vmem_shared>>
      tpu.enqueue_dma source(%arg5 : memref<128x128xf32, #tpu.memory_space<hbm>>) target(%dma_start3A_41 : memref<128x128xf32, #tpu.memory_space<vmem_shared>>) target_semaphore(%run_scoped3A : memref<!tpu.dma_semaphore, #tpu.memory_space<semaphore_mem>>)
      %dma_wait3A = arith.constant 0 : i32
      %dma_wait3A_42 = tpu.memref_slice %arg10[%add3A_13, %dma_wait3A] : memref<10240x128xf32, #tpu.memory_space<vmem_shared>> -> memref<128x128xf32, #tpu.memory_space<vmem_shared>>
      tpu.wait_dma2 semaphore(%run_scoped3A : memref<!tpu.dma_semaphore, #tpu.memory_space<semaphore_mem>>) src(%arg5 : memref<128x128xf32, #tpu.memory_space<hbm>>) dst(%dma_wait3A_42 : memref<128x128xf32, #tpu.memory_space<vmem_shared>>)
      tpu.yield
    }) : () -> ()
    %mul3A_14 = arith.constant 640 : i32
    %mul3A_15 = arith.muli %arg1, %mul3A_14 : i32
    %add3A_16 = arith.constant 512 : i32
    %add3A_17 = arith.addi %mul3A_15, %add3A_16 : i32
    "tpu.region"() ({
      %run_scoped3A = tpu.sem_alloc : memref<!tpu.dma_semaphore, #tpu.memory_space<semaphore_mem>>
      %dma_start3A = arith.constant 0 : i32
      %dma_start3A_41 = tpu.memref_slice %arg10[%add3A_17, %dma_start3A] : memref<10240x128xf32, #tpu.memory_space<vmem_shared>> -> memref<128x128xf32, #tpu.memory_space<vmem_shared>>
      tpu.enqueue_dma source(%arg5 : memref<128x128xf32, #tpu.memory_space<hbm>>) target(%dma_start3A_41 : memref<128x128xf32, #tpu.memory_space<vmem_shared>>) target_semaphore(%run_scoped3A : memref<!tpu.dma_semaphore, #tpu.memory_space<semaphore_mem>>)
      %dma_wait3A = arith.constant 0 : i32
      %dma_wait3A_42 = tpu.memref_slice %arg10[%add3A_17, %dma_wait3A] : memref<10240x128xf32, #tpu.memory_space<vmem_shared>> -> memref<128x128xf32, #tpu.memory_space<vmem_shared>>
      tpu.wait_dma2 semaphore(%run_scoped3A : memref<!tpu.dma_semaphore, #tpu.memory_space<semaphore_mem>>) src(%arg5 : memref<128x128xf32, #tpu.memory_space<hbm>>) dst(%dma_wait3A_42 : memref<128x128xf32, #tpu.memory_space<vmem_shared>>)
      tpu.yield
    }) : () -> ()
    %barrier3A = arith.constant 0 : index
    tpu.barrier barrier_id(%barrier3A)
    %eq3A = arith.constant 1 : i32
    %eq3A_18 = arith.cmpi eq, %arg0, %eq3A : i32
    %jit3A = arith.constant 2 : i32
    %jit3A_19 = arith.constant 2 : i32
    %select_n3A = arith.select %eq3A_18, %jit3A, %jit3A_19 : i32
    %mul3A_20 = arith.constant 80 : i32
    %mul3A_21 = arith.muli %arg1, %mul3A_20 : i32
    %mul3A_22 = arith.constant 80 : i32
    %mul3A_23 = arith.muli %arg1, %mul3A_22 : i32
    %add3A_24 = arith.constant 1280 : i32
    %add3A_25 = arith.addi %add3A_24, %mul3A_23 : i32
    %select_n3A_26 = arith.select %eq3A_18, %mul3A_21, %add3A_25 : i32
    %while3A = arith.constant 0 : i32
    %while3A_27 = arith.constant 0 : i32
    %while3A_28 = arith.subi %select_n3A, %while3A_27 : i32
    %while3A_29 = arith.addi %while3A_27, %while3A_28 : i32
    %while3A_30 = arith.constant 1 : i32
    %while3A_31 = arith.divsi %while3A_28, %while3A_30 : i32
    %while3A_32 = arith.muli %while3A_31, %while3A_30 : i32
    %while3A_33 = arith.addi %while3A_27, %while3A_32 : i32
    %while3A_34 = arith.constant 1 : i32
    scf.for %while3A_41 = %while3A_27 to %while3A_33 step %while3A_34  : i32 {
      %mul3A_42 = arith.constant 40 : i32
      %mul3A_43 = arith.muli %while3A_41, %mul3A_42 : i32
      %add3A_44 = arith.addi %select_n3A_26, %mul3A_43 : i32
      "tpu.region"() ({
        %run_scoped3A = tpu.sem_alloc : memref<!tpu.dma_semaphore, #tpu.memory_space<semaphore_mem>>
        %dma_start3A_79 = arith.constant 0 : i32
        %dma_start3A_80 = tpu.memref_slice %arg3[%add3A_44, %dma_start3A_79] : memref<2560x128xi32, #tpu.memory_space<hbm>> -> memref<40x128xi32, #tpu.memory_space<hbm>>
        %dma_start3A_81 = arith.constant 0 : i32
        %dma_start3A_82 = tpu.memref_slice %arg3[%add3A_44, %dma_start3A_81] : memref<2560x128xi32, #tpu.memory_space<hbm>> -> memref<40x128xi32, #tpu.memory_space<hbm>>
        tpu.enqueue_dma source(%dma_start3A_82 : memref<40x128xi32, #tpu.memory_space<hbm>>) target(%arg7 : memref<40x128xi32, #tpu.memory_space<vmem>>) target_semaphore(%run_scoped3A : memref<!tpu.dma_semaphore, #tpu.memory_space<semaphore_mem>>)
        %dma_wait3A = arith.constant 0 : i32
        %dma_wait3A_83 = tpu.memref_slice %arg3[%add3A_44, %dma_wait3A] : memref<2560x128xi32, #tpu.memory_space<hbm>> -> memref<40x128xi32, #tpu.memory_space<hbm>>
        %dma_wait3A_84 = arith.constant 0 : i32
        %dma_wait3A_85 = tpu.memref_slice %arg3[%add3A_44, %dma_wait3A_84] : memref<2560x128xi32, #tpu.memory_space<hbm>> -> memref<40x128xi32, #tpu.memory_space<hbm>>
        tpu.wait_dma2 semaphore(%run_scoped3A : memref<!tpu.dma_semaphore, #tpu.memory_space<semaphore_mem>>) src(%dma_wait3A_85 : memref<40x128xi32, #tpu.memory_space<hbm>>) dst(%arg7 : memref<40x128xi32, #tpu.memory_space<vmem>>)
        tpu.yield
      }) : () -> ()
      "tpu.region"() ({
        %run_scoped3A = tpu.sem_alloc : memref<!tpu.dma_semaphore, #tpu.memory_space<semaphore_mem>>
        %dma_start3A_79 = arith.constant 0 : i32
        %dma_start3A_80 = tpu.memref_slice %arg4[%add3A_44, %dma_start3A_79] : memref<2560x128xi32, #tpu.memory_space<hbm>> -> memref<40x128xi32, #tpu.memory_space<hbm>>
        %dma_start3A_81 = arith.constant 0 : i32
        %dma_start3A_82 = tpu.memref_slice %arg4[%add3A_44, %dma_start3A_81] : memref<2560x128xi32, #tpu.memory_space<hbm>> -> memref<40x128xi32, #tpu.memory_space<hbm>>
        tpu.enqueue_dma source(%dma_start3A_82 : memref<40x128xi32, #tpu.memory_space<hbm>>) target(%arg8 : memref<40x128xi32, #tpu.memory_space<vmem>>) target_semaphore(%run_scoped3A : memref<!tpu.dma_semaphore, #tpu.memory_space<semaphore_mem>>)
        %dma_wait3A = arith.constant 0 : i32
        %dma_wait3A_83 = tpu.memref_slice %arg4[%add3A_44, %dma_wait3A] : memref<2560x128xi32, #tpu.memory_space<hbm>> -> memref<40x128xi32, #tpu.memory_space<hbm>>
        %dma_wait3A_84 = arith.constant 0 : i32
        %dma_wait3A_85 = tpu.memref_slice %arg4[%add3A_44, %dma_wait3A_84] : memref<2560x128xi32, #tpu.memory_space<hbm>> -> memref<40x128xi32, #tpu.memory_space<hbm>>
        tpu.wait_dma2 semaphore(%run_scoped3A : memref<!tpu.dma_semaphore, #tpu.memory_space<semaphore_mem>>) src(%dma_wait3A_85 : memref<40x128xi32, #tpu.memory_space<hbm>>) dst(%arg8 : memref<40x128xi32, #tpu.memory_space<vmem>>)
        tpu.yield
      }) : () -> ()
      %dma_start3A = arith.constant 0 : i32
      %dma_start3A_45 = arith.constant 0 : i32
      %dma_start3A_46 = arith.constant 0 : i32
      %dma_start3A_47 = arith.constant 0 : i32
      %dma_start3A_48 = arith.constant 0 : i32
      %dma_start3A_49 = tpu.memref_slice %arg9[%dma_start3A_45, %dma_start3A_47, %dma_start3A_48] : memref<2x128x128xf32, #tpu.memory_space<vmem>> -> memref<1x128x128xf32, #tpu.memory_space<vmem>>
      %dma_start3A_50 = tpu.memref_squeeze %dma_start3A_49 : memref<1x128x128xf32, #tpu.memory_space<vmem>> -> memref<128x128xf32, #tpu.memory_space<vmem>>
      %dma_start3A_51 = arith.constant 0 : i32
      %dma_start3A_52 = tpu.memref_slice %arg7[%dma_start3A, %dma_start3A_51] : memref<40x128xi32, #tpu.memory_space<vmem>> -> memref<1x128xi32, #tpu.memory_space<vmem>>
      %dma_start3A_53 = tpu.memref_squeeze %dma_start3A_52 : memref<1x128xi32, #tpu.memory_space<vmem>> -> memref<128xi32, #tpu.memory_space<vmem>>
      %dma_start3A_54 = arith.constant 0 : i32
      %dma_start3A_55 = arith.constant 0 : i32
      %dma_start3A_56 = tpu.memref_slice %arg2[%dma_start3A_54, %dma_start3A_55] : memref<10240x128xf32, #tpu.memory_space<hbm>> -> memref<10240x128xf32, #tpu.memory_space<hbm>>
      %dma_start3A_57 = tpu.memref_slice %arg11[%dma_start3A_46] : memref<2x!tpu.dma_semaphore, #tpu.memory_space<semaphore_mem>> -> memref<1x!tpu.dma_semaphore, #tpu.memory_space<semaphore_mem>>
      %dma_start3A_58 = tpu.memref_squeeze %dma_start3A_57 : memref<1x!tpu.dma_semaphore, #tpu.memory_space<semaphore_mem>> -> memref<!tpu.dma_semaphore, #tpu.memory_space<semaphore_mem>>
      tpu.enqueue_indirect_dma source(%dma_start3A_56 : memref<10240x128xf32, #tpu.memory_space<hbm>>) target(%dma_start3A_50 : memref<128x128xf32, #tpu.memory_space<vmem>>) offsets(%dma_start3A_53 : memref<128xi32, #tpu.memory_space<vmem>>) semaphore(%dma_start3A_58 : memref<!tpu.dma_semaphore, #tpu.memory_space<semaphore_mem>>)
      %dma_start3A_59 = arith.constant 1 : i32
      %dma_start3A_60 = arith.constant 1 : i32
      %dma_start3A_61 = arith.constant 1 : i32
      %dma_start3A_62 = arith.constant 0 : i32
      %dma_start3A_63 = arith.constant 0 : i32
      %dma_start3A_64 = tpu.memref_slice %arg9[%dma_start3A_60, %dma_start3A_62, %dma_start3A_63] : memref<2x128x128xf32, #tpu.memory_space<vmem>> -> memref<1x128x128xf32, #tpu.memory_space<vmem>>
      %dma_start3A_65 = tpu.memref_squeeze %dma_start3A_64 : memref<1x128x128xf32, #tpu.memory_space<vmem>> -> memref<128x128xf32, #tpu.memory_space<vmem>>
      %dma_start3A_66 = arith.constant 0 : i32
      %dma_start3A_67 = tpu.memref_slice %arg7[%dma_start3A_59, %dma_start3A_66] : memref<40x128xi32, #tpu.memory_space<vmem>> -> memref<1x128xi32, #tpu.memory_space<vmem>>
      %dma_start3A_68 = tpu.memref_squeeze %dma_start3A_67 : memref<1x128xi32, #tpu.memory_space<vmem>> -> memref<128xi32, #tpu.memory_space<vmem>>
      %dma_start3A_69 = arith.constant 0 : i32
      %dma_start3A_70 = arith.constant 0 : i32
      %dma_start3A_71 = tpu.memref_slice %arg2[%dma_start3A_69, %dma_start3A_70] : memref<10240x128xf32, #tpu.memory_space<hbm>> -> memref<10240x128xf32, #tpu.memory_space<hbm>>
      %dma_start3A_72 = tpu.memref_slice %arg11[%dma_start3A_61] : memref<2x!tpu.dma_semaphore, #tpu.memory_space<semaphore_mem>> -> memref<1x!tpu.dma_semaphore, #tpu.memory_space<semaphore_mem>>
      %dma_start3A_73 = tpu.memref_squeeze %dma_start3A_72 : memref<1x!tpu.dma_semaphore, #tpu.memory_space<semaphore_mem>> -> memref<!tpu.dma_semaphore, #tpu.memory_space<semaphore_mem>>
      tpu.enqueue_indirect_dma source(%dma_start3A_71 : memref<10240x128xf32, #tpu.memory_space<hbm>>) target(%dma_start3A_65 : memref<128x128xf32, #tpu.memory_space<vmem>>) offsets(%dma_start3A_68 : memref<128xi32, #tpu.memory_space<vmem>>) semaphore(%dma_start3A_73 : memref<!tpu.dma_semaphore, #tpu.memory_space<semaphore_mem>>)
      %scan3A = arith.constant 0 : i32
      %scan3A_74 = arith.constant 0 : i32
      %scan3A_75 = arith.constant 20 : i32
      %scan3A_76 = arith.addi %scan3A_74, %scan3A_75 : i32
      %scan3A_77 = arith.constant 1 : i32
      scf.for %scan3A_79 = %scan3A_74 to %scan3A_76 step %scan3A_77  : i32 {
        %mul3A_80 = arith.constant 2 : i32
        %mul3A_81 = arith.muli %scan3A_79, %mul3A_80 : i32
        %add3A_82 = arith.constant 0 : i32
        %add3A_83 = arith.addi %mul3A_81, %add3A_82 : i32
        %dma_wait3A = arith.constant 0 : i32
        %dma_wait3A_84 = arith.constant 0 : i32
        %dma_wait3A_85 = arith.constant 0 : i32
        %dma_wait3A_86 = arith.constant 0 : i32
        %dma_wait3A_87 = tpu.memref_slice %arg9[%dma_wait3A, %dma_wait3A_85, %dma_wait3A_86] : memref<2x128x128xf32, #tpu.memory_space<vmem>> -> memref<1x128x128xf32, #tpu.memory_space<vmem>>
        %dma_wait3A_88 = tpu.memref_squeeze %dma_wait3A_87 : memref<1x128x128xf32, #tpu.memory_space<vmem>> -> memref<128x128xf32, #tpu.memory_space<vmem>>
        %dma_wait3A_89 = arith.constant 0 : i32
        %dma_wait3A_90 = tpu.memref_slice %arg7[%add3A_83, %dma_wait3A_89] : memref<40x128xi32, #tpu.memory_space<vmem>> -> memref<1x128xi32, #tpu.memory_space<vmem>>
        %dma_wait3A_91 = tpu.memref_squeeze %dma_wait3A_90 : memref<1x128xi32, #tpu.memory_space<vmem>> -> memref<128xi32, #tpu.memory_space<vmem>>
        %dma_wait3A_92 = arith.constant 0 : i32
        %dma_wait3A_93 = arith.constant 0 : i32
        %dma_wait3A_94 = tpu.memref_slice %arg2[%dma_wait3A_92, %dma_wait3A_93] : memref<10240x128xf32, #tpu.memory_space<hbm>> -> memref<10240x128xf32, #tpu.memory_space<hbm>>
        %dma_wait3A_95 = tpu.memref_slice %arg11[%dma_wait3A_84] : memref<2x!tpu.dma_semaphore, #tpu.memory_space<semaphore_mem>> -> memref<1x!tpu.dma_semaphore, #tpu.memory_space<semaphore_mem>>
        %dma_wait3A_96 = tpu.memref_squeeze %dma_wait3A_95 : memref<1x!tpu.dma_semaphore, #tpu.memory_space<semaphore_mem>> -> memref<!tpu.dma_semaphore, #tpu.memory_space<semaphore_mem>>
        tpu.wait_indirect_dma semaphore(%dma_wait3A_96 : memref<!tpu.dma_semaphore, #tpu.memory_space<semaphore_mem>>) src(%dma_wait3A_94 : memref<10240x128xf32, #tpu.memory_space<hbm>>) dst(%dma_wait3A_88 : memref<128x128xf32, #tpu.memory_space<vmem>>)
        %dma_start3A_97 = arith.constant 0 : i32
        %dma_start3A_98 = arith.constant 0 : i32
        %dma_start3A_99 = arith.constant 0 : i32
        %dma_start3A_100 = arith.constant 0 : i32
        %dma_start3A_101 = tpu.memref_slice %arg9[%dma_start3A_97, %dma_start3A_99, %dma_start3A_100] : memref<2x128x128xf32, #tpu.memory_space<vmem>> -> memref<1x128x128xf32, #tpu.memory_space<vmem>>
        %dma_start3A_102 = tpu.memref_squeeze %dma_start3A_101 : memref<1x128x128xf32, #tpu.memory_space<vmem>> -> memref<128x128xf32, #tpu.memory_space<vmem>>
        %dma_start3A_103 = arith.constant 0 : i32
        %dma_start3A_104 = tpu.memref_slice %arg8[%add3A_83, %dma_start3A_103] : memref<40x128xi32, #tpu.memory_space<vmem>> -> memref<1x128xi32, #tpu.memory_space<vmem>>
        %dma_start3A_105 = tpu.memref_squeeze %dma_start3A_104 : memref<1x128xi32, #tpu.memory_space<vmem>> -> memref<128xi32, #tpu.memory_space<vmem>>
        %dma_start3A_106 = arith.constant 0 : i32
        %dma_start3A_107 = arith.constant 0 : i32
        %dma_start3A_108 = tpu.memref_slice %arg10[%dma_start3A_106, %dma_start3A_107] : memref<10240x128xf32, #tpu.memory_space<vmem_shared>> -> memref<10240x128xf32, #tpu.memory_space<vmem_shared>>
        %dma_start3A_109 = tpu.memref_slice %arg12[%dma_start3A_98] : memref<2x!tpu.dma_semaphore, #tpu.memory_space<semaphore_mem>> -> memref<1x!tpu.dma_semaphore, #tpu.memory_space<semaphore_mem>>
        %dma_start3A_110 = tpu.memref_squeeze %dma_start3A_109 : memref<1x!tpu.dma_semaphore, #tpu.memory_space<semaphore_mem>> -> memref<!tpu.dma_semaphore, #tpu.memory_space<semaphore_mem>>
        tpu.enqueue_indirect_dma source(%dma_start3A_102 : memref<128x128xf32, #tpu.memory_space<vmem>>) target(%dma_start3A_108 : memref<10240x128xf32, #tpu.memory_space<vmem_shared>>) offsets(%dma_start3A_105 : memref<128xi32, #tpu.memory_space<vmem>>) semaphore(%dma_start3A_110 : memref<!tpu.dma_semaphore, #tpu.memory_space<semaphore_mem>>) {add = true}
        %add3A_111 = arith.constant 1 : i32
        %add3A_112 = arith.addi %mul3A_81, %add3A_111 : i32
        %dma_wait3A_113 = arith.constant 1 : i32
        %dma_wait3A_114 = arith.constant 1 : i32
        %dma_wait3A_115 = arith.constant 0 : i32
        %dma_wait3A_116 = arith.constant 0 : i32
        %dma_wait3A_117 = tpu.memref_slice %arg9[%dma_wait3A_113, %dma_wait3A_115, %dma_wait3A_116] : memref<2x128x128xf32, #tpu.memory_space<vmem>> -> memref<1x128x128xf32, #tpu.memory_space<vmem>>
        %dma_wait3A_118 = tpu.memref_squeeze %dma_wait3A_117 : memref<1x128x128xf32, #tpu.memory_space<vmem>> -> memref<128x128xf32, #tpu.memory_space<vmem>>
        %dma_wait3A_119 = arith.constant 0 : i32
        %dma_wait3A_120 = tpu.memref_slice %arg7[%add3A_112, %dma_wait3A_119] : memref<40x128xi32, #tpu.memory_space<vmem>> -> memref<1x128xi32, #tpu.memory_space<vmem>>
        %dma_wait3A_121 = tpu.memref_squeeze %dma_wait3A_120 : memref<1x128xi32, #tpu.memory_space<vmem>> -> memref<128xi32, #tpu.memory_space<vmem>>
        %dma_wait3A_122 = arith.constant 0 : i32
        %dma_wait3A_123 = arith.constant 0 : i32
        %dma_wait3A_124 = tpu.memref_slice %arg2[%dma_wait3A_122, %dma_wait3A_123] : memref<10240x128xf32, #tpu.memory_space<hbm>> -> memref<10240x128xf32, #tpu.memory_space<hbm>>
        %dma_wait3A_125 = tpu.memref_slice %arg11[%dma_wait3A_114] : memref<2x!tpu.dma_semaphore, #tpu.memory_space<semaphore_mem>> -> memref<1x!tpu.dma_semaphore, #tpu.memory_space<semaphore_mem>>
        %dma_wait3A_126 = tpu.memref_squeeze %dma_wait3A_125 : memref<1x!tpu.dma_semaphore, #tpu.memory_space<semaphore_mem>> -> memref<!tpu.dma_semaphore, #tpu.memory_space<semaphore_mem>>
        tpu.wait_indirect_dma semaphore(%dma_wait3A_126 : memref<!tpu.dma_semaphore, #tpu.memory_space<semaphore_mem>>) src(%dma_wait3A_124 : memref<10240x128xf32, #tpu.memory_space<hbm>>) dst(%dma_wait3A_118 : memref<128x128xf32, #tpu.memory_space<vmem>>)
        %dma_start3A_127 = arith.constant 1 : i32
        %dma_start3A_128 = arith.constant 1 : i32
        %dma_start3A_129 = arith.constant 0 : i32
        %dma_start3A_130 = arith.constant 0 : i32
        %dma_start3A_131 = tpu.memref_slice %arg9[%dma_start3A_127, %dma_start3A_129, %dma_start3A_130] : memref<2x128x128xf32, #tpu.memory_space<vmem>> -> memref<1x128x128xf32, #tpu.memory_space<vmem>>
        %dma_start3A_132 = tpu.memref_squeeze %dma_start3A_131 : memref<1x128x128xf32, #tpu.memory_space<vmem>> -> memref<128x128xf32, #tpu.memory_space<vmem>>
        %dma_start3A_133 = arith.constant 0 : i32
        %dma_start3A_134 = tpu.memref_slice %arg8[%add3A_112, %dma_start3A_133] : memref<40x128xi32, #tpu.memory_space<vmem>> -> memref<1x128xi32, #tpu.memory_space<vmem>>
        %dma_start3A_135 = tpu.memref_squeeze %dma_start3A_134 : memref<1x128xi32, #tpu.memory_space<vmem>> -> memref<128xi32, #tpu.memory_space<vmem>>
        %dma_start3A_136 = arith.constant 0 : i32
        %dma_start3A_137 = arith.constant 0 : i32
        %dma_start3A_138 = tpu.memref_slice %arg10[%dma_start3A_136, %dma_start3A_137] : memref<10240x128xf32, #tpu.memory_space<vmem_shared>> -> memref<10240x128xf32, #tpu.memory_space<vmem_shared>>
        %dma_start3A_139 = tpu.memref_slice %arg12[%dma_start3A_128] : memref<2x!tpu.dma_semaphore, #tpu.memory_space<semaphore_mem>> -> memref<1x!tpu.dma_semaphore, #tpu.memory_space<semaphore_mem>>
        %dma_start3A_140 = tpu.memref_squeeze %dma_start3A_139 : memref<1x!tpu.dma_semaphore, #tpu.memory_space<semaphore_mem>> -> memref<!tpu.dma_semaphore, #tpu.memory_space<semaphore_mem>>
        tpu.enqueue_indirect_dma source(%dma_start3A_132 : memref<128x128xf32, #tpu.memory_space<vmem>>) target(%dma_start3A_138 : memref<10240x128xf32, #tpu.memory_space<vmem_shared>>) offsets(%dma_start3A_135 : memref<128xi32, #tpu.memory_space<vmem>>) semaphore(%dma_start3A_140 : memref<!tpu.dma_semaphore, #tpu.memory_space<semaphore_mem>>) {add = true}
        %add3A_141 = arith.constant 0 : i32
        %add3A_142 = arith.addi %mul3A_81, %add3A_141 : i32
        %add3A_143 = arith.constant 2 : i32
        %add3A_144 = arith.addi %add3A_142, %add3A_143 : i32
        %dma_wait3A_145 = arith.constant 0 : i32
        %dma_wait3A_146 = arith.constant 0 : i32
        %dma_wait3A_147 = arith.constant 0 : i32
        %dma_wait3A_148 = arith.constant 0 : i32
        %dma_wait3A_149 = tpu.memref_slice %arg9[%dma_wait3A_145, %dma_wait3A_147, %dma_wait3A_148] : memref<2x128x128xf32, #tpu.memory_space<vmem>> -> memref<1x128x128xf32, #tpu.memory_space<vmem>>
        %dma_wait3A_150 = tpu.memref_squeeze %dma_wait3A_149 : memref<1x128x128xf32, #tpu.memory_space<vmem>> -> memref<128x128xf32, #tpu.memory_space<vmem>>
        %dma_wait3A_151 = arith.constant 0 : i32
        %dma_wait3A_152 = tpu.memref_slice %arg8[%add3A_142, %dma_wait3A_151] : memref<40x128xi32, #tpu.memory_space<vmem>> -> memref<1x128xi32, #tpu.memory_space<vmem>>
        %dma_wait3A_153 = tpu.memref_squeeze %dma_wait3A_152 : memref<1x128xi32, #tpu.memory_space<vmem>> -> memref<128xi32, #tpu.memory_space<vmem>>
        %dma_wait3A_154 = arith.constant 0 : i32
        %dma_wait3A_155 = arith.constant 0 : i32
        %dma_wait3A_156 = tpu.memref_slice %arg10[%dma_wait3A_154, %dma_wait3A_155] : memref<10240x128xf32, #tpu.memory_space<vmem_shared>> -> memref<10240x128xf32, #tpu.memory_space<vmem_shared>>
        %dma_wait3A_157 = tpu.memref_slice %arg12[%dma_wait3A_146] : memref<2x!tpu.dma_semaphore, #tpu.memory_space<semaphore_mem>> -> memref<1x!tpu.dma_semaphore, #tpu.memory_space<semaphore_mem>>
        %dma_wait3A_158 = tpu.memref_squeeze %dma_wait3A_157 : memref<1x!tpu.dma_semaphore, #tpu.memory_space<semaphore_mem>> -> memref<!tpu.dma_semaphore, #tpu.memory_space<semaphore_mem>>
        tpu.wait_indirect_dma semaphore(%dma_wait3A_158 : memref<!tpu.dma_semaphore, #tpu.memory_space<semaphore_mem>>) src(%dma_wait3A_150 : memref<128x128xf32, #tpu.memory_space<vmem>>) dst(%dma_wait3A_156 : memref<10240x128xf32, #tpu.memory_space<vmem_shared>>)
        %lt3A = arith.constant 40 : i32
        %lt3A_159 = arith.cmpi slt, %add3A_144, %lt3A : i32
        %convert_element_type3A = arith.extui %lt3A_159 : i1 to i32
        %cond3A = arith.constant 0 : i32
        %cond3A_160 = arith.cmpi ne, %convert_element_type3A, %cond3A : i32
        scf.if %cond3A_160 {
          %dma_start3A_184 = arith.constant 0 : i32
          %dma_start3A_185 = arith.constant 0 : i32
          %dma_start3A_186 = arith.constant 0 : i32
          %dma_start3A_187 = arith.constant 0 : i32
          %dma_start3A_188 = tpu.memref_slice %arg9[%dma_start3A_184, %dma_start3A_186, %dma_start3A_187] : memref<2x128x128xf32, #tpu.memory_space<vmem>> -> memref<1x128x128xf32, #tpu.memory_space<vmem>>
          %dma_start3A_189 = tpu.memref_squeeze %dma_start3A_188 : memref<1x128x128xf32, #tpu.memory_space<vmem>> -> memref<128x128xf32, #tpu.memory_space<vmem>>
          %dma_start3A_190 = arith.constant 0 : i32
          %dma_start3A_191 = tpu.memref_slice %arg7[%add3A_144, %dma_start3A_190] : memref<40x128xi32, #tpu.memory_space<vmem>> -> memref<1x128xi32, #tpu.memory_space<vmem>>
          %dma_start3A_192 = tpu.memref_squeeze %dma_start3A_191 : memref<1x128xi32, #tpu.memory_space<vmem>> -> memref<128xi32, #tpu.memory_space<vmem>>
          %dma_start3A_193 = arith.constant 0 : i32
          %dma_start3A_194 = arith.constant 0 : i32
          %dma_start3A_195 = tpu.memref_slice %arg2[%dma_start3A_193, %dma_start3A_194] : memref<10240x128xf32, #tpu.memory_space<hbm>> -> memref<10240x128xf32, #tpu.memory_space<hbm>>
          %dma_start3A_196 = tpu.memref_slice %arg11[%dma_start3A_185] : memref<2x!tpu.dma_semaphore, #tpu.memory_space<semaphore_mem>> -> memref<1x!tpu.dma_semaphore, #tpu.memory_space<semaphore_mem>>
          %dma_start3A_197 = tpu.memref_squeeze %dma_start3A_196 : memref<1x!tpu.dma_semaphore, #tpu.memory_space<semaphore_mem>> -> memref<!tpu.dma_semaphore, #tpu.memory_space<semaphore_mem>>
          tpu.enqueue_indirect_dma source(%dma_start3A_195 : memref<10240x128xf32, #tpu.memory_space<hbm>>) target(%dma_start3A_189 : memref<128x128xf32, #tpu.memory_space<vmem>>) offsets(%dma_start3A_192 : memref<128xi32, #tpu.memory_space<vmem>>) semaphore(%dma_start3A_197 : memref<!tpu.dma_semaphore, #tpu.memory_space<semaphore_mem>>)
        } else {
        }
        %add3A_161 = arith.constant 1 : i32
        %add3A_162 = arith.addi %mul3A_81, %add3A_161 : i32
        %add3A_163 = arith.constant 2 : i32
        %add3A_164 = arith.addi %add3A_162, %add3A_163 : i32
        %dma_wait3A_165 = arith.constant 1 : i32
        %dma_wait3A_166 = arith.constant 1 : i32
        %dma_wait3A_167 = arith.constant 0 : i32
        %dma_wait3A_168 = arith.constant 0 : i32
        %dma_wait3A_169 = tpu.memref_slice %arg9[%dma_wait3A_165, %dma_wait3A_167, %dma_wait3A_168] : memref<2x128x128xf32, #tpu.memory_space<vmem>> -> memref<1x128x128xf32, #tpu.memory_space<vmem>>
        %dma_wait3A_170 = tpu.memref_squeeze %dma_wait3A_169 : memref<1x128x128xf32, #tpu.memory_space<vmem>> -> memref<128x128xf32, #tpu.memory_space<vmem>>
        %dma_wait3A_171 = arith.constant 0 : i32
        %dma_wait3A_172 = tpu.memref_slice %arg8[%add3A_162, %dma_wait3A_171] : memref<40x128xi32, #tpu.memory_space<vmem>> -> memref<1x128xi32, #tpu.memory_space<vmem>>
        %dma_wait3A_173 = tpu.memref_squeeze %dma_wait3A_172 : memref<1x128xi32, #tpu.memory_space<vmem>> -> memref<128xi32, #tpu.memory_space<vmem>>
        %dma_wait3A_174 = arith.constant 0 : i32
        %dma_wait3A_175 = arith.constant 0 : i32
        %dma_wait3A_176 = tpu.memref_slice %arg10[%dma_wait3A_174, %dma_wait3A_175] : memref<10240x128xf32, #tpu.memory_space<vmem_shared>> -> memref<10240x128xf32, #tpu.memory_space<vmem_shared>>
        %dma_wait3A_177 = tpu.memref_slice %arg12[%dma_wait3A_166] : memref<2x!tpu.dma_semaphore, #tpu.memory_space<semaphore_mem>> -> memref<1x!tpu.dma_semaphore, #tpu.memory_space<semaphore_mem>>
        %dma_wait3A_178 = tpu.memref_squeeze %dma_wait3A_177 : memref<1x!tpu.dma_semaphore, #tpu.memory_space<semaphore_mem>> -> memref<!tpu.dma_semaphore, #tpu.memory_space<semaphore_mem>>
        tpu.wait_indirect_dma semaphore(%dma_wait3A_178 : memref<!tpu.dma_semaphore, #tpu.memory_space<semaphore_mem>>) src(%dma_wait3A_170 : memref<128x128xf32, #tpu.memory_space<vmem>>) dst(%dma_wait3A_176 : memref<10240x128xf32, #tpu.memory_space<vmem_shared>>)
        %lt3A_179 = arith.constant 40 : i32
        %lt3A_180 = arith.cmpi slt, %add3A_164, %lt3A_179 : i32
        %convert_element_type3A_181 = arith.extui %lt3A_180 : i1 to i32
        %cond3A_182 = arith.constant 0 : i32
        %cond3A_183 = arith.cmpi ne, %convert_element_type3A_181, %cond3A_182 : i32
        scf.if %cond3A_183 {
          %dma_start3A_184 = arith.constant 1 : i32
          %dma_start3A_185 = arith.constant 1 : i32
          %dma_start3A_186 = arith.constant 0 : i32
          %dma_start3A_187 = arith.constant 0 : i32
          %dma_start3A_188 = tpu.memref_slice %arg9[%dma_start3A_184, %dma_start3A_186, %dma_start3A_187] : memref<2x128x128xf32, #tpu.memory_space<vmem>> -> memref<1x128x128xf32, #tpu.memory_space<vmem>>
          %dma_start3A_189 = tpu.memref_squeeze %dma_start3A_188 : memref<1x128x128xf32, #tpu.memory_space<vmem>> -> memref<128x128xf32, #tpu.memory_space<vmem>>
          %dma_start3A_190 = arith.constant 0 : i32
          %dma_start3A_191 = tpu.memref_slice %arg7[%add3A_164, %dma_start3A_190] : memref<40x128xi32, #tpu.memory_space<vmem>> -> memref<1x128xi32, #tpu.memory_space<vmem>>
          %dma_start3A_192 = tpu.memref_squeeze %dma_start3A_191 : memref<1x128xi32, #tpu.memory_space<vmem>> -> memref<128xi32, #tpu.memory_space<vmem>>
          %dma_start3A_193 = arith.constant 0 : i32
          %dma_start3A_194 = arith.constant 0 : i32
          %dma_start3A_195 = tpu.memref_slice %arg2[%dma_start3A_193, %dma_start3A_194] : memref<10240x128xf32, #tpu.memory_space<hbm>> -> memref<10240x128xf32, #tpu.memory_space<hbm>>
          %dma_start3A_196 = tpu.memref_slice %arg11[%dma_start3A_185] : memref<2x!tpu.dma_semaphore, #tpu.memory_space<semaphore_mem>> -> memref<1x!tpu.dma_semaphore, #tpu.memory_space<semaphore_mem>>
          %dma_start3A_197 = tpu.memref_squeeze %dma_start3A_196 : memref<1x!tpu.dma_semaphore, #tpu.memory_space<semaphore_mem>> -> memref<!tpu.dma_semaphore, #tpu.memory_space<semaphore_mem>>
          tpu.enqueue_indirect_dma source(%dma_start3A_195 : memref<10240x128xf32, #tpu.memory_space<hbm>>) target(%dma_start3A_189 : memref<128x128xf32, #tpu.memory_space<vmem>>) offsets(%dma_start3A_192 : memref<128xi32, #tpu.memory_space<vmem>>) semaphore(%dma_start3A_197 : memref<!tpu.dma_semaphore, #tpu.memory_space<semaphore_mem>>)
        } else {
        }
      }
      %scan3A_78 = arith.constant 20 : i32
    }
    %while3A_35 = arith.constant 1 : i32
    scf.for %while3A_41 = %while3A_33 to %while3A_29 step %while3A_35  : i32 {
      %mul3A_42 = arith.constant 40 : i32
      %mul3A_43 = arith.muli %while3A_41, %mul3A_42 : i32
      %add3A_44 = arith.addi %select_n3A_26, %mul3A_43 : i32
      "tpu.region"() ({
        %run_scoped3A = tpu.sem_alloc : memref<!tpu.dma_semaphore, #tpu.memory_space<semaphore_mem>>
        %dma_start3A_79 = arith.constant 0 : i32
        %dma_start3A_80 = tpu.memref_slice %arg3[%add3A_44, %dma_start3A_79] : memref<2560x128xi32, #tpu.memory_space<hbm>> -> memref<40x128xi32, #tpu.memory_space<hbm>>
        %dma_start3A_81 = arith.constant 0 : i32
        %dma_start3A_82 = tpu.memref_slice %arg3[%add3A_44, %dma_start3A_81] : memref<2560x128xi32, #tpu.memory_space<hbm>> -> memref<40x128xi32, #tpu.memory_space<hbm>>
        tpu.enqueue_dma source(%dma_start3A_82 : memref<40x128xi32, #tpu.memory_space<hbm>>) target(%arg7 : memref<40x128xi32, #tpu.memory_space<vmem>>) target_semaphore(%run_scoped3A : memref<!tpu.dma_semaphore, #tpu.memory_space<semaphore_mem>>)
        %dma_wait3A = arith.constant 0 : i32
        %dma_wait3A_83 = tpu.memref_slice %arg3[%add3A_44, %dma_wait3A] : memref<2560x128xi32, #tpu.memory_space<hbm>> -> memref<40x128xi32, #tpu.memory_space<hbm>>
        %dma_wait3A_84 = arith.constant 0 : i32
        %dma_wait3A_85 = tpu.memref_slice %arg3[%add3A_44, %dma_wait3A_84] : memref<2560x128xi32, #tpu.memory_space<hbm>> -> memref<40x128xi32, #tpu.memory_space<hbm>>
        tpu.wait_dma2 semaphore(%run_scoped3A : memref<!tpu.dma_semaphore, #tpu.memory_space<semaphore_mem>>) src(%dma_wait3A_85 : memref<40x128xi32, #tpu.memory_space<hbm>>) dst(%arg7 : memref<40x128xi32, #tpu.memory_space<vmem>>)
        tpu.yield
      }) : () -> ()
      "tpu.region"() ({
        %run_scoped3A = tpu.sem_alloc : memref<!tpu.dma_semaphore, #tpu.memory_space<semaphore_mem>>
        %dma_start3A_79 = arith.constant 0 : i32
        %dma_start3A_80 = tpu.memref_slice %arg4[%add3A_44, %dma_start3A_79] : memref<2560x128xi32, #tpu.memory_space<hbm>> -> memref<40x128xi32, #tpu.memory_space<hbm>>
        %dma_start3A_81 = arith.constant 0 : i32
        %dma_start3A_82 = tpu.memref_slice %arg4[%add3A_44, %dma_start3A_81] : memref<2560x128xi32, #tpu.memory_space<hbm>> -> memref<40x128xi32, #tpu.memory_space<hbm>>
        tpu.enqueue_dma source(%dma_start3A_82 : memref<40x128xi32, #tpu.memory_space<hbm>>) target(%arg8 : memref<40x128xi32, #tpu.memory_space<vmem>>) target_semaphore(%run_scoped3A : memref<!tpu.dma_semaphore, #tpu.memory_space<semaphore_mem>>)
        %dma_wait3A = arith.constant 0 : i32
        %dma_wait3A_83 = tpu.memref_slice %arg4[%add3A_44, %dma_wait3A] : memref<2560x128xi32, #tpu.memory_space<hbm>> -> memref<40x128xi32, #tpu.memory_space<hbm>>
        %dma_wait3A_84 = arith.constant 0 : i32
        %dma_wait3A_85 = tpu.memref_slice %arg4[%add3A_44, %dma_wait3A_84] : memref<2560x128xi32, #tpu.memory_space<hbm>> -> memref<40x128xi32, #tpu.memory_space<hbm>>
        tpu.wait_dma2 semaphore(%run_scoped3A : memref<!tpu.dma_semaphore, #tpu.memory_space<semaphore_mem>>) src(%dma_wait3A_85 : memref<40x128xi32, #tpu.memory_space<hbm>>) dst(%arg8 : memref<40x128xi32, #tpu.memory_space<vmem>>)
        tpu.yield
      }) : () -> ()
      %dma_start3A = arith.constant 0 : i32
      %dma_start3A_45 = arith.constant 0 : i32
      %dma_start3A_46 = arith.constant 0 : i32
      %dma_start3A_47 = arith.constant 0 : i32
      %dma_start3A_48 = arith.constant 0 : i32
      %dma_start3A_49 = tpu.memref_slice %arg9[%dma_start3A_45, %dma_start3A_47, %dma_start3A_48] : memref<2x128x128xf32, #tpu.memory_space<vmem>> -> memref<1x128x128xf32, #tpu.memory_space<vmem>>
      %dma_start3A_50 = tpu.memref_squeeze %dma_start3A_49 : memref<1x128x128xf32, #tpu.memory_space<vmem>> -> memref<128x128xf32, #tpu.memory_space<vmem>>
      %dma_start3A_51 = arith.constant 0 : i32
      %dma_start3A_52 = tpu.memref_slice %arg7[%dma_start3A, %dma_start3A_51] : memref<40x128xi32, #tpu.memory_space<vmem>> -> memref<1x128xi32, #tpu.memory_space<vmem>>
      %dma_start3A_53 = tpu.memref_squeeze %dma_start3A_52 : memref<1x128xi32, #tpu.memory_space<vmem>> -> memref<128xi32, #tpu.memory_space<vmem>>
      %dma_start3A_54 = arith.constant 0 : i32
      %dma_start3A_55 = arith.constant 0 : i32
      %dma_start3A_56 = tpu.memref_slice %arg2[%dma_start3A_54, %dma_start3A_55] : memref<10240x128xf32, #tpu.memory_space<hbm>> -> memref<10240x128xf32, #tpu.memory_space<hbm>>
      %dma_start3A_57 = tpu.memref_slice %arg11[%dma_start3A_46] : memref<2x!tpu.dma_semaphore, #tpu.memory_space<semaphore_mem>> -> memref<1x!tpu.dma_semaphore, #tpu.memory_space<semaphore_mem>>
      %dma_start3A_58 = tpu.memref_squeeze %dma_start3A_57 : memref<1x!tpu.dma_semaphore, #tpu.memory_space<semaphore_mem>> -> memref<!tpu.dma_semaphore, #tpu.memory_space<semaphore_mem>>
      tpu.enqueue_indirect_dma source(%dma_start3A_56 : memref<10240x128xf32, #tpu.memory_space<hbm>>) target(%dma_start3A_50 : memref<128x128xf32, #tpu.memory_space<vmem>>) offsets(%dma_start3A_53 : memref<128xi32, #tpu.memory_space<vmem>>) semaphore(%dma_start3A_58 : memref<!tpu.dma_semaphore, #tpu.memory_space<semaphore_mem>>)
      %dma_start3A_59 = arith.constant 1 : i32
      %dma_start3A_60 = arith.constant 1 : i32
      %dma_start3A_61 = arith.constant 1 : i32
      %dma_start3A_62 = arith.constant 0 : i32
      %dma_start3A_63 = arith.constant 0 : i32
      %dma_start3A_64 = tpu.memref_slice %arg9[%dma_start3A_60, %dma_start3A_62, %dma_start3A_63] : memref<2x128x128xf32, #tpu.memory_space<vmem>> -> memref<1x128x128xf32, #tpu.memory_space<vmem>>
      %dma_start3A_65 = tpu.memref_squeeze %dma_start3A_64 : memref<1x128x128xf32, #tpu.memory_space<vmem>> -> memref<128x128xf32, #tpu.memory_space<vmem>>
      %dma_start3A_66 = arith.constant 0 : i32
      %dma_start3A_67 = tpu.memref_slice %arg7[%dma_start3A_59, %dma_start3A_66] : memref<40x128xi32, #tpu.memory_space<vmem>> -> memref<1x128xi32, #tpu.memory_space<vmem>>
      %dma_start3A_68 = tpu.memref_squeeze %dma_start3A_67 : memref<1x128xi32, #tpu.memory_space<vmem>> -> memref<128xi32, #tpu.memory_space<vmem>>
      %dma_start3A_69 = arith.constant 0 : i32
      %dma_start3A_70 = arith.constant 0 : i32
      %dma_start3A_71 = tpu.memref_slice %arg2[%dma_start3A_69, %dma_start3A_70] : memref<10240x128xf32, #tpu.memory_space<hbm>> -> memref<10240x128xf32, #tpu.memory_space<hbm>>
      %dma_start3A_72 = tpu.memref_slice %arg11[%dma_start3A_61] : memref<2x!tpu.dma_semaphore, #tpu.memory_space<semaphore_mem>> -> memref<1x!tpu.dma_semaphore, #tpu.memory_space<semaphore_mem>>
      %dma_start3A_73 = tpu.memref_squeeze %dma_start3A_72 : memref<1x!tpu.dma_semaphore, #tpu.memory_space<semaphore_mem>> -> memref<!tpu.dma_semaphore, #tpu.memory_space<semaphore_mem>>
      tpu.enqueue_indirect_dma source(%dma_start3A_71 : memref<10240x128xf32, #tpu.memory_space<hbm>>) target(%dma_start3A_65 : memref<128x128xf32, #tpu.memory_space<vmem>>) offsets(%dma_start3A_68 : memref<128xi32, #tpu.memory_space<vmem>>) semaphore(%dma_start3A_73 : memref<!tpu.dma_semaphore, #tpu.memory_space<semaphore_mem>>)
      %scan3A = arith.constant 0 : i32
      %scan3A_74 = arith.constant 0 : i32
      %scan3A_75 = arith.constant 20 : i32
      %scan3A_76 = arith.addi %scan3A_74, %scan3A_75 : i32
      %scan3A_77 = arith.constant 1 : i32
      scf.for %scan3A_79 = %scan3A_74 to %scan3A_76 step %scan3A_77  : i32 {
        %mul3A_80 = arith.constant 2 : i32
        %mul3A_81 = arith.muli %scan3A_79, %mul3A_80 : i32
        %add3A_82 = arith.constant 0 : i32
        %add3A_83 = arith.addi %mul3A_81, %add3A_82 : i32
        %dma_wait3A = arith.constant 0 : i32
        %dma_wait3A_84 = arith.constant 0 : i32
        %dma_wait3A_85 = arith.constant 0 : i32
        %dma_wait3A_86 = arith.constant 0 : i32
        %dma_wait3A_87 = tpu.memref_slice %arg9[%dma_wait3A, %dma_wait3A_85, %dma_wait3A_86] : memref<2x128x128xf32, #tpu.memory_space<vmem>> -> memref<1x128x128xf32, #tpu.memory_space<vmem>>
        %dma_wait3A_88 = tpu.memref_squeeze %dma_wait3A_87 : memref<1x128x128xf32, #tpu.memory_space<vmem>> -> memref<128x128xf32, #tpu.memory_space<vmem>>
        %dma_wait3A_89 = arith.constant 0 : i32
        %dma_wait3A_90 = tpu.memref_slice %arg7[%add3A_83, %dma_wait3A_89] : memref<40x128xi32, #tpu.memory_space<vmem>> -> memref<1x128xi32, #tpu.memory_space<vmem>>
        %dma_wait3A_91 = tpu.memref_squeeze %dma_wait3A_90 : memref<1x128xi32, #tpu.memory_space<vmem>> -> memref<128xi32, #tpu.memory_space<vmem>>
        %dma_wait3A_92 = arith.constant 0 : i32
        %dma_wait3A_93 = arith.constant 0 : i32
        %dma_wait3A_94 = tpu.memref_slice %arg2[%dma_wait3A_92, %dma_wait3A_93] : memref<10240x128xf32, #tpu.memory_space<hbm>> -> memref<10240x128xf32, #tpu.memory_space<hbm>>
        %dma_wait3A_95 = tpu.memref_slice %arg11[%dma_wait3A_84] : memref<2x!tpu.dma_semaphore, #tpu.memory_space<semaphore_mem>> -> memref<1x!tpu.dma_semaphore, #tpu.memory_space<semaphore_mem>>
        %dma_wait3A_96 = tpu.memref_squeeze %dma_wait3A_95 : memref<1x!tpu.dma_semaphore, #tpu.memory_space<semaphore_mem>> -> memref<!tpu.dma_semaphore, #tpu.memory_space<semaphore_mem>>
        tpu.wait_indirect_dma semaphore(%dma_wait3A_96 : memref<!tpu.dma_semaphore, #tpu.memory_space<semaphore_mem>>) src(%dma_wait3A_94 : memref<10240x128xf32, #tpu.memory_space<hbm>>) dst(%dma_wait3A_88 : memref<128x128xf32, #tpu.memory_space<vmem>>)
        %dma_start3A_97 = arith.constant 0 : i32
        %dma_start3A_98 = arith.constant 0 : i32
        %dma_start3A_99 = arith.constant 0 : i32
        %dma_start3A_100 = arith.constant 0 : i32
        %dma_start3A_101 = tpu.memref_slice %arg9[%dma_start3A_97, %dma_start3A_99, %dma_start3A_100] : memref<2x128x128xf32, #tpu.memory_space<vmem>> -> memref<1x128x128xf32, #tpu.memory_space<vmem>>
        %dma_start3A_102 = tpu.memref_squeeze %dma_start3A_101 : memref<1x128x128xf32, #tpu.memory_space<vmem>> -> memref<128x128xf32, #tpu.memory_space<vmem>>
        %dma_start3A_103 = arith.constant 0 : i32
        %dma_start3A_104 = tpu.memref_slice %arg8[%add3A_83, %dma_start3A_103] : memref<40x128xi32, #tpu.memory_space<vmem>> -> memref<1x128xi32, #tpu.memory_space<vmem>>
        %dma_start3A_105 = tpu.memref_squeeze %dma_start3A_104 : memref<1x128xi32, #tpu.memory_space<vmem>> -> memref<128xi32, #tpu.memory_space<vmem>>
        %dma_start3A_106 = arith.constant 0 : i32
        %dma_start3A_107 = arith.constant 0 : i32
        %dma_start3A_108 = tpu.memref_slice %arg10[%dma_start3A_106, %dma_start3A_107] : memref<10240x128xf32, #tpu.memory_space<vmem_shared>> -> memref<10240x128xf32, #tpu.memory_space<vmem_shared>>
        %dma_start3A_109 = tpu.memref_slice %arg12[%dma_start3A_98] : memref<2x!tpu.dma_semaphore, #tpu.memory_space<semaphore_mem>> -> memref<1x!tpu.dma_semaphore, #tpu.memory_space<semaphore_mem>>
        %dma_start3A_110 = tpu.memref_squeeze %dma_start3A_109 : memref<1x!tpu.dma_semaphore, #tpu.memory_space<semaphore_mem>> -> memref<!tpu.dma_semaphore, #tpu.memory_space<semaphore_mem>>
        tpu.enqueue_indirect_dma source(%dma_start3A_102 : memref<128x128xf32, #tpu.memory_space<vmem>>) target(%dma_start3A_108 : memref<10240x128xf32, #tpu.memory_space<vmem_shared>>) offsets(%dma_start3A_105 : memref<128xi32, #tpu.memory_space<vmem>>) semaphore(%dma_start3A_110 : memref<!tpu.dma_semaphore, #tpu.memory_space<semaphore_mem>>) {add = true}
        %add3A_111 = arith.constant 1 : i32
        %add3A_112 = arith.addi %mul3A_81, %add3A_111 : i32
        %dma_wait3A_113 = arith.constant 1 : i32
        %dma_wait3A_114 = arith.constant 1 : i32
        %dma_wait3A_115 = arith.constant 0 : i32
        %dma_wait3A_116 = arith.constant 0 : i32
        %dma_wait3A_117 = tpu.memref_slice %arg9[%dma_wait3A_113, %dma_wait3A_115, %dma_wait3A_116] : memref<2x128x128xf32, #tpu.memory_space<vmem>> -> memref<1x128x128xf32, #tpu.memory_space<vmem>>
        %dma_wait3A_118 = tpu.memref_squeeze %dma_wait3A_117 : memref<1x128x128xf32, #tpu.memory_space<vmem>> -> memref<128x128xf32, #tpu.memory_space<vmem>>
        %dma_wait3A_119 = arith.constant 0 : i32
        %dma_wait3A_120 = tpu.memref_slice %arg7[%add3A_112, %dma_wait3A_119] : memref<40x128xi32, #tpu.memory_space<vmem>> -> memref<1x128xi32, #tpu.memory_space<vmem>>
        %dma_wait3A_121 = tpu.memref_squeeze %dma_wait3A_120 : memref<1x128xi32, #tpu.memory_space<vmem>> -> memref<128xi32, #tpu.memory_space<vmem>>
        %dma_wait3A_122 = arith.constant 0 : i32
        %dma_wait3A_123 = arith.constant 0 : i32
        %dma_wait3A_124 = tpu.memref_slice %arg2[%dma_wait3A_122, %dma_wait3A_123] : memref<10240x128xf32, #tpu.memory_space<hbm>> -> memref<10240x128xf32, #tpu.memory_space<hbm>>
        %dma_wait3A_125 = tpu.memref_slice %arg11[%dma_wait3A_114] : memref<2x!tpu.dma_semaphore, #tpu.memory_space<semaphore_mem>> -> memref<1x!tpu.dma_semaphore, #tpu.memory_space<semaphore_mem>>
        %dma_wait3A_126 = tpu.memref_squeeze %dma_wait3A_125 : memref<1x!tpu.dma_semaphore, #tpu.memory_space<semaphore_mem>> -> memref<!tpu.dma_semaphore, #tpu.memory_space<semaphore_mem>>
        tpu.wait_indirect_dma semaphore(%dma_wait3A_126 : memref<!tpu.dma_semaphore, #tpu.memory_space<semaphore_mem>>) src(%dma_wait3A_124 : memref<10240x128xf32, #tpu.memory_space<hbm>>) dst(%dma_wait3A_118 : memref<128x128xf32, #tpu.memory_space<vmem>>)
        %dma_start3A_127 = arith.constant 1 : i32
        %dma_start3A_128 = arith.constant 1 : i32
        %dma_start3A_129 = arith.constant 0 : i32
        %dma_start3A_130 = arith.constant 0 : i32
        %dma_start3A_131 = tpu.memref_slice %arg9[%dma_start3A_127, %dma_start3A_129, %dma_start3A_130] : memref<2x128x128xf32, #tpu.memory_space<vmem>> -> memref<1x128x128xf32, #tpu.memory_space<vmem>>
        %dma_start3A_132 = tpu.memref_squeeze %dma_start3A_131 : memref<1x128x128xf32, #tpu.memory_space<vmem>> -> memref<128x128xf32, #tpu.memory_space<vmem>>
        %dma_start3A_133 = arith.constant 0 : i32
        %dma_start3A_134 = tpu.memref_slice %arg8[%add3A_112, %dma_start3A_133] : memref<40x128xi32, #tpu.memory_space<vmem>> -> memref<1x128xi32, #tpu.memory_space<vmem>>
        %dma_start3A_135 = tpu.memref_squeeze %dma_start3A_134 : memref<1x128xi32, #tpu.memory_space<vmem>> -> memref<128xi32, #tpu.memory_space<vmem>>
        %dma_start3A_136 = arith.constant 0 : i32
        %dma_start3A_137 = arith.constant 0 : i32
        %dma_start3A_138 = tpu.memref_slice %arg10[%dma_start3A_136, %dma_start3A_137] : memref<10240x128xf32, #tpu.memory_space<vmem_shared>> -> memref<10240x128xf32, #tpu.memory_space<vmem_shared>>
        %dma_start3A_139 = tpu.memref_slice %arg12[%dma_start3A_128] : memref<2x!tpu.dma_semaphore, #tpu.memory_space<semaphore_mem>> -> memref<1x!tpu.dma_semaphore, #tpu.memory_space<semaphore_mem>>
        %dma_start3A_140 = tpu.memref_squeeze %dma_start3A_139 : memref<1x!tpu.dma_semaphore, #tpu.memory_space<semaphore_mem>> -> memref<!tpu.dma_semaphore, #tpu.memory_space<semaphore_mem>>
        tpu.enqueue_indirect_dma source(%dma_start3A_132 : memref<128x128xf32, #tpu.memory_space<vmem>>) target(%dma_start3A_138 : memref<10240x128xf32, #tpu.memory_space<vmem_shared>>) offsets(%dma_start3A_135 : memref<128xi32, #tpu.memory_space<vmem>>) semaphore(%dma_start3A_140 : memref<!tpu.dma_semaphore, #tpu.memory_space<semaphore_mem>>) {add = true}
        %add3A_141 = arith.constant 0 : i32
        %add3A_142 = arith.addi %mul3A_81, %add3A_141 : i32
        %add3A_143 = arith.constant 2 : i32
        %add3A_144 = arith.addi %add3A_142, %add3A_143 : i32
        %dma_wait3A_145 = arith.constant 0 : i32
        %dma_wait3A_146 = arith.constant 0 : i32
        %dma_wait3A_147 = arith.constant 0 : i32
        %dma_wait3A_148 = arith.constant 0 : i32
        %dma_wait3A_149 = tpu.memref_slice %arg9[%dma_wait3A_145, %dma_wait3A_147, %dma_wait3A_148] : memref<2x128x128xf32, #tpu.memory_space<vmem>> -> memref<1x128x128xf32, #tpu.memory_space<vmem>>
        %dma_wait3A_150 = tpu.memref_squeeze %dma_wait3A_149 : memref<1x128x128xf32, #tpu.memory_space<vmem>> -> memref<128x128xf32, #tpu.memory_space<vmem>>
        %dma_wait3A_151 = arith.constant 0 : i32
        %dma_wait3A_152 = tpu.memref_slice %arg8[%add3A_142, %dma_wait3A_151] : memref<40x128xi32, #tpu.memory_space<vmem>> -> memref<1x128xi32, #tpu.memory_space<vmem>>
        %dma_wait3A_153 = tpu.memref_squeeze %dma_wait3A_152 : memref<1x128xi32, #tpu.memory_space<vmem>> -> memref<128xi32, #tpu.memory_space<vmem>>
        %dma_wait3A_154 = arith.constant 0 : i32
        %dma_wait3A_155 = arith.constant 0 : i32
        %dma_wait3A_156 = tpu.memref_slice %arg10[%dma_wait3A_154, %dma_wait3A_155] : memref<10240x128xf32, #tpu.memory_space<vmem_shared>> -> memref<10240x128xf32, #tpu.memory_space<vmem_shared>>
        %dma_wait3A_157 = tpu.memref_slice %arg12[%dma_wait3A_146] : memref<2x!tpu.dma_semaphore, #tpu.memory_space<semaphore_mem>> -> memref<1x!tpu.dma_semaphore, #tpu.memory_space<semaphore_mem>>
        %dma_wait3A_158 = tpu.memref_squeeze %dma_wait3A_157 : memref<1x!tpu.dma_semaphore, #tpu.memory_space<semaphore_mem>> -> memref<!tpu.dma_semaphore, #tpu.memory_space<semaphore_mem>>
        tpu.wait_indirect_dma semaphore(%dma_wait3A_158 : memref<!tpu.dma_semaphore, #tpu.memory_space<semaphore_mem>>) src(%dma_wait3A_150 : memref<128x128xf32, #tpu.memory_space<vmem>>) dst(%dma_wait3A_156 : memref<10240x128xf32, #tpu.memory_space<vmem_shared>>)
        %lt3A = arith.constant 40 : i32
        %lt3A_159 = arith.cmpi slt, %add3A_144, %lt3A : i32
        %convert_element_type3A = arith.extui %lt3A_159 : i1 to i32
        %cond3A = arith.constant 0 : i32
        %cond3A_160 = arith.cmpi ne, %convert_element_type3A, %cond3A : i32
        scf.if %cond3A_160 {
          %dma_start3A_184 = arith.constant 0 : i32
          %dma_start3A_185 = arith.constant 0 : i32
          %dma_start3A_186 = arith.constant 0 : i32
          %dma_start3A_187 = arith.constant 0 : i32
          %dma_start3A_188 = tpu.memref_slice %arg9[%dma_start3A_184, %dma_start3A_186, %dma_start3A_187] : memref<2x128x128xf32, #tpu.memory_space<vmem>> -> memref<1x128x128xf32, #tpu.memory_space<vmem>>
          %dma_start3A_189 = tpu.memref_squeeze %dma_start3A_188 : memref<1x128x128xf32, #tpu.memory_space<vmem>> -> memref<128x128xf32, #tpu.memory_space<vmem>>
          %dma_start3A_190 = arith.constant 0 : i32
          %dma_start3A_191 = tpu.memref_slice %arg7[%add3A_144, %dma_start3A_190] : memref<40x128xi32, #tpu.memory_space<vmem>> -> memref<1x128xi32, #tpu.memory_space<vmem>>
          %dma_start3A_192 = tpu.memref_squeeze %dma_start3A_191 : memref<1x128xi32, #tpu.memory_space<vmem>> -> memref<128xi32, #tpu.memory_space<vmem>>
          %dma_start3A_193 = arith.constant 0 : i32
          %dma_start3A_194 = arith.constant 0 : i32
          %dma_start3A_195 = tpu.memref_slice %arg2[%dma_start3A_193, %dma_start3A_194] : memref<10240x128xf32, #tpu.memory_space<hbm>> -> memref<10240x128xf32, #tpu.memory_space<hbm>>
          %dma_start3A_196 = tpu.memref_slice %arg11[%dma_start3A_185] : memref<2x!tpu.dma_semaphore, #tpu.memory_space<semaphore_mem>> -> memref<1x!tpu.dma_semaphore, #tpu.memory_space<semaphore_mem>>
          %dma_start3A_197 = tpu.memref_squeeze %dma_start3A_196 : memref<1x!tpu.dma_semaphore, #tpu.memory_space<semaphore_mem>> -> memref<!tpu.dma_semaphore, #tpu.memory_space<semaphore_mem>>
          tpu.enqueue_indirect_dma source(%dma_start3A_195 : memref<10240x128xf32, #tpu.memory_space<hbm>>) target(%dma_start3A_189 : memref<128x128xf32, #tpu.memory_space<vmem>>) offsets(%dma_start3A_192 : memref<128xi32, #tpu.memory_space<vmem>>) semaphore(%dma_start3A_197 : memref<!tpu.dma_semaphore, #tpu.memory_space<semaphore_mem>>)
        } else {
        }
        %add3A_161 = arith.constant 1 : i32
        %add3A_162 = arith.addi %mul3A_81, %add3A_161 : i32
        %add3A_163 = arith.constant 2 : i32
        %add3A_164 = arith.addi %add3A_162, %add3A_163 : i32
        %dma_wait3A_165 = arith.constant 1 : i32
        %dma_wait3A_166 = arith.constant 1 : i32
        %dma_wait3A_167 = arith.constant 0 : i32
        %dma_wait3A_168 = arith.constant 0 : i32
        %dma_wait3A_169 = tpu.memref_slice %arg9[%dma_wait3A_165, %dma_wait3A_167, %dma_wait3A_168] : memref<2x128x128xf32, #tpu.memory_space<vmem>> -> memref<1x128x128xf32, #tpu.memory_space<vmem>>
        %dma_wait3A_170 = tpu.memref_squeeze %dma_wait3A_169 : memref<1x128x128xf32, #tpu.memory_space<vmem>> -> memref<128x128xf32, #tpu.memory_space<vmem>>
        %dma_wait3A_171 = arith.constant 0 : i32
        %dma_wait3A_172 = tpu.memref_slice %arg8[%add3A_162, %dma_wait3A_171] : memref<40x128xi32, #tpu.memory_space<vmem>> -> memref<1x128xi32, #tpu.memory_space<vmem>>
        %dma_wait3A_173 = tpu.memref_squeeze %dma_wait3A_172 : memref<1x128xi32, #tpu.memory_space<vmem>> -> memref<128xi32, #tpu.memory_space<vmem>>
        %dma_wait3A_174 = arith.constant 0 : i32
        %dma_wait3A_175 = arith.constant 0 : i32
        %dma_wait3A_176 = tpu.memref_slice %arg10[%dma_wait3A_174, %dma_wait3A_175] : memref<10240x128xf32, #tpu.memory_space<vmem_shared>> -> memref<10240x128xf32, #tpu.memory_space<vmem_shared>>
        %dma_wait3A_177 = tpu.memref_slice %arg12[%dma_wait3A_166] : memref<2x!tpu.dma_semaphore, #tpu.memory_space<semaphore_mem>> -> memref<1x!tpu.dma_semaphore, #tpu.memory_space<semaphore_mem>>
        %dma_wait3A_178 = tpu.memref_squeeze %dma_wait3A_177 : memref<1x!tpu.dma_semaphore, #tpu.memory_space<semaphore_mem>> -> memref<!tpu.dma_semaphore, #tpu.memory_space<semaphore_mem>>
        tpu.wait_indirect_dma semaphore(%dma_wait3A_178 : memref<!tpu.dma_semaphore, #tpu.memory_space<semaphore_mem>>) src(%dma_wait3A_170 : memref<128x128xf32, #tpu.memory_space<vmem>>) dst(%dma_wait3A_176 : memref<10240x128xf32, #tpu.memory_space<vmem_shared>>)
        %lt3A_179 = arith.constant 40 : i32
        %lt3A_180 = arith.cmpi slt, %add3A_164, %lt3A_179 : i32
        %convert_element_type3A_181 = arith.extui %lt3A_180 : i1 to i32
        %cond3A_182 = arith.constant 0 : i32
        %cond3A_183 = arith.cmpi ne, %convert_element_type3A_181, %cond3A_182 : i32
        scf.if %cond3A_183 {
          %dma_start3A_184 = arith.constant 1 : i32
          %dma_start3A_185 = arith.constant 1 : i32
          %dma_start3A_186 = arith.constant 0 : i32
          %dma_start3A_187 = arith.constant 0 : i32
          %dma_start3A_188 = tpu.memref_slice %arg9[%dma_start3A_184, %dma_start3A_186, %dma_start3A_187] : memref<2x128x128xf32, #tpu.memory_space<vmem>> -> memref<1x128x128xf32, #tpu.memory_space<vmem>>
          %dma_start3A_189 = tpu.memref_squeeze %dma_start3A_188 : memref<1x128x128xf32, #tpu.memory_space<vmem>> -> memref<128x128xf32, #tpu.memory_space<vmem>>
          %dma_start3A_190 = arith.constant 0 : i32
          %dma_start3A_191 = tpu.memref_slice %arg7[%add3A_164, %dma_start3A_190] : memref<40x128xi32, #tpu.memory_space<vmem>> -> memref<1x128xi32, #tpu.memory_space<vmem>>
          %dma_start3A_192 = tpu.memref_squeeze %dma_start3A_191 : memref<1x128xi32, #tpu.memory_space<vmem>> -> memref<128xi32, #tpu.memory_space<vmem>>
          %dma_start3A_193 = arith.constant 0 : i32
          %dma_start3A_194 = arith.constant 0 : i32
          %dma_start3A_195 = tpu.memref_slice %arg2[%dma_start3A_193, %dma_start3A_194] : memref<10240x128xf32, #tpu.memory_space<hbm>> -> memref<10240x128xf32, #tpu.memory_space<hbm>>
          %dma_start3A_196 = tpu.memref_slice %arg11[%dma_start3A_185] : memref<2x!tpu.dma_semaphore, #tpu.memory_space<semaphore_mem>> -> memref<1x!tpu.dma_semaphore, #tpu.memory_space<semaphore_mem>>
          %dma_start3A_197 = tpu.memref_squeeze %dma_start3A_196 : memref<1x!tpu.dma_semaphore, #tpu.memory_space<semaphore_mem>> -> memref<!tpu.dma_semaphore, #tpu.memory_space<semaphore_mem>>
          tpu.enqueue_indirect_dma source(%dma_start3A_195 : memref<10240x128xf32, #tpu.memory_space<hbm>>) target(%dma_start3A_189 : memref<128x128xf32, #tpu.memory_space<vmem>>) offsets(%dma_start3A_192 : memref<128xi32, #tpu.memory_space<vmem>>) semaphore(%dma_start3A_197 : memref<!tpu.dma_semaphore, #tpu.memory_space<semaphore_mem>>)
        } else {
        }
      }
      %scan3A_78 = arith.constant 20 : i32
    }
    %barrier3A_36 = arith.constant 0 : index
    tpu.barrier barrier_id(%barrier3A_36)
    %mul3A_37 = arith.constant 640 : i32
    %mul3A_38 = arith.muli %arg1, %mul3A_37 : i32
    %mul3A_39 = arith.constant 640 : i32
    %mul3A_40 = arith.muli %arg1, %mul3A_39 : i32
    "tpu.region"() ({
      %run_scoped3A = tpu.sem_alloc : memref<!tpu.dma_semaphore, #tpu.memory_space<semaphore_mem>>
      %dma_start3A = arith.constant 0 : i32
      %dma_start3A_41 = tpu.memref_slice %arg6[%arg0, %mul3A_40, %dma_start3A] : memref<2x10240x128xf32, #tpu.memory_space<hbm>> -> memref<1x640x128xf32, #tpu.memory_space<hbm>>
      %dma_start3A_42 = tpu.memref_squeeze %dma_start3A_41 : memref<1x640x128xf32, #tpu.memory_space<hbm>> -> memref<640x128xf32, #tpu.memory_space<hbm>>
      %dma_start3A_43 = arith.constant 0 : i32
      %dma_start3A_44 = tpu.memref_slice %arg10[%mul3A_38, %dma_start3A_43] : memref<10240x128xf32, #tpu.memory_space<vmem_shared>> -> memref<640x128xf32, #tpu.memory_space<vmem_shared>>
      tpu.enqueue_dma source(%dma_start3A_44 : memref<640x128xf32, #tpu.memory_space<vmem_shared>>) target(%dma_start3A_42 : memref<640x128xf32, #tpu.memory_space<hbm>>) target_semaphore(%run_scoped3A : memref<!tpu.dma_semaphore, #tpu.memory_space<semaphore_mem>>)
      %dma_wait3A = arith.constant 0 : i32
      %dma_wait3A_45 = tpu.memref_slice %arg6[%arg0, %mul3A_40, %dma_wait3A] : memref<2x10240x128xf32, #tpu.memory_space<hbm>> -> memref<1x640x128xf32, #tpu.memory_space<hbm>>
      %dma_wait3A_46 = tpu.memref_squeeze %dma_wait3A_45 : memref<1x640x128xf32, #tpu.memory_space<hbm>> -> memref<640x128xf32, #tpu.memory_space<hbm>>
      %dma_wait3A_47 = arith.constant 0 : i32
      %dma_wait3A_48 = tpu.memref_slice %arg10[%mul3A_38, %dma_wait3A_47] : memref<10240x128xf32, #tpu.memory_space<vmem_shared>> -> memref<640x128xf32, #tpu.memory_space<vmem_shared>>
      tpu.wait_dma2 semaphore(%run_scoped3A : memref<!tpu.dma_semaphore, #tpu.memory_space<semaphore_mem>>) src(%dma_wait3A_48 : memref<640x128xf32, #tpu.memory_space<vmem_shared>>) dst(%dma_wait3A_46 : memref<640x128xf32, #tpu.memory_space<hbm>>)
      tpu.yield
    }) : () -> ()
    return
  }
}

#map = affine_map<(d0, d1) -> (0, 0)>
module attributes {stable_mosaic.version = 14 : i64} {
  func.func @_sc_edge_gather(%arg0: i32, %arg1: i32, %arg2: memref<10240x128xf32, #tpu.memory_space<hbm>>, %arg3: memref<10240x128xf32, #tpu.memory_space<hbm>>, %arg4: memref<2560x128xi32, #tpu.memory_space<hbm>>, %arg5: memref<2560x128xi32, #tpu.memory_space<hbm>>, %arg6: memref<327680x128xf32, #tpu.memory_space<hbm>>, %arg7: memref<80x128xi32, #tpu.memory_space<vmem>>, %arg8: memref<80x128xi32, #tpu.memory_space<vmem>>, %arg9: memref<2x128x128xf32, #tpu.memory_space<vmem>>, %arg10: memref<2x128x128xf32, #tpu.memory_space<vmem>>, %arg11: memref<2x!tpu.dma_semaphore, #tpu.memory_space<semaphore_mem>>, %arg12: memref<2x!tpu.dma_semaphore, #tpu.memory_space<semaphore_mem>>, %arg13: memref<2x!tpu.dma_semaphore, #tpu.memory_space<semaphore_mem>>) attributes {dimension_semantics = [#tpu.dimension_semantics<core_parallel>, #tpu.dimension_semantics<subcore_parallel>], iteration_bounds = array<i64: 2, 16>, scalar_prefetch = 0 : i64, scratch_operands = 7 : i64, tpu.core_type = #tpu.core_type<sc_vector_subcore>, window_params = [{transform_indices = #map}, {transform_indices = #map}, {transform_indices = #map}, {transform_indices = #map}, {transform_indices = #map}]} {
    %eq3A = arith.constant 1 : i32
    %eq3A_0 = arith.cmpi eq, %arg0, %eq3A : i32
    %jit3A = arith.constant 2 : i32
    %jit3A_1 = arith.constant 2 : i32
    %select_n3A = arith.select %eq3A_0, %jit3A, %jit3A_1 : i32
    %mul3A = arith.constant 40 : i32
    %mul3A_2 = arith.muli %select_n3A, %mul3A : i32
    %mul3A_3 = arith.constant 80 : i32
    %mul3A_4 = arith.muli %arg1, %mul3A_3 : i32
    %mul3A_5 = arith.constant 80 : i32
    %mul3A_6 = arith.muli %arg1, %mul3A_5 : i32
    %add3A = arith.constant 1280 : i32
    %add3A_7 = arith.addi %add3A, %mul3A_6 : i32
    %select_n3A_8 = arith.select %eq3A_0, %mul3A_4, %add3A_7 : i32
    %mul3A_9 = arith.constant 128 : i32
    %mul3A_10 = arith.muli %select_n3A_8, %mul3A_9 : i32
    %while3A = arith.constant 0 : i32
    %while3A_11 = arith.constant 0 : i32
    %while3A_12 = arith.subi %select_n3A, %while3A_11 : i32
    %while3A_13 = arith.addi %while3A_11, %while3A_12 : i32
    %while3A_14 = arith.constant 1 : i32
    %while3A_15 = arith.divsi %while3A_12, %while3A_14 : i32
    %while3A_16 = arith.muli %while3A_15, %while3A_14 : i32
    %while3A_17 = arith.addi %while3A_11, %while3A_16 : i32
    %while3A_18 = arith.constant 1 : i32
    scf.for %while3A_152 = %while3A_11 to %while3A_17 step %while3A_18  : i32 {
      %mul3A_153 = arith.constant 40 : i32
      %mul3A_154 = arith.muli %while3A_152, %mul3A_153 : i32
      %add3A_155 = arith.addi %select_n3A_8, %mul3A_154 : i32
      %mul3A_156 = arith.constant 40 : i32
      %mul3A_157 = arith.muli %while3A_152, %mul3A_156 : i32
      "tpu.region"() ({
        %run_scoped3A = tpu.sem_alloc : memref<!tpu.dma_semaphore, #tpu.memory_space<semaphore_mem>>
        %dma_start3A_163 = arith.constant 0 : i32
        %dma_start3A_164 = tpu.memref_slice %arg7[%mul3A_157, %dma_start3A_163] : memref<80x128xi32, #tpu.memory_space<vmem>> -> memref<40x128xi32, #tpu.memory_space<vmem>>
        %dma_start3A_165 = arith.constant 0 : i32
        %dma_start3A_166 = tpu.memref_slice %arg4[%add3A_155, %dma_start3A_165] : memref<2560x128xi32, #tpu.memory_space<hbm>> -> memref<40x128xi32, #tpu.memory_space<hbm>>
        %dma_start3A_167 = arith.constant 0 : i32
        %dma_start3A_168 = tpu.memref_slice %arg7[%mul3A_157, %dma_start3A_167] : memref<80x128xi32, #tpu.memory_space<vmem>> -> memref<40x128xi32, #tpu.memory_space<vmem>>
        %dma_start3A_169 = arith.constant 0 : i32
        %dma_start3A_170 = tpu.memref_slice %arg4[%add3A_155, %dma_start3A_169] : memref<2560x128xi32, #tpu.memory_space<hbm>> -> memref<40x128xi32, #tpu.memory_space<hbm>>
        tpu.enqueue_dma source(%dma_start3A_170 : memref<40x128xi32, #tpu.memory_space<hbm>>) target(%dma_start3A_168 : memref<40x128xi32, #tpu.memory_space<vmem>>) target_semaphore(%run_scoped3A : memref<!tpu.dma_semaphore, #tpu.memory_space<semaphore_mem>>)
        %dma_wait3A_171 = arith.constant 0 : i32
        %dma_wait3A_172 = tpu.memref_slice %arg7[%mul3A_157, %dma_wait3A_171] : memref<80x128xi32, #tpu.memory_space<vmem>> -> memref<40x128xi32, #tpu.memory_space<vmem>>
        %dma_wait3A_173 = arith.constant 0 : i32
        %dma_wait3A_174 = tpu.memref_slice %arg4[%add3A_155, %dma_wait3A_173] : memref<2560x128xi32, #tpu.memory_space<hbm>> -> memref<40x128xi32, #tpu.memory_space<hbm>>
        %dma_wait3A_175 = arith.constant 0 : i32
        %dma_wait3A_176 = tpu.memref_slice %arg7[%mul3A_157, %dma_wait3A_175] : memref<80x128xi32, #tpu.memory_space<vmem>> -> memref<40x128xi32, #tpu.memory_space<vmem>>
        %dma_wait3A_177 = arith.constant 0 : i32
        %dma_wait3A_178 = tpu.memref_slice %arg4[%add3A_155, %dma_wait3A_177] : memref<2560x128xi32, #tpu.memory_space<hbm>> -> memref<40x128xi32, #tpu.memory_space<hbm>>
        tpu.wait_dma2 semaphore(%run_scoped3A : memref<!tpu.dma_semaphore, #tpu.memory_space<semaphore_mem>>) src(%dma_wait3A_178 : memref<40x128xi32, #tpu.memory_space<hbm>>) dst(%dma_wait3A_176 : memref<40x128xi32, #tpu.memory_space<vmem>>)
        tpu.yield
      }) : () -> ()
      %mul3A_158 = arith.constant 40 : i32
      %mul3A_159 = arith.muli %while3A_152, %mul3A_158 : i32
      %add3A_160 = arith.addi %select_n3A_8, %mul3A_159 : i32
      %mul3A_161 = arith.constant 40 : i32
      %mul3A_162 = arith.muli %while3A_152, %mul3A_161 : i32
      "tpu.region"() ({
        %run_scoped3A = tpu.sem_alloc : memref<!tpu.dma_semaphore, #tpu.memory_space<semaphore_mem>>
        %dma_start3A_163 = arith.constant 0 : i32
        %dma_start3A_164 = tpu.memref_slice %arg8[%mul3A_162, %dma_start3A_163] : memref<80x128xi32, #tpu.memory_space<vmem>> -> memref<40x128xi32, #tpu.memory_space<vmem>>
        %dma_start3A_165 = arith.constant 0 : i32
        %dma_start3A_166 = tpu.memref_slice %arg5[%add3A_160, %dma_start3A_165] : memref<2560x128xi32, #tpu.memory_space<hbm>> -> memref<40x128xi32, #tpu.memory_space<hbm>>
        %dma_start3A_167 = arith.constant 0 : i32
        %dma_start3A_168 = tpu.memref_slice %arg8[%mul3A_162, %dma_start3A_167] : memref<80x128xi32, #tpu.memory_space<vmem>> -> memref<40x128xi32, #tpu.memory_space<vmem>>
        %dma_start3A_169 = arith.constant 0 : i32
        %dma_start3A_170 = tpu.memref_slice %arg5[%add3A_160, %dma_start3A_169] : memref<2560x128xi32, #tpu.memory_space<hbm>> -> memref<40x128xi32, #tpu.memory_space<hbm>>
        tpu.enqueue_dma source(%dma_start3A_170 : memref<40x128xi32, #tpu.memory_space<hbm>>) target(%dma_start3A_168 : memref<40x128xi32, #tpu.memory_space<vmem>>) target_semaphore(%run_scoped3A : memref<!tpu.dma_semaphore, #tpu.memory_space<semaphore_mem>>)
        %dma_wait3A_171 = arith.constant 0 : i32
        %dma_wait3A_172 = tpu.memref_slice %arg8[%mul3A_162, %dma_wait3A_171] : memref<80x128xi32, #tpu.memory_space<vmem>> -> memref<40x128xi32, #tpu.memory_space<vmem>>
        %dma_wait3A_173 = arith.constant 0 : i32
        %dma_wait3A_174 = tpu.memref_slice %arg5[%add3A_160, %dma_wait3A_173] : memref<2560x128xi32, #tpu.memory_space<hbm>> -> memref<40x128xi32, #tpu.memory_space<hbm>>
        %dma_wait3A_175 = arith.constant 0 : i32
        %dma_wait3A_176 = tpu.memref_slice %arg8[%mul3A_162, %dma_wait3A_175] : memref<80x128xi32, #tpu.memory_space<vmem>> -> memref<40x128xi32, #tpu.memory_space<vmem>>
        %dma_wait3A_177 = arith.constant 0 : i32
        %dma_wait3A_178 = tpu.memref_slice %arg5[%add3A_160, %dma_wait3A_177] : memref<2560x128xi32, #tpu.memory_space<hbm>> -> memref<40x128xi32, #tpu.memory_space<hbm>>
        tpu.wait_dma2 semaphore(%run_scoped3A : memref<!tpu.dma_semaphore, #tpu.memory_space<semaphore_mem>>) src(%dma_wait3A_178 : memref<40x128xi32, #tpu.memory_space<hbm>>) dst(%dma_wait3A_176 : memref<40x128xi32, #tpu.memory_space<vmem>>)
        tpu.yield
      }) : () -> ()
    }
    %while3A_19 = arith.constant 1 : i32
    scf.for %while3A_152 = %while3A_17 to %while3A_13 step %while3A_19  : i32 {
      %mul3A_153 = arith.constant 40 : i32
      %mul3A_154 = arith.muli %while3A_152, %mul3A_153 : i32
      %add3A_155 = arith.addi %select_n3A_8, %mul3A_154 : i32
      %mul3A_156 = arith.constant 40 : i32
      %mul3A_157 = arith.muli %while3A_152, %mul3A_156 : i32
      "tpu.region"() ({
        %run_scoped3A = tpu.sem_alloc : memref<!tpu.dma_semaphore, #tpu.memory_space<semaphore_mem>>
        %dma_start3A_163 = arith.constant 0 : i32
        %dma_start3A_164 = tpu.memref_slice %arg7[%mul3A_157, %dma_start3A_163] : memref<80x128xi32, #tpu.memory_space<vmem>> -> memref<40x128xi32, #tpu.memory_space<vmem>>
        %dma_start3A_165 = arith.constant 0 : i32
        %dma_start3A_166 = tpu.memref_slice %arg4[%add3A_155, %dma_start3A_165] : memref<2560x128xi32, #tpu.memory_space<hbm>> -> memref<40x128xi32, #tpu.memory_space<hbm>>
        %dma_start3A_167 = arith.constant 0 : i32
        %dma_start3A_168 = tpu.memref_slice %arg7[%mul3A_157, %dma_start3A_167] : memref<80x128xi32, #tpu.memory_space<vmem>> -> memref<40x128xi32, #tpu.memory_space<vmem>>
        %dma_start3A_169 = arith.constant 0 : i32
        %dma_start3A_170 = tpu.memref_slice %arg4[%add3A_155, %dma_start3A_169] : memref<2560x128xi32, #tpu.memory_space<hbm>> -> memref<40x128xi32, #tpu.memory_space<hbm>>
        tpu.enqueue_dma source(%dma_start3A_170 : memref<40x128xi32, #tpu.memory_space<hbm>>) target(%dma_start3A_168 : memref<40x128xi32, #tpu.memory_space<vmem>>) target_semaphore(%run_scoped3A : memref<!tpu.dma_semaphore, #tpu.memory_space<semaphore_mem>>)
        %dma_wait3A_171 = arith.constant 0 : i32
        %dma_wait3A_172 = tpu.memref_slice %arg7[%mul3A_157, %dma_wait3A_171] : memref<80x128xi32, #tpu.memory_space<vmem>> -> memref<40x128xi32, #tpu.memory_space<vmem>>
        %dma_wait3A_173 = arith.constant 0 : i32
        %dma_wait3A_174 = tpu.memref_slice %arg4[%add3A_155, %dma_wait3A_173] : memref<2560x128xi32, #tpu.memory_space<hbm>> -> memref<40x128xi32, #tpu.memory_space<hbm>>
        %dma_wait3A_175 = arith.constant 0 : i32
        %dma_wait3A_176 = tpu.memref_slice %arg7[%mul3A_157, %dma_wait3A_175] : memref<80x128xi32, #tpu.memory_space<vmem>> -> memref<40x128xi32, #tpu.memory_space<vmem>>
        %dma_wait3A_177 = arith.constant 0 : i32
        %dma_wait3A_178 = tpu.memref_slice %arg4[%add3A_155, %dma_wait3A_177] : memref<2560x128xi32, #tpu.memory_space<hbm>> -> memref<40x128xi32, #tpu.memory_space<hbm>>
        tpu.wait_dma2 semaphore(%run_scoped3A : memref<!tpu.dma_semaphore, #tpu.memory_space<semaphore_mem>>) src(%dma_wait3A_178 : memref<40x128xi32, #tpu.memory_space<hbm>>) dst(%dma_wait3A_176 : memref<40x128xi32, #tpu.memory_space<vmem>>)
        tpu.yield
      }) : () -> ()
      %mul3A_158 = arith.constant 40 : i32
      %mul3A_159 = arith.muli %while3A_152, %mul3A_158 : i32
      %add3A_160 = arith.addi %select_n3A_8, %mul3A_159 : i32
      %mul3A_161 = arith.constant 40 : i32
      %mul3A_162 = arith.muli %while3A_152, %mul3A_161 : i32
      "tpu.region"() ({
        %run_scoped3A = tpu.sem_alloc : memref<!tpu.dma_semaphore, #tpu.memory_space<semaphore_mem>>
        %dma_start3A_163 = arith.constant 0 : i32
        %dma_start3A_164 = tpu.memref_slice %arg8[%mul3A_162, %dma_start3A_163] : memref<80x128xi32, #tpu.memory_space<vmem>> -> memref<40x128xi32, #tpu.memory_space<vmem>>
        %dma_start3A_165 = arith.constant 0 : i32
        %dma_start3A_166 = tpu.memref_slice %arg5[%add3A_160, %dma_start3A_165] : memref<2560x128xi32, #tpu.memory_space<hbm>> -> memref<40x128xi32, #tpu.memory_space<hbm>>
        %dma_start3A_167 = arith.constant 0 : i32
        %dma_start3A_168 = tpu.memref_slice %arg8[%mul3A_162, %dma_start3A_167] : memref<80x128xi32, #tpu.memory_space<vmem>> -> memref<40x128xi32, #tpu.memory_space<vmem>>
        %dma_start3A_169 = arith.constant 0 : i32
        %dma_start3A_170 = tpu.memref_slice %arg5[%add3A_160, %dma_start3A_169] : memref<2560x128xi32, #tpu.memory_space<hbm>> -> memref<40x128xi32, #tpu.memory_space<hbm>>
        tpu.enqueue_dma source(%dma_start3A_170 : memref<40x128xi32, #tpu.memory_space<hbm>>) target(%dma_start3A_168 : memref<40x128xi32, #tpu.memory_space<vmem>>) target_semaphore(%run_scoped3A : memref<!tpu.dma_semaphore, #tpu.memory_space<semaphore_mem>>)
        %dma_wait3A_171 = arith.constant 0 : i32
        %dma_wait3A_172 = tpu.memref_slice %arg8[%mul3A_162, %dma_wait3A_171] : memref<80x128xi32, #tpu.memory_space<vmem>> -> memref<40x128xi32, #tpu.memory_space<vmem>>
        %dma_wait3A_173 = arith.constant 0 : i32
        %dma_wait3A_174 = tpu.memref_slice %arg5[%add3A_160, %dma_wait3A_173] : memref<2560x128xi32, #tpu.memory_space<hbm>> -> memref<40x128xi32, #tpu.memory_space<hbm>>
        %dma_wait3A_175 = arith.constant 0 : i32
        %dma_wait3A_176 = tpu.memref_slice %arg8[%mul3A_162, %dma_wait3A_175] : memref<80x128xi32, #tpu.memory_space<vmem>> -> memref<40x128xi32, #tpu.memory_space<vmem>>
        %dma_wait3A_177 = arith.constant 0 : i32
        %dma_wait3A_178 = tpu.memref_slice %arg5[%add3A_160, %dma_wait3A_177] : memref<2560x128xi32, #tpu.memory_space<hbm>> -> memref<40x128xi32, #tpu.memory_space<hbm>>
        tpu.wait_dma2 semaphore(%run_scoped3A : memref<!tpu.dma_semaphore, #tpu.memory_space<semaphore_mem>>) src(%dma_wait3A_178 : memref<40x128xi32, #tpu.memory_space<hbm>>) dst(%dma_wait3A_176 : memref<40x128xi32, #tpu.memory_space<vmem>>)
        tpu.yield
      }) : () -> ()
    }
    %dma_start3A = arith.constant 0 : i32
    %dma_start3A_20 = arith.constant 0 : i32
    %dma_start3A_21 = arith.constant 0 : i32
    %dma_start3A_22 = arith.constant 0 : i32
    %dma_start3A_23 = arith.constant 0 : i32
    %dma_start3A_24 = tpu.memref_slice %arg9[%dma_start3A_20, %dma_start3A_22, %dma_start3A_23] : memref<2x128x128xf32, #tpu.memory_space<vmem>> -> memref<1x128x128xf32, #tpu.memory_space<vmem>>
    %dma_start3A_25 = tpu.memref_squeeze %dma_start3A_24 : memref<1x128x128xf32, #tpu.memory_space<vmem>> -> memref<128x128xf32, #tpu.memory_space<vmem>>
    %dma_start3A_26 = arith.constant 0 : i32
    %dma_start3A_27 = tpu.memref_slice %arg7[%dma_start3A, %dma_start3A_26] : memref<80x128xi32, #tpu.memory_space<vmem>> -> memref<1x128xi32, #tpu.memory_space<vmem>>
    %dma_start3A_28 = tpu.memref_squeeze %dma_start3A_27 : memref<1x128xi32, #tpu.memory_space<vmem>> -> memref<128xi32, #tpu.memory_space<vmem>>
    %dma_start3A_29 = arith.constant 0 : i32
    %dma_start3A_30 = arith.constant 0 : i32
    %dma_start3A_31 = tpu.memref_slice %arg2[%dma_start3A_29, %dma_start3A_30] : memref<10240x128xf32, #tpu.memory_space<hbm>> -> memref<10240x128xf32, #tpu.memory_space<hbm>>
    %dma_start3A_32 = tpu.memref_slice %arg11[%dma_start3A_21] : memref<2x!tpu.dma_semaphore, #tpu.memory_space<semaphore_mem>> -> memref<1x!tpu.dma_semaphore, #tpu.memory_space<semaphore_mem>>
    %dma_start3A_33 = tpu.memref_squeeze %dma_start3A_32 : memref<1x!tpu.dma_semaphore, #tpu.memory_space<semaphore_mem>> -> memref<!tpu.dma_semaphore, #tpu.memory_space<semaphore_mem>>
    tpu.enqueue_indirect_dma source(%dma_start3A_31 : memref<10240x128xf32, #tpu.memory_space<hbm>>) target(%dma_start3A_25 : memref<128x128xf32, #tpu.memory_space<vmem>>) offsets(%dma_start3A_28 : memref<128xi32, #tpu.memory_space<vmem>>) semaphore(%dma_start3A_33 : memref<!tpu.dma_semaphore, #tpu.memory_space<semaphore_mem>>)
    %dma_start3A_34 = arith.constant 0 : i32
    %dma_start3A_35 = arith.constant 0 : i32
    %dma_start3A_36 = arith.constant 0 : i32
    %dma_start3A_37 = arith.constant 0 : i32
    %dma_start3A_38 = arith.constant 0 : i32
    %dma_start3A_39 = tpu.memref_slice %arg10[%dma_start3A_35, %dma_start3A_37, %dma_start3A_38] : memref<2x128x128xf32, #tpu.memory_space<vmem>> -> memref<1x128x128xf32, #tpu.memory_space<vmem>>
    %dma_start3A_40 = tpu.memref_squeeze %dma_start3A_39 : memref<1x128x128xf32, #tpu.memory_space<vmem>> -> memref<128x128xf32, #tpu.memory_space<vmem>>
    %dma_start3A_41 = arith.constant 0 : i32
    %dma_start3A_42 = tpu.memref_slice %arg8[%dma_start3A_34, %dma_start3A_41] : memref<80x128xi32, #tpu.memory_space<vmem>> -> memref<1x128xi32, #tpu.memory_space<vmem>>
    %dma_start3A_43 = tpu.memref_squeeze %dma_start3A_42 : memref<1x128xi32, #tpu.memory_space<vmem>> -> memref<128xi32, #tpu.memory_space<vmem>>
    %dma_start3A_44 = arith.constant 0 : i32
    %dma_start3A_45 = arith.constant 0 : i32
    %dma_start3A_46 = tpu.memref_slice %arg3[%dma_start3A_44, %dma_start3A_45] : memref<10240x128xf32, #tpu.memory_space<hbm>> -> memref<10240x128xf32, #tpu.memory_space<hbm>>
    %dma_start3A_47 = tpu.memref_slice %arg12[%dma_start3A_36] : memref<2x!tpu.dma_semaphore, #tpu.memory_space<semaphore_mem>> -> memref<1x!tpu.dma_semaphore, #tpu.memory_space<semaphore_mem>>
    %dma_start3A_48 = tpu.memref_squeeze %dma_start3A_47 : memref<1x!tpu.dma_semaphore, #tpu.memory_space<semaphore_mem>> -> memref<!tpu.dma_semaphore, #tpu.memory_space<semaphore_mem>>
    tpu.enqueue_indirect_dma source(%dma_start3A_46 : memref<10240x128xf32, #tpu.memory_space<hbm>>) target(%dma_start3A_40 : memref<128x128xf32, #tpu.memory_space<vmem>>) offsets(%dma_start3A_43 : memref<128xi32, #tpu.memory_space<vmem>>) semaphore(%dma_start3A_48 : memref<!tpu.dma_semaphore, #tpu.memory_space<semaphore_mem>>)
    %dma_start3A_49 = arith.constant 1 : i32
    %dma_start3A_50 = arith.constant 1 : i32
    %dma_start3A_51 = arith.constant 1 : i32
    %dma_start3A_52 = arith.constant 0 : i32
    %dma_start3A_53 = arith.constant 0 : i32
    %dma_start3A_54 = tpu.memref_slice %arg9[%dma_start3A_50, %dma_start3A_52, %dma_start3A_53] : memref<2x128x128xf32, #tpu.memory_space<vmem>> -> memref<1x128x128xf32, #tpu.memory_space<vmem>>
    %dma_start3A_55 = tpu.memref_squeeze %dma_start3A_54 : memref<1x128x128xf32, #tpu.memory_space<vmem>> -> memref<128x128xf32, #tpu.memory_space<vmem>>
    %dma_start3A_56 = arith.constant 0 : i32
    %dma_start3A_57 = tpu.memref_slice %arg7[%dma_start3A_49, %dma_start3A_56] : memref<80x128xi32, #tpu.memory_space<vmem>> -> memref<1x128xi32, #tpu.memory_space<vmem>>
    %dma_start3A_58 = tpu.memref_squeeze %dma_start3A_57 : memref<1x128xi32, #tpu.memory_space<vmem>> -> memref<128xi32, #tpu.memory_space<vmem>>
    %dma_start3A_59 = arith.constant 0 : i32
    %dma_start3A_60 = arith.constant 0 : i32
    %dma_start3A_61 = tpu.memref_slice %arg2[%dma_start3A_59, %dma_start3A_60] : memref<10240x128xf32, #tpu.memory_space<hbm>> -> memref<10240x128xf32, #tpu.memory_space<hbm>>
    %dma_start3A_62 = tpu.memref_slice %arg11[%dma_start3A_51] : memref<2x!tpu.dma_semaphore, #tpu.memory_space<semaphore_mem>> -> memref<1x!tpu.dma_semaphore, #tpu.memory_space<semaphore_mem>>
    %dma_start3A_63 = tpu.memref_squeeze %dma_start3A_62 : memref<1x!tpu.dma_semaphore, #tpu.memory_space<semaphore_mem>> -> memref<!tpu.dma_semaphore, #tpu.memory_space<semaphore_mem>>
    tpu.enqueue_indirect_dma source(%dma_start3A_61 : memref<10240x128xf32, #tpu.memory_space<hbm>>) target(%dma_start3A_55 : memref<128x128xf32, #tpu.memory_space<vmem>>) offsets(%dma_start3A_58 : memref<128xi32, #tpu.memory_space<vmem>>) semaphore(%dma_start3A_63 : memref<!tpu.dma_semaphore, #tpu.memory_space<semaphore_mem>>)
    %dma_start3A_64 = arith.constant 1 : i32
    %dma_start3A_65 = arith.constant 1 : i32
    %dma_start3A_66 = arith.constant 1 : i32
    %dma_start3A_67 = arith.constant 0 : i32
    %dma_start3A_68 = arith.constant 0 : i32
    %dma_start3A_69 = tpu.memref_slice %arg10[%dma_start3A_65, %dma_start3A_67, %dma_start3A_68] : memref<2x128x128xf32, #tpu.memory_space<vmem>> -> memref<1x128x128xf32, #tpu.memory_space<vmem>>
    %dma_start3A_70 = tpu.memref_squeeze %dma_start3A_69 : memref<1x128x128xf32, #tpu.memory_space<vmem>> -> memref<128x128xf32, #tpu.memory_space<vmem>>
    %dma_start3A_71 = arith.constant 0 : i32
    %dma_start3A_72 = tpu.memref_slice %arg8[%dma_start3A_64, %dma_start3A_71] : memref<80x128xi32, #tpu.memory_space<vmem>> -> memref<1x128xi32, #tpu.memory_space<vmem>>
    %dma_start3A_73 = tpu.memref_squeeze %dma_start3A_72 : memref<1x128xi32, #tpu.memory_space<vmem>> -> memref<128xi32, #tpu.memory_space<vmem>>
    %dma_start3A_74 = arith.constant 0 : i32
    %dma_start3A_75 = arith.constant 0 : i32
    %dma_start3A_76 = tpu.memref_slice %arg3[%dma_start3A_74, %dma_start3A_75] : memref<10240x128xf32, #tpu.memory_space<hbm>> -> memref<10240x128xf32, #tpu.memory_space<hbm>>
    %dma_start3A_77 = tpu.memref_slice %arg12[%dma_start3A_66] : memref<2x!tpu.dma_semaphore, #tpu.memory_space<semaphore_mem>> -> memref<1x!tpu.dma_semaphore, #tpu.memory_space<semaphore_mem>>
    %dma_start3A_78 = tpu.memref_squeeze %dma_start3A_77 : memref<1x!tpu.dma_semaphore, #tpu.memory_space<semaphore_mem>> -> memref<!tpu.dma_semaphore, #tpu.memory_space<semaphore_mem>>
    tpu.enqueue_indirect_dma source(%dma_start3A_76 : memref<10240x128xf32, #tpu.memory_space<hbm>>) target(%dma_start3A_70 : memref<128x128xf32, #tpu.memory_space<vmem>>) offsets(%dma_start3A_73 : memref<128xi32, #tpu.memory_space<vmem>>) semaphore(%dma_start3A_78 : memref<!tpu.dma_semaphore, #tpu.memory_space<semaphore_mem>>)
    %jit3A_79 = arith.constant 2 : i32
    %div3A = arith.divsi %mul3A_2, %jit3A_79 : i32
    %sign3A = arith.constant 0 : i32
    %sign3A_80 = arith.cmpi sgt, %mul3A_2, %sign3A : i32
    %sign3A_81 = arith.extui %sign3A_80 : i1 to i32
    %sign3A_82 = arith.constant 0 : i32
    %sign3A_83 = arith.cmpi slt, %mul3A_2, %sign3A_82 : i32
    %sign3A_84 = arith.extui %sign3A_83 : i1 to i32
    %sign3A_85 = arith.subi %sign3A_81, %sign3A_84 : i32
    %sign3A_86 = arith.constant 0 : i32
    %sign3A_87 = arith.cmpi sgt, %jit3A_79, %sign3A_86 : i32
    %sign3A_88 = arith.extui %sign3A_87 : i1 to i32
    %sign3A_89 = arith.constant 0 : i32
    %sign3A_90 = arith.cmpi slt, %jit3A_79, %sign3A_89 : i32
    %sign3A_91 = arith.extui %sign3A_90 : i1 to i32
    %sign3A_92 = arith.subi %sign3A_88, %sign3A_91 : i32
    %ne3A = arith.cmpi ne, %sign3A_85, %sign3A_92 : i32
    %rem3A = arith.remsi %mul3A_2, %jit3A_79 : i32
    %ne3A_93 = arith.constant 0 : i32
    %ne3A_94 = arith.cmpi ne, %rem3A, %ne3A_93 : i32
    %and3A = arith.andi %ne3A, %ne3A_94 : i1
    %sub3A = arith.constant 1 : i32
    %sub3A_95 = arith.subi %div3A, %sub3A : i32
    %select_n3A_96 = arith.select %and3A, %sub3A_95, %div3A : i32
    %while3A_97 = arith.constant 0 : i32
    %while3A_98 = arith.constant 0 : i32
    %while3A_99 = arith.subi %select_n3A_96, %while3A_98 : i32
    %while3A_100 = arith.addi %while3A_98, %while3A_99 : i32
    %while3A_101 = arith.constant 1 : i32
    %while3A_102 = arith.divsi %while3A_99, %while3A_101 : i32
    %while3A_103 = arith.muli %while3A_102, %while3A_101 : i32
    %while3A_104 = arith.addi %while3A_98, %while3A_103 : i32
    %while3A_105 = arith.constant 1 : i32
    scf.for %while3A_152 = %while3A_98 to %while3A_104 step %while3A_105  : i32 {
      %mul3A_153 = arith.constant 2 : i32
      %mul3A_154 = arith.muli %while3A_152, %mul3A_153 : i32
      %add3A_155 = arith.constant 0 : i32
      %add3A_156 = arith.addi %mul3A_154, %add3A_155 : i32
      %add3A_157 = arith.constant 2 : i32
      %add3A_158 = arith.addi %add3A_156, %add3A_157 : i32
      %dma_wait3A_159 = arith.constant 0 : i32
      %dma_wait3A_160 = arith.constant 0 : i32
      %dma_wait3A_161 = arith.constant 0 : i32
      %dma_wait3A_162 = arith.constant 0 : i32
      %dma_wait3A_163 = tpu.memref_slice %arg9[%dma_wait3A_159, %dma_wait3A_161, %dma_wait3A_162] : memref<2x128x128xf32, #tpu.memory_space<vmem>> -> memref<1x128x128xf32, #tpu.memory_space<vmem>>
      %dma_wait3A_164 = tpu.memref_squeeze %dma_wait3A_163 : memref<1x128x128xf32, #tpu.memory_space<vmem>> -> memref<128x128xf32, #tpu.memory_space<vmem>>
      %dma_wait3A_165 = arith.constant 0 : i32
      %dma_wait3A_166 = tpu.memref_slice %arg7[%add3A_156, %dma_wait3A_165] : memref<80x128xi32, #tpu.memory_space<vmem>> -> memref<1x128xi32, #tpu.memory_space<vmem>>
      %dma_wait3A_167 = tpu.memref_squeeze %dma_wait3A_166 : memref<1x128xi32, #tpu.memory_space<vmem>> -> memref<128xi32, #tpu.memory_space<vmem>>
      %dma_wait3A_168 = arith.constant 0 : i32
      %dma_wait3A_169 = arith.constant 0 : i32
      %dma_wait3A_170 = tpu.memref_slice %arg2[%dma_wait3A_168, %dma_wait3A_169] : memref<10240x128xf32, #tpu.memory_space<hbm>> -> memref<10240x128xf32, #tpu.memory_space<hbm>>
      %dma_wait3A_171 = tpu.memref_slice %arg11[%dma_wait3A_160] : memref<2x!tpu.dma_semaphore, #tpu.memory_space<semaphore_mem>> -> memref<1x!tpu.dma_semaphore, #tpu.memory_space<semaphore_mem>>
      %dma_wait3A_172 = tpu.memref_squeeze %dma_wait3A_171 : memref<1x!tpu.dma_semaphore, #tpu.memory_space<semaphore_mem>> -> memref<!tpu.dma_semaphore, #tpu.memory_space<semaphore_mem>>
      tpu.wait_indirect_dma semaphore(%dma_wait3A_172 : memref<!tpu.dma_semaphore, #tpu.memory_space<semaphore_mem>>) src(%dma_wait3A_170 : memref<10240x128xf32, #tpu.memory_space<hbm>>) dst(%dma_wait3A_164 : memref<128x128xf32, #tpu.memory_space<vmem>>)
      %dma_wait3A_173 = arith.constant 0 : i32
      %dma_wait3A_174 = arith.constant 0 : i32
      %dma_wait3A_175 = arith.constant 0 : i32
      %dma_wait3A_176 = arith.constant 0 : i32
      %dma_wait3A_177 = tpu.memref_slice %arg10[%dma_wait3A_173, %dma_wait3A_175, %dma_wait3A_176] : memref<2x128x128xf32, #tpu.memory_space<vmem>> -> memref<1x128x128xf32, #tpu.memory_space<vmem>>
      %dma_wait3A_178 = tpu.memref_squeeze %dma_wait3A_177 : memref<1x128x128xf32, #tpu.memory_space<vmem>> -> memref<128x128xf32, #tpu.memory_space<vmem>>
      %dma_wait3A_179 = arith.constant 0 : i32
      %dma_wait3A_180 = tpu.memref_slice %arg8[%add3A_156, %dma_wait3A_179] : memref<80x128xi32, #tpu.memory_space<vmem>> -> memref<1x128xi32, #tpu.memory_space<vmem>>
      %dma_wait3A_181 = tpu.memref_squeeze %dma_wait3A_180 : memref<1x128xi32, #tpu.memory_space<vmem>> -> memref<128xi32, #tpu.memory_space<vmem>>
      %dma_wait3A_182 = arith.constant 0 : i32
      %dma_wait3A_183 = arith.constant 0 : i32
      %dma_wait3A_184 = tpu.memref_slice %arg3[%dma_wait3A_182, %dma_wait3A_183] : memref<10240x128xf32, #tpu.memory_space<hbm>> -> memref<10240x128xf32, #tpu.memory_space<hbm>>
      %dma_wait3A_185 = tpu.memref_slice %arg12[%dma_wait3A_174] : memref<2x!tpu.dma_semaphore, #tpu.memory_space<semaphore_mem>> -> memref<1x!tpu.dma_semaphore, #tpu.memory_space<semaphore_mem>>
      %dma_wait3A_186 = tpu.memref_squeeze %dma_wait3A_185 : memref<1x!tpu.dma_semaphore, #tpu.memory_space<semaphore_mem>> -> memref<!tpu.dma_semaphore, #tpu.memory_space<semaphore_mem>>
      tpu.wait_indirect_dma semaphore(%dma_wait3A_186 : memref<!tpu.dma_semaphore, #tpu.memory_space<semaphore_mem>>) src(%dma_wait3A_184 : memref<10240x128xf32, #tpu.memory_space<hbm>>) dst(%dma_wait3A_178 : memref<128x128xf32, #tpu.memory_space<vmem>>)
      %scan3A = arith.constant 0 : i32
      %scan3A_187 = arith.constant 0 : i32
      %scan3A_188 = arith.constant 128 : i32
      %scan3A_189 = arith.addi %scan3A_187, %scan3A_188 : i32
      %scan3A_190 = arith.constant 1 : i32
      scf.for %scan3A_275 = %scan3A_187 to %scan3A_189 step %scan3A_190  : i32 {
        %get3A = arith.constant 0 : i32
        %get3A_276 = arith.index_cast %get3A : i32 to index
        %get3A_277 = arith.index_cast %scan3A_275 : i32 to index
        %get3A_278 = arith.constant 0 : index
        %get3A_279 = tpu.vector_load %arg9[%get3A_276, %get3A_277, %get3A_278] {strides = array<i32>} : memref<2x128x128xf32, #tpu.memory_space<vmem>>, vector<1x1x16xf32>,
        %get3A_280 = vector.shape_cast %get3A_279 : vector<1x1x16xf32> to vector<16xf32>
        %get3A_281 = arith.constant 0 : i32
        %get3A_282 = arith.index_cast %get3A_281 : i32 to index
        %get3A_283 = arith.index_cast %scan3A_275 : i32 to index
        %get3A_284 = arith.constant 0 : index
        %get3A_285 = tpu.vector_load %arg10[%get3A_282, %get3A_283, %get3A_284] {strides = array<i32>} : memref<2x128x128xf32, #tpu.memory_space<vmem>>, vector<1x1x16xf32>,
        %get3A_286 = vector.shape_cast %get3A_285 : vector<1x1x16xf32> to vector<16xf32>
        %add3A_287 = arith.addf %get3A_280, %get3A_286 : vector<16xf32>
        %swap3A = arith.constant 0 : i32
        %swap3A_288 = arith.index_cast %swap3A : i32 to index
        %swap3A_289 = arith.index_cast %scan3A_275 : i32 to index
        %swap3A_290 = arith.constant 0 : index
        %swap3A_291 = tpu.vector_load %arg9[%swap3A_288, %swap3A_289, %swap3A_290] {strides = array<i32>} : memref<2x128x128xf32, #tpu.memory_space<vmem>>, vector<1x1x16xf32>,
        %swap3A_292 = vector.shape_cast %swap3A_291 : vector<1x1x16xf32> to vector<16xf32>
        %swap3A_293 = vector.shape_cast %add3A_287 : vector<16xf32> to vector<1x1x16xf32>
        tpu.vector_store %arg9[%swap3A_288, %swap3A_289, %swap3A_290], %swap3A_293 {strides = array<i32>} : memref<2x128x128xf32, #tpu.memory_space<vmem>>, vector<1x1x16xf32>,
        %get3A_294 = arith.constant 0 : i32
        %get3A_295 = arith.index_cast %get3A_294 : i32 to index
        %get3A_296 = arith.index_cast %scan3A_275 : i32 to index
        %get3A_297 = arith.constant 16 : index
        %get3A_298 = tpu.vector_load %arg9[%get3A_295, %get3A_296, %get3A_297] {strides = array<i32>} : memref<2x128x128xf32, #tpu.memory_space<vmem>>, vector<1x1x16xf32>,
        %get3A_299 = vector.shape_cast %get3A_298 : vector<1x1x16xf32> to vector<16xf32>
        %get3A_300 = arith.constant 0 : i32
        %get3A_301 = arith.index_cast %get3A_300 : i32 to index
        %get3A_302 = arith.index_cast %scan3A_275 : i32 to index
        %get3A_303 = arith.constant 16 : index
        %get3A_304 = tpu.vector_load %arg10[%get3A_301, %get3A_302, %get3A_303] {strides = array<i32>} : memref<2x128x128xf32, #tpu.memory_space<vmem>>, vector<1x1x16xf32>,
        %get3A_305 = vector.shape_cast %get3A_304 : vector<1x1x16xf32> to vector<16xf32>
        %add3A_306 = arith.addf %get3A_299, %get3A_305 : vector<16xf32>
        %swap3A_307 = arith.constant 0 : i32
        %swap3A_308 = arith.index_cast %swap3A_307 : i32 to index
        %swap3A_309 = arith.index_cast %scan3A_275 : i32 to index
        %swap3A_310 = arith.constant 16 : index
        %swap3A_311 = tpu.vector_load %arg9[%swap3A_308, %swap3A_309, %swap3A_310] {strides = array<i32>} : memref<2x128x128xf32, #tpu.memory_space<vmem>>, vector<1x1x16xf32>,
        %swap3A_312 = vector.shape_cast %swap3A_311 : vector<1x1x16xf32> to vector<16xf32>
        %swap3A_313 = vector.shape_cast %add3A_306 : vector<16xf32> to vector<1x1x16xf32>
        tpu.vector_store %arg9[%swap3A_308, %swap3A_309, %swap3A_310], %swap3A_313 {strides = array<i32>} : memref<2x128x128xf32, #tpu.memory_space<vmem>>, vector<1x1x16xf32>,
        %get3A_314 = arith.constant 0 : i32
        %get3A_315 = arith.index_cast %get3A_314 : i32 to index
        %get3A_316 = arith.index_cast %scan3A_275 : i32 to index
        %get3A_317 = arith.constant 32 : index
        %get3A_318 = tpu.vector_load %arg9[%get3A_315, %get3A_316, %get3A_317] {strides = array<i32>} : memref<2x128x128xf32, #tpu.memory_space<vmem>>, vector<1x1x16xf32>,
        %get3A_319 = vector.shape_cast %get3A_318 : vector<1x1x16xf32> to vector<16xf32>
        %get3A_320 = arith.constant 0 : i32
        %get3A_321 = arith.index_cast %get3A_320 : i32 to index
        %get3A_322 = arith.index_cast %scan3A_275 : i32 to index
        %get3A_323 = arith.constant 32 : index
        %get3A_324 = tpu.vector_load %arg10[%get3A_321, %get3A_322, %get3A_323] {strides = array<i32>} : memref<2x128x128xf32, #tpu.memory_space<vmem>>, vector<1x1x16xf32>,
        %get3A_325 = vector.shape_cast %get3A_324 : vector<1x1x16xf32> to vector<16xf32>
        %add3A_326 = arith.addf %get3A_319, %get3A_325 : vector<16xf32>
        %swap3A_327 = arith.constant 0 : i32
        %swap3A_328 = arith.index_cast %swap3A_327 : i32 to index
        %swap3A_329 = arith.index_cast %scan3A_275 : i32 to index
        %swap3A_330 = arith.constant 32 : index
        %swap3A_331 = tpu.vector_load %arg9[%swap3A_328, %swap3A_329, %swap3A_330] {strides = array<i32>} : memref<2x128x128xf32, #tpu.memory_space<vmem>>, vector<1x1x16xf32>,
        %swap3A_332 = vector.shape_cast %swap3A_331 : vector<1x1x16xf32> to vector<16xf32>
        %swap3A_333 = vector.shape_cast %add3A_326 : vector<16xf32> to vector<1x1x16xf32>
        tpu.vector_store %arg9[%swap3A_328, %swap3A_329, %swap3A_330], %swap3A_333 {strides = array<i32>} : memref<2x128x128xf32, #tpu.memory_space<vmem>>, vector<1x1x16xf32>,
        %get3A_334 = arith.constant 0 : i32
        %get3A_335 = arith.index_cast %get3A_334 : i32 to index
        %get3A_336 = arith.index_cast %scan3A_275 : i32 to index
        %get3A_337 = arith.constant 48 : index
        %get3A_338 = tpu.vector_load %arg9[%get3A_335, %get3A_336, %get3A_337] {strides = array<i32>} : memref<2x128x128xf32, #tpu.memory_space<vmem>>, vector<1x1x16xf32>,
        %get3A_339 = vector.shape_cast %get3A_338 : vector<1x1x16xf32> to vector<16xf32>
        %get3A_340 = arith.constant 0 : i32
        %get3A_341 = arith.index_cast %get3A_340 : i32 to index
        %get3A_342 = arith.index_cast %scan3A_275 : i32 to index
        %get3A_343 = arith.constant 48 : index
        %get3A_344 = tpu.vector_load %arg10[%get3A_341, %get3A_342, %get3A_343] {strides = array<i32>} : memref<2x128x128xf32, #tpu.memory_space<vmem>>, vector<1x1x16xf32>,
        %get3A_345 = vector.shape_cast %get3A_344 : vector<1x1x16xf32> to vector<16xf32>
        %add3A_346 = arith.addf %get3A_339, %get3A_345 : vector<16xf32>
        %swap3A_347 = arith.constant 0 : i32
        %swap3A_348 = arith.index_cast %swap3A_347 : i32 to index
        %swap3A_349 = arith.index_cast %scan3A_275 : i32 to index
        %swap3A_350 = arith.constant 48 : index
        %swap3A_351 = tpu.vector_load %arg9[%swap3A_348, %swap3A_349, %swap3A_350] {strides = array<i32>} : memref<2x128x128xf32, #tpu.memory_space<vmem>>, vector<1x1x16xf32>,
        %swap3A_352 = vector.shape_cast %swap3A_351 : vector<1x1x16xf32> to vector<16xf32>
        %swap3A_353 = vector.shape_cast %add3A_346 : vector<16xf32> to vector<1x1x16xf32>
        tpu.vector_store %arg9[%swap3A_348, %swap3A_349, %swap3A_350], %swap3A_353 {strides = array<i32>} : memref<2x128x128xf32, #tpu.memory_space<vmem>>, vector<1x1x16xf32>,
        %get3A_354 = arith.constant 0 : i32
        %get3A_355 = arith.index_cast %get3A_354 : i32 to index
        %get3A_356 = arith.index_cast %scan3A_275 : i32 to index
        %get3A_357 = arith.constant 64 : index
        %get3A_358 = tpu.vector_load %arg9[%get3A_355, %get3A_356, %get3A_357] {strides = array<i32>} : memref<2x128x128xf32, #tpu.memory_space<vmem>>, vector<1x1x16xf32>,
        %get3A_359 = vector.shape_cast %get3A_358 : vector<1x1x16xf32> to vector<16xf32>
        %get3A_360 = arith.constant 0 : i32
        %get3A_361 = arith.index_cast %get3A_360 : i32 to index
        %get3A_362 = arith.index_cast %scan3A_275 : i32 to index
        %get3A_363 = arith.constant 64 : index
        %get3A_364 = tpu.vector_load %arg10[%get3A_361, %get3A_362, %get3A_363] {strides = array<i32>} : memref<2x128x128xf32, #tpu.memory_space<vmem>>, vector<1x1x16xf32>,
        %get3A_365 = vector.shape_cast %get3A_364 : vector<1x1x16xf32> to vector<16xf32>
        %add3A_366 = arith.addf %get3A_359, %get3A_365 : vector<16xf32>
        %swap3A_367 = arith.constant 0 : i32
        %swap3A_368 = arith.index_cast %swap3A_367 : i32 to index
        %swap3A_369 = arith.index_cast %scan3A_275 : i32 to index
        %swap3A_370 = arith.constant 64 : index
        %swap3A_371 = tpu.vector_load %arg9[%swap3A_368, %swap3A_369, %swap3A_370] {strides = array<i32>} : memref<2x128x128xf32, #tpu.memory_space<vmem>>, vector<1x1x16xf32>,
        %swap3A_372 = vector.shape_cast %swap3A_371 : vector<1x1x16xf32> to vector<16xf32>
        %swap3A_373 = vector.shape_cast %add3A_366 : vector<16xf32> to vector<1x1x16xf32>
        tpu.vector_store %arg9[%swap3A_368, %swap3A_369, %swap3A_370], %swap3A_373 {strides = array<i32>} : memref<2x128x128xf32, #tpu.memory_space<vmem>>, vector<1x1x16xf32>,
        %get3A_374 = arith.constant 0 : i32
        %get3A_375 = arith.index_cast %get3A_374 : i32 to index
        %get3A_376 = arith.index_cast %scan3A_275 : i32 to index
        %get3A_377 = arith.constant 80 : index
        %get3A_378 = tpu.vector_load %arg9[%get3A_375, %get3A_376, %get3A_377] {strides = array<i32>} : memref<2x128x128xf32, #tpu.memory_space<vmem>>, vector<1x1x16xf32>,
        %get3A_379 = vector.shape_cast %get3A_378 : vector<1x1x16xf32> to vector<16xf32>
        %get3A_380 = arith.constant 0 : i32
        %get3A_381 = arith.index_cast %get3A_380 : i32 to index
        %get3A_382 = arith.index_cast %scan3A_275 : i32 to index
        %get3A_383 = arith.constant 80 : index
        %get3A_384 = tpu.vector_load %arg10[%get3A_381, %get3A_382, %get3A_383] {strides = array<i32>} : memref<2x128x128xf32, #tpu.memory_space<vmem>>, vector<1x1x16xf32>,
        %get3A_385 = vector.shape_cast %get3A_384 : vector<1x1x16xf32> to vector<16xf32>
        %add3A_386 = arith.addf %get3A_379, %get3A_385 : vector<16xf32>
        %swap3A_387 = arith.constant 0 : i32
        %swap3A_388 = arith.index_cast %swap3A_387 : i32 to index
        %swap3A_389 = arith.index_cast %scan3A_275 : i32 to index
        %swap3A_390 = arith.constant 80 : index
        %swap3A_391 = tpu.vector_load %arg9[%swap3A_388, %swap3A_389, %swap3A_390] {strides = array<i32>} : memref<2x128x128xf32, #tpu.memory_space<vmem>>, vector<1x1x16xf32>,
        %swap3A_392 = vector.shape_cast %swap3A_391 : vector<1x1x16xf32> to vector<16xf32>
        %swap3A_393 = vector.shape_cast %add3A_386 : vector<16xf32> to vector<1x1x16xf32>
        tpu.vector_store %arg9[%swap3A_388, %swap3A_389, %swap3A_390], %swap3A_393 {strides = array<i32>} : memref<2x128x128xf32, #tpu.memory_space<vmem>>, vector<1x1x16xf32>,
        %get3A_394 = arith.constant 0 : i32
        %get3A_395 = arith.index_cast %get3A_394 : i32 to index
        %get3A_396 = arith.index_cast %scan3A_275 : i32 to index
        %get3A_397 = arith.constant 96 : index
        %get3A_398 = tpu.vector_load %arg9[%get3A_395, %get3A_396, %get3A_397] {strides = array<i32>} : memref<2x128x128xf32, #tpu.memory_space<vmem>>, vector<1x1x16xf32>,
        %get3A_399 = vector.shape_cast %get3A_398 : vector<1x1x16xf32> to vector<16xf32>
        %get3A_400 = arith.constant 0 : i32
        %get3A_401 = arith.index_cast %get3A_400 : i32 to index
        %get3A_402 = arith.index_cast %scan3A_275 : i32 to index
        %get3A_403 = arith.constant 96 : index
        %get3A_404 = tpu.vector_load %arg10[%get3A_401, %get3A_402, %get3A_403] {strides = array<i32>} : memref<2x128x128xf32, #tpu.memory_space<vmem>>, vector<1x1x16xf32>,
        %get3A_405 = vector.shape_cast %get3A_404 : vector<1x1x16xf32> to vector<16xf32>
        %add3A_406 = arith.addf %get3A_399, %get3A_405 : vector<16xf32>
        %swap3A_407 = arith.constant 0 : i32
        %swap3A_408 = arith.index_cast %swap3A_407 : i32 to index
        %swap3A_409 = arith.index_cast %scan3A_275 : i32 to index
        %swap3A_410 = arith.constant 96 : index
        %swap3A_411 = tpu.vector_load %arg9[%swap3A_408, %swap3A_409, %swap3A_410] {strides = array<i32>} : memref<2x128x128xf32, #tpu.memory_space<vmem>>, vector<1x1x16xf32>,
        %swap3A_412 = vector.shape_cast %swap3A_411 : vector<1x1x16xf32> to vector<16xf32>
        %swap3A_413 = vector.shape_cast %add3A_406 : vector<16xf32> to vector<1x1x16xf32>
        tpu.vector_store %arg9[%swap3A_408, %swap3A_409, %swap3A_410], %swap3A_413 {strides = array<i32>} : memref<2x128x128xf32, #tpu.memory_space<vmem>>, vector<1x1x16xf32>,
        %get3A_414 = arith.constant 0 : i32
        %get3A_415 = arith.index_cast %get3A_414 : i32 to index
        %get3A_416 = arith.index_cast %scan3A_275 : i32 to index
        %get3A_417 = arith.constant 112 : index
        %get3A_418 = tpu.vector_load %arg9[%get3A_415, %get3A_416, %get3A_417] {strides = array<i32>} : memref<2x128x128xf32, #tpu.memory_space<vmem>>, vector<1x1x16xf32>,
        %get3A_419 = vector.shape_cast %get3A_418 : vector<1x1x16xf32> to vector<16xf32>
        %get3A_420 = arith.constant 0 : i32
        %get3A_421 = arith.index_cast %get3A_420 : i32 to index
        %get3A_422 = arith.index_cast %scan3A_275 : i32 to index
        %get3A_423 = arith.constant 112 : index
        %get3A_424 = tpu.vector_load %arg10[%get3A_421, %get3A_422, %get3A_423] {strides = array<i32>} : memref<2x128x128xf32, #tpu.memory_space<vmem>>, vector<1x1x16xf32>,
        %get3A_425 = vector.shape_cast %get3A_424 : vector<1x1x16xf32> to vector<16xf32>
        %add3A_426 = arith.addf %get3A_419, %get3A_425 : vector<16xf32>
        %swap3A_427 = arith.constant 0 : i32
        %swap3A_428 = arith.index_cast %swap3A_427 : i32 to index
        %swap3A_429 = arith.index_cast %scan3A_275 : i32 to index
        %swap3A_430 = arith.constant 112 : index
        %swap3A_431 = tpu.vector_load %arg9[%swap3A_428, %swap3A_429, %swap3A_430] {strides = array<i32>} : memref<2x128x128xf32, #tpu.memory_space<vmem>>, vector<1x1x16xf32>,
        %swap3A_432 = vector.shape_cast %swap3A_431 : vector<1x1x16xf32> to vector<16xf32>
        %swap3A_433 = vector.shape_cast %add3A_426 : vector<16xf32> to vector<1x1x16xf32>
        tpu.vector_store %arg9[%swap3A_428, %swap3A_429, %swap3A_430], %swap3A_433 {strides = array<i32>} : memref<2x128x128xf32, #tpu.memory_space<vmem>>, vector<1x1x16xf32>,
      }
      %scan3A_191 = arith.constant 128 : i32
      %mul3A_192 = arith.constant 128 : i32
      %mul3A_193 = arith.muli %add3A_156, %mul3A_192 : i32
      %add3A_194 = arith.addi %mul3A_10, %mul3A_193 : i32
      %dma_start3A_195 = arith.constant 0 : i32
      %dma_start3A_196 = arith.constant 0 : i32
      %dma_start3A_197 = arith.constant 0 : i32
      %dma_start3A_198 = arith.constant 0 : i32
      %dma_start3A_199 = tpu.memref_slice %arg9[%dma_start3A_195, %dma_start3A_197, %dma_start3A_198] : memref<2x128x128xf32, #tpu.memory_space<vmem>> -> memref<1x128x128xf32, #tpu.memory_space<vmem>>
      %dma_start3A_200 = tpu.memref_squeeze %dma_start3A_199 : memref<1x128x128xf32, #tpu.memory_space<vmem>> -> memref<128x128xf32, #tpu.memory_space<vmem>>
      %dma_start3A_201 = arith.constant 0 : i32
      %dma_start3A_202 = tpu.memref_slice %arg6[%add3A_194, %dma_start3A_201] : memref<327680x128xf32, #tpu.memory_space<hbm>> -> memref<128x128xf32, #tpu.memory_space<hbm>>
      %dma_start3A_203 = tpu.memref_slice %arg13[%dma_start3A_196] : memref<2x!tpu.dma_semaphore, #tpu.memory_space<semaphore_mem>> -> memref<1x!tpu.dma_semaphore, #tpu.memory_space<semaphore_mem>>
      %dma_start3A_204 = tpu.memref_squeeze %dma_start3A_203 : memref<1x!tpu.dma_semaphore, #tpu.memory_space<semaphore_mem>> -> memref<!tpu.dma_semaphore, #tpu.memory_space<semaphore_mem>>
      %dma_start3A_205 = arith.constant 0 : i32
      %dma_start3A_206 = tpu.memref_slice %arg6[%add3A_194, %dma_start3A_205] : memref<327680x128xf32, #tpu.memory_space<hbm>> -> memref<128x128xf32, #tpu.memory_space<hbm>>
      %dma_start3A_207 = arith.constant 0 : i32
      %dma_start3A_208 = arith.constant 0 : i32
      %dma_start3A_209 = tpu.memref_slice %arg9[%dma_start3A_195, %dma_start3A_207, %dma_start3A_208] : memref<2x128x128xf32, #tpu.memory_space<vmem>> -> memref<1x128x128xf32, #tpu.memory_space<vmem>>
      %dma_start3A_210 = tpu.memref_squeeze %dma_start3A_209 : memref<1x128x128xf32, #tpu.memory_space<vmem>> -> memref<128x128xf32, #tpu.memory_space<vmem>>
      tpu.enqueue_dma source(%dma_start3A_210 : memref<128x128xf32, #tpu.memory_space<vmem>>) target(%dma_start3A_206 : memref<128x128xf32, #tpu.memory_space<hbm>>) target_semaphore(%dma_start3A_204 : memref<!tpu.dma_semaphore, #tpu.memory_space<semaphore_mem>>)
      %lt3A = arith.cmpi slt, %add3A_158, %mul3A_2 : i32
      %convert_element_type3A = arith.extui %lt3A : i1 to i32
      %cond3A = arith.constant 0 : i32
      %cond3A_211 = arith.cmpi ne, %convert_element_type3A, %cond3A : i32
      scf.if %cond3A_211 {
        %mul3A_275 = arith.constant 128 : i32
        %mul3A_276 = arith.muli %add3A_156, %mul3A_275 : i32
        %add3A_277 = arith.addi %mul3A_10, %mul3A_276 : i32
        %dma_wait3A_278 = arith.constant 0 : i32
        %dma_wait3A_279 = arith.constant 0 : i32
        %dma_wait3A_280 = arith.constant 0 : i32
        %dma_wait3A_281 = arith.constant 0 : i32
        %dma_wait3A_282 = tpu.memref_slice %arg9[%dma_wait3A_278, %dma_wait3A_280, %dma_wait3A_281] : memref<2x128x128xf32, #tpu.memory_space<vmem>> -> memref<1x128x128xf32, #tpu.memory_space<vmem>>
        %dma_wait3A_283 = tpu.memref_squeeze %dma_wait3A_282 : memref<1x128x128xf32, #tpu.memory_space<vmem>> -> memref<128x128xf32, #tpu.memory_space<vmem>>
        %dma_wait3A_284 = arith.constant 0 : i32
        %dma_wait3A_285 = tpu.memref_slice %arg6[%add3A_277, %dma_wait3A_284] : memref<327680x128xf32, #tpu.memory_space<hbm>> -> memref<128x128xf32, #tpu.memory_space<hbm>>
        %dma_wait3A_286 = tpu.memref_slice %arg13[%dma_wait3A_279] : memref<2x!tpu.dma_semaphore, #tpu.memory_space<semaphore_mem>> -> memref<1x!tpu.dma_semaphore, #tpu.memory_space<semaphore_mem>>
        %dma_wait3A_287 = tpu.memref_squeeze %dma_wait3A_286 : memref<1x!tpu.dma_semaphore, #tpu.memory_space<semaphore_mem>> -> memref<!tpu.dma_semaphore, #tpu.memory_space<semaphore_mem>>
        %dma_wait3A_288 = arith.constant 0 : i32
        %dma_wait3A_289 = tpu.memref_slice %arg6[%add3A_277, %dma_wait3A_288] : memref<327680x128xf32, #tpu.memory_space<hbm>> -> memref<128x128xf32, #tpu.memory_space<hbm>>
        %dma_wait3A_290 = arith.constant 0 : i32
        %dma_wait3A_291 = arith.constant 0 : i32
        %dma_wait3A_292 = tpu.memref_slice %arg9[%dma_wait3A_278, %dma_wait3A_290, %dma_wait3A_291] : memref<2x128x128xf32, #tpu.memory_space<vmem>> -> memref<1x128x128xf32, #tpu.memory_space<vmem>>
        %dma_wait3A_293 = tpu.memref_squeeze %dma_wait3A_292 : memref<1x128x128xf32, #tpu.memory_space<vmem>> -> memref<128x128xf32, #tpu.memory_space<vmem>>
        tpu.wait_dma2 semaphore(%dma_wait3A_287 : memref<!tpu.dma_semaphore, #tpu.memory_space<semaphore_mem>>) src(%dma_wait3A_293 : memref<128x128xf32, #tpu.memory_space<vmem>>) dst(%dma_wait3A_289 : memref<128x128xf32, #tpu.memory_space<hbm>>)
        %dma_start3A_294 = arith.constant 0 : i32
        %dma_start3A_295 = arith.constant 0 : i32
        %dma_start3A_296 = arith.constant 0 : i32
        %dma_start3A_297 = arith.constant 0 : i32
        %dma_start3A_298 = tpu.memref_slice %arg9[%dma_start3A_294, %dma_start3A_296, %dma_start3A_297] : memref<2x128x128xf32, #tpu.memory_space<vmem>> -> memref<1x128x128xf32, #tpu.memory_space<vmem>>
        %dma_start3A_299 = tpu.memref_squeeze %dma_start3A_298 : memref<1x128x128xf32, #tpu.memory_space<vmem>> -> memref<128x128xf32, #tpu.memory_space<vmem>>
        %dma_start3A_300 = arith.constant 0 : i32
        %dma_start3A_301 = tpu.memref_slice %arg7[%add3A_158, %dma_start3A_300] : memref<80x128xi32, #tpu.memory_space<vmem>> -> memref<1x128xi32, #tpu.memory_space<vmem>>
        %dma_start3A_302 = tpu.memref_squeeze %dma_start3A_301 : memref<1x128xi32, #tpu.memory_space<vmem>> -> memref<128xi32, #tpu.memory_space<vmem>>
        %dma_start3A_303 = arith.constant 0 : i32
        %dma_start3A_304 = arith.constant 0 : i32
        %dma_start3A_305 = tpu.memref_slice %arg2[%dma_start3A_303, %dma_start3A_304] : memref<10240x128xf32, #tpu.memory_space<hbm>> -> memref<10240x128xf32, #tpu.memory_space<hbm>>
        %dma_start3A_306 = tpu.memref_slice %arg11[%dma_start3A_295] : memref<2x!tpu.dma_semaphore, #tpu.memory_space<semaphore_mem>> -> memref<1x!tpu.dma_semaphore, #tpu.memory_space<semaphore_mem>>
        %dma_start3A_307 = tpu.memref_squeeze %dma_start3A_306 : memref<1x!tpu.dma_semaphore, #tpu.memory_space<semaphore_mem>> -> memref<!tpu.dma_semaphore, #tpu.memory_space<semaphore_mem>>
        tpu.enqueue_indirect_dma source(%dma_start3A_305 : memref<10240x128xf32, #tpu.memory_space<hbm>>) target(%dma_start3A_299 : memref<128x128xf32, #tpu.memory_space<vmem>>) offsets(%dma_start3A_302 : memref<128xi32, #tpu.memory_space<vmem>>) semaphore(%dma_start3A_307 : memref<!tpu.dma_semaphore, #tpu.memory_space<semaphore_mem>>)
        %dma_start3A_308 = arith.constant 0 : i32
        %dma_start3A_309 = arith.constant 0 : i32
        %dma_start3A_310 = arith.constant 0 : i32
        %dma_start3A_311 = arith.constant 0 : i32
        %dma_start3A_312 = tpu.memref_slice %arg10[%dma_start3A_308, %dma_start3A_310, %dma_start3A_311] : memref<2x128x128xf32, #tpu.memory_space<vmem>> -> memref<1x128x128xf32, #tpu.memory_space<vmem>>
        %dma_start3A_313 = tpu.memref_squeeze %dma_start3A_312 : memref<1x128x128xf32, #tpu.memory_space<vmem>> -> memref<128x128xf32, #tpu.memory_space<vmem>>
        %dma_start3A_314 = arith.constant 0 : i32
        %dma_start3A_315 = tpu.memref_slice %arg8[%add3A_158, %dma_start3A_314] : memref<80x128xi32, #tpu.memory_space<vmem>> -> memref<1x128xi32, #tpu.memory_space<vmem>>
        %dma_start3A_316 = tpu.memref_squeeze %dma_start3A_315 : memref<1x128xi32, #tpu.memory_space<vmem>> -> memref<128xi32, #tpu.memory_space<vmem>>
        %dma_start3A_317 = arith.constant 0 : i32
        %dma_start3A_318 = arith.constant 0 : i32
        %dma_start3A_319 = tpu.memref_slice %arg3[%dma_start3A_317, %dma_start3A_318] : memref<10240x128xf32, #tpu.memory_space<hbm>> -> memref<10240x128xf32, #tpu.memory_space<hbm>>
        %dma_start3A_320 = tpu.memref_slice %arg12[%dma_start3A_309] : memref<2x!tpu.dma_semaphore, #tpu.memory_space<semaphore_mem>> -> memref<1x!tpu.dma_semaphore, #tpu.memory_space<semaphore_mem>>
        %dma_start3A_321 = tpu.memref_squeeze %dma_start3A_320 : memref<1x!tpu.dma_semaphore, #tpu.memory_space<semaphore_mem>> -> memref<!tpu.dma_semaphore, #tpu.memory_space<semaphore_mem>>
        tpu.enqueue_indirect_dma source(%dma_start3A_319 : memref<10240x128xf32, #tpu.memory_space<hbm>>) target(%dma_start3A_313 : memref<128x128xf32, #tpu.memory_space<vmem>>) offsets(%dma_start3A_316 : memref<128xi32, #tpu.memory_space<vmem>>) semaphore(%dma_start3A_321 : memref<!tpu.dma_semaphore, #tpu.memory_space<semaphore_mem>>)
      } else {
      }
      %mul3A_212 = arith.constant 2 : i32
      %mul3A_213 = arith.muli %while3A_152, %mul3A_212 : i32
      %add3A_214 = arith.constant 1 : i32
      %add3A_215 = arith.addi %mul3A_213, %add3A_214 : i32
      %add3A_216 = arith.constant 2 : i32
      %add3A_217 = arith.addi %add3A_215, %add3A_216 : i32
      %dma_wait3A_218 = arith.constant 1 : i32
      %dma_wait3A_219 = arith.constant 1 : i32
      %dma_wait3A_220 = arith.constant 0 : i32
      %dma_wait3A_221 = arith.constant 0 : i32
      %dma_wait3A_222 = tpu.memref_slice %arg9[%dma_wait3A_218, %dma_wait3A_220, %dma_wait3A_221] : memref<2x128x128xf32, #tpu.memory_space<vmem>> -> memref<1x128x128xf32, #tpu.memory_space<vmem>>
      %dma_wait3A_223 = tpu.memref_squeeze %dma_wait3A_222 : memref<1x128x128xf32, #tpu.memory_space<vmem>> -> memref<128x128xf32, #tpu.memory_space<vmem>>
      %dma_wait3A_224 = arith.constant 0 : i32
      %dma_wait3A_225 = tpu.memref_slice %arg7[%add3A_215, %dma_wait3A_224] : memref<80x128xi32, #tpu.memory_space<vmem>> -> memref<1x128xi32, #tpu.memory_space<vmem>>
      %dma_wait3A_226 = tpu.memref_squeeze %dma_wait3A_225 : memref<1x128xi32, #tpu.memory_space<vmem>> -> memref<128xi32, #tpu.memory_space<vmem>>
      %dma_wait3A_227 = arith.constant 0 : i32
      %dma_wait3A_228 = arith.constant 0 : i32
      %dma_wait3A_229 = tpu.memref_slice %arg2[%dma_wait3A_227, %dma_wait3A_228] : memref<10240x128xf32, #tpu.memory_space<hbm>> -> memref<10240x128xf32, #tpu.memory_space<hbm>>
      %dma_wait3A_230 = tpu.memref_slice %arg11[%dma_wait3A_219] : memref<2x!tpu.dma_semaphore, #tpu.memory_space<semaphore_mem>> -> memref<1x!tpu.dma_semaphore, #tpu.memory_space<semaphore_mem>>
      %dma_wait3A_231 = tpu.memref_squeeze %dma_wait3A_230 : memref<1x!tpu.dma_semaphore, #tpu.memory_space<semaphore_mem>> -> memref<!tpu.dma_semaphore, #tpu.memory_space<semaphore_mem>>
      tpu.wait_indirect_dma semaphore(%dma_wait3A_231 : memref<!tpu.dma_semaphore, #tpu.memory_space<semaphore_mem>>) src(%dma_wait3A_229 : memref<10240x128xf32, #tpu.memory_space<hbm>>) dst(%dma_wait3A_223 : memref<128x128xf32, #tpu.memory_space<vmem>>)
      %dma_wait3A_232 = arith.constant 1 : i32
      %dma_wait3A_233 = arith.constant 1 : i32
      %dma_wait3A_234 = arith.constant 0 : i32
      %dma_wait3A_235 = arith.constant 0 : i32
      %dma_wait3A_236 = tpu.memref_slice %arg10[%dma_wait3A_232, %dma_wait3A_234, %dma_wait3A_235] : memref<2x128x128xf32, #tpu.memory_space<vmem>> -> memref<1x128x128xf32, #tpu.memory_space<vmem>>
      %dma_wait3A_237 = tpu.memref_squeeze %dma_wait3A_236 : memref<1x128x128xf32, #tpu.memory_space<vmem>> -> memref<128x128xf32, #tpu.memory_space<vmem>>
      %dma_wait3A_238 = arith.constant 0 : i32
      %dma_wait3A_239 = tpu.memref_slice %arg8[%add3A_215, %dma_wait3A_238] : memref<80x128xi32, #tpu.memory_space<vmem>> -> memref<1x128xi32, #tpu.memory_space<vmem>>
      %dma_wait3A_240 = tpu.memref_squeeze %dma_wait3A_239 : memref<1x128xi32, #tpu.memory_space<vmem>> -> memref<128xi32, #tpu.memory_space<vmem>>
      %dma_wait3A_241 = arith.constant 0 : i32
      %dma_wait3A_242 = arith.constant 0 : i32
      %dma_wait3A_243 = tpu.memref_slice %arg3[%dma_wait3A_241, %dma_wait3A_242] : memref<10240x128xf32, #tpu.memory_space<hbm>> -> memref<10240x128xf32, #tpu.memory_space<hbm>>
      %dma_wait3A_244 = tpu.memref_slice %arg12[%dma_wait3A_233] : memref<2x!tpu.dma_semaphore, #tpu.memory_space<semaphore_mem>> -> memref<1x!tpu.dma_semaphore, #tpu.memory_space<semaphore_mem>>
      %dma_wait3A_245 = tpu.memref_squeeze %dma_wait3A_244 : memref<1x!tpu.dma_semaphore, #tpu.memory_space<semaphore_mem>> -> memref<!tpu.dma_semaphore, #tpu.memory_space<semaphore_mem>>
      tpu.wait_indirect_dma semaphore(%dma_wait3A_245 : memref<!tpu.dma_semaphore, #tpu.memory_space<semaphore_mem>>) src(%dma_wait3A_243 : memref<10240x128xf32, #tpu.memory_space<hbm>>) dst(%dma_wait3A_237 : memref<128x128xf32, #tpu.memory_space<vmem>>)
      %scan3A_246 = arith.constant 0 : i32
      %scan3A_247 = arith.constant 0 : i32
      %scan3A_248 = arith.constant 128 : i32
      %scan3A_249 = arith.addi %scan3A_247, %scan3A_248 : i32
      %scan3A_250 = arith.constant 1 : i32
      scf.for %scan3A_275 = %scan3A_247 to %scan3A_249 step %scan3A_250  : i32 {
        %get3A = arith.constant 1 : i32
        %get3A_276 = arith.index_cast %get3A : i32 to index
        %get3A_277 = arith.index_cast %scan3A_275 : i32 to index
        %get3A_278 = arith.constant 0 : index
        %get3A_279 = tpu.vector_load %arg9[%get3A_276, %get3A_277, %get3A_278] {strides = array<i32>} : memref<2x128x128xf32, #tpu.memory_space<vmem>>, vector<1x1x16xf32>,
        %get3A_280 = vector.shape_cast %get3A_279 : vector<1x1x16xf32> to vector<16xf32>
        %get3A_281 = arith.constant 1 : i32
        %get3A_282 = arith.index_cast %get3A_281 : i32 to index
        %get3A_283 = arith.index_cast %scan3A_275 : i32 to index
        %get3A_284 = arith.constant 0 : index
        %get3A_285 = tpu.vector_load %arg10[%get3A_282, %get3A_283, %get3A_284] {strides = array<i32>} : memref<2x128x128xf32, #tpu.memory_space<vmem>>, vector<1x1x16xf32>,
        %get3A_286 = vector.shape_cast %get3A_285 : vector<1x1x16xf32> to vector<16xf32>
        %add3A_287 = arith.addf %get3A_280, %get3A_286 : vector<16xf32>
        %swap3A = arith.constant 1 : i32
        %swap3A_288 = arith.index_cast %swap3A : i32 to index
        %swap3A_289 = arith.index_cast %scan3A_275 : i32 to index
        %swap3A_290 = arith.constant 0 : index
        %swap3A_291 = tpu.vector_load %arg9[%swap3A_288, %swap3A_289, %swap3A_290] {strides = array<i32>} : memref<2x128x128xf32, #tpu.memory_space<vmem>>, vector<1x1x16xf32>,
        %swap3A_292 = vector.shape_cast %swap3A_291 : vector<1x1x16xf32> to vector<16xf32>
        %swap3A_293 = vector.shape_cast %add3A_287 : vector<16xf32> to vector<1x1x16xf32>
        tpu.vector_store %arg9[%swap3A_288, %swap3A_289, %swap3A_290], %swap3A_293 {strides = array<i32>} : memref<2x128x128xf32, #tpu.memory_space<vmem>>, vector<1x1x16xf32>,
        %get3A_294 = arith.constant 1 : i32
        %get3A_295 = arith.index_cast %get3A_294 : i32 to index
        %get3A_296 = arith.index_cast %scan3A_275 : i32 to index
        %get3A_297 = arith.constant 16 : index
        %get3A_298 = tpu.vector_load %arg9[%get3A_295, %get3A_296, %get3A_297] {strides = array<i32>} : memref<2x128x128xf32, #tpu.memory_space<vmem>>, vector<1x1x16xf32>,
        %get3A_299 = vector.shape_cast %get3A_298 : vector<1x1x16xf32> to vector<16xf32>
        %get3A_300 = arith.constant 1 : i32
        %get3A_301 = arith.index_cast %get3A_300 : i32 to index
        %get3A_302 = arith.index_cast %scan3A_275 : i32 to index
        %get3A_303 = arith.constant 16 : index
        %get3A_304 = tpu.vector_load %arg10[%get3A_301, %get3A_302, %get3A_303] {strides = array<i32>} : memref<2x128x128xf32, #tpu.memory_space<vmem>>, vector<1x1x16xf32>,
        %get3A_305 = vector.shape_cast %get3A_304 : vector<1x1x16xf32> to vector<16xf32>
        %add3A_306 = arith.addf %get3A_299, %get3A_305 : vector<16xf32>
        %swap3A_307 = arith.constant 1 : i32
        %swap3A_308 = arith.index_cast %swap3A_307 : i32 to index
        %swap3A_309 = arith.index_cast %scan3A_275 : i32 to index
        %swap3A_310 = arith.constant 16 : index
        %swap3A_311 = tpu.vector_load %arg9[%swap3A_308, %swap3A_309, %swap3A_310] {strides = array<i32>} : memref<2x128x128xf32, #tpu.memory_space<vmem>>, vector<1x1x16xf32>,
        %swap3A_312 = vector.shape_cast %swap3A_311 : vector<1x1x16xf32> to vector<16xf32>
        %swap3A_313 = vector.shape_cast %add3A_306 : vector<16xf32> to vector<1x1x16xf32>
        tpu.vector_store %arg9[%swap3A_308, %swap3A_309, %swap3A_310], %swap3A_313 {strides = array<i32>} : memref<2x128x128xf32, #tpu.memory_space<vmem>>, vector<1x1x16xf32>,
        %get3A_314 = arith.constant 1 : i32
        %get3A_315 = arith.index_cast %get3A_314 : i32 to index
        %get3A_316 = arith.index_cast %scan3A_275 : i32 to index
        %get3A_317 = arith.constant 32 : index
        %get3A_318 = tpu.vector_load %arg9[%get3A_315, %get3A_316, %get3A_317] {strides = array<i32>} : memref<2x128x128xf32, #tpu.memory_space<vmem>>, vector<1x1x16xf32>,
        %get3A_319 = vector.shape_cast %get3A_318 : vector<1x1x16xf32> to vector<16xf32>
        %get3A_320 = arith.constant 1 : i32
        %get3A_321 = arith.index_cast %get3A_320 : i32 to index
        %get3A_322 = arith.index_cast %scan3A_275 : i32 to index
        %get3A_323 = arith.constant 32 : index
        %get3A_324 = tpu.vector_load %arg10[%get3A_321, %get3A_322, %get3A_323] {strides = array<i32>} : memref<2x128x128xf32, #tpu.memory_space<vmem>>, vector<1x1x16xf32>,
        %get3A_325 = vector.shape_cast %get3A_324 : vector<1x1x16xf32> to vector<16xf32>
        %add3A_326 = arith.addf %get3A_319, %get3A_325 : vector<16xf32>
        %swap3A_327 = arith.constant 1 : i32
        %swap3A_328 = arith.index_cast %swap3A_327 : i32 to index
        %swap3A_329 = arith.index_cast %scan3A_275 : i32 to index
        %swap3A_330 = arith.constant 32 : index
        %swap3A_331 = tpu.vector_load %arg9[%swap3A_328, %swap3A_329, %swap3A_330] {strides = array<i32>} : memref<2x128x128xf32, #tpu.memory_space<vmem>>, vector<1x1x16xf32>,
        %swap3A_332 = vector.shape_cast %swap3A_331 : vector<1x1x16xf32> to vector<16xf32>
        %swap3A_333 = vector.shape_cast %add3A_326 : vector<16xf32> to vector<1x1x16xf32>
        tpu.vector_store %arg9[%swap3A_328, %swap3A_329, %swap3A_330], %swap3A_333 {strides = array<i32>} : memref<2x128x128xf32, #tpu.memory_space<vmem>>, vector<1x1x16xf32>,
        %get3A_334 = arith.constant 1 : i32
        %get3A_335 = arith.index_cast %get3A_334 : i32 to index
        %get3A_336 = arith.index_cast %scan3A_275 : i32 to index
        %get3A_337 = arith.constant 48 : index
        %get3A_338 = tpu.vector_load %arg9[%get3A_335, %get3A_336, %get3A_337] {strides = array<i32>} : memref<2x128x128xf32, #tpu.memory_space<vmem>>, vector<1x1x16xf32>,
        %get3A_339 = vector.shape_cast %get3A_338 : vector<1x1x16xf32> to vector<16xf32>
        %get3A_340 = arith.constant 1 : i32
        %get3A_341 = arith.index_cast %get3A_340 : i32 to index
        %get3A_342 = arith.index_cast %scan3A_275 : i32 to index
        %get3A_343 = arith.constant 48 : index
        %get3A_344 = tpu.vector_load %arg10[%get3A_341, %get3A_342, %get3A_343] {strides = array<i32>} : memref<2x128x128xf32, #tpu.memory_space<vmem>>, vector<1x1x16xf32>,
        %get3A_345 = vector.shape_cast %get3A_344 : vector<1x1x16xf32> to vector<16xf32>
        %add3A_346 = arith.addf %get3A_339, %get3A_345 : vector<16xf32>
        %swap3A_347 = arith.constant 1 : i32
        %swap3A_348 = arith.index_cast %swap3A_347 : i32 to index
        %swap3A_349 = arith.index_cast %scan3A_275 : i32 to index
        %swap3A_350 = arith.constant 48 : index
        %swap3A_351 = tpu.vector_load %arg9[%swap3A_348, %swap3A_349, %swap3A_350] {strides = array<i32>} : memref<2x128x128xf32, #tpu.memory_space<vmem>>, vector<1x1x16xf32>,
        %swap3A_352 = vector.shape_cast %swap3A_351 : vector<1x1x16xf32> to vector<16xf32>
        %swap3A_353 = vector.shape_cast %add3A_346 : vector<16xf32> to vector<1x1x16xf32>
        tpu.vector_store %arg9[%swap3A_348, %swap3A_349, %swap3A_350], %swap3A_353 {strides = array<i32>} : memref<2x128x128xf32, #tpu.memory_space<vmem>>, vector<1x1x16xf32>,
        %get3A_354 = arith.constant 1 : i32
        %get3A_355 = arith.index_cast %get3A_354 : i32 to index
        %get3A_356 = arith.index_cast %scan3A_275 : i32 to index
        %get3A_357 = arith.constant 64 : index
        %get3A_358 = tpu.vector_load %arg9[%get3A_355, %get3A_356, %get3A_357] {strides = array<i32>} : memref<2x128x128xf32, #tpu.memory_space<vmem>>, vector<1x1x16xf32>,
        %get3A_359 = vector.shape_cast %get3A_358 : vector<1x1x16xf32> to vector<16xf32>
        %get3A_360 = arith.constant 1 : i32
        %get3A_361 = arith.index_cast %get3A_360 : i32 to index
        %get3A_362 = arith.index_cast %scan3A_275 : i32 to index
        %get3A_363 = arith.constant 64 : index
        %get3A_364 = tpu.vector_load %arg10[%get3A_361, %get3A_362, %get3A_363] {strides = array<i32>} : memref<2x128x128xf32, #tpu.memory_space<vmem>>, vector<1x1x16xf32>,
        %get3A_365 = vector.shape_cast %get3A_364 : vector<1x1x16xf32> to vector<16xf32>
        %add3A_366 = arith.addf %get3A_359, %get3A_365 : vector<16xf32>
        %swap3A_367 = arith.constant 1 : i32
        %swap3A_368 = arith.index_cast %swap3A_367 : i32 to index
        %swap3A_369 = arith.index_cast %scan3A_275 : i32 to index
        %swap3A_370 = arith.constant 64 : index
        %swap3A_371 = tpu.vector_load %arg9[%swap3A_368, %swap3A_369, %swap3A_370] {strides = array<i32>} : memref<2x128x128xf32, #tpu.memory_space<vmem>>, vector<1x1x16xf32>,
        %swap3A_372 = vector.shape_cast %swap3A_371 : vector<1x1x16xf32> to vector<16xf32>
        %swap3A_373 = vector.shape_cast %add3A_366 : vector<16xf32> to vector<1x1x16xf32>
        tpu.vector_store %arg9[%swap3A_368, %swap3A_369, %swap3A_370], %swap3A_373 {strides = array<i32>} : memref<2x128x128xf32, #tpu.memory_space<vmem>>, vector<1x1x16xf32>,
        %get3A_374 = arith.constant 1 : i32
        %get3A_375 = arith.index_cast %get3A_374 : i32 to index
        %get3A_376 = arith.index_cast %scan3A_275 : i32 to index
        %get3A_377 = arith.constant 80 : index
        %get3A_378 = tpu.vector_load %arg9[%get3A_375, %get3A_376, %get3A_377] {strides = array<i32>} : memref<2x128x128xf32, #tpu.memory_space<vmem>>, vector<1x1x16xf32>,
        %get3A_379 = vector.shape_cast %get3A_378 : vector<1x1x16xf32> to vector<16xf32>
        %get3A_380 = arith.constant 1 : i32
        %get3A_381 = arith.index_cast %get3A_380 : i32 to index
        %get3A_382 = arith.index_cast %scan3A_275 : i32 to index
        %get3A_383 = arith.constant 80 : index
        %get3A_384 = tpu.vector_load %arg10[%get3A_381, %get3A_382, %get3A_383] {strides = array<i32>} : memref<2x128x128xf32, #tpu.memory_space<vmem>>, vector<1x1x16xf32>,
        %get3A_385 = vector.shape_cast %get3A_384 : vector<1x1x16xf32> to vector<16xf32>
        %add3A_386 = arith.addf %get3A_379, %get3A_385 : vector<16xf32>
        %swap3A_387 = arith.constant 1 : i32
        %swap3A_388 = arith.index_cast %swap3A_387 : i32 to index
        %swap3A_389 = arith.index_cast %scan3A_275 : i32 to index
        %swap3A_390 = arith.constant 80 : index
        %swap3A_391 = tpu.vector_load %arg9[%swap3A_388, %swap3A_389, %swap3A_390] {strides = array<i32>} : memref<2x128x128xf32, #tpu.memory_space<vmem>>, vector<1x1x16xf32>,
        %swap3A_392 = vector.shape_cast %swap3A_391 : vector<1x1x16xf32> to vector<16xf32>
        %swap3A_393 = vector.shape_cast %add3A_386 : vector<16xf32> to vector<1x1x16xf32>
        tpu.vector_store %arg9[%swap3A_388, %swap3A_389, %swap3A_390], %swap3A_393 {strides = array<i32>} : memref<2x128x128xf32, #tpu.memory_space<vmem>>, vector<1x1x16xf32>,
        %get3A_394 = arith.constant 1 : i32
        %get3A_395 = arith.index_cast %get3A_394 : i32 to index
        %get3A_396 = arith.index_cast %scan3A_275 : i32 to index
        %get3A_397 = arith.constant 96 : index
        %get3A_398 = tpu.vector_load %arg9[%get3A_395, %get3A_396, %get3A_397] {strides = array<i32>} : memref<2x128x128xf32, #tpu.memory_space<vmem>>, vector<1x1x16xf32>,
        %get3A_399 = vector.shape_cast %get3A_398 : vector<1x1x16xf32> to vector<16xf32>
        %get3A_400 = arith.constant 1 : i32
        %get3A_401 = arith.index_cast %get3A_400 : i32 to index
        %get3A_402 = arith.index_cast %scan3A_275 : i32 to index
        %get3A_403 = arith.constant 96 : index
        %get3A_404 = tpu.vector_load %arg10[%get3A_401, %get3A_402, %get3A_403] {strides = array<i32>} : memref<2x128x128xf32, #tpu.memory_space<vmem>>, vector<1x1x16xf32>,
        %get3A_405 = vector.shape_cast %get3A_404 : vector<1x1x16xf32> to vector<16xf32>
        %add3A_406 = arith.addf %get3A_399, %get3A_405 : vector<16xf32>
        %swap3A_407 = arith.constant 1 : i32
        %swap3A_408 = arith.index_cast %swap3A_407 : i32 to index
        %swap3A_409 = arith.index_cast %scan3A_275 : i32 to index
        %swap3A_410 = arith.constant 96 : index
        %swap3A_411 = tpu.vector_load %arg9[%swap3A_408, %swap3A_409, %swap3A_410] {strides = array<i32>} : memref<2x128x128xf32, #tpu.memory_space<vmem>>, vector<1x1x16xf32>,
        %swap3A_412 = vector.shape_cast %swap3A_411 : vector<1x1x16xf32> to vector<16xf32>
        %swap3A_413 = vector.shape_cast %add3A_406 : vector<16xf32> to vector<1x1x16xf32>
        tpu.vector_store %arg9[%swap3A_408, %swap3A_409, %swap3A_410], %swap3A_413 {strides = array<i32>} : memref<2x128x128xf32, #tpu.memory_space<vmem>>, vector<1x1x16xf32>,
        %get3A_414 = arith.constant 1 : i32
        %get3A_415 = arith.index_cast %get3A_414 : i32 to index
        %get3A_416 = arith.index_cast %scan3A_275 : i32 to index
        %get3A_417 = arith.constant 112 : index
        %get3A_418 = tpu.vector_load %arg9[%get3A_415, %get3A_416, %get3A_417] {strides = array<i32>} : memref<2x128x128xf32, #tpu.memory_space<vmem>>, vector<1x1x16xf32>,
        %get3A_419 = vector.shape_cast %get3A_418 : vector<1x1x16xf32> to vector<16xf32>
        %get3A_420 = arith.constant 1 : i32
        %get3A_421 = arith.index_cast %get3A_420 : i32 to index
        %get3A_422 = arith.index_cast %scan3A_275 : i32 to index
        %get3A_423 = arith.constant 112 : index
        %get3A_424 = tpu.vector_load %arg10[%get3A_421, %get3A_422, %get3A_423] {strides = array<i32>} : memref<2x128x128xf32, #tpu.memory_space<vmem>>, vector<1x1x16xf32>,
        %get3A_425 = vector.shape_cast %get3A_424 : vector<1x1x16xf32> to vector<16xf32>
        %add3A_426 = arith.addf %get3A_419, %get3A_425 : vector<16xf32>
        %swap3A_427 = arith.constant 1 : i32
        %swap3A_428 = arith.index_cast %swap3A_427 : i32 to index
        %swap3A_429 = arith.index_cast %scan3A_275 : i32 to index
        %swap3A_430 = arith.constant 112 : index
        %swap3A_431 = tpu.vector_load %arg9[%swap3A_428, %swap3A_429, %swap3A_430] {strides = array<i32>} : memref<2x128x128xf32, #tpu.memory_space<vmem>>, vector<1x1x16xf32>,
        %swap3A_432 = vector.shape_cast %swap3A_431 : vector<1x1x16xf32> to vector<16xf32>
        %swap3A_433 = vector.shape_cast %add3A_426 : vector<16xf32> to vector<1x1x16xf32>
        tpu.vector_store %arg9[%swap3A_428, %swap3A_429, %swap3A_430], %swap3A_433 {strides = array<i32>} : memref<2x128x128xf32, #tpu.memory_space<vmem>>, vector<1x1x16xf32>,
      }
      %scan3A_251 = arith.constant 128 : i32
      %mul3A_252 = arith.constant 128 : i32
      %mul3A_253 = arith.muli %add3A_215, %mul3A_252 : i32
      %add3A_254 = arith.addi %mul3A_10, %mul3A_253 : i32
      %dma_start3A_255 = arith.constant 1 : i32
      %dma_start3A_256 = arith.constant 1 : i32
      %dma_start3A_257 = arith.constant 0 : i32
      %dma_start3A_258 = arith.constant 0 : i32
      %dma_start3A_259 = tpu.memref_slice %arg9[%dma_start3A_255, %dma_start3A_257, %dma_start3A_258] : memref<2x128x128xf32, #tpu.memory_space<vmem>> -> memref<1x128x128xf32, #tpu.memory_space<vmem>>
      %dma_start3A_260 = tpu.memref_squeeze %dma_start3A_259 : memref<1x128x128xf32, #tpu.memory_space<vmem>> -> memref<128x128xf32, #tpu.memory_space<vmem>>
      %dma_start3A_261 = arith.constant 0 : i32
      %dma_start3A_262 = tpu.memref_slice %arg6[%add3A_254, %dma_start3A_261] : memref<327680x128xf32, #tpu.memory_space<hbm>> -> memref<128x128xf32, #tpu.memory_space<hbm>>
      %dma_start3A_263 = tpu.memref_slice %arg13[%dma_start3A_256] : memref<2x!tpu.dma_semaphore, #tpu.memory_space<semaphore_mem>> -> memref<1x!tpu.dma_semaphore, #tpu.memory_space<semaphore_mem>>
      %dma_start3A_264 = tpu.memref_squeeze %dma_start3A_263 : memref<1x!tpu.dma_semaphore, #tpu.memory_space<semaphore_mem>> -> memref<!tpu.dma_semaphore, #tpu.memory_space<semaphore_mem>>
      %dma_start3A_265 = arith.constant 0 : i32
      %dma_start3A_266 = tpu.memref_slice %arg6[%add3A_254, %dma_start3A_265] : memref<327680x128xf32, #tpu.memory_space<hbm>> -> memref<128x128xf32, #tpu.memory_space<hbm>>
      %dma_start3A_267 = arith.constant 0 : i32
      %dma_start3A_268 = arith.constant 0 : i32
      %dma_start3A_269 = tpu.memref_slice %arg9[%dma_start3A_255, %dma_start3A_267, %dma_start3A_268] : memref<2x128x128xf32, #tpu.memory_space<vmem>> -> memref<1x128x128xf32, #tpu.memory_space<vmem>>
      %dma_start3A_270 = tpu.memref_squeeze %dma_start3A_269 : memref<1x128x128xf32, #tpu.memory_space<vmem>> -> memref<128x128xf32, #tpu.memory_space<vmem>>
      tpu.enqueue_dma source(%dma_start3A_270 : memref<128x128xf32, #tpu.memory_space<vmem>>) target(%dma_start3A_266 : memref<128x128xf32, #tpu.memory_space<hbm>>) target_semaphore(%dma_start3A_264 : memref<!tpu.dma_semaphore, #tpu.memory_space<semaphore_mem>>)
      %lt3A_271 = arith.cmpi slt, %add3A_217, %mul3A_2 : i32
      %convert_element_type3A_272 = arith.extui %lt3A_271 : i1 to i32
      %cond3A_273 = arith.constant 0 : i32
      %cond3A_274 = arith.cmpi ne, %convert_element_type3A_272, %cond3A_273 : i32
      scf.if %cond3A_274 {
        %mul3A_275 = arith.constant 128 : i32
        %mul3A_276 = arith.muli %add3A_215, %mul3A_275 : i32
        %add3A_277 = arith.addi %mul3A_10, %mul3A_276 : i32
        %dma_wait3A_278 = arith.constant 1 : i32
        %dma_wait3A_279 = arith.constant 1 : i32
        %dma_wait3A_280 = arith.constant 0 : i32
        %dma_wait3A_281 = arith.constant 0 : i32
        %dma_wait3A_282 = tpu.memref_slice %arg9[%dma_wait3A_278, %dma_wait3A_280, %dma_wait3A_281] : memref<2x128x128xf32, #tpu.memory_space<vmem>> -> memref<1x128x128xf32, #tpu.memory_space<vmem>>
        %dma_wait3A_283 = tpu.memref_squeeze %dma_wait3A_282 : memref<1x128x128xf32, #tpu.memory_space<vmem>> -> memref<128x128xf32, #tpu.memory_space<vmem>>
        %dma_wait3A_284 = arith.constant 0 : i32
        %dma_wait3A_285 = tpu.memref_slice %arg6[%add3A_277, %dma_wait3A_284] : memref<327680x128xf32, #tpu.memory_space<hbm>> -> memref<128x128xf32, #tpu.memory_space<hbm>>
        %dma_wait3A_286 = tpu.memref_slice %arg13[%dma_wait3A_279] : memref<2x!tpu.dma_semaphore, #tpu.memory_space<semaphore_mem>> -> memref<1x!tpu.dma_semaphore, #tpu.memory_space<semaphore_mem>>
        %dma_wait3A_287 = tpu.memref_squeeze %dma_wait3A_286 : memref<1x!tpu.dma_semaphore, #tpu.memory_space<semaphore_mem>> -> memref<!tpu.dma_semaphore, #tpu.memory_space<semaphore_mem>>
        %dma_wait3A_288 = arith.constant 0 : i32
        %dma_wait3A_289 = tpu.memref_slice %arg6[%add3A_277, %dma_wait3A_288] : memref<327680x128xf32, #tpu.memory_space<hbm>> -> memref<128x128xf32, #tpu.memory_space<hbm>>
        %dma_wait3A_290 = arith.constant 0 : i32
        %dma_wait3A_291 = arith.constant 0 : i32
        %dma_wait3A_292 = tpu.memref_slice %arg9[%dma_wait3A_278, %dma_wait3A_290, %dma_wait3A_291] : memref<2x128x128xf32, #tpu.memory_space<vmem>> -> memref<1x128x128xf32, #tpu.memory_space<vmem>>
        %dma_wait3A_293 = tpu.memref_squeeze %dma_wait3A_292 : memref<1x128x128xf32, #tpu.memory_space<vmem>> -> memref<128x128xf32, #tpu.memory_space<vmem>>
        tpu.wait_dma2 semaphore(%dma_wait3A_287 : memref<!tpu.dma_semaphore, #tpu.memory_space<semaphore_mem>>) src(%dma_wait3A_293 : memref<128x128xf32, #tpu.memory_space<vmem>>) dst(%dma_wait3A_289 : memref<128x128xf32, #tpu.memory_space<hbm>>)
        %dma_start3A_294 = arith.constant 1 : i32
        %dma_start3A_295 = arith.constant 1 : i32
        %dma_start3A_296 = arith.constant 0 : i32
        %dma_start3A_297 = arith.constant 0 : i32
        %dma_start3A_298 = tpu.memref_slice %arg9[%dma_start3A_294, %dma_start3A_296, %dma_start3A_297] : memref<2x128x128xf32, #tpu.memory_space<vmem>> -> memref<1x128x128xf32, #tpu.memory_space<vmem>>
        %dma_start3A_299 = tpu.memref_squeeze %dma_start3A_298 : memref<1x128x128xf32, #tpu.memory_space<vmem>> -> memref<128x128xf32, #tpu.memory_space<vmem>>
        %dma_start3A_300 = arith.constant 0 : i32
        %dma_start3A_301 = tpu.memref_slice %arg7[%add3A_217, %dma_start3A_300] : memref<80x128xi32, #tpu.memory_space<vmem>> -> memref<1x128xi32, #tpu.memory_space<vmem>>
        %dma_start3A_302 = tpu.memref_squeeze %dma_start3A_301 : memref<1x128xi32, #tpu.memory_space<vmem>> -> memref<128xi32, #tpu.memory_space<vmem>>
        %dma_start3A_303 = arith.constant 0 : i32
        %dma_start3A_304 = arith.constant 0 : i32
        %dma_start3A_305 = tpu.memref_slice %arg2[%dma_start3A_303, %dma_start3A_304] : memref<10240x128xf32, #tpu.memory_space<hbm>> -> memref<10240x128xf32, #tpu.memory_space<hbm>>
        %dma_start3A_306 = tpu.memref_slice %arg11[%dma_start3A_295] : memref<2x!tpu.dma_semaphore, #tpu.memory_space<semaphore_mem>> -> memref<1x!tpu.dma_semaphore, #tpu.memory_space<semaphore_mem>>
        %dma_start3A_307 = tpu.memref_squeeze %dma_start3A_306 : memref<1x!tpu.dma_semaphore, #tpu.memory_space<semaphore_mem>> -> memref<!tpu.dma_semaphore, #tpu.memory_space<semaphore_mem>>
        tpu.enqueue_indirect_dma source(%dma_start3A_305 : memref<10240x128xf32, #tpu.memory_space<hbm>>) target(%dma_start3A_299 : memref<128x128xf32, #tpu.memory_space<vmem>>) offsets(%dma_start3A_302 : memref<128xi32, #tpu.memory_space<vmem>>) semaphore(%dma_start3A_307 : memref<!tpu.dma_semaphore, #tpu.memory_space<semaphore_mem>>)
        %dma_start3A_308 = arith.constant 1 : i32
        %dma_start3A_309 = arith.constant 1 : i32
        %dma_start3A_310 = arith.constant 0 : i32
        %dma_start3A_311 = arith.constant 0 : i32
        %dma_start3A_312 = tpu.memref_slice %arg10[%dma_start3A_308, %dma_start3A_310, %dma_start3A_311] : memref<2x128x128xf32, #tpu.memory_space<vmem>> -> memref<1x128x128xf32, #tpu.memory_space<vmem>>
        %dma_start3A_313 = tpu.memref_squeeze %dma_start3A_312 : memref<1x128x128xf32, #tpu.memory_space<vmem>> -> memref<128x128xf32, #tpu.memory_space<vmem>>
        %dma_start3A_314 = arith.constant 0 : i32
        %dma_start3A_315 = tpu.memref_slice %arg8[%add3A_217, %dma_start3A_314] : memref<80x128xi32, #tpu.memory_space<vmem>> -> memref<1x128xi32, #tpu.memory_space<vmem>>
        %dma_start3A_316 = tpu.memref_squeeze %dma_start3A_315 : memref<1x128xi32, #tpu.memory_space<vmem>> -> memref<128xi32, #tpu.memory_space<vmem>>
        %dma_start3A_317 = arith.constant 0 : i32
        %dma_start3A_318 = arith.constant 0 : i32
        %dma_start3A_319 = tpu.memref_slice %arg3[%dma_start3A_317, %dma_start3A_318] : memref<10240x128xf32, #tpu.memory_space<hbm>> -> memref<10240x128xf32, #tpu.memory_space<hbm>>
        %dma_start3A_320 = tpu.memref_slice %arg12[%dma_start3A_309] : memref<2x!tpu.dma_semaphore, #tpu.memory_space<semaphore_mem>> -> memref<1x!tpu.dma_semaphore, #tpu.memory_space<semaphore_mem>>
        %dma_start3A_321 = tpu.memref_squeeze %dma_start3A_320 : memref<1x!tpu.dma_semaphore, #tpu.memory_space<semaphore_mem>> -> memref<!tpu.dma_semaphore, #tpu.memory_space<semaphore_mem>>
        tpu.enqueue_indirect_dma source(%dma_start3A_319 : memref<10240x128xf32, #tpu.memory_space<hbm>>) target(%dma_start3A_313 : memref<128x128xf32, #tpu.memory_space<vmem>>) offsets(%dma_start3A_316 : memref<128xi32, #tpu.memory_space<vmem>>) semaphore(%dma_start3A_321 : memref<!tpu.dma_semaphore, #tpu.memory_space<semaphore_mem>>)
      } else {
      }
    }
    %while3A_106 = arith.constant 1 : i32
    scf.for %while3A_152 = %while3A_104 to %while3A_100 step %while3A_106  : i32 {
      %mul3A_153 = arith.constant 2 : i32
      %mul3A_154 = arith.muli %while3A_152, %mul3A_153 : i32
      %add3A_155 = arith.constant 0 : i32
      %add3A_156 = arith.addi %mul3A_154, %add3A_155 : i32
      %add3A_157 = arith.constant 2 : i32
      %add3A_158 = arith.addi %add3A_156, %add3A_157 : i32
      %dma_wait3A_159 = arith.constant 0 : i32
      %dma_wait3A_160 = arith.constant 0 : i32
      %dma_wait3A_161 = arith.constant 0 : i32
      %dma_wait3A_162 = arith.constant 0 : i32
      %dma_wait3A_163 = tpu.memref_slice %arg9[%dma_wait3A_159, %dma_wait3A_161, %dma_wait3A_162] : memref<2x128x128xf32, #tpu.memory_space<vmem>> -> memref<1x128x128xf32, #tpu.memory_space<vmem>>
      %dma_wait3A_164 = tpu.memref_squeeze %dma_wait3A_163 : memref<1x128x128xf32, #tpu.memory_space<vmem>> -> memref<128x128xf32, #tpu.memory_space<vmem>>
      %dma_wait3A_165 = arith.constant 0 : i32
      %dma_wait3A_166 = tpu.memref_slice %arg7[%add3A_156, %dma_wait3A_165] : memref<80x128xi32, #tpu.memory_space<vmem>> -> memref<1x128xi32, #tpu.memory_space<vmem>>
      %dma_wait3A_167 = tpu.memref_squeeze %dma_wait3A_166 : memref<1x128xi32, #tpu.memory_space<vmem>> -> memref<128xi32, #tpu.memory_space<vmem>>
      %dma_wait3A_168 = arith.constant 0 : i32
      %dma_wait3A_169 = arith.constant 0 : i32
      %dma_wait3A_170 = tpu.memref_slice %arg2[%dma_wait3A_168, %dma_wait3A_169] : memref<10240x128xf32, #tpu.memory_space<hbm>> -> memref<10240x128xf32, #tpu.memory_space<hbm>>
      %dma_wait3A_171 = tpu.memref_slice %arg11[%dma_wait3A_160] : memref<2x!tpu.dma_semaphore, #tpu.memory_space<semaphore_mem>> -> memref<1x!tpu.dma_semaphore, #tpu.memory_space<semaphore_mem>>
      %dma_wait3A_172 = tpu.memref_squeeze %dma_wait3A_171 : memref<1x!tpu.dma_semaphore, #tpu.memory_space<semaphore_mem>> -> memref<!tpu.dma_semaphore, #tpu.memory_space<semaphore_mem>>
      tpu.wait_indirect_dma semaphore(%dma_wait3A_172 : memref<!tpu.dma_semaphore, #tpu.memory_space<semaphore_mem>>) src(%dma_wait3A_170 : memref<10240x128xf32, #tpu.memory_space<hbm>>) dst(%dma_wait3A_164 : memref<128x128xf32, #tpu.memory_space<vmem>>)
      %dma_wait3A_173 = arith.constant 0 : i32
      %dma_wait3A_174 = arith.constant 0 : i32
      %dma_wait3A_175 = arith.constant 0 : i32
      %dma_wait3A_176 = arith.constant 0 : i32
      %dma_wait3A_177 = tpu.memref_slice %arg10[%dma_wait3A_173, %dma_wait3A_175, %dma_wait3A_176] : memref<2x128x128xf32, #tpu.memory_space<vmem>> -> memref<1x128x128xf32, #tpu.memory_space<vmem>>
      %dma_wait3A_178 = tpu.memref_squeeze %dma_wait3A_177 : memref<1x128x128xf32, #tpu.memory_space<vmem>> -> memref<128x128xf32, #tpu.memory_space<vmem>>
      %dma_wait3A_179 = arith.constant 0 : i32
      %dma_wait3A_180 = tpu.memref_slice %arg8[%add3A_156, %dma_wait3A_179] : memref<80x128xi32, #tpu.memory_space<vmem>> -> memref<1x128xi32, #tpu.memory_space<vmem>>
      %dma_wait3A_181 = tpu.memref_squeeze %dma_wait3A_180 : memref<1x128xi32, #tpu.memory_space<vmem>> -> memref<128xi32, #tpu.memory_space<vmem>>
      %dma_wait3A_182 = arith.constant 0 : i32
      %dma_wait3A_183 = arith.constant 0 : i32
      %dma_wait3A_184 = tpu.memref_slice %arg3[%dma_wait3A_182, %dma_wait3A_183] : memref<10240x128xf32, #tpu.memory_space<hbm>> -> memref<10240x128xf32, #tpu.memory_space<hbm>>
      %dma_wait3A_185 = tpu.memref_slice %arg12[%dma_wait3A_174] : memref<2x!tpu.dma_semaphore, #tpu.memory_space<semaphore_mem>> -> memref<1x!tpu.dma_semaphore, #tpu.memory_space<semaphore_mem>>
      %dma_wait3A_186 = tpu.memref_squeeze %dma_wait3A_185 : memref<1x!tpu.dma_semaphore, #tpu.memory_space<semaphore_mem>> -> memref<!tpu.dma_semaphore, #tpu.memory_space<semaphore_mem>>
      tpu.wait_indirect_dma semaphore(%dma_wait3A_186 : memref<!tpu.dma_semaphore, #tpu.memory_space<semaphore_mem>>) src(%dma_wait3A_184 : memref<10240x128xf32, #tpu.memory_space<hbm>>) dst(%dma_wait3A_178 : memref<128x128xf32, #tpu.memory_space<vmem>>)
      %scan3A = arith.constant 0 : i32
      %scan3A_187 = arith.constant 0 : i32
      %scan3A_188 = arith.constant 128 : i32
      %scan3A_189 = arith.addi %scan3A_187, %scan3A_188 : i32
      %scan3A_190 = arith.constant 1 : i32
      scf.for %scan3A_275 = %scan3A_187 to %scan3A_189 step %scan3A_190  : i32 {
        %get3A = arith.constant 0 : i32
        %get3A_276 = arith.index_cast %get3A : i32 to index
        %get3A_277 = arith.index_cast %scan3A_275 : i32 to index
        %get3A_278 = arith.constant 0 : index
        %get3A_279 = tpu.vector_load %arg9[%get3A_276, %get3A_277, %get3A_278] {strides = array<i32>} : memref<2x128x128xf32, #tpu.memory_space<vmem>>, vector<1x1x16xf32>,
        %get3A_280 = vector.shape_cast %get3A_279 : vector<1x1x16xf32> to vector<16xf32>
        %get3A_281 = arith.constant 0 : i32
        %get3A_282 = arith.index_cast %get3A_281 : i32 to index
        %get3A_283 = arith.index_cast %scan3A_275 : i32 to index
        %get3A_284 = arith.constant 0 : index
        %get3A_285 = tpu.vector_load %arg10[%get3A_282, %get3A_283, %get3A_284] {strides = array<i32>} : memref<2x128x128xf32, #tpu.memory_space<vmem>>, vector<1x1x16xf32>,
        %get3A_286 = vector.shape_cast %get3A_285 : vector<1x1x16xf32> to vector<16xf32>
        %add3A_287 = arith.addf %get3A_280, %get3A_286 : vector<16xf32>
        %swap3A = arith.constant 0 : i32
        %swap3A_288 = arith.index_cast %swap3A : i32 to index
        %swap3A_289 = arith.index_cast %scan3A_275 : i32 to index
        %swap3A_290 = arith.constant 0 : index
        %swap3A_291 = tpu.vector_load %arg9[%swap3A_288, %swap3A_289, %swap3A_290] {strides = array<i32>} : memref<2x128x128xf32, #tpu.memory_space<vmem>>, vector<1x1x16xf32>,
        %swap3A_292 = vector.shape_cast %swap3A_291 : vector<1x1x16xf32> to vector<16xf32>
        %swap3A_293 = vector.shape_cast %add3A_287 : vector<16xf32> to vector<1x1x16xf32>
        tpu.vector_store %arg9[%swap3A_288, %swap3A_289, %swap3A_290], %swap3A_293 {strides = array<i32>} : memref<2x128x128xf32, #tpu.memory_space<vmem>>, vector<1x1x16xf32>,
        %get3A_294 = arith.constant 0 : i32
        %get3A_295 = arith.index_cast %get3A_294 : i32 to index
        %get3A_296 = arith.index_cast %scan3A_275 : i32 to index
        %get3A_297 = arith.constant 16 : index
        %get3A_298 = tpu.vector_load %arg9[%get3A_295, %get3A_296, %get3A_297] {strides = array<i32>} : memref<2x128x128xf32, #tpu.memory_space<vmem>>, vector<1x1x16xf32>,
        %get3A_299 = vector.shape_cast %get3A_298 : vector<1x1x16xf32> to vector<16xf32>
        %get3A_300 = arith.constant 0 : i32
        %get3A_301 = arith.index_cast %get3A_300 : i32 to index
        %get3A_302 = arith.index_cast %scan3A_275 : i32 to index
        %get3A_303 = arith.constant 16 : index
        %get3A_304 = tpu.vector_load %arg10[%get3A_301, %get3A_302, %get3A_303] {strides = array<i32>} : memref<2x128x128xf32, #tpu.memory_space<vmem>>, vector<1x1x16xf32>,
        %get3A_305 = vector.shape_cast %get3A_304 : vector<1x1x16xf32> to vector<16xf32>
        %add3A_306 = arith.addf %get3A_299, %get3A_305 : vector<16xf32>
        %swap3A_307 = arith.constant 0 : i32
        %swap3A_308 = arith.index_cast %swap3A_307 : i32 to index
        %swap3A_309 = arith.index_cast %scan3A_275 : i32 to index
        %swap3A_310 = arith.constant 16 : index
        %swap3A_311 = tpu.vector_load %arg9[%swap3A_308, %swap3A_309, %swap3A_310] {strides = array<i32>} : memref<2x128x128xf32, #tpu.memory_space<vmem>>, vector<1x1x16xf32>,
        %swap3A_312 = vector.shape_cast %swap3A_311 : vector<1x1x16xf32> to vector<16xf32>
        %swap3A_313 = vector.shape_cast %add3A_306 : vector<16xf32> to vector<1x1x16xf32>
        tpu.vector_store %arg9[%swap3A_308, %swap3A_309, %swap3A_310], %swap3A_313 {strides = array<i32>} : memref<2x128x128xf32, #tpu.memory_space<vmem>>, vector<1x1x16xf32>,
        %get3A_314 = arith.constant 0 : i32
        %get3A_315 = arith.index_cast %get3A_314 : i32 to index
        %get3A_316 = arith.index_cast %scan3A_275 : i32 to index
        %get3A_317 = arith.constant 32 : index
        %get3A_318 = tpu.vector_load %arg9[%get3A_315, %get3A_316, %get3A_317] {strides = array<i32>} : memref<2x128x128xf32, #tpu.memory_space<vmem>>, vector<1x1x16xf32>,
        %get3A_319 = vector.shape_cast %get3A_318 : vector<1x1x16xf32> to vector<16xf32>
        %get3A_320 = arith.constant 0 : i32
        %get3A_321 = arith.index_cast %get3A_320 : i32 to index
        %get3A_322 = arith.index_cast %scan3A_275 : i32 to index
        %get3A_323 = arith.constant 32 : index
        %get3A_324 = tpu.vector_load %arg10[%get3A_321, %get3A_322, %get3A_323] {strides = array<i32>} : memref<2x128x128xf32, #tpu.memory_space<vmem>>, vector<1x1x16xf32>,
        %get3A_325 = vector.shape_cast %get3A_324 : vector<1x1x16xf32> to vector<16xf32>
        %add3A_326 = arith.addf %get3A_319, %get3A_325 : vector<16xf32>
        %swap3A_327 = arith.constant 0 : i32
        %swap3A_328 = arith.index_cast %swap3A_327 : i32 to index
        %swap3A_329 = arith.index_cast %scan3A_275 : i32 to index
        %swap3A_330 = arith.constant 32 : index
        %swap3A_331 = tpu.vector_load %arg9[%swap3A_328, %swap3A_329, %swap3A_330] {strides = array<i32>} : memref<2x128x128xf32, #tpu.memory_space<vmem>>, vector<1x1x16xf32>,
        %swap3A_332 = vector.shape_cast %swap3A_331 : vector<1x1x16xf32> to vector<16xf32>
        %swap3A_333 = vector.shape_cast %add3A_326 : vector<16xf32> to vector<1x1x16xf32>
        tpu.vector_store %arg9[%swap3A_328, %swap3A_329, %swap3A_330], %swap3A_333 {strides = array<i32>} : memref<2x128x128xf32, #tpu.memory_space<vmem>>, vector<1x1x16xf32>,
        %get3A_334 = arith.constant 0 : i32
        %get3A_335 = arith.index_cast %get3A_334 : i32 to index
        %get3A_336 = arith.index_cast %scan3A_275 : i32 to index
        %get3A_337 = arith.constant 48 : index
        %get3A_338 = tpu.vector_load %arg9[%get3A_335, %get3A_336, %get3A_337] {strides = array<i32>} : memref<2x128x128xf32, #tpu.memory_space<vmem>>, vector<1x1x16xf32>,
        %get3A_339 = vector.shape_cast %get3A_338 : vector<1x1x16xf32> to vector<16xf32>
        %get3A_340 = arith.constant 0 : i32
        %get3A_341 = arith.index_cast %get3A_340 : i32 to index
        %get3A_342 = arith.index_cast %scan3A_275 : i32 to index
        %get3A_343 = arith.constant 48 : index
        %get3A_344 = tpu.vector_load %arg10[%get3A_341, %get3A_342, %get3A_343] {strides = array<i32>} : memref<2x128x128xf32, #tpu.memory_space<vmem>>, vector<1x1x16xf32>,
        %get3A_345 = vector.shape_cast %get3A_344 : vector<1x1x16xf32> to vector<16xf32>
        %add3A_346 = arith.addf %get3A_339, %get3A_345 : vector<16xf32>
        %swap3A_347 = arith.constant 0 : i32
        %swap3A_348 = arith.index_cast %swap3A_347 : i32 to index
        %swap3A_349 = arith.index_cast %scan3A_275 : i32 to index
        %swap3A_350 = arith.constant 48 : index
        %swap3A_351 = tpu.vector_load %arg9[%swap3A_348, %swap3A_349, %swap3A_350] {strides = array<i32>} : memref<2x128x128xf32, #tpu.memory_space<vmem>>, vector<1x1x16xf32>,
        %swap3A_352 = vector.shape_cast %swap3A_351 : vector<1x1x16xf32> to vector<16xf32>
        %swap3A_353 = vector.shape_cast %add3A_346 : vector<16xf32> to vector<1x1x16xf32>
        tpu.vector_store %arg9[%swap3A_348, %swap3A_349, %swap3A_350], %swap3A_353 {strides = array<i32>} : memref<2x128x128xf32, #tpu.memory_space<vmem>>, vector<1x1x16xf32>,
        %get3A_354 = arith.constant 0 : i32
        %get3A_355 = arith.index_cast %get3A_354 : i32 to index
        %get3A_356 = arith.index_cast %scan3A_275 : i32 to index
        %get3A_357 = arith.constant 64 : index
        %get3A_358 = tpu.vector_load %arg9[%get3A_355, %get3A_356, %get3A_357] {strides = array<i32>} : memref<2x128x128xf32, #tpu.memory_space<vmem>>, vector<1x1x16xf32>,
        %get3A_359 = vector.shape_cast %get3A_358 : vector<1x1x16xf32> to vector<16xf32>
        %get3A_360 = arith.constant 0 : i32
        %get3A_361 = arith.index_cast %get3A_360 : i32 to index
        %get3A_362 = arith.index_cast %scan3A_275 : i32 to index
        %get3A_363 = arith.constant 64 : index
        %get3A_364 = tpu.vector_load %arg10[%get3A_361, %get3A_362, %get3A_363] {strides = array<i32>} : memref<2x128x128xf32, #tpu.memory_space<vmem>>, vector<1x1x16xf32>,
        %get3A_365 = vector.shape_cast %get3A_364 : vector<1x1x16xf32> to vector<16xf32>
        %add3A_366 = arith.addf %get3A_359, %get3A_365 : vector<16xf32>
        %swap3A_367 = arith.constant 0 : i32
        %swap3A_368 = arith.index_cast %swap3A_367 : i32 to index
        %swap3A_369 = arith.index_cast %scan3A_275 : i32 to index
        %swap3A_370 = arith.constant 64 : index
        %swap3A_371 = tpu.vector_load %arg9[%swap3A_368, %swap3A_369, %swap3A_370] {strides = array<i32>} : memref<2x128x128xf32, #tpu.memory_space<vmem>>, vector<1x1x16xf32>,
        %swap3A_372 = vector.shape_cast %swap3A_371 : vector<1x1x16xf32> to vector<16xf32>
        %swap3A_373 = vector.shape_cast %add3A_366 : vector<16xf32> to vector<1x1x16xf32>
        tpu.vector_store %arg9[%swap3A_368, %swap3A_369, %swap3A_370], %swap3A_373 {strides = array<i32>} : memref<2x128x128xf32, #tpu.memory_space<vmem>>, vector<1x1x16xf32>,
        %get3A_374 = arith.constant 0 : i32
        %get3A_375 = arith.index_cast %get3A_374 : i32 to index
        %get3A_376 = arith.index_cast %scan3A_275 : i32 to index
        %get3A_377 = arith.constant 80 : index
        %get3A_378 = tpu.vector_load %arg9[%get3A_375, %get3A_376, %get3A_377] {strides = array<i32>} : memref<2x128x128xf32, #tpu.memory_space<vmem>>, vector<1x1x16xf32>,
        %get3A_379 = vector.shape_cast %get3A_378 : vector<1x1x16xf32> to vector<16xf32>
        %get3A_380 = arith.constant 0 : i32
        %get3A_381 = arith.index_cast %get3A_380 : i32 to index
        %get3A_382 = arith.index_cast %scan3A_275 : i32 to index
        %get3A_383 = arith.constant 80 : index
        %get3A_384 = tpu.vector_load %arg10[%get3A_381, %get3A_382, %get3A_383] {strides = array<i32>} : memref<2x128x128xf32, #tpu.memory_space<vmem>>, vector<1x1x16xf32>,
        %get3A_385 = vector.shape_cast %get3A_384 : vector<1x1x16xf32> to vector<16xf32>
        %add3A_386 = arith.addf %get3A_379, %get3A_385 : vector<16xf32>
        %swap3A_387 = arith.constant 0 : i32
        %swap3A_388 = arith.index_cast %swap3A_387 : i32 to index
        %swap3A_389 = arith.index_cast %scan3A_275 : i32 to index
        %swap3A_390 = arith.constant 80 : index
        %swap3A_391 = tpu.vector_load %arg9[%swap3A_388, %swap3A_389, %swap3A_390] {strides = array<i32>} : memref<2x128x128xf32, #tpu.memory_space<vmem>>, vector<1x1x16xf32>,
        %swap3A_392 = vector.shape_cast %swap3A_391 : vector<1x1x16xf32> to vector<16xf32>
        %swap3A_393 = vector.shape_cast %add3A_386 : vector<16xf32> to vector<1x1x16xf32>
        tpu.vector_store %arg9[%swap3A_388, %swap3A_389, %swap3A_390], %swap3A_393 {strides = array<i32>} : memref<2x128x128xf32, #tpu.memory_space<vmem>>, vector<1x1x16xf32>,
        %get3A_394 = arith.constant 0 : i32
        %get3A_395 = arith.index_cast %get3A_394 : i32 to index
        %get3A_396 = arith.index_cast %scan3A_275 : i32 to index
        %get3A_397 = arith.constant 96 : index
        %get3A_398 = tpu.vector_load %arg9[%get3A_395, %get3A_396, %get3A_397] {strides = array<i32>} : memref<2x128x128xf32, #tpu.memory_space<vmem>>, vector<1x1x16xf32>,
        %get3A_399 = vector.shape_cast %get3A_398 : vector<1x1x16xf32> to vector<16xf32>
        %get3A_400 = arith.constant 0 : i32
        %get3A_401 = arith.index_cast %get3A_400 : i32 to index
        %get3A_402 = arith.index_cast %scan3A_275 : i32 to index
        %get3A_403 = arith.constant 96 : index
        %get3A_404 = tpu.vector_load %arg10[%get3A_401, %get3A_402, %get3A_403] {strides = array<i32>} : memref<2x128x128xf32, #tpu.memory_space<vmem>>, vector<1x1x16xf32>,
        %get3A_405 = vector.shape_cast %get3A_404 : vector<1x1x16xf32> to vector<16xf32>
        %add3A_406 = arith.addf %get3A_399, %get3A_405 : vector<16xf32>
        %swap3A_407 = arith.constant 0 : i32
        %swap3A_408 = arith.index_cast %swap3A_407 : i32 to index
        %swap3A_409 = arith.index_cast %scan3A_275 : i32 to index
        %swap3A_410 = arith.constant 96 : index
        %swap3A_411 = tpu.vector_load %arg9[%swap3A_408, %swap3A_409, %swap3A_410] {strides = array<i32>} : memref<2x128x128xf32, #tpu.memory_space<vmem>>, vector<1x1x16xf32>,
        %swap3A_412 = vector.shape_cast %swap3A_411 : vector<1x1x16xf32> to vector<16xf32>
        %swap3A_413 = vector.shape_cast %add3A_406 : vector<16xf32> to vector<1x1x16xf32>
        tpu.vector_store %arg9[%swap3A_408, %swap3A_409, %swap3A_410], %swap3A_413 {strides = array<i32>} : memref<2x128x128xf32, #tpu.memory_space<vmem>>, vector<1x1x16xf32>,
        %get3A_414 = arith.constant 0 : i32
        %get3A_415 = arith.index_cast %get3A_414 : i32 to index
        %get3A_416 = arith.index_cast %scan3A_275 : i32 to index
        %get3A_417 = arith.constant 112 : index
        %get3A_418 = tpu.vector_load %arg9[%get3A_415, %get3A_416, %get3A_417] {strides = array<i32>} : memref<2x128x128xf32, #tpu.memory_space<vmem>>, vector<1x1x16xf32>,
        %get3A_419 = vector.shape_cast %get3A_418 : vector<1x1x16xf32> to vector<16xf32>
        %get3A_420 = arith.constant 0 : i32
        %get3A_421 = arith.index_cast %get3A_420 : i32 to index
        %get3A_422 = arith.index_cast %scan3A_275 : i32 to index
        %get3A_423 = arith.constant 112 : index
        %get3A_424 = tpu.vector_load %arg10[%get3A_421, %get3A_422, %get3A_423] {strides = array<i32>} : memref<2x128x128xf32, #tpu.memory_space<vmem>>, vector<1x1x16xf32>,
        %get3A_425 = vector.shape_cast %get3A_424 : vector<1x1x16xf32> to vector<16xf32>
        %add3A_426 = arith.addf %get3A_419, %get3A_425 : vector<16xf32>
        %swap3A_427 = arith.constant 0 : i32
        %swap3A_428 = arith.index_cast %swap3A_427 : i32 to index
        %swap3A_429 = arith.index_cast %scan3A_275 : i32 to index
        %swap3A_430 = arith.constant 112 : index
        %swap3A_431 = tpu.vector_load %arg9[%swap3A_428, %swap3A_429, %swap3A_430] {strides = array<i32>} : memref<2x128x128xf32, #tpu.memory_space<vmem>>, vector<1x1x16xf32>,
        %swap3A_432 = vector.shape_cast %swap3A_431 : vector<1x1x16xf32> to vector<16xf32>
        %swap3A_433 = vector.shape_cast %add3A_426 : vector<16xf32> to vector<1x1x16xf32>
        tpu.vector_store %arg9[%swap3A_428, %swap3A_429, %swap3A_430], %swap3A_433 {strides = array<i32>} : memref<2x128x128xf32, #tpu.memory_space<vmem>>, vector<1x1x16xf32>,
      }
      %scan3A_191 = arith.constant 128 : i32
      %mul3A_192 = arith.constant 128 : i32
      %mul3A_193 = arith.muli %add3A_156, %mul3A_192 : i32
      %add3A_194 = arith.addi %mul3A_10, %mul3A_193 : i32
      %dma_start3A_195 = arith.constant 0 : i32
      %dma_start3A_196 = arith.constant 0 : i32
      %dma_start3A_197 = arith.constant 0 : i32
      %dma_start3A_198 = arith.constant 0 : i32
      %dma_start3A_199 = tpu.memref_slice %arg9[%dma_start3A_195, %dma_start3A_197, %dma_start3A_198] : memref<2x128x128xf32, #tpu.memory_space<vmem>> -> memref<1x128x128xf32, #tpu.memory_space<vmem>>
      %dma_start3A_200 = tpu.memref_squeeze %dma_start3A_199 : memref<1x128x128xf32, #tpu.memory_space<vmem>> -> memref<128x128xf32, #tpu.memory_space<vmem>>
      %dma_start3A_201 = arith.constant 0 : i32
      %dma_start3A_202 = tpu.memref_slice %arg6[%add3A_194, %dma_start3A_201] : memref<327680x128xf32, #tpu.memory_space<hbm>> -> memref<128x128xf32, #tpu.memory_space<hbm>>
      %dma_start3A_203 = tpu.memref_slice %arg13[%dma_start3A_196] : memref<2x!tpu.dma_semaphore, #tpu.memory_space<semaphore_mem>> -> memref<1x!tpu.dma_semaphore, #tpu.memory_space<semaphore_mem>>
      %dma_start3A_204 = tpu.memref_squeeze %dma_start3A_203 : memref<1x!tpu.dma_semaphore, #tpu.memory_space<semaphore_mem>> -> memref<!tpu.dma_semaphore, #tpu.memory_space<semaphore_mem>>
      %dma_start3A_205 = arith.constant 0 : i32
      %dma_start3A_206 = tpu.memref_slice %arg6[%add3A_194, %dma_start3A_205] : memref<327680x128xf32, #tpu.memory_space<hbm>> -> memref<128x128xf32, #tpu.memory_space<hbm>>
      %dma_start3A_207 = arith.constant 0 : i32
      %dma_start3A_208 = arith.constant 0 : i32
      %dma_start3A_209 = tpu.memref_slice %arg9[%dma_start3A_195, %dma_start3A_207, %dma_start3A_208] : memref<2x128x128xf32, #tpu.memory_space<vmem>> -> memref<1x128x128xf32, #tpu.memory_space<vmem>>
      %dma_start3A_210 = tpu.memref_squeeze %dma_start3A_209 : memref<1x128x128xf32, #tpu.memory_space<vmem>> -> memref<128x128xf32, #tpu.memory_space<vmem>>
      tpu.enqueue_dma source(%dma_start3A_210 : memref<128x128xf32, #tpu.memory_space<vmem>>) target(%dma_start3A_206 : memref<128x128xf32, #tpu.memory_space<hbm>>) target_semaphore(%dma_start3A_204 : memref<!tpu.dma_semaphore, #tpu.memory_space<semaphore_mem>>)
      %lt3A = arith.cmpi slt, %add3A_158, %mul3A_2 : i32
      %convert_element_type3A = arith.extui %lt3A : i1 to i32
      %cond3A = arith.constant 0 : i32
      %cond3A_211 = arith.cmpi ne, %convert_element_type3A, %cond3A : i32
      scf.if %cond3A_211 {
        %mul3A_275 = arith.constant 128 : i32
        %mul3A_276 = arith.muli %add3A_156, %mul3A_275 : i32
        %add3A_277 = arith.addi %mul3A_10, %mul3A_276 : i32
        %dma_wait3A_278 = arith.constant 0 : i32
        %dma_wait3A_279 = arith.constant 0 : i32
        %dma_wait3A_280 = arith.constant 0 : i32
        %dma_wait3A_281 = arith.constant 0 : i32
        %dma_wait3A_282 = tpu.memref_slice %arg9[%dma_wait3A_278, %dma_wait3A_280, %dma_wait3A_281] : memref<2x128x128xf32, #tpu.memory_space<vmem>> -> memref<1x128x128xf32, #tpu.memory_space<vmem>>
        %dma_wait3A_283 = tpu.memref_squeeze %dma_wait3A_282 : memref<1x128x128xf32, #tpu.memory_space<vmem>> -> memref<128x128xf32, #tpu.memory_space<vmem>>
        %dma_wait3A_284 = arith.constant 0 : i32
        %dma_wait3A_285 = tpu.memref_slice %arg6[%add3A_277, %dma_wait3A_284] : memref<327680x128xf32, #tpu.memory_space<hbm>> -> memref<128x128xf32, #tpu.memory_space<hbm>>
        %dma_wait3A_286 = tpu.memref_slice %arg13[%dma_wait3A_279] : memref<2x!tpu.dma_semaphore, #tpu.memory_space<semaphore_mem>> -> memref<1x!tpu.dma_semaphore, #tpu.memory_space<semaphore_mem>>
        %dma_wait3A_287 = tpu.memref_squeeze %dma_wait3A_286 : memref<1x!tpu.dma_semaphore, #tpu.memory_space<semaphore_mem>> -> memref<!tpu.dma_semaphore, #tpu.memory_space<semaphore_mem>>
        %dma_wait3A_288 = arith.constant 0 : i32
        %dma_wait3A_289 = tpu.memref_slice %arg6[%add3A_277, %dma_wait3A_288] : memref<327680x128xf32, #tpu.memory_space<hbm>> -> memref<128x128xf32, #tpu.memory_space<hbm>>
        %dma_wait3A_290 = arith.constant 0 : i32
        %dma_wait3A_291 = arith.constant 0 : i32
        %dma_wait3A_292 = tpu.memref_slice %arg9[%dma_wait3A_278, %dma_wait3A_290, %dma_wait3A_291] : memref<2x128x128xf32, #tpu.memory_space<vmem>> -> memref<1x128x128xf32, #tpu.memory_space<vmem>>
        %dma_wait3A_293 = tpu.memref_squeeze %dma_wait3A_292 : memref<1x128x128xf32, #tpu.memory_space<vmem>> -> memref<128x128xf32, #tpu.memory_space<vmem>>
        tpu.wait_dma2 semaphore(%dma_wait3A_287 : memref<!tpu.dma_semaphore, #tpu.memory_space<semaphore_mem>>) src(%dma_wait3A_293 : memref<128x128xf32, #tpu.memory_space<vmem>>) dst(%dma_wait3A_289 : memref<128x128xf32, #tpu.memory_space<hbm>>)
        %dma_start3A_294 = arith.constant 0 : i32
        %dma_start3A_295 = arith.constant 0 : i32
        %dma_start3A_296 = arith.constant 0 : i32
        %dma_start3A_297 = arith.constant 0 : i32
        %dma_start3A_298 = tpu.memref_slice %arg9[%dma_start3A_294, %dma_start3A_296, %dma_start3A_297] : memref<2x128x128xf32, #tpu.memory_space<vmem>> -> memref<1x128x128xf32, #tpu.memory_space<vmem>>
        %dma_start3A_299 = tpu.memref_squeeze %dma_start3A_298 : memref<1x128x128xf32, #tpu.memory_space<vmem>> -> memref<128x128xf32, #tpu.memory_space<vmem>>
        %dma_start3A_300 = arith.constant 0 : i32
        %dma_start3A_301 = tpu.memref_slice %arg7[%add3A_158, %dma_start3A_300] : memref<80x128xi32, #tpu.memory_space<vmem>> -> memref<1x128xi32, #tpu.memory_space<vmem>>
        %dma_start3A_302 = tpu.memref_squeeze %dma_start3A_301 : memref<1x128xi32, #tpu.memory_space<vmem>> -> memref<128xi32, #tpu.memory_space<vmem>>
        %dma_start3A_303 = arith.constant 0 : i32
        %dma_start3A_304 = arith.constant 0 : i32
        %dma_start3A_305 = tpu.memref_slice %arg2[%dma_start3A_303, %dma_start3A_304] : memref<10240x128xf32, #tpu.memory_space<hbm>> -> memref<10240x128xf32, #tpu.memory_space<hbm>>
        %dma_start3A_306 = tpu.memref_slice %arg11[%dma_start3A_295] : memref<2x!tpu.dma_semaphore, #tpu.memory_space<semaphore_mem>> -> memref<1x!tpu.dma_semaphore, #tpu.memory_space<semaphore_mem>>
        %dma_start3A_307 = tpu.memref_squeeze %dma_start3A_306 : memref<1x!tpu.dma_semaphore, #tpu.memory_space<semaphore_mem>> -> memref<!tpu.dma_semaphore, #tpu.memory_space<semaphore_mem>>
        tpu.enqueue_indirect_dma source(%dma_start3A_305 : memref<10240x128xf32, #tpu.memory_space<hbm>>) target(%dma_start3A_299 : memref<128x128xf32, #tpu.memory_space<vmem>>) offsets(%dma_start3A_302 : memref<128xi32, #tpu.memory_space<vmem>>) semaphore(%dma_start3A_307 : memref<!tpu.dma_semaphore, #tpu.memory_space<semaphore_mem>>)
        %dma_start3A_308 = arith.constant 0 : i32
        %dma_start3A_309 = arith.constant 0 : i32
        %dma_start3A_310 = arith.constant 0 : i32
        %dma_start3A_311 = arith.constant 0 : i32
        %dma_start3A_312 = tpu.memref_slice %arg10[%dma_start3A_308, %dma_start3A_310, %dma_start3A_311] : memref<2x128x128xf32, #tpu.memory_space<vmem>> -> memref<1x128x128xf32, #tpu.memory_space<vmem>>
        %dma_start3A_313 = tpu.memref_squeeze %dma_start3A_312 : memref<1x128x128xf32, #tpu.memory_space<vmem>> -> memref<128x128xf32, #tpu.memory_space<vmem>>
        %dma_start3A_314 = arith.constant 0 : i32
        %dma_start3A_315 = tpu.memref_slice %arg8[%add3A_158, %dma_start3A_314] : memref<80x128xi32, #tpu.memory_space<vmem>> -> memref<1x128xi32, #tpu.memory_space<vmem>>
        %dma_start3A_316 = tpu.memref_squeeze %dma_start3A_315 : memref<1x128xi32, #tpu.memory_space<vmem>> -> memref<128xi32, #tpu.memory_space<vmem>>
        %dma_start3A_317 = arith.constant 0 : i32
        %dma_start3A_318 = arith.constant 0 : i32
        %dma_start3A_319 = tpu.memref_slice %arg3[%dma_start3A_317, %dma_start3A_318] : memref<10240x128xf32, #tpu.memory_space<hbm>> -> memref<10240x128xf32, #tpu.memory_space<hbm>>
        %dma_start3A_320 = tpu.memref_slice %arg12[%dma_start3A_309] : memref<2x!tpu.dma_semaphore, #tpu.memory_space<semaphore_mem>> -> memref<1x!tpu.dma_semaphore, #tpu.memory_space<semaphore_mem>>
        %dma_start3A_321 = tpu.memref_squeeze %dma_start3A_320 : memref<1x!tpu.dma_semaphore, #tpu.memory_space<semaphore_mem>> -> memref<!tpu.dma_semaphore, #tpu.memory_space<semaphore_mem>>
        tpu.enqueue_indirect_dma source(%dma_start3A_319 : memref<10240x128xf32, #tpu.memory_space<hbm>>) target(%dma_start3A_313 : memref<128x128xf32, #tpu.memory_space<vmem>>) offsets(%dma_start3A_316 : memref<128xi32, #tpu.memory_space<vmem>>) semaphore(%dma_start3A_321 : memref<!tpu.dma_semaphore, #tpu.memory_space<semaphore_mem>>)
      } else {
      }
      %mul3A_212 = arith.constant 2 : i32
      %mul3A_213 = arith.muli %while3A_152, %mul3A_212 : i32
      %add3A_214 = arith.constant 1 : i32
      %add3A_215 = arith.addi %mul3A_213, %add3A_214 : i32
      %add3A_216 = arith.constant 2 : i32
      %add3A_217 = arith.addi %add3A_215, %add3A_216 : i32
      %dma_wait3A_218 = arith.constant 1 : i32
      %dma_wait3A_219 = arith.constant 1 : i32
      %dma_wait3A_220 = arith.constant 0 : i32
      %dma_wait3A_221 = arith.constant 0 : i32
      %dma_wait3A_222 = tpu.memref_slice %arg9[%dma_wait3A_218, %dma_wait3A_220, %dma_wait3A_221] : memref<2x128x128xf32, #tpu.memory_space<vmem>> -> memref<1x128x128xf32, #tpu.memory_space<vmem>>
      %dma_wait3A_223 = tpu.memref_squeeze %dma_wait3A_222 : memref<1x128x128xf32, #tpu.memory_space<vmem>> -> memref<128x128xf32, #tpu.memory_space<vmem>>
      %dma_wait3A_224 = arith.constant 0 : i32
      %dma_wait3A_225 = tpu.memref_slice %arg7[%add3A_215, %dma_wait3A_224] : memref<80x128xi32, #tpu.memory_space<vmem>> -> memref<1x128xi32, #tpu.memory_space<vmem>>
      %dma_wait3A_226 = tpu.memref_squeeze %dma_wait3A_225 : memref<1x128xi32, #tpu.memory_space<vmem>> -> memref<128xi32, #tpu.memory_space<vmem>>
      %dma_wait3A_227 = arith.constant 0 : i32
      %dma_wait3A_228 = arith.constant 0 : i32
      %dma_wait3A_229 = tpu.memref_slice %arg2[%dma_wait3A_227, %dma_wait3A_228] : memref<10240x128xf32, #tpu.memory_space<hbm>> -> memref<10240x128xf32, #tpu.memory_space<hbm>>
      %dma_wait3A_230 = tpu.memref_slice %arg11[%dma_wait3A_219] : memref<2x!tpu.dma_semaphore, #tpu.memory_space<semaphore_mem>> -> memref<1x!tpu.dma_semaphore, #tpu.memory_space<semaphore_mem>>
      %dma_wait3A_231 = tpu.memref_squeeze %dma_wait3A_230 : memref<1x!tpu.dma_semaphore, #tpu.memory_space<semaphore_mem>> -> memref<!tpu.dma_semaphore, #tpu.memory_space<semaphore_mem>>
      tpu.wait_indirect_dma semaphore(%dma_wait3A_231 : memref<!tpu.dma_semaphore, #tpu.memory_space<semaphore_mem>>) src(%dma_wait3A_229 : memref<10240x128xf32, #tpu.memory_space<hbm>>) dst(%dma_wait3A_223 : memref<128x128xf32, #tpu.memory_space<vmem>>)
      %dma_wait3A_232 = arith.constant 1 : i32
      %dma_wait3A_233 = arith.constant 1 : i32
      %dma_wait3A_234 = arith.constant 0 : i32
      %dma_wait3A_235 = arith.constant 0 : i32
      %dma_wait3A_236 = tpu.memref_slice %arg10[%dma_wait3A_232, %dma_wait3A_234, %dma_wait3A_235] : memref<2x128x128xf32, #tpu.memory_space<vmem>> -> memref<1x128x128xf32, #tpu.memory_space<vmem>>
      %dma_wait3A_237 = tpu.memref_squeeze %dma_wait3A_236 : memref<1x128x128xf32, #tpu.memory_space<vmem>> -> memref<128x128xf32, #tpu.memory_space<vmem>>
      %dma_wait3A_238 = arith.constant 0 : i32
      %dma_wait3A_239 = tpu.memref_slice %arg8[%add3A_215, %dma_wait3A_238] : memref<80x128xi32, #tpu.memory_space<vmem>> -> memref<1x128xi32, #tpu.memory_space<vmem>>
      %dma_wait3A_240 = tpu.memref_squeeze %dma_wait3A_239 : memref<1x128xi32, #tpu.memory_space<vmem>> -> memref<128xi32, #tpu.memory_space<vmem>>
      %dma_wait3A_241 = arith.constant 0 : i32
      %dma_wait3A_242 = arith.constant 0 : i32
      %dma_wait3A_243 = tpu.memref_slice %arg3[%dma_wait3A_241, %dma_wait3A_242] : memref<10240x128xf32, #tpu.memory_space<hbm>> -> memref<10240x128xf32, #tpu.memory_space<hbm>>
      %dma_wait3A_244 = tpu.memref_slice %arg12[%dma_wait3A_233] : memref<2x!tpu.dma_semaphore, #tpu.memory_space<semaphore_mem>> -> memref<1x!tpu.dma_semaphore, #tpu.memory_space<semaphore_mem>>
      %dma_wait3A_245 = tpu.memref_squeeze %dma_wait3A_244 : memref<1x!tpu.dma_semaphore, #tpu.memory_space<semaphore_mem>> -> memref<!tpu.dma_semaphore, #tpu.memory_space<semaphore_mem>>
      tpu.wait_indirect_dma semaphore(%dma_wait3A_245 : memref<!tpu.dma_semaphore, #tpu.memory_space<semaphore_mem>>) src(%dma_wait3A_243 : memref<10240x128xf32, #tpu.memory_space<hbm>>) dst(%dma_wait3A_237 : memref<128x128xf32, #tpu.memory_space<vmem>>)
      %scan3A_246 = arith.constant 0 : i32
      %scan3A_247 = arith.constant 0 : i32
      %scan3A_248 = arith.constant 128 : i32
      %scan3A_249 = arith.addi %scan3A_247, %scan3A_248 : i32
      %scan3A_250 = arith.constant 1 : i32
      scf.for %scan3A_275 = %scan3A_247 to %scan3A_249 step %scan3A_250  : i32 {
        %get3A = arith.constant 1 : i32
        %get3A_276 = arith.index_cast %get3A : i32 to index
        %get3A_277 = arith.index_cast %scan3A_275 : i32 to index
        %get3A_278 = arith.constant 0 : index
        %get3A_279 = tpu.vector_load %arg9[%get3A_276, %get3A_277, %get3A_278] {strides = array<i32>} : memref<2x128x128xf32, #tpu.memory_space<vmem>>, vector<1x1x16xf32>,
        %get3A_280 = vector.shape_cast %get3A_279 : vector<1x1x16xf32> to vector<16xf32>
        %get3A_281 = arith.constant 1 : i32
        %get3A_282 = arith.index_cast %get3A_281 : i32 to index
        %get3A_283 = arith.index_cast %scan3A_275 : i32 to index
        %get3A_284 = arith.constant 0 : index
        %get3A_285 = tpu.vector_load %arg10[%get3A_282, %get3A_283, %get3A_284] {strides = array<i32>} : memref<2x128x128xf32, #tpu.memory_space<vmem>>, vector<1x1x16xf32>,
        %get3A_286 = vector.shape_cast %get3A_285 : vector<1x1x16xf32> to vector<16xf32>
        %add3A_287 = arith.addf %get3A_280, %get3A_286 : vector<16xf32>
        %swap3A = arith.constant 1 : i32
        %swap3A_288 = arith.index_cast %swap3A : i32 to index
        %swap3A_289 = arith.index_cast %scan3A_275 : i32 to index
        %swap3A_290 = arith.constant 0 : index
        %swap3A_291 = tpu.vector_load %arg9[%swap3A_288, %swap3A_289, %swap3A_290] {strides = array<i32>} : memref<2x128x128xf32, #tpu.memory_space<vmem>>, vector<1x1x16xf32>,
        %swap3A_292 = vector.shape_cast %swap3A_291 : vector<1x1x16xf32> to vector<16xf32>
        %swap3A_293 = vector.shape_cast %add3A_287 : vector<16xf32> to vector<1x1x16xf32>
        tpu.vector_store %arg9[%swap3A_288, %swap3A_289, %swap3A_290], %swap3A_293 {strides = array<i32>} : memref<2x128x128xf32, #tpu.memory_space<vmem>>, vector<1x1x16xf32>,
        %get3A_294 = arith.constant 1 : i32
        %get3A_295 = arith.index_cast %get3A_294 : i32 to index
        %get3A_296 = arith.index_cast %scan3A_275 : i32 to index
        %get3A_297 = arith.constant 16 : index
        %get3A_298 = tpu.vector_load %arg9[%get3A_295, %get3A_296, %get3A_297] {strides = array<i32>} : memref<2x128x128xf32, #tpu.memory_space<vmem>>, vector<1x1x16xf32>,
        %get3A_299 = vector.shape_cast %get3A_298 : vector<1x1x16xf32> to vector<16xf32>
        %get3A_300 = arith.constant 1 : i32
        %get3A_301 = arith.index_cast %get3A_300 : i32 to index
        %get3A_302 = arith.index_cast %scan3A_275 : i32 to index
        %get3A_303 = arith.constant 16 : index
        %get3A_304 = tpu.vector_load %arg10[%get3A_301, %get3A_302, %get3A_303] {strides = array<i32>} : memref<2x128x128xf32, #tpu.memory_space<vmem>>, vector<1x1x16xf32>,
        %get3A_305 = vector.shape_cast %get3A_304 : vector<1x1x16xf32> to vector<16xf32>
        %add3A_306 = arith.addf %get3A_299, %get3A_305 : vector<16xf32>
        %swap3A_307 = arith.constant 1 : i32
        %swap3A_308 = arith.index_cast %swap3A_307 : i32 to index
        %swap3A_309 = arith.index_cast %scan3A_275 : i32 to index
        %swap3A_310 = arith.constant 16 : index
        %swap3A_311 = tpu.vector_load %arg9[%swap3A_308, %swap3A_309, %swap3A_310] {strides = array<i32>} : memref<2x128x128xf32, #tpu.memory_space<vmem>>, vector<1x1x16xf32>,
        %swap3A_312 = vector.shape_cast %swap3A_311 : vector<1x1x16xf32> to vector<16xf32>
        %swap3A_313 = vector.shape_cast %add3A_306 : vector<16xf32> to vector<1x1x16xf32>
        tpu.vector_store %arg9[%swap3A_308, %swap3A_309, %swap3A_310], %swap3A_313 {strides = array<i32>} : memref<2x128x128xf32, #tpu.memory_space<vmem>>, vector<1x1x16xf32>,
        %get3A_314 = arith.constant 1 : i32
        %get3A_315 = arith.index_cast %get3A_314 : i32 to index
        %get3A_316 = arith.index_cast %scan3A_275 : i32 to index
        %get3A_317 = arith.constant 32 : index
        %get3A_318 = tpu.vector_load %arg9[%get3A_315, %get3A_316, %get3A_317] {strides = array<i32>} : memref<2x128x128xf32, #tpu.memory_space<vmem>>, vector<1x1x16xf32>,
        %get3A_319 = vector.shape_cast %get3A_318 : vector<1x1x16xf32> to vector<16xf32>
        %get3A_320 = arith.constant 1 : i32
        %get3A_321 = arith.index_cast %get3A_320 : i32 to index
        %get3A_322 = arith.index_cast %scan3A_275 : i32 to index
        %get3A_323 = arith.constant 32 : index
        %get3A_324 = tpu.vector_load %arg10[%get3A_321, %get3A_322, %get3A_323] {strides = array<i32>} : memref<2x128x128xf32, #tpu.memory_space<vmem>>, vector<1x1x16xf32>,
        %get3A_325 = vector.shape_cast %get3A_324 : vector<1x1x16xf32> to vector<16xf32>
        %add3A_326 = arith.addf %get3A_319, %get3A_325 : vector<16xf32>
        %swap3A_327 = arith.constant 1 : i32
        %swap3A_328 = arith.index_cast %swap3A_327 : i32 to index
        %swap3A_329 = arith.index_cast %scan3A_275 : i32 to index
        %swap3A_330 = arith.constant 32 : index
        %swap3A_331 = tpu.vector_load %arg9[%swap3A_328, %swap3A_329, %swap3A_330] {strides = array<i32>} : memref<2x128x128xf32, #tpu.memory_space<vmem>>, vector<1x1x16xf32>,
        %swap3A_332 = vector.shape_cast %swap3A_331 : vector<1x1x16xf32> to vector<16xf32>
        %swap3A_333 = vector.shape_cast %add3A_326 : vector<16xf32> to vector<1x1x16xf32>
        tpu.vector_store %arg9[%swap3A_328, %swap3A_329, %swap3A_330], %swap3A_333 {strides = array<i32>} : memref<2x128x128xf32, #tpu.memory_space<vmem>>, vector<1x1x16xf32>,
        %get3A_334 = arith.constant 1 : i32
        %get3A_335 = arith.index_cast %get3A_334 : i32 to index
        %get3A_336 = arith.index_cast %scan3A_275 : i32 to index
        %get3A_337 = arith.constant 48 : index
        %get3A_338 = tpu.vector_load %arg9[%get3A_335, %get3A_336, %get3A_337] {strides = array<i32>} : memref<2x128x128xf32, #tpu.memory_space<vmem>>, vector<1x1x16xf32>,
        %get3A_339 = vector.shape_cast %get3A_338 : vector<1x1x16xf32> to vector<16xf32>
        %get3A_340 = arith.constant 1 : i32
        %get3A_341 = arith.index_cast %get3A_340 : i32 to index
        %get3A_342 = arith.index_cast %scan3A_275 : i32 to index
        %get3A_343 = arith.constant 48 : index
        %get3A_344 = tpu.vector_load %arg10[%get3A_341, %get3A_342, %get3A_343] {strides = array<i32>} : memref<2x128x128xf32, #tpu.memory_space<vmem>>, vector<1x1x16xf32>,
        %get3A_345 = vector.shape_cast %get3A_344 : vector<1x1x16xf32> to vector<16xf32>
        %add3A_346 = arith.addf %get3A_339, %get3A_345 : vector<16xf32>
        %swap3A_347 = arith.constant 1 : i32
        %swap3A_348 = arith.index_cast %swap3A_347 : i32 to index
        %swap3A_349 = arith.index_cast %scan3A_275 : i32 to index
        %swap3A_350 = arith.constant 48 : index
        %swap3A_351 = tpu.vector_load %arg9[%swap3A_348, %swap3A_349, %swap3A_350] {strides = array<i32>} : memref<2x128x128xf32, #tpu.memory_space<vmem>>, vector<1x1x16xf32>,
        %swap3A_352 = vector.shape_cast %swap3A_351 : vector<1x1x16xf32> to vector<16xf32>
        %swap3A_353 = vector.shape_cast %add3A_346 : vector<16xf32> to vector<1x1x16xf32>
        tpu.vector_store %arg9[%swap3A_348, %swap3A_349, %swap3A_350], %swap3A_353 {strides = array<i32>} : memref<2x128x128xf32, #tpu.memory_space<vmem>>, vector<1x1x16xf32>,
        %get3A_354 = arith.constant 1 : i32
        %get3A_355 = arith.index_cast %get3A_354 : i32 to index
        %get3A_356 = arith.index_cast %scan3A_275 : i32 to index
        %get3A_357 = arith.constant 64 : index
        %get3A_358 = tpu.vector_load %arg9[%get3A_355, %get3A_356, %get3A_357] {strides = array<i32>} : memref<2x128x128xf32, #tpu.memory_space<vmem>>, vector<1x1x16xf32>,
        %get3A_359 = vector.shape_cast %get3A_358 : vector<1x1x16xf32> to vector<16xf32>
        %get3A_360 = arith.constant 1 : i32
        %get3A_361 = arith.index_cast %get3A_360 : i32 to index
        %get3A_362 = arith.index_cast %scan3A_275 : i32 to index
        %get3A_363 = arith.constant 64 : index
        %get3A_364 = tpu.vector_load %arg10[%get3A_361, %get3A_362, %get3A_363] {strides = array<i32>} : memref<2x128x128xf32, #tpu.memory_space<vmem>>, vector<1x1x16xf32>,
        %get3A_365 = vector.shape_cast %get3A_364 : vector<1x1x16xf32> to vector<16xf32>
        %add3A_366 = arith.addf %get3A_359, %get3A_365 : vector<16xf32>
        %swap3A_367 = arith.constant 1 : i32
        %swap3A_368 = arith.index_cast %swap3A_367 : i32 to index
        %swap3A_369 = arith.index_cast %scan3A_275 : i32 to index
        %swap3A_370 = arith.constant 64 : index
        %swap3A_371 = tpu.vector_load %arg9[%swap3A_368, %swap3A_369, %swap3A_370] {strides = array<i32>} : memref<2x128x128xf32, #tpu.memory_space<vmem>>, vector<1x1x16xf32>,
        %swap3A_372 = vector.shape_cast %swap3A_371 : vector<1x1x16xf32> to vector<16xf32>
        %swap3A_373 = vector.shape_cast %add3A_366 : vector<16xf32> to vector<1x1x16xf32>
        tpu.vector_store %arg9[%swap3A_368, %swap3A_369, %swap3A_370], %swap3A_373 {strides = array<i32>} : memref<2x128x128xf32, #tpu.memory_space<vmem>>, vector<1x1x16xf32>,
        %get3A_374 = arith.constant 1 : i32
        %get3A_375 = arith.index_cast %get3A_374 : i32 to index
        %get3A_376 = arith.index_cast %scan3A_275 : i32 to index
        %get3A_377 = arith.constant 80 : index
        %get3A_378 = tpu.vector_load %arg9[%get3A_375, %get3A_376, %get3A_377] {strides = array<i32>} : memref<2x128x128xf32, #tpu.memory_space<vmem>>, vector<1x1x16xf32>,
        %get3A_379 = vector.shape_cast %get3A_378 : vector<1x1x16xf32> to vector<16xf32>
        %get3A_380 = arith.constant 1 : i32
        %get3A_381 = arith.index_cast %get3A_380 : i32 to index
        %get3A_382 = arith.index_cast %scan3A_275 : i32 to index
        %get3A_383 = arith.constant 80 : index
        %get3A_384 = tpu.vector_load %arg10[%get3A_381, %get3A_382, %get3A_383] {strides = array<i32>} : memref<2x128x128xf32, #tpu.memory_space<vmem>>, vector<1x1x16xf32>,
        %get3A_385 = vector.shape_cast %get3A_384 : vector<1x1x16xf32> to vector<16xf32>
        %add3A_386 = arith.addf %get3A_379, %get3A_385 : vector<16xf32>
        %swap3A_387 = arith.constant 1 : i32
        %swap3A_388 = arith.index_cast %swap3A_387 : i32 to index
        %swap3A_389 = arith.index_cast %scan3A_275 : i32 to index
        %swap3A_390 = arith.constant 80 : index
        %swap3A_391 = tpu.vector_load %arg9[%swap3A_388, %swap3A_389, %swap3A_390] {strides = array<i32>} : memref<2x128x128xf32, #tpu.memory_space<vmem>>, vector<1x1x16xf32>,
        %swap3A_392 = vector.shape_cast %swap3A_391 : vector<1x1x16xf32> to vector<16xf32>
        %swap3A_393 = vector.shape_cast %add3A_386 : vector<16xf32> to vector<1x1x16xf32>
        tpu.vector_store %arg9[%swap3A_388, %swap3A_389, %swap3A_390], %swap3A_393 {strides = array<i32>} : memref<2x128x128xf32, #tpu.memory_space<vmem>>, vector<1x1x16xf32>,
        %get3A_394 = arith.constant 1 : i32
        %get3A_395 = arith.index_cast %get3A_394 : i32 to index
        %get3A_396 = arith.index_cast %scan3A_275 : i32 to index
        %get3A_397 = arith.constant 96 : index
        %get3A_398 = tpu.vector_load %arg9[%get3A_395, %get3A_396, %get3A_397] {strides = array<i32>} : memref<2x128x128xf32, #tpu.memory_space<vmem>>, vector<1x1x16xf32>,
        %get3A_399 = vector.shape_cast %get3A_398 : vector<1x1x16xf32> to vector<16xf32>
        %get3A_400 = arith.constant 1 : i32
        %get3A_401 = arith.index_cast %get3A_400 : i32 to index
        %get3A_402 = arith.index_cast %scan3A_275 : i32 to index
        %get3A_403 = arith.constant 96 : index
        %get3A_404 = tpu.vector_load %arg10[%get3A_401, %get3A_402, %get3A_403] {strides = array<i32>} : memref<2x128x128xf32, #tpu.memory_space<vmem>>, vector<1x1x16xf32>,
        %get3A_405 = vector.shape_cast %get3A_404 : vector<1x1x16xf32> to vector<16xf32>
        %add3A_406 = arith.addf %get3A_399, %get3A_405 : vector<16xf32>
        %swap3A_407 = arith.constant 1 : i32
        %swap3A_408 = arith.index_cast %swap3A_407 : i32 to index
        %swap3A_409 = arith.index_cast %scan3A_275 : i32 to index
        %swap3A_410 = arith.constant 96 : index
        %swap3A_411 = tpu.vector_load %arg9[%swap3A_408, %swap3A_409, %swap3A_410] {strides = array<i32>} : memref<2x128x128xf32, #tpu.memory_space<vmem>>, vector<1x1x16xf32>,
        %swap3A_412 = vector.shape_cast %swap3A_411 : vector<1x1x16xf32> to vector<16xf32>
        %swap3A_413 = vector.shape_cast %add3A_406 : vector<16xf32> to vector<1x1x16xf32>
        tpu.vector_store %arg9[%swap3A_408, %swap3A_409, %swap3A_410], %swap3A_413 {strides = array<i32>} : memref<2x128x128xf32, #tpu.memory_space<vmem>>, vector<1x1x16xf32>,
        %get3A_414 = arith.constant 1 : i32
        %get3A_415 = arith.index_cast %get3A_414 : i32 to index
        %get3A_416 = arith.index_cast %scan3A_275 : i32 to index
        %get3A_417 = arith.constant 112 : index
        %get3A_418 = tpu.vector_load %arg9[%get3A_415, %get3A_416, %get3A_417] {strides = array<i32>} : memref<2x128x128xf32, #tpu.memory_space<vmem>>, vector<1x1x16xf32>,
        %get3A_419 = vector.shape_cast %get3A_418 : vector<1x1x16xf32> to vector<16xf32>
        %get3A_420 = arith.constant 1 : i32
        %get3A_421 = arith.index_cast %get3A_420 : i32 to index
        %get3A_422 = arith.index_cast %scan3A_275 : i32 to index
        %get3A_423 = arith.constant 112 : index
        %get3A_424 = tpu.vector_load %arg10[%get3A_421, %get3A_422, %get3A_423] {strides = array<i32>} : memref<2x128x128xf32, #tpu.memory_space<vmem>>, vector<1x1x16xf32>,
        %get3A_425 = vector.shape_cast %get3A_424 : vector<1x1x16xf32> to vector<16xf32>
        %add3A_426 = arith.addf %get3A_419, %get3A_425 : vector<16xf32>
        %swap3A_427 = arith.constant 1 : i32
        %swap3A_428 = arith.index_cast %swap3A_427 : i32 to index
        %swap3A_429 = arith.index_cast %scan3A_275 : i32 to index
        %swap3A_430 = arith.constant 112 : index
        %swap3A_431 = tpu.vector_load %arg9[%swap3A_428, %swap3A_429, %swap3A_430] {strides = array<i32>} : memref<2x128x128xf32, #tpu.memory_space<vmem>>, vector<1x1x16xf32>,
        %swap3A_432 = vector.shape_cast %swap3A_431 : vector<1x1x16xf32> to vector<16xf32>
        %swap3A_433 = vector.shape_cast %add3A_426 : vector<16xf32> to vector<1x1x16xf32>
        tpu.vector_store %arg9[%swap3A_428, %swap3A_429, %swap3A_430], %swap3A_433 {strides = array<i32>} : memref<2x128x128xf32, #tpu.memory_space<vmem>>, vector<1x1x16xf32>,
      }
      %scan3A_251 = arith.constant 128 : i32
      %mul3A_252 = arith.constant 128 : i32
      %mul3A_253 = arith.muli %add3A_215, %mul3A_252 : i32
      %add3A_254 = arith.addi %mul3A_10, %mul3A_253 : i32
      %dma_start3A_255 = arith.constant 1 : i32
      %dma_start3A_256 = arith.constant 1 : i32
      %dma_start3A_257 = arith.constant 0 : i32
      %dma_start3A_258 = arith.constant 0 : i32
      %dma_start3A_259 = tpu.memref_slice %arg9[%dma_start3A_255, %dma_start3A_257, %dma_start3A_258] : memref<2x128x128xf32, #tpu.memory_space<vmem>> -> memref<1x128x128xf32, #tpu.memory_space<vmem>>
      %dma_start3A_260 = tpu.memref_squeeze %dma_start3A_259 : memref<1x128x128xf32, #tpu.memory_space<vmem>> -> memref<128x128xf32, #tpu.memory_space<vmem>>
      %dma_start3A_261 = arith.constant 0 : i32
      %dma_start3A_262 = tpu.memref_slice %arg6[%add3A_254, %dma_start3A_261] : memref<327680x128xf32, #tpu.memory_space<hbm>> -> memref<128x128xf32, #tpu.memory_space<hbm>>
      %dma_start3A_263 = tpu.memref_slice %arg13[%dma_start3A_256] : memref<2x!tpu.dma_semaphore, #tpu.memory_space<semaphore_mem>> -> memref<1x!tpu.dma_semaphore, #tpu.memory_space<semaphore_mem>>
      %dma_start3A_264 = tpu.memref_squeeze %dma_start3A_263 : memref<1x!tpu.dma_semaphore, #tpu.memory_space<semaphore_mem>> -> memref<!tpu.dma_semaphore, #tpu.memory_space<semaphore_mem>>
      %dma_start3A_265 = arith.constant 0 : i32
      %dma_start3A_266 = tpu.memref_slice %arg6[%add3A_254, %dma_start3A_265] : memref<327680x128xf32, #tpu.memory_space<hbm>> -> memref<128x128xf32, #tpu.memory_space<hbm>>
      %dma_start3A_267 = arith.constant 0 : i32
      %dma_start3A_268 = arith.constant 0 : i32
      %dma_start3A_269 = tpu.memref_slice %arg9[%dma_start3A_255, %dma_start3A_267, %dma_start3A_268] : memref<2x128x128xf32, #tpu.memory_space<vmem>> -> memref<1x128x128xf32, #tpu.memory_space<vmem>>
      %dma_start3A_270 = tpu.memref_squeeze %dma_start3A_269 : memref<1x128x128xf32, #tpu.memory_space<vmem>> -> memref<128x128xf32, #tpu.memory_space<vmem>>
      tpu.enqueue_dma source(%dma_start3A_270 : memref<128x128xf32, #tpu.memory_space<vmem>>) target(%dma_start3A_266 : memref<128x128xf32, #tpu.memory_space<hbm>>) target_semaphore(%dma_start3A_264 : memref<!tpu.dma_semaphore, #tpu.memory_space<semaphore_mem>>)
      %lt3A_271 = arith.cmpi slt, %add3A_217, %mul3A_2 : i32
      %convert_element_type3A_272 = arith.extui %lt3A_271 : i1 to i32
      %cond3A_273 = arith.constant 0 : i32
      %cond3A_274 = arith.cmpi ne, %convert_element_type3A_272, %cond3A_273 : i32
      scf.if %cond3A_274 {
        %mul3A_275 = arith.constant 128 : i32
        %mul3A_276 = arith.muli %add3A_215, %mul3A_275 : i32
        %add3A_277 = arith.addi %mul3A_10, %mul3A_276 : i32
        %dma_wait3A_278 = arith.constant 1 : i32
        %dma_wait3A_279 = arith.constant 1 : i32
        %dma_wait3A_280 = arith.constant 0 : i32
        %dma_wait3A_281 = arith.constant 0 : i32
        %dma_wait3A_282 = tpu.memref_slice %arg9[%dma_wait3A_278, %dma_wait3A_280, %dma_wait3A_281] : memref<2x128x128xf32, #tpu.memory_space<vmem>> -> memref<1x128x128xf32, #tpu.memory_space<vmem>>
        %dma_wait3A_283 = tpu.memref_squeeze %dma_wait3A_282 : memref<1x128x128xf32, #tpu.memory_space<vmem>> -> memref<128x128xf32, #tpu.memory_space<vmem>>
        %dma_wait3A_284 = arith.constant 0 : i32
        %dma_wait3A_285 = tpu.memref_slice %arg6[%add3A_277, %dma_wait3A_284] : memref<327680x128xf32, #tpu.memory_space<hbm>> -> memref<128x128xf32, #tpu.memory_space<hbm>>
        %dma_wait3A_286 = tpu.memref_slice %arg13[%dma_wait3A_279] : memref<2x!tpu.dma_semaphore, #tpu.memory_space<semaphore_mem>> -> memref<1x!tpu.dma_semaphore, #tpu.memory_space<semaphore_mem>>
        %dma_wait3A_287 = tpu.memref_squeeze %dma_wait3A_286 : memref<1x!tpu.dma_semaphore, #tpu.memory_space<semaphore_mem>> -> memref<!tpu.dma_semaphore, #tpu.memory_space<semaphore_mem>>
        %dma_wait3A_288 = arith.constant 0 : i32
        %dma_wait3A_289 = tpu.memref_slice %arg6[%add3A_277, %dma_wait3A_288] : memref<327680x128xf32, #tpu.memory_space<hbm>> -> memref<128x128xf32, #tpu.memory_space<hbm>>
        %dma_wait3A_290 = arith.constant 0 : i32
        %dma_wait3A_291 = arith.constant 0 : i32
        %dma_wait3A_292 = tpu.memref_slice %arg9[%dma_wait3A_278, %dma_wait3A_290, %dma_wait3A_291] : memref<2x128x128xf32, #tpu.memory_space<vmem>> -> memref<1x128x128xf32, #tpu.memory_space<vmem>>
        %dma_wait3A_293 = tpu.memref_squeeze %dma_wait3A_292 : memref<1x128x128xf32, #tpu.memory_space<vmem>> -> memref<128x128xf32, #tpu.memory_space<vmem>>
        tpu.wait_dma2 semaphore(%dma_wait3A_287 : memref<!tpu.dma_semaphore, #tpu.memory_space<semaphore_mem>>) src(%dma_wait3A_293 : memref<128x128xf32, #tpu.memory_space<vmem>>) dst(%dma_wait3A_289 : memref<128x128xf32, #tpu.memory_space<hbm>>)
        %dma_start3A_294 = arith.constant 1 : i32
        %dma_start3A_295 = arith.constant 1 : i32
        %dma_start3A_296 = arith.constant 0 : i32
        %dma_start3A_297 = arith.constant 0 : i32
        %dma_start3A_298 = tpu.memref_slice %arg9[%dma_start3A_294, %dma_start3A_296, %dma_start3A_297] : memref<2x128x128xf32, #tpu.memory_space<vmem>> -> memref<1x128x128xf32, #tpu.memory_space<vmem>>
        %dma_start3A_299 = tpu.memref_squeeze %dma_start3A_298 : memref<1x128x128xf32, #tpu.memory_space<vmem>> -> memref<128x128xf32, #tpu.memory_space<vmem>>
        %dma_start3A_300 = arith.constant 0 : i32
        %dma_start3A_301 = tpu.memref_slice %arg7[%add3A_217, %dma_start3A_300] : memref<80x128xi32, #tpu.memory_space<vmem>> -> memref<1x128xi32, #tpu.memory_space<vmem>>
        %dma_start3A_302 = tpu.memref_squeeze %dma_start3A_301 : memref<1x128xi32, #tpu.memory_space<vmem>> -> memref<128xi32, #tpu.memory_space<vmem>>
        %dma_start3A_303 = arith.constant 0 : i32
        %dma_start3A_304 = arith.constant 0 : i32
        %dma_start3A_305 = tpu.memref_slice %arg2[%dma_start3A_303, %dma_start3A_304] : memref<10240x128xf32, #tpu.memory_space<hbm>> -> memref<10240x128xf32, #tpu.memory_space<hbm>>
        %dma_start3A_306 = tpu.memref_slice %arg11[%dma_start3A_295] : memref<2x!tpu.dma_semaphore, #tpu.memory_space<semaphore_mem>> -> memref<1x!tpu.dma_semaphore, #tpu.memory_space<semaphore_mem>>
        %dma_start3A_307 = tpu.memref_squeeze %dma_start3A_306 : memref<1x!tpu.dma_semaphore, #tpu.memory_space<semaphore_mem>> -> memref<!tpu.dma_semaphore, #tpu.memory_space<semaphore_mem>>
        tpu.enqueue_indirect_dma source(%dma_start3A_305 : memref<10240x128xf32, #tpu.memory_space<hbm>>) target(%dma_start3A_299 : memref<128x128xf32, #tpu.memory_space<vmem>>) offsets(%dma_start3A_302 : memref<128xi32, #tpu.memory_space<vmem>>) semaphore(%dma_start3A_307 : memref<!tpu.dma_semaphore, #tpu.memory_space<semaphore_mem>>)
        %dma_start3A_308 = arith.constant 1 : i32
        %dma_start3A_309 = arith.constant 1 : i32
        %dma_start3A_310 = arith.constant 0 : i32
        %dma_start3A_311 = arith.constant 0 : i32
        %dma_start3A_312 = tpu.memref_slice %arg10[%dma_start3A_308, %dma_start3A_310, %dma_start3A_311] : memref<2x128x128xf32, #tpu.memory_space<vmem>> -> memref<1x128x128xf32, #tpu.memory_space<vmem>>
        %dma_start3A_313 = tpu.memref_squeeze %dma_start3A_312 : memref<1x128x128xf32, #tpu.memory_space<vmem>> -> memref<128x128xf32, #tpu.memory_space<vmem>>
        %dma_start3A_314 = arith.constant 0 : i32
        %dma_start3A_315 = tpu.memref_slice %arg8[%add3A_217, %dma_start3A_314] : memref<80x128xi32, #tpu.memory_space<vmem>> -> memref<1x128xi32, #tpu.memory_space<vmem>>
        %dma_start3A_316 = tpu.memref_squeeze %dma_start3A_315 : memref<1x128xi32, #tpu.memory_space<vmem>> -> memref<128xi32, #tpu.memory_space<vmem>>
        %dma_start3A_317 = arith.constant 0 : i32
        %dma_start3A_318 = arith.constant 0 : i32
        %dma_start3A_319 = tpu.memref_slice %arg3[%dma_start3A_317, %dma_start3A_318] : memref<10240x128xf32, #tpu.memory_space<hbm>> -> memref<10240x128xf32, #tpu.memory_space<hbm>>
        %dma_start3A_320 = tpu.memref_slice %arg12[%dma_start3A_309] : memref<2x!tpu.dma_semaphore, #tpu.memory_space<semaphore_mem>> -> memref<1x!tpu.dma_semaphore, #tpu.memory_space<semaphore_mem>>
        %dma_start3A_321 = tpu.memref_squeeze %dma_start3A_320 : memref<1x!tpu.dma_semaphore, #tpu.memory_space<semaphore_mem>> -> memref<!tpu.dma_semaphore, #tpu.memory_space<semaphore_mem>>
        tpu.enqueue_indirect_dma source(%dma_start3A_319 : memref<10240x128xf32, #tpu.memory_space<hbm>>) target(%dma_start3A_313 : memref<128x128xf32, #tpu.memory_space<vmem>>) offsets(%dma_start3A_316 : memref<128xi32, #tpu.memory_space<vmem>>) semaphore(%dma_start3A_321 : memref<!tpu.dma_semaphore, #tpu.memory_space<semaphore_mem>>)
      } else {
      }
    }
    %sub3A_107 = arith.constant 2 : i32
    %sub3A_108 = arith.subi %mul3A_2, %sub3A_107 : i32
    %add3A_109 = arith.constant 0 : i32
    %add3A_110 = arith.addi %sub3A_108, %add3A_109 : i32
    %mul3A_111 = arith.constant 128 : i32
    %mul3A_112 = arith.muli %add3A_110, %mul3A_111 : i32
    %add3A_113 = arith.addi %mul3A_10, %mul3A_112 : i32
    %dma_wait3A = arith.constant 0 : i32
    %dma_wait3A_114 = arith.constant 0 : i32
    %dma_wait3A_115 = arith.constant 0 : i32
    %dma_wait3A_116 = arith.constant 0 : i32
    %dma_wait3A_117 = tpu.memref_slice %arg9[%dma_wait3A, %dma_wait3A_115, %dma_wait3A_116] : memref<2x128x128xf32, #tpu.memory_space<vmem>> -> memref<1x128x128xf32, #tpu.memory_space<vmem>>
    %dma_wait3A_118 = tpu.memref_squeeze %dma_wait3A_117 : memref<1x128x128xf32, #tpu.memory_space<vmem>> -> memref<128x128xf32, #tpu.memory_space<vmem>>
    %dma_wait3A_119 = arith.constant 0 : i32
    %dma_wait3A_120 = tpu.memref_slice %arg6[%add3A_113, %dma_wait3A_119] : memref<327680x128xf32, #tpu.memory_space<hbm>> -> memref<128x128xf32, #tpu.memory_space<hbm>>
    %dma_wait3A_121 = tpu.memref_slice %arg13[%dma_wait3A_114] : memref<2x!tpu.dma_semaphore, #tpu.memory_space<semaphore_mem>> -> memref<1x!tpu.dma_semaphore, #tpu.memory_space<semaphore_mem>>
    %dma_wait3A_122 = tpu.memref_squeeze %dma_wait3A_121 : memref<1x!tpu.dma_semaphore, #tpu.memory_space<semaphore_mem>> -> memref<!tpu.dma_semaphore, #tpu.memory_space<semaphore_mem>>
    %dma_wait3A_123 = arith.constant 0 : i32
    %dma_wait3A_124 = tpu.memref_slice %arg6[%add3A_113, %dma_wait3A_123] : memref<327680x128xf32, #tpu.memory_space<hbm>> -> memref<128x128xf32, #tpu.memory_space<hbm>>
    %dma_wait3A_125 = arith.constant 0 : i32
    %dma_wait3A_126 = arith.constant 0 : i32
    %dma_wait3A_127 = tpu.memref_slice %arg9[%dma_wait3A, %dma_wait3A_125, %dma_wait3A_126] : memref<2x128x128xf32, #tpu.memory_space<vmem>> -> memref<1x128x128xf32, #tpu.memory_space<vmem>>
    %dma_wait3A_128 = tpu.memref_squeeze %dma_wait3A_127 : memref<1x128x128xf32, #tpu.memory_space<vmem>> -> memref<128x128xf32, #tpu.memory_space<vmem>>
    tpu.wait_dma2 semaphore(%dma_wait3A_122 : memref<!tpu.dma_semaphore, #tpu.memory_space<semaphore_mem>>) src(%dma_wait3A_128 : memref<128x128xf32, #tpu.memory_space<vmem>>) dst(%dma_wait3A_124 : memref<128x128xf32, #tpu.memory_space<hbm>>)
    %sub3A_129 = arith.constant 2 : i32
    %sub3A_130 = arith.subi %mul3A_2, %sub3A_129 : i32
    %add3A_131 = arith.constant 1 : i32
    %add3A_132 = arith.addi %sub3A_130, %add3A_131 : i32
    %mul3A_133 = arith.constant 128 : i32
    %mul3A_134 = arith.muli %add3A_132, %mul3A_133 : i32
    %add3A_135 = arith.addi %mul3A_10, %mul3A_134 : i32
    %dma_wait3A_136 = arith.constant 1 : i32
    %dma_wait3A_137 = arith.constant 1 : i32
    %dma_wait3A_138 = arith.constant 0 : i32
    %dma_wait3A_139 = arith.constant 0 : i32
    %dma_wait3A_140 = tpu.memref_slice %arg9[%dma_wait3A_136, %dma_wait3A_138, %dma_wait3A_139] : memref<2x128x128xf32, #tpu.memory_space<vmem>> -> memref<1x128x128xf32, #tpu.memory_space<vmem>>
    %dma_wait3A_141 = tpu.memref_squeeze %dma_wait3A_140 : memref<1x128x128xf32, #tpu.memory_space<vmem>> -> memref<128x128xf32, #tpu.memory_space<vmem>>
    %dma_wait3A_142 = arith.constant 0 : i32
    %dma_wait3A_143 = tpu.memref_slice %arg6[%add3A_135, %dma_wait3A_142] : memref<327680x128xf32, #tpu.memory_space<hbm>> -> memref<128x128xf32, #tpu.memory_space<hbm>>
    %dma_wait3A_144 = tpu.memref_slice %arg13[%dma_wait3A_137] : memref<2x!tpu.dma_semaphore, #tpu.memory_space<semaphore_mem>> -> memref<1x!tpu.dma_semaphore, #tpu.memory_space<semaphore_mem>>
    %dma_wait3A_145 = tpu.memref_squeeze %dma_wait3A_144 : memref<1x!tpu.dma_semaphore, #tpu.memory_space<semaphore_mem>> -> memref<!tpu.dma_semaphore, #tpu.memory_space<semaphore_mem>>
    %dma_wait3A_146 = arith.constant 0 : i32
    %dma_wait3A_147 = tpu.memref_slice %arg6[%add3A_135, %dma_wait3A_146] : memref<327680x128xf32, #tpu.memory_space<hbm>> -> memref<128x128xf32, #tpu.memory_space<hbm>>
    %dma_wait3A_148 = arith.constant 0 : i32
    %dma_wait3A_149 = arith.constant 0 : i32
    %dma_wait3A_150 = tpu.memref_slice %arg9[%dma_wait3A_136, %dma_wait3A_148, %dma_wait3A_149] : memref<2x128x128xf32, #tpu.memory_space<vmem>> -> memref<1x128x128xf32, #tpu.memory_space<vmem>>
    %dma_wait3A_151 = tpu.memref_squeeze %dma_wait3A_150 : memref<1x128x128xf32, #tpu.memory_space<vmem>> -> memref<128x128xf32, #tpu.memory_space<vmem>>
    tpu.wait_dma2 semaphore(%dma_wait3A_145 : memref<!tpu.dma_semaphore, #tpu.memory_space<semaphore_mem>>) src(%dma_wait3A_151 : memref<128x128xf32, #tpu.memory_space<vmem>>) dst(%dma_wait3A_147 : memref<128x128xf32, #tpu.memory_space<hbm>>)
    return
  }
}

module attributes {stable_mosaic.version = 14 : i64} {
  func.func @kern(%arg0: i32, %arg1: memref<2x1024x128xf32, #tpu.memory_space<vmem>>, %arg2: memref<2x1024x128xf32, #tpu.memory_space<vmem>>, %arg3: memref<1024x128xf32, #tpu.memory_space<vmem>>, %arg4: memref<128x128xf32, #tpu.memory_space<vmem>>, %arg5: memref<128x128xf32, #tpu.memory_space<vmem>>, %arg6: memref<1x128xf32, #tpu.memory_space<vmem>>, %arg7: memref<1024x128xf32, #tpu.memory_space<vmem>>, %arg8: memref<1024x1xf32, #tpu.memory_space<vmem>>) attributes {dimension_semantics = [#tpu.dimension_semantics<arbitrary>], iteration_bounds = array<i64: 10>, scalar_prefetch = 0 : i64, scratch_operands = 0 : i64, tpu.core_type = #tpu.core_type<tc>, window_params = [{transform_indices = @transform_0, window_bounds = array<i64: 2, 1024, 128>}, {transform_indices = @transform_1, window_bounds = array<i64: 2, 1024, 128>}, {transform_indices = @transform_2, window_bounds = array<i64: 1024, 128>}, {pipeline_mode = #tpu.pipeline_mode<synchronous>, transform_indices = @transform_3, window_bounds = array<i64: 128, 128>}, {pipeline_mode = #tpu.pipeline_mode<synchronous>, transform_indices = @transform_4, window_bounds = array<i64: 128, 128>}, {pipeline_mode = #tpu.pipeline_mode<synchronous>, transform_indices = @transform_5, window_bounds = array<i64: 1, 128>}, {transform_indices = @transform_6, window_bounds = array<i64: 1024, 128>}, {transform_indices = @transform_7, window_bounds = array<i64: 1024, 1>}]} {
    %get3A = arith.constant 0 : index
    %get3A_0 = arith.constant 0 : index
    %get3A_1 = arith.constant 0 : index
    %get3A_2 = vector.load %arg2[%get3A, %get3A_0, %get3A_1] : memref<2x1024x128xf32, #tpu.memory_space<vmem>>, vector<1x1024x128xf32>
    %get3A_3 = vector.shape_cast %get3A_2 : vector<1x1024x128xf32> to vector<1024x128xf32>
    %get3A_4 = arith.constant 1 : index
    %get3A_5 = arith.constant 0 : index
    %get3A_6 = arith.constant 0 : index
    %get3A_7 = vector.load %arg2[%get3A_4, %get3A_5, %get3A_6] : memref<2x1024x128xf32, #tpu.memory_space<vmem>>, vector<1x1024x128xf32>
    %get3A_8 = vector.shape_cast %get3A_7 : vector<1x1024x128xf32> to vector<1024x128xf32>
    %add3A = arith.addf %get3A_3, %get3A_8 : vector<1024x128xf32>
    %slice3A = vector.extract_strided_slice %add3A {offsets = [0, 0], sizes = [1024, 1], strides = [1, 1]} : vector<1024x128xf32> to vector<1024x1xf32>
    %max3A = arith.constant 1.000000e+00 : f32
    %max3A_9 = vector.broadcast %max3A : f32 to vector<1024x1xf32>
    %max3A_10 = arith.maximumf %slice3A, %max3A_9 : vector<1024x1xf32>
    %div3A = arith.constant 1.000000e+00 : f32
    %div3A_11 = vector.broadcast %div3A : f32 to vector<1024x1xf32>
    %div3A_12 = arith.divf %div3A_11, %max3A_10 : vector<1024x1xf32>
    %get3A_13 = arith.constant 0 : index
    %get3A_14 = arith.constant 0 : index
    %get3A_15 = arith.constant 0 : index
    %get3A_16 = vector.load %arg1[%get3A_13, %get3A_14, %get3A_15] : memref<2x1024x128xf32, #tpu.memory_space<vmem>>, vector<1x1024x128xf32>
    %get3A_17 = vector.shape_cast %get3A_16 : vector<1x1024x128xf32> to vector<1024x128xf32>
    %get3A_18 = arith.constant 1 : index
    %get3A_19 = arith.constant 0 : index
    %get3A_20 = arith.constant 0 : index
    %get3A_21 = vector.load %arg1[%get3A_18, %get3A_19, %get3A_20] : memref<2x1024x128xf32, #tpu.memory_space<vmem>>, vector<1x1024x128xf32>
    %get3A_22 = vector.shape_cast %get3A_21 : vector<1x1024x128xf32> to vector<1024x128xf32>
    %add3A_23 = arith.addf %get3A_17, %get3A_22 : vector<1024x128xf32>
    %mul3A = vector.broadcast %div3A_12 : vector<1024x1xf32> to vector<1024x128xf32>
    %mul3A_24 = arith.mulf %add3A_23, %mul3A : vector<1024x128xf32>
    %get3A_25 = arith.constant 0 : index
    %get3A_26 = arith.constant 0 : index
    %get3A_27 = vector.load %arg4[%get3A_25, %get3A_26] : memref<128x128xf32, #tpu.memory_space<vmem>>, vector<128x128xf32>
    %dot_general3A = arith.constant dense<0.000000e+00> : vector<1024x128xf32>
    %dot_general3A_28 = tpu.matmul %mul3A_24, %get3A_27, %dot_general3A {dimension_numbers = #tpu.dot_dimension_numbers<[1], [0], [0], [1], [0, 0, 1, 1], [], []>, precision = #tpu.contract_precision<fp32>, transpose_lhs_hint = false} : vector<1024x128xf32>, vector<128x128xf32>, vector<1024x128xf32> -> vector<1024x128xf32>
    %get3A_29 = arith.constant 0 : index
    %get3A_30 = arith.constant 0 : index
    %get3A_31 = vector.load %arg3[%get3A_29, %get3A_30] : memref<1024x128xf32, #tpu.memory_space<vmem>>, vector<1024x128xf32>
    %get3A_32 = arith.constant 0 : index
    %get3A_33 = arith.constant 0 : index
    %get3A_34 = vector.load %arg5[%get3A_32, %get3A_33] : memref<128x128xf32, #tpu.memory_space<vmem>>, vector<128x128xf32>
    %dot_general3A_35 = arith.constant dense<0.000000e+00> : vector<1024x128xf32>
    %dot_general3A_36 = tpu.matmul %get3A_31, %get3A_34, %dot_general3A_35 {dimension_numbers = #tpu.dot_dimension_numbers<[1], [0], [0], [1], [0, 0, 1, 1], [], []>, precision = #tpu.contract_precision<fp32>, transpose_lhs_hint = false} : vector<1024x128xf32>, vector<128x128xf32>, vector<1024x128xf32> -> vector<1024x128xf32>
    %add3A_37 = arith.addf %dot_general3A_28, %dot_general3A_36 : vector<1024x128xf32>
    %get3A_38 = arith.constant 0 : index
    %get3A_39 = arith.constant 0 : index
    %get3A_40 = vector.load %arg6[%get3A_38, %get3A_39] : memref<1x128xf32, #tpu.memory_space<vmem>>, vector<1x128xf32>
    %add3A_41 = vector.broadcast %get3A_40 : vector<1x128xf32> to vector<1024x128xf32>
    %add3A_42 = arith.addf %add3A_37, %add3A_41 : vector<1024x128xf32>
    %max3A_43 = arith.constant 0.000000e+00 : f32
    %max3A_44 = vector.broadcast %max3A_43 : f32 to vector<1024x128xf32>
    %max3A_45 = arith.maximumf %add3A_42, %max3A_44 : vector<1024x128xf32>
    %swap3A = arith.constant 0 : index
    %swap3A_46 = arith.constant 0 : index
    %swap3A_47 = vector.load %arg7[%swap3A, %swap3A_46] : memref<1024x128xf32, #tpu.memory_space<vmem>>, vector<1024x128xf32>
    tpu.vector_store %arg7[%swap3A, %swap3A_46], %max3A_45 {strides = array<i32>} : memref<1024x128xf32, #tpu.memory_space<vmem>>, vector<1024x128xf32>,
    %swap3A_48 = arith.constant 0 : index
    %swap3A_49 = arith.constant 0 : index
    %swap3A_50 = vector.load %arg8[%swap3A_48, %swap3A_49] : memref<1024x1xf32, #tpu.memory_space<vmem>>, vector<1024x1xf32>
    tpu.vector_store %arg8[%swap3A_48, %swap3A_49], %div3A_12 {strides = array<i32>} : memref<1024x1xf32, #tpu.memory_space<vmem>>, vector<1024x1xf32>,
    return
  }
  func.func @transform_0(%arg0: i32) -> (i32, i32, i32) {
    %c0_i32 = arith.constant 0 : i32
    %c0_i32_0 = arith.constant 0 : i32
    %c0_i32_1 = arith.constant 0 : i32
    return %c0_i32, %arg0, %c0_i32_0 : i32, i32, i32
  }
  func.func @transform_1(%arg0: i32) -> (i32, i32, i32) {
    %c0_i32 = arith.constant 0 : i32
    %c0_i32_0 = arith.constant 0 : i32
    %c0_i32_1 = arith.constant 0 : i32
    return %c0_i32, %arg0, %c0_i32_0 : i32, i32, i32
  }
  func.func @transform_2(%arg0: i32) -> (i32, i32) {
    %c0_i32 = arith.constant 0 : i32
    %c0_i32_0 = arith.constant 0 : i32
    return %arg0, %c0_i32 : i32, i32
  }
  func.func @transform_3(%arg0: i32) -> (i32, i32) {
    %c0_i32 = arith.constant 0 : i32
    %c0_i32_0 = arith.constant 0 : i32
    %c0_i32_1 = arith.constant 0 : i32
    return %c0_i32, %c0_i32_0 : i32, i32
  }
  func.func @transform_4(%arg0: i32) -> (i32, i32) {
    %c0_i32 = arith.constant 0 : i32
    %c0_i32_0 = arith.constant 0 : i32
    %c0_i32_1 = arith.constant 0 : i32
    return %c0_i32, %c0_i32_0 : i32, i32
  }
  func.func @transform_5(%arg0: i32) -> (i32, i32) {
    %c0_i32 = arith.constant 0 : i32
    %c0_i32_0 = arith.constant 0 : i32
    %c0_i32_1 = arith.constant 0 : i32
    return %c0_i32, %c0_i32_0 : i32, i32
  }
  func.func @transform_6(%arg0: i32) -> (i32, i32) {
    %c0_i32 = arith.constant 0 : i32
    %c0_i32_0 = arith.constant 0 : i32
    return %arg0, %c0_i32 : i32, i32
  }
  func.func @transform_7(%arg0: i32) -> (i32, i32) {
    %c0_i32 = arith.constant 0 : i32
    %c0_i32_0 = arith.constant 0 : i32
    return %arg0, %c0_i32 : i32, i32
  }
}

module attributes {stable_mosaic.version = 14 : i64} {
  func.func @kern(%arg0: i32, %arg1: memref<2x1024x128xf32, #tpu.memory_space<vmem>>, %arg2: memref<1024x1xf32, #tpu.memory_space<vmem>>, %arg3: memref<1024x128xf32, #tpu.memory_space<vmem>>, %arg4: memref<128x128xf32, #tpu.memory_space<vmem>>, %arg5: memref<128x128xf32, #tpu.memory_space<vmem>>, %arg6: memref<1x128xf32, #tpu.memory_space<vmem>>, %arg7: memref<128x128xf32, #tpu.memory_space<vmem>>, %arg8: memref<128x128xf32, #tpu.memory_space<vmem>>, %arg9: memref<1x128xf32, #tpu.memory_space<vmem>>, %arg10: memref<1024x128xf32, #tpu.memory_space<vmem>>, %arg11: memref<1024x128xf32, #tpu.memory_space<vmem>>) attributes {dimension_semantics = [#tpu.dimension_semantics<arbitrary>], iteration_bounds = array<i64: 10>, scalar_prefetch = 0 : i64, scratch_operands = 0 : i64, tpu.core_type = #tpu.core_type<tc>, window_params = [{transform_indices = @transform_0, window_bounds = array<i64: 2, 1024, 128>}, {transform_indices = @transform_1, window_bounds = array<i64: 1024, 1>}, {transform_indices = @transform_2, window_bounds = array<i64: 1024, 128>}, {pipeline_mode = #tpu.pipeline_mode<synchronous>, transform_indices = @transform_3, window_bounds = array<i64: 128, 128>}, {pipeline_mode = #tpu.pipeline_mode<synchronous>, transform_indices = @transform_4, window_bounds = array<i64: 128, 128>}, {pipeline_mode = #tpu.pipeline_mode<synchronous>, transform_indices = @transform_5, window_bounds = array<i64: 1, 128>}, {pipeline_mode = #tpu.pipeline_mode<synchronous>, transform_indices = @transform_6, window_bounds = array<i64: 128, 128>}, {pipeline_mode = #tpu.pipeline_mode<synchronous>, transform_indices = @transform_7, window_bounds = array<i64: 128, 128>}, {pipeline_mode = #tpu.pipeline_mode<synchronous>, transform_indices = @transform_8, window_bounds = array<i64: 1, 128>}, {transform_indices = @transform_9, window_bounds = array<i64: 1024, 128>}, {transform_indices = @transform_10, window_bounds = array<i64: 1024, 128>}]} {
    %get3A = arith.constant 0 : index
    %get3A_0 = arith.constant 0 : index
    %get3A_1 = arith.constant 0 : index
    %get3A_2 = vector.load %arg1[%get3A, %get3A_0, %get3A_1] : memref<2x1024x128xf32, #tpu.memory_space<vmem>>, vector<1x1024x128xf32>
    %get3A_3 = vector.shape_cast %get3A_2 : vector<1x1024x128xf32> to vector<1024x128xf32>
    %get3A_4 = arith.constant 1 : index
    %get3A_5 = arith.constant 0 : index
    %get3A_6 = arith.constant 0 : index
    %get3A_7 = vector.load %arg1[%get3A_4, %get3A_5, %get3A_6] : memref<2x1024x128xf32, #tpu.memory_space<vmem>>, vector<1x1024x128xf32>
    %get3A_8 = vector.shape_cast %get3A_7 : vector<1x1024x128xf32> to vector<1024x128xf32>
    %add3A = arith.addf %get3A_3, %get3A_8 : vector<1024x128xf32>
    %get3A_9 = arith.constant 0 : index
    %get3A_10 = arith.constant 0 : index
    %get3A_11 = vector.load %arg2[%get3A_9, %get3A_10] : memref<1024x1xf32, #tpu.memory_space<vmem>>, vector<1024x1xf32>
    %mul3A = vector.broadcast %get3A_11 : vector<1024x1xf32> to vector<1024x128xf32>
    %mul3A_12 = arith.mulf %add3A, %mul3A : vector<1024x128xf32>
    %get3A_13 = arith.constant 0 : index
    %get3A_14 = arith.constant 0 : index
    %get3A_15 = vector.load %arg4[%get3A_13, %get3A_14] : memref<128x128xf32, #tpu.memory_space<vmem>>, vector<128x128xf32>
    %dot_general3A = arith.constant dense<0.000000e+00> : vector<1024x128xf32>
    %dot_general3A_16 = tpu.matmul %mul3A_12, %get3A_15, %dot_general3A {dimension_numbers = #tpu.dot_dimension_numbers<[1], [0], [0], [1], [0, 0, 1, 1], [], []>, precision = #tpu.contract_precision<fp32>, transpose_lhs_hint = false} : vector<1024x128xf32>, vector<128x128xf32>, vector<1024x128xf32> -> vector<1024x128xf32>
    %get3A_17 = arith.constant 0 : index
    %get3A_18 = arith.constant 0 : index
    %get3A_19 = vector.load %arg3[%get3A_17, %get3A_18] : memref<1024x128xf32, #tpu.memory_space<vmem>>, vector<1024x128xf32>
    %get3A_20 = arith.constant 0 : index
    %get3A_21 = arith.constant 0 : index
    %get3A_22 = vector.load %arg5[%get3A_20, %get3A_21] : memref<128x128xf32, #tpu.memory_space<vmem>>, vector<128x128xf32>
    %dot_general3A_23 = arith.constant dense<0.000000e+00> : vector<1024x128xf32>
    %dot_general3A_24 = tpu.matmul %get3A_19, %get3A_22, %dot_general3A_23 {dimension_numbers = #tpu.dot_dimension_numbers<[1], [0], [0], [1], [0, 0, 1, 1], [], []>, precision = #tpu.contract_precision<fp32>, transpose_lhs_hint = false} : vector<1024x128xf32>, vector<128x128xf32>, vector<1024x128xf32> -> vector<1024x128xf32>
    %add3A_25 = arith.addf %dot_general3A_16, %dot_general3A_24 : vector<1024x128xf32>
    %get3A_26 = arith.constant 0 : index
    %get3A_27 = arith.constant 0 : index
    %get3A_28 = vector.load %arg6[%get3A_26, %get3A_27] : memref<1x128xf32, #tpu.memory_space<vmem>>, vector<1x128xf32>
    %add3A_29 = vector.broadcast %get3A_28 : vector<1x128xf32> to vector<1024x128xf32>
    %add3A_30 = arith.addf %add3A_25, %add3A_29 : vector<1024x128xf32>
    %max3A = arith.constant 0.000000e+00 : f32
    %max3A_31 = vector.broadcast %max3A : f32 to vector<1024x128xf32>
    %max3A_32 = arith.maximumf %add3A_30, %max3A_31 : vector<1024x128xf32>
    %get3A_33 = arith.constant 0 : index
    %get3A_34 = arith.constant 0 : index
    %get3A_35 = vector.load %arg7[%get3A_33, %get3A_34] : memref<128x128xf32, #tpu.memory_space<vmem>>, vector<128x128xf32>
    %dot_general3A_36 = arith.constant dense<0.000000e+00> : vector<1024x128xf32>
    %dot_general3A_37 = tpu.matmul %max3A_32, %get3A_35, %dot_general3A_36 {dimension_numbers = #tpu.dot_dimension_numbers<[1], [0], [0], [1], [0, 0, 1, 1], [], []>, precision = #tpu.contract_precision<fp32>, transpose_lhs_hint = false} : vector<1024x128xf32>, vector<128x128xf32>, vector<1024x128xf32> -> vector<1024x128xf32>
    %get3A_38 = arith.constant 0 : index
    %get3A_39 = arith.constant 0 : index
    %get3A_40 = vector.load %arg9[%get3A_38, %get3A_39] : memref<1x128xf32, #tpu.memory_space<vmem>>, vector<1x128xf32>
    %add3A_41 = vector.broadcast %get3A_40 : vector<1x128xf32> to vector<1024x128xf32>
    %add3A_42 = arith.addf %dot_general3A_37, %add3A_41 : vector<1024x128xf32>
    %swap3A = arith.constant 0 : index
    %swap3A_43 = arith.constant 0 : index
    %swap3A_44 = vector.load %arg10[%swap3A, %swap3A_43] : memref<1024x128xf32, #tpu.memory_space<vmem>>, vector<1024x128xf32>
    tpu.vector_store %arg10[%swap3A, %swap3A_43], %add3A_42 {strides = array<i32>} : memref<1024x128xf32, #tpu.memory_space<vmem>>, vector<1024x128xf32>,
    %get3A_45 = arith.constant 0 : index
    %get3A_46 = arith.constant 0 : index
    %get3A_47 = vector.load %arg8[%get3A_45, %get3A_46] : memref<128x128xf32, #tpu.memory_space<vmem>>, vector<128x128xf32>
    %dot_general3A_48 = arith.constant dense<0.000000e+00> : vector<1024x128xf32>
    %dot_general3A_49 = tpu.matmul %max3A_32, %get3A_47, %dot_general3A_48 {dimension_numbers = #tpu.dot_dimension_numbers<[1], [0], [0], [1], [0, 0, 1, 1], [], []>, precision = #tpu.contract_precision<fp32>, transpose_lhs_hint = false} : vector<1024x128xf32>, vector<128x128xf32>, vector<1024x128xf32> -> vector<1024x128xf32>
    %swap3A_50 = arith.constant 0 : index
    %swap3A_51 = arith.constant 0 : index
    %swap3A_52 = vector.load %arg11[%swap3A_50, %swap3A_51] : memref<1024x128xf32, #tpu.memory_space<vmem>>, vector<1024x128xf32>
    tpu.vector_store %arg11[%swap3A_50, %swap3A_51], %dot_general3A_49 {strides = array<i32>} : memref<1024x128xf32, #tpu.memory_space<vmem>>, vector<1024x128xf32>,
    return
  }
  func.func @transform_0(%arg0: i32) -> (i32, i32, i32) {
    %c0_i32 = arith.constant 0 : i32
    %c0_i32_0 = arith.constant 0 : i32
    %c0_i32_1 = arith.constant 0 : i32
    return %c0_i32, %arg0, %c0_i32_0 : i32, i32, i32
  }
  func.func @transform_1(%arg0: i32) -> (i32, i32) {
    %c0_i32 = arith.constant 0 : i32
    %c0_i32_0 = arith.constant 0 : i32
    return %arg0, %c0_i32 : i32, i32
  }
  func.func @transform_2(%arg0: i32) -> (i32, i32) {
    %c0_i32 = arith.constant 0 : i32
    %c0_i32_0 = arith.constant 0 : i32
    return %arg0, %c0_i32 : i32, i32
  }
  func.func @transform_3(%arg0: i32) -> (i32, i32) {
    %c0_i32 = arith.constant 0 : i32
    %c0_i32_0 = arith.constant 0 : i32
    %c0_i32_1 = arith.constant 0 : i32
    return %c0_i32, %c0_i32_0 : i32, i32
  }
  func.func @transform_4(%arg0: i32) -> (i32, i32) {
    %c0_i32 = arith.constant 0 : i32
    %c0_i32_0 = arith.constant 0 : i32
    %c0_i32_1 = arith.constant 0 : i32
    return %c0_i32, %c0_i32_0 : i32, i32
  }
  func.func @transform_5(%arg0: i32) -> (i32, i32) {
    %c0_i32 = arith.constant 0 : i32
    %c0_i32_0 = arith.constant 0 : i32
    %c0_i32_1 = arith.constant 0 : i32
    return %c0_i32, %c0_i32_0 : i32, i32
  }
  func.func @transform_6(%arg0: i32) -> (i32, i32) {
    %c0_i32 = arith.constant 0 : i32
    %c0_i32_0 = arith.constant 0 : i32
    %c0_i32_1 = arith.constant 0 : i32
    return %c0_i32, %c0_i32_0 : i32, i32
  }
  func.func @transform_7(%arg0: i32) -> (i32, i32) {
    %c0_i32 = arith.constant 0 : i32
    %c0_i32_0 = arith.constant 0 : i32
    %c0_i32_1 = arith.constant 0 : i32
    return %c0_i32, %c0_i32_0 : i32, i32
  }
  func.func @transform_8(%arg0: i32) -> (i32, i32) {
    %c0_i32 = arith.constant 0 : i32
    %c0_i32_0 = arith.constant 0 : i32
    %c0_i32_1 = arith.constant 0 : i32
    return %c0_i32, %c0_i32_0 : i32, i32
  }
  func.func @transform_9(%arg0: i32) -> (i32, i32) {
    %c0_i32 = arith.constant 0 : i32
    %c0_i32_0 = arith.constant 0 : i32
    return %arg0, %c0_i32 : i32, i32
  }
  func.func @transform_10(%arg0: i32) -> (i32, i32) {
    %c0_i32 = arith.constant 0 : i32
    %c0_i32_0 = arith.constant 0 : i32
    return %arg0, %c0_i32 : i32, i32
  }
}

module attributes {stable_mosaic.version = 14 : i64} {
  func.func @kern(%arg0: i32, %arg1: memref<8192x128xf32, #tpu.memory_space<vmem>>, %arg2: memref<16x8192xf32, #tpu.memory_space<vmem>>, %arg3: memref<16x128xf32, #tpu.memory_space<vmem>>, %arg4: memref<1x128xf32, #tpu.memory_space<vmem>>, %arg5: memref<1x1xf32, #tpu.memory_space<vmem>>, %arg6: memref<8192xf32, #tpu.memory_space<vmem>>) attributes {dimension_semantics = [#tpu.dimension_semantics<arbitrary>], iteration_bounds = array<i64: 40>, scalar_prefetch = 0 : i64, scratch_operands = 0 : i64, tpu.core_type = #tpu.core_type<tc>, window_params = [{transform_indices = @transform_0, window_bounds = array<i64: 8192, 128>}, {transform_indices = @transform_1, window_bounds = array<i64: 16, 8192>}, {pipeline_mode = #tpu.pipeline_mode<synchronous>, transform_indices = @transform_2, window_bounds = array<i64: 16, 128>}, {pipeline_mode = #tpu.pipeline_mode<synchronous>, transform_indices = @transform_3, window_bounds = array<i64: 1, 128>}, {pipeline_mode = #tpu.pipeline_mode<synchronous>, transform_indices = @transform_4, window_bounds = array<i64: 1, 1>}, {transform_indices = @transform_5, window_bounds = array<i64: 8192>}]} {
    %get3A = arith.constant 0 : index
    %get3A_0 = arith.constant 0 : index
    %get3A_1 = vector.load %arg2[%get3A, %get3A_0] : memref<16x8192xf32, #tpu.memory_space<vmem>>, vector<16x8192xf32>
    %get3A_2 = arith.constant 0 : index
    %get3A_3 = arith.constant 0 : index
    %get3A_4 = vector.load %arg3[%get3A_2, %get3A_3] : memref<16x128xf32, #tpu.memory_space<vmem>>, vector<16x128xf32>
    %dot_general3A = arith.constant dense<0.000000e+00> : vector<8192x128xf32>
    %dot_general3A_5 = tpu.matmul %get3A_1, %get3A_4, %dot_general3A {dimension_numbers = #tpu.dot_dimension_numbers<[0], [0], [1], [1], [0, 1, 1, 1], [], []>, transpose_lhs_hint = false} : vector<16x8192xf32>, vector<16x128xf32>, vector<8192x128xf32> -> vector<8192x128xf32>
    %get3A_6 = arith.constant 0 : index
    %get3A_7 = arith.constant 0 : index
    %get3A_8 = vector.load %arg1[%get3A_6, %get3A_7] : memref<8192x128xf32, #tpu.memory_space<vmem>>, vector<8192x128xf32>
    %add3A = arith.addf %get3A_8, %dot_general3A_5 : vector<8192x128xf32>
    %max3A = arith.constant 0.000000e+00 : f32
    %max3A_9 = vector.broadcast %max3A : f32 to vector<8192x128xf32>
    %max3A_10 = arith.maximumf %add3A, %max3A_9 : vector<8192x128xf32>
    %get3A_11 = arith.constant 0 : index
    %get3A_12 = arith.constant 0 : index
    %get3A_13 = vector.load %arg4[%get3A_11, %get3A_12] : memref<1x128xf32, #tpu.memory_space<vmem>>, vector<1x128xf32>
    %mul3A = vector.broadcast %get3A_13 : vector<1x128xf32> to vector<8192x128xf32>
    %mul3A_14 = arith.mulf %max3A_10, %mul3A : vector<8192x128xf32>
    %reduce_sum3A = arith.constant dense<0.000000e+00> : vector<8192xf32>
    %reduce_sum3A_15 = vector.multi_reduction <add>, %mul3A_14, %reduce_sum3A [1] : vector<8192x128xf32> to vector<8192xf32>
    %get3A_16 = arith.constant 0 : index
    %get3A_17 = arith.constant 0 : index
    %get3A_18 = vector.load %arg5[%get3A_16, %get3A_17] : memref<1x1xf32, #tpu.memory_space<vmem>>, vector<1x1xf32>
    %get3A_19 = vector.extract %get3A_18[0, 0] : f32 from vector<1x1xf32>
    %add3A_20 = vector.broadcast %get3A_19 : f32 to vector<8192xf32>
    %add3A_21 = arith.addf %reduce_sum3A_15, %add3A_20 : vector<8192xf32>
    %swap3A = arith.constant 0 : index
    %swap3A_22 = vector.load %arg6[%swap3A] : memref<8192xf32, #tpu.memory_space<vmem>>, vector<8192xf32>
    tpu.vector_store %arg6[%swap3A], %add3A_21 {strides = array<i32>} : memref<8192xf32, #tpu.memory_space<vmem>>, vector<8192xf32>,
    return
  }
  func.func @transform_0(%arg0: i32) -> (i32, i32) {
    %c0_i32 = arith.constant 0 : i32
    %c0_i32_0 = arith.constant 0 : i32
    return %arg0, %c0_i32 : i32, i32
  }
  func.func @transform_1(%arg0: i32) -> (i32, i32) {
    %c0_i32 = arith.constant 0 : i32
    %c0_i32_0 = arith.constant 0 : i32
    return %c0_i32, %arg0 : i32, i32
  }
  func.func @transform_2(%arg0: i32) -> (i32, i32) {
    %c0_i32 = arith.constant 0 : i32
    %c0_i32_0 = arith.constant 0 : i32
    %c0_i32_1 = arith.constant 0 : i32
    return %c0_i32, %c0_i32_0 : i32, i32
  }
  func.func @transform_3(%arg0: i32) -> (i32, i32) {
    %c0_i32 = arith.constant 0 : i32
    %c0_i32_0 = arith.constant 0 : i32
    %c0_i32_1 = arith.constant 0 : i32
    return %c0_i32, %c0_i32_0 : i32, i32
  }
  func.func @transform_4(%arg0: i32) -> (i32, i32) {
    %c0_i32 = arith.constant 0 : i32
    %c0_i32_0 = arith.constant 0 : i32
    %c0_i32_1 = arith.constant 0 : i32
    return %c0_i32, %c0_i32_0 : i32, i32
  }
  func.func @transform_5(%arg0: i32) -> i32 {
    %c0_i32 = arith.constant 0 : i32
    return %arg0 : i32
  }
}

</mosaic_0001>

<sc_bundles>
// kernel: kernel.12.cloned.1.call-start
scs
__scs_entry_jumppad:
0x0: {  	(pc) =	sbr.rel $0x88, $3  }
0x1: {  	(tag) =	ssettag $0x0;
	lr =	simm.s32 $0x1  }
0x2: {  	[smem:$0x3F94] =	sst lr;
	_ =	strace $0xD0000000  }
0x3: {  	_ = 	snop  }
0x4: {  	_ = 	snop  }
0x5: {  	_ = 	snop  }
0x6: {  	_ = 	snop  }
0x7: {  	_ = 	snop  }
__scs_overlays_trampoline_lowered:
0x8: {  	[smem:$0x3FA3] =	sst s0  }
0x9: {  	[smem:$0x3FA4] =	sst s1  }
0xa: {  	[smem:$0x3FA5] =	sst s2  }
0xb: {  	[smem:$0x3FA6] =	sst s3  }
0xc: {  	[smem:$0x3FA7] =	sst s4  }
0xd: {  	[smem:$0x3FA8] =	sst s5  }
0xe: {  	[smem:$0x3FA9] =	sst s6  }
0xf: {  	[smem:$0x3FAA] =	sst s7  }
0x10: {  	[smem:$0x3FAB] =	sst s8  }
0x11: {  	[smem:$0x3FAC] =	sst s9;
	s0 =	simm.s32 @!p0 $0x0  }
0x12: {  	s1 =	sld [smem:$0x3F92];
	s0 =	simm.s32 @p0 $0x1  }
0x13: {  	[smem:$0x3FAD] =	sst s0;
	s0 =	simm.s32 @!p1 $0x0  }
0x14: {  	s2 =	sld [smem:$0x3F91];
	s0 =	simm.s32 @p1 $0x1  }
0x15: {  	[smem:$0x3FAE] =	sst s0;
	s0 =	simm.s32 @!p2 $0x0  }
0x16: {  	s3 =	sld [smem:$0x3FDB];
	s0 =	simm.s32 @p2 $0x1  }
0x17: {  	s4 =	simm.s32 $0x1BF5;
	[smem:$0x3FB0] =	sst s0  }
0x18: {  	s0 =	sld [smem:$0x3F93];
	_ =	swait.ge [sflag:s4], $0x0  }
0x19: {  	s7 =	sld [smem:$0x3F94]  }
0x1a: {  	s8 =	sadd.s32 $0xFFFFE003, lr  }
0x1b: {  	s9 =	sadd.s32 $0xFFFFFEF7, lr;
	s5 =	simm.s32 $0xFFFFFFFF;
	p2 =	slt.u32 s8, $0xFFFFF086  }
0x1c: {  	p1 =	slt.u32 s9, $0xF7A;
	s5 =	simm.s32 @!p2 $0x0  }
0x1d: {  	s5 =	simm.s32 @p1 $0x1;
	p0 =	seq.s32 s7, s2  }
0x1e: {  	s7 =	smul.u32 @!p0 $0xF7A, s2;
	p2 =	seq.s32 @!p0 s5, $0x0  }
0x1f: {  	s9 =	smul.u32 $0xF7A, s1;
	s8 =	simm.s32 @!p0 $0x1BF5;
	p2 =	por !p2, p0  }
0x20: {  	[sflag:s8] =	ssyncset.s32 @!p0 $0xFFFFF086;
	s6 =	sadd.s32 @!p0 s3, s7;
	s7 =	simm.s32 @!p0 $0x108  }
0x21: {  	s3 =	sadd.s32 s3, s9;
	s6 =	sadd.s32 @!p0 $0x88, s6;
	s7 =	simm.s32 @p2 $0x1082  }
0x22: {  	[simem:s7], [sflag:s8] =	dma.local @!p0 [hbm:s6], $0xF7A  }
0x23: {  	s9 =	sor.u32 $0xD0000000, s2;
	s6 =	simm.s32 $0x108;
	_ =	swait.ge @!p0 [sflag:s8], $0x0  }
0x24: {  	s3 =	sadd.s32 $0x88, s3;
	s6 =	simm.s32 @!p1 $0x1082;
	[sflag:s4] =	ssyncset.s32 $0xFFFFF086  }
0x25: {  	[simem:s6], [sflag:s4] =	dma.local [hbm:s3], $0xF7A  }
0x26: {  	[smem:$0x3F94] =	sst s1;
	(tag) =	ssettag s2;
	_ =	strace s9  }
0x27: {  	s1 =	sld [smem:$0x3FA4]  }
0x28: {  	s2 =	sld [smem:$0x3FA5]  }
0x29: {  	s4 =	sld [smem:$0x3FA7]  }
0x2a: {  	p0 =	seq.s32 s5, $0x0;
	s5 =	sld [smem:$0x3FA8]  }
0x2b: {  	s6 =	sld [smem:$0x3FA9]  }
0x2c: {  	s7 =	sld [smem:$0x3FAA]  }
0x2d: {  	s3 =	simm.s32 $0x108;
	s8 =	sld [smem:$0x3FAB]  }
0x2e: {  	s3 =	simm.s32 @!p0 $0x1082;
	s9 =	sld [smem:$0x3FAC]  }
0x2f: {  	lr =	sadd.s32 s0, s3;
	s0 =	sld [smem:$0x3FA3]  }
0x30: {  	s3 =	sld [smem:$0x3FA6]  }
0x31: {  	[smem:$0x3FAF] =	sst s10  }
0x32: {  	s10 =	sld [smem:$0x3FAD];
	_ =	sdelay $0x3  }
0x33: {  	p0 =	seq.s32 s10, $0x1;
	s10 =	sld [smem:$0x3FAF];
	_ =	sdelay $0x3  }
0x34: {  	[smem:$0x3FAF] =	sst s10  }
0x35: {  	s10 =	sld [smem:$0x3FAE];
	_ =	sdelay $0x3  }
0x36: {  	p1 =	seq.s32 s10, $0x1;
	s10 =	sld [smem:$0x3FAF];
	_ =	sdelay $0x3  }
0x37: {  	[smem:$0x3FAF] =	sst s10  }
0x38: {  	s10 =	sld [smem:$0x3FB0]  }
0x39: {  	_ = 	snop;
	(pc) =	sbr.ind lr, $3  }
0x3a: {  	_ = 	snop  }
0x3b: {  	_ = 	snop  }
0x3c: {  	p2 =	seq.s32 s10, $0x1;
	s10 =	sld [smem:$0x3FAF]  }
0x3d: {  	_ =	shalt  }
0x3e: {  	_ =	shalt  }
0x3f: {  	_ =	shalt  }
0x40: {  	_ =	shalt  }
0x41: {  	_ =	shalt  }
0x42: {  	_ =	shalt  }
0x43: {  	_ =	shalt  }
0x44: {  	_ =	shalt  }
0x45: {  	_ =	shalt  }
0x46: {  	_ =	shalt  }
0x47: {  	_ =	shalt  }
0x48: {  	_ =	shalt  }
0x49: {  	_ =	shalt  }
0x4a: {  	_ =	shalt  }
0x4b: {  	_ =	shalt  }
0x4c: {  	_ =	shalt  }
0x4d: {  	_ =	shalt  }
0x4e: {  	_ =	shalt  }
0x4f: {  	_ =	shalt  }
0x50: {  	_ =	shalt  }
0x51: {  	_ =	shalt  }
0x52: {  	_ =	shalt  }
0x53: {  	_ =	shalt  }
0x54: {  	_ =	shalt  }
0x55: {  	_ =	shalt  }
0x56: {  	_ =	shalt  }
0x57: {  	_ =	shalt  }
0x58: {  	_ =	shalt  }
0x59: {  	_ =	shalt  }
0x5a: {  	_ =	shalt  }
0x5b: {  	_ =	shalt  }
0x5c: {  	_ =	shalt  }
0x5d: {  	_ =	shalt  }
0x5e: {  	_ =	shalt  }
0x5f: {  	_ =	shalt  }
0x60: {  	_ =	shalt  }
0x61: {  	_ =	shalt  }
0x62: {  	_ =	shalt  }
0x63: {  	_ =	shalt  }
0x64: {  	_ =	shalt  }
0x65: {  	_ =	shalt  }
0x66: {  	_ =	shalt  }
0x67: {  	_ =	shalt  }
0x68: {  	_ =	shalt  }
0x69: {  	_ =	shalt  }
0x6a: {  	_ =	shalt  }
0x6b: {  	_ =	shalt  }
0x6c: {  	_ =	shalt  }
0x6d: {  	_ =	shalt  }
0x6e: {  	_ =	shalt  }
0x6f: {  	_ =	shalt  }
0x70: {  	_ =	shalt  }
0x71: {  	_ =	shalt  }
0x72: {  	_ =	shalt  }
0x73: {  	_ =	shalt  }
0x74: {  	_ =	shalt  }
0x75: {  	_ =	shalt  }
0x76: {  	_ =	shalt  }
0x77: {  	_ =	shalt  }
0x78: {  	_ =	shalt  }
0x79: {  	_ =	shalt  }
0x7a: {  	_ =	shalt  }
0x7b: {  	_ =	shalt  }
0x7c: {  	_ =	shalt  }
0x7d: {  	_ =	shalt  }
0x7e: {  	_ =	shalt  }
0x7f: {  	_ =	shalt  }
0x80: {  	_ =	shalt  }
0x81: {  	_ =	shalt  }
0x82: {  	_ =	shalt  }
0x83: {  	_ =	shalt  }
0x84: {  	_ =	shalt  }
0x85: {  	_ =	shalt  }
0x86: {  	_ =	shalt  }
0x87: {  	_ =	shalt  }
.Lfunc_end0:
.L_simem_size_0:
called_computation.1_lowered:
.L_overlay_start_0:
0x88: {  	s2 =	sld [smem:$0x3FD9]  }
0x89: {  	s3 =	sld [smem:$0x3FFE];
	_ =	sdelay $0x1  }
0x8a: {  	s1 =	srdreg.scid  }
0x8b: {  	s0 =	sand.u32 $0x1, s1  }
0x8c: {  	s17 =	sshll.u32 s0, $0xA;
	s2 =	sadd.s32 s3, s2  }
0x8d: {  	s2 =	sadd.s32 s2, s17  }
0x8e: {  	[smem:$0x3FBB] =	sst s2  }
0x8f: {  	_ = 	snop  }
0x90: {  	s2 =	sld [smem:$0x3FD0];
	(tm) =	ssettm $0x1  }
0x91: {  	s18 =	sld [smem:$0x3FFB];
	_ =	sdelay $0x3  }
0x92: {  	_ =	strace s18  }
0x93: {  	s3 =	sld [smem:$0x3FFC];
	_ =	sdelay $0x3  }
0x94: {  	_ =	strace s3  }
0x95: {  	s3 =	sld [smem:$0x3FFD];
	_ =	sdelay $0x3  }
0x96: {  	_ =	strace s3  }
0x97: {  	_ =	strace $0x8FFFFFFF  }
0x98: {  	s19 =	sld [smem:$0x3FDB];
	_ =	sdelay $0x1  }
0x99: {  	s4 =	simm.s32 $_scs_section_size  }
0x9a: {  	s5 =	simm.s32 $_size__tile_overlayer_lowered;
	s6 =	simm.s32 $_tile_overlayer_lowered  }
0x9b: {  	s22 =	simm.s32 $0x1BFF;
	s21 =	sshll.u32 s6, $0x1;
	s3 =	sadd.s32 s4, s19  }
0x9c: {  	s7 =	simm.s32 $0x0;
	s20 =	sshll.u32 s5, $0x1;
	s5 =	sadd.s32 s21, s3  }
0x9d: {  	[timem:s7], [sflag:s22] =	dma.local [hbm:s5], s20  }
0x9e: {  	_ =	swait.ge [sflag:s22], s20  }
0x9f: {  	s4 =	ssub.s32 $0x0, s20;
	[sflag:s22] =	ssyncset.done $0x0  }
0xa0: {  	[sflag:s22] =	ssyncadd.s32 s4;
	_ =	sdelay $0x1  }
0xa1: {  	s23 =	simm.s32 $0x1B8B  }
0xa2: {  	_ =	swait.ge [sflag:s23], $0x1  }
0xa3: {  	[sflag:s23] =	ssyncset.done $0x0  }
0xa4: {  	s25 =	simm.s32 $0x1B8E;
	s24 =	sld [smem:$0x3FFE];
	[sflag:s23] =	ssyncadd.s32 $0xFFFFFFFF  }
0xa5: {  	s26 =	simm.s32 $execute0_lowered;
	[smem:$0x3FD2] =	sst s25  }
0xa6: {  	s5 =	sshll.u32 s26, $0x1;
	_ =	strace $0x80000046;
	[dreg:$0x1] =	wrdreg $0xFFFFFFFF  }
0xa7: {  	s28 =	simm.s32 $_size_execute0_lowered;
	s3 =	sadd.s32 s3, s5;
	[dreg:$0x0] =	wrdreg $0x0  }
0xa8: {  	s5 =	sshll.u32 s28, $0x1;
	[dreg:$0x2] =	wrdreg s3  }
0xa9: {  	[dreg:$0x3] =	wrdreg s5  }
0xaa: {  	[dreg:$0x4] =	wrdreg $0xC0  }
0xab: {  	_ =	task [dreg:s7], $0x5FFFF  }
0xac: {  	[dreg:$0x1] =	wrdreg $0xFFFFFFFF  }
0xad: {  	[dreg:$0x0] =	wrdreg $0x60  }
0xae: {  	[dreg:$0x2] =	wrdreg s24  }
0xaf: {  	[dreg:$0x3] =	wrdreg s2  }
0xb0: {  	[dreg:$0x4] =	wrdreg $0xA8000  }
0xb1: {  	[dreg:$0x5] =	wrdreg $0xA  }
0xb2: {  	_ =	task.clear_ibuf [dreg:s7], $0x6FFFF;
	_ =	strace $0x90000046  }
0xb3: {  	s29 =	simm.s32 $0xA;
	_ =	strace $0x80000048  }
0xb4: {  	_ =	swait.ge [sflag:s29], $0x1  }
0xb5: {  	[sflag:s29] =	ssyncadd.s32 $0xFFFFFFFF  }
0xb6: {  	_ =	strace $0x90000048  }
0xb7: {  	_ =	sfence  }
0xb8: {  	s30 =	sld [smem:$0x0];
	_ =	sdelay $0x2  }
0xb9: {  	s31 =	sshll.u32 s1, $0xD;
	s1 =	sshrl.u32 s1, $0x2  }
0xba: {  	s3 =	sand.u32 $0x4000, s31;
	s1 =	sadd.s32 s1, s30  }
0xbb: {  	s0 =	sor.u32 s3, s0;
	s1 =	sshll.u32 s1, $0x11  }
0xbc: {  	s0 =	sor.u32 s1, s0  }
0xbd: {  	s0 =	sadd.s32 $0x8F2B, s0  }
0xbe: {  	[sflag:s0] =	ssyncadd.remote.s32 $0x1  }
0xbf: {  	_ =	sfence.sel $0xFFFF  }
0xc0: {  	[dreg:$0x0] =	wrdreg $0xFFFFFFFF;
	(pc) =	sbr.abs _section_cstart, $3  }
0xc1: {  	[dreg:$0x1] =	wrdreg $0xFFFFFFFF  }
0xc2: {  	_ =	task.clear_ibuf [dreg:s7], $0x2FFFF;
	_ =	strace $0x9FFFFFFF  }
0xc3: {  	(tm) =	ssettm $0x7FFFFFFF  }
tec
execute0_lowered:
.L_overlay_start_1:
0x0: {  	(tag) =	ssettag $0x1  }
0x1: {  	s0 =	rddreg [dreg:$0x0]  }
0x2: {  	s1 =	rddreg [dreg:$0x1]  }
0x3: {  	s2 =	rddreg [dreg:$0x2]  }
0x4: {  	s3 =	srdreg.scid;
	s4 =	simm.s32 $0x0;
	s23 =	stileid.u32  }
0x5: {  	s14 =	simm.s32 $0x5;
	s19 =	simm.s32 $0x1400;
	s20 =	simm.s32 $0x80  }
0x6: {  	s21 =	simm.s32 $0x2800;
	s22 =	simm.s32 $0x6800;
	s28 =	simm.s32 $0x2700  }
0x7: {  	s29 =	simm.s32 $0x2780;
	s30 =	simm.s32 $0x0;
	s7 =	sand.u32 $0x1, s3  }
0x8: {  	[smem:$0x7FF] =	sst s4;
	s8 =	smul.u32 $0x14000, s23;
	s5 =	sadd.s32 $0x3400, s0  }
0x9: {  	s11 =	sadd.s32 $0x35400, s0;
	s24 =	smul.u32 $0x50000, s23;
	s12 =	sadd.s32 $0x2B400, s0  }
0xa: {  	s26 =	sshll.u32 s23, $0x6;
	s10 =	smul.u32 $0x500, s23;
	s23 =	simm.s32 $0x1  }
0xb: {  	s6 =	smul.u32 $0x140000, s7;
	_ =	strace $0x80000047;
	s9 =	ssub.s32 $0x2, s7  }
0xc: {  	p0 =	seq.s32 s7, $0x0;
	s25 =	sshrl.u32 s9, $0x1;
	s7 =	sadd.s32 $0x5000, s10  }
0xd: {  	s6 =	sadd.s32 s8, s6;
	s8 =	sshrl.u32 s24, $0x2;
	s9 =	ssub.s32 s9, s25  }
0xe: {  	s10 =	smov.u32 @p0 s7;
	s24 =	simm.s32 $0x2;
	s25 =	simm.s32 $0x3  }
0xf: {  	s6 =	sshrl.u32 s6, $0x3;
	s13 =	sadd.s32 s8, s2;
	s8 =	smax.u32 s9, $0x1  }
0x10: {  	s31 =	sadd.s32 $0x280, s10;
	s9 =	sadd.s32 s11, s10;
	s10 =	sadd.s32 s12, s10  }
0x11: {  	s0 =	sadd.s32 s6, s0;
	s6 =	sor.u32 $0x1C05, s26;
	s15 =	sadd.s32 $0x4000, s13  }
0x12: {  	s16 =	sadd.s32 $0x8000, s13;
	s17 =	sadd.s32 $0xC000, s13;
	s18 =	sadd.s32 $0x10000, s13  }
0x13: {  	s11 =	sadd.s32 s11, s31;
	s12 =	sadd.s32 s12, s31;
	s13 =	sshrl.u32 s13, $0x3  }
0x14: {  	s26 =	simm.s32 $0x4;
	s7 =	sadd.s32 $0x3F400, s0;
	s15 =	sshrl.u32 s15, $0x3  }
0x15: {  	s16 =	sshrl.u32 s16, $0x3;
	s17 =	sshrl.u32 s17, $0x3;
	s18 =	sshrl.u32 s18, $0x3  }
.LBB2_1:
0x16: {  	[spmem:s13], [sflag:s6] =	dma.local [hbm:s1], $0x800  }
0x17: {  	_ =	swait.ge [sflag:s14], $0x800  }
0x18: {  	[sflag:s14] =	ssyncset.done $0x0  }
0x19: {  	[sflag:s14] =	ssyncadd.s32 $0xFFFFF800  }
0x1a: {  	[spmem:s15], [sflag:s6] =	dma.local [hbm:s1], $0x800  }
0x1b: {  	_ =	swait.ge [sflag:s14], $0x800  }
0x1c: {  	[sflag:s14] =	ssyncset.done $0x0  }
0x1d: {  	[sflag:s14] =	ssyncadd.s32 $0xFFFFF800  }
0x1e: {  	[spmem:s16], [sflag:s6] =	dma.local [hbm:s1], $0x800  }
0x1f: {  	_ =	swait.ge [sflag:s14], $0x800  }
0x20: {  	[sflag:s14] =	ssyncset.done $0x0  }
0x21: {  	[sflag:s14] =	ssyncadd.s32 $0xFFFFF800  }
0x22: {  	[spmem:s17], [sflag:s6] =	dma.local [hbm:s1], $0x800  }
0x23: {  	_ =	swait.ge [sflag:s14], $0x800  }
0x24: {  	[sflag:s14] =	ssyncset.done $0x0  }
0x25: {  	[sflag:s14] =	ssyncadd.s32 $0xFFFFF800  }
0x26: {  	[spmem:s18], [sflag:s6] =	dma.local [hbm:s1], $0x800  }
0x27: {  	_ =	swait.ge [sflag:s14], $0x800  }
0x28: {  	[sflag:s14] =	ssyncset.done $0x0  }
0x29: {  	[sflag:s14] =	ssyncadd.s32 $0xFFFFF800  }
0x2a: {  	[bflag:$0x0] =	sbarrier.arrive $0xFFFF  }
0x2b: {  	[tilespmem:s4], [sflag:$0x5] =	stream.linear.gather [hbm4b:s9+s4], $0x1400, $0x38;
	[tilespmem:$0x1E800] =	vst v63  }
0x2c: {  	_ =	swait.ge [sflag:s14], $0x1400  }
0x2d: {  	[sflag:s14] =	ssyncset.done $0x0  }
0x2e: {  	[sflag:s14] =	ssyncadd.s32 $0xFFFFEC00  }
0x2f: {  	[tilespmem:s19], [sflag:$0x5] =	stream.linear.gather [hbm4b:s10+s4], $0x1400, $0x38;
	[tilespmem:$0x1E800] =	vst v63  }
0x30: {  	_ =	swait.ge [sflag:s14], $0x1400  }
0x31: {  	[sflag:s14] =	ssyncset.done $0x0  }
0x32: {  	[sflag:s14] =	ssyncadd.s32 $0xFFFFEC00  }
0x33: {  	[tilespmem:s21], [sflag:$0x1] =	stream.indirect.gather [hbm4b:s5+s20], $0x80, s4, s20, $0xb8;
	[tilespmem:$0x1E800] =	vst v63  }
0x34: {  	_ = 	snop  }
0x35: {  	[tilespmem:s22], [sflag:$0x2] =	stream.indirect.gather [hbm4b:s5+s20], $0x80, s20, s20, $0xb8;
	[tilespmem:$0x1E800] =	vst v63  }
0x36: {  	_ =	swait.ge [sflag:s23], $0x4000  }
0x37: {  	[sflag:s23] =	ssyncset.done $0x0  }
0x38: {  	s0 =	simm.s32 $0x1400;
	[sflag:s23] =	ssyncadd.s32 $0xFFFFC000  }
0x39: {  	[spmem:s2] =	stream.indirect.scatter.add.f32 [tilespmem:s21], [sflag:$0x3], $0x80, s0, s20, $0xb8;
	[tilespmem:$0x1E800] =	vst v63  }
0x3a: {  	_ =	swait.ge [sflag:s24], $0x4000  }
0x3b: {  	[sflag:s24] =	ssyncset.done $0x0  }
0x3c: {  	s3 =	simm.s32 $0x1480;
	[sflag:s24] =	ssyncadd.s32 $0xFFFFC000  }
0x3d: {  	[spmem:s2] =	stream.indirect.scatter.add.f32 [tilespmem:s22], [sflag:$0x4], $0x80, s3, s20, $0xb8;
	[tilespmem:$0x1E800] =	vst v63  }
0x3e: {  	_ =	swait.ge [sflag:s25], $0x4000  }
0x3f: {  	[sflag:s25] =	ssyncset.done $0x0  }
0x40: {  	s3 =	simm.s32 $0x100;
	[sflag:s25] =	ssyncadd.s32 $0xFFFFC000  }
0x41: {  	[tilespmem:s21], [sflag:$0x1] =	stream.indirect.gather [hbm4b:s5+s20], $0x80, s3, s20, $0xb8;
	[tilespmem:$0x1E800] =	vst v63  }
0x42: {  	_ =	swait.ge [sflag:s26], $0x4000  }
0x43: {  	[sflag:s26] =	ssyncset.done $0x0  }
0x44: {  	s31 =	simm.s32 $0x400;
	s0 =	simm.s32 $0x180;
	[sflag:s26] =	ssyncadd.s32 $0xFFFFC000  }
.LBB2_2:
0x45: {  	[tilespmem:s22], [sflag:$0x2] =	stream.indirect.gather [hbm4b:s5+s20], $0x80, s0, s20, $0xb8;
	[tilespmem:$0x1E800] =	vst v63  }
0x46: {  	s0 =	smov.u32 s31  }
0x47: {  	p0 =	sne.s32 s31, $0x4800;
	s31 =	sadd.s32 $0x400, s31;
	_ =	swait.ge [sflag:s23], $0x4000  }
0x48: {  	s0 =	sshra.s32 s0, $0x2;
	[sflag:s23] =	ssyncset.done $0x0  }
0x49: {  	s3 =	sadd.s32 $0x1400, s0;
	[sflag:s23] =	ssyncadd.s32 $0xFFFFC000  }
0x4a: {  	[spmem:s2] =	stream.indirect.scatter.add.f32 [tilespmem:s21], [sflag:$0x3], $0x80, s3, s20, $0xb8;
	[tilespmem:$0x1E800] =	vst v63  }
0x4b: {  	_ =	swait.ge [sflag:s24], $0x4000  }
0x4c: {  	[sflag:s24] =	ssyncset.done $0x0  }
0x4d: {  	s3 =	sadd.s32 $0x1480, s0;
	[sflag:s24] =	ssyncadd.s32 $0xFFFFC000  }
0x4e: {  	[spmem:s2] =	stream.indirect.scatter.add.f32 [tilespmem:s22], [sflag:$0x4], $0x80, s3, s20, $0xb8;
	[tilespmem:$0x1E800] =	vst v63  }
0x4f: {  	_ =	swait.ge [sflag:s25], $0x4000  }
0x50: {  	[sflag:s25] =	ssyncset.done $0x0  }
.Ltmp0:
0x51: {  	s3 =	sadd.s32 $0x100, s0;
	[sflag:s25] =	ssyncadd.s32 $0xFFFFC000;
	(pc) =	sbr.rel @p0 .LBB2_2-.Ltmp0, $4  }
0x52: {  	[tilespmem:s21], [sflag:$0x1] =	stream.indirect.gather [hbm4b:s5+s20], $0x80, s3, s20, $0xb8;
	[tilespmem:$0x1E800] =	vst v63  }
0x53: {  	_ =	swait.ge [sflag:s26], $0x4000  }
0x54: {  	[sflag:s26] =	ssyncset.done $0x0  }
0x55: {  	s0 =	sadd.s32 $0x180, s0;
	[sflag:s26] =	ssyncadd.s32 $0xFFFFC000  }
0x56: {  	[tilespmem:s22], [sflag:$0x2] =	stream.indirect.gather [hbm4b:s5+s20], $0x80, s0, s20, $0xb8;
	[tilespmem:$0x1E800] =	vst v63  }
0x57: {  	_ =	swait.ge [sflag:s23], $0x4000  }
0x58: {  	[sflag:s23] =	ssyncset.done $0x0  }
0x59: {  	[sflag:s23] =	ssyncadd.s32 $0xFFFFC000  }
0x5a: {  	[spmem:s2] =	stream.indirect.scatter.add.f32 [tilespmem:s21], [sflag:$0x3], $0x80, s28, s20, $0xb8;
	[tilespmem:$0x1E800] =	vst v63  }
0x5b: {  	_ =	swait.ge [sflag:s24], $0x4000  }
0x5c: {  	[sflag:s24] =	ssyncset.done $0x0  }
0x5d: {  	[sflag:s24] =	ssyncadd.s32 $0xFFFFC000  }
0x5e: {  	[spmem:s2] =	stream.indirect.scatter.add.f32 [tilespmem:s22], [sflag:$0x4], $0x80, s29, s20, $0xb8;
	[tilespmem:$0x1E800] =	vst v63  }
0x5f: {  	_ =	swait.ge [sflag:s25], $0x4000  }
0x60: {  	[sflag:s25] =	ssyncset.done $0x0  }
0x61: {  	[sflag:s25] =	ssyncadd.s32 $0xFFFFC000  }
0x62: {  	_ =	swait.ge [sflag:s26], $0x4000  }
0x63: {  	[sflag:s26] =	ssyncset.done $0x0  }
0x64: {  	s3 =	simm.s32 $0x0;
	[sflag:s26] =	ssyncadd.s32 $0xFFFFC000  }
0x65: {  	[tilespmem:s3], [sflag:$0x5] =	stream.linear.gather [hbm4b:s11+s3], $0x1400, $0x38;
	[tilespmem:$0x1E800] =	vst v63  }
0x66: {  	_ =	swait.ge [sflag:s14], $0x1400  }
0x67: {  	[sflag:s14] =	ssyncset.done $0x0  }
0x68: {  	[sflag:s14] =	ssyncadd.s32 $0xFFFFEC00  }
0x69: {  	[tilespmem:s19], [sflag:$0x5] =	stream.linear.gather [hbm4b:s12+s3], $0x1400, $0x38;
	[tilespmem:$0x1E800] =	vst v63  }
0x6a: {  	_ =	swait.ge [sflag:s14], $0x1400  }
0x6b: {  	[sflag:s14] =	ssyncset.done $0x0  }
0x6c: {  	[sflag:s14] =	ssyncadd.s32 $0xFFFFEC00  }
0x6d: {  	[tilespmem:s21], [sflag:$0x1] =	stream.indirect.gather [hbm4b:s5+s20], $0x80, s3, s20, $0xb8;
	[tilespmem:$0x1E800] =	vst v63  }
0x6e: {  	_ = 	snop  }
0x6f: {  	[tilespmem:s22], [sflag:$0x2] =	stream.indirect.gather [hbm4b:s5+s20], $0x80, s20, s20, $0xb8;
	[tilespmem:$0x1E800] =	vst v63  }
0x70: {  	_ =	swait.ge [sflag:s23], $0x4000  }
0x71: {  	[sflag:s23] =	ssyncset.done $0x0  }
0x72: {  	s3 =	simm.s32 $0x1400;
	[sflag:s23] =	ssyncadd.s32 $0xFFFFC000  }
0x73: {  	[spmem:s2] =	stream.indirect.scatter.add.f32 [tilespmem:s21], [sflag:$0x3], $0x80, s3, s20, $0xb8;
	[tilespmem:$0x1E800] =	vst v63  }
0x74: {  	_ =	swait.ge [sflag:s24], $0x4000  }
0x75: {  	[sflag:s24] =	ssyncset.done $0x0  }
0x76: {  	s3 =	simm.s32 $0x1480;
	[sflag:s24] =	ssyncadd.s32 $0xFFFFC000  }
0x77: {  	[spmem:s2] =	stream.indirect.scatter.add.f32 [tilespmem:s22], [sflag:$0x4], $0x80, s3, s20, $0xb8;
	[tilespmem:$0x1E800] =	vst v63  }
0x78: {  	_ =	swait.ge [sflag:s25], $0x4000  }
0x79: {  	[sflag:s25] =	ssyncset.done $0x0  }
0x7a: {  	s3 =	simm.s32 $0x100;
	[sflag:s25] =	ssyncadd.s32 $0xFFFFC000  }
0x7b: {  	[tilespmem:s21], [sflag:$0x1] =	stream.indirect.gather [hbm4b:s5+s20], $0x80, s3, s20, $0xb8;
	[tilespmem:$0x1E800] =	vst v63  }
0x7c: {  	_ =	swait.ge [sflag:s26], $0x4000  }
0x7d: {  	[sflag:s26] =	ssyncset.done $0x0  }
0x7e: {  	s31 =	simm.s32 $0x400;
	s0 =	simm.s32 $0x180;
	[sflag:s26] =	ssyncadd.s32 $0xFFFFC000  }
.LBB2_4:
0x7f: {  	[tilespmem:s22], [sflag:$0x2] =	stream.indirect.gather [hbm4b:s5+s20], $0x80, s0, s20, $0xb8;
	[tilespmem:$0x1E800] =	vst v63  }
0x80: {  	s0 =	smov.u32 s31  }
0x81: {  	p0 =	sne.s32 s31, $0x4800;
	s31 =	sadd.s32 $0x400, s31;
	_ =	swait.ge [sflag:s23], $0x4000  }
0x82: {  	s0 =	sshra.s32 s0, $0x2;
	[sflag:s23] =	ssyncset.done $0x0  }
0x83: {  	s3 =	sadd.s32 $0x1400, s0;
	[sflag:s23] =	ssyncadd.s32 $0xFFFFC000  }
0x84: {  	[spmem:s2] =	stream.indirect.scatter.add.f32 [tilespmem:s21], [sflag:$0x3], $0x80, s3, s20, $0xb8;
	[tilespmem:$0x1E800] =	vst v63  }
0x85: {  	_ =	swait.ge [sflag:s24], $0x4000  }
0x86: {  	[sflag:s24] =	ssyncset.done $0x0  }
0x87: {  	s3 =	sadd.s32 $0x1480, s0;
	[sflag:s24] =	ssyncadd.s32 $0xFFFFC000  }
0x88: {  	[spmem:s2] =	stream.indirect.scatter.add.f32 [tilespmem:s22], [sflag:$0x4], $0x80, s3, s20, $0xb8;
	[tilespmem:$0x1E800] =	vst v63  }
0x89: {  	_ =	swait.ge [sflag:s25], $0x4000  }
0x8a: {  	[sflag:s25] =	ssyncset.done $0x0  }
.Ltmp1:
0x8b: {  	s3 =	sadd.s32 $0x100, s0;
	[sflag:s25] =	ssyncadd.s32 $0xFFFFC000;
	(pc) =	sbr.rel @p0 .LBB2_4-.Ltmp1, $4  }
0x8c: {  	[tilespmem:s21], [sflag:$0x1] =	stream.indirect.gather [hbm4b:s5+s20], $0x80, s3, s20, $0xb8;
	[tilespmem:$0x1E800] =	vst v63  }
0x8d: {  	_ =	swait.ge [sflag:s26], $0x4000  }
0x8e: {  	[sflag:s26] =	ssyncset.done $0x0  }
0x8f: {  	s0 =	sadd.s32 $0x180, s0;
	[sflag:s26] =	ssyncadd.s32 $0xFFFFC000  }
0x90: {  	[tilespmem:s22], [sflag:$0x2] =	stream.indirect.gather [hbm4b:s5+s20], $0x80, s0, s20, $0xb8;
	[tilespmem:$0x1E800] =	vst v63  }
0x91: {  	_ =	swait.ge [sflag:s23], $0x4000  }
0x92: {  	[sflag:s23] =	ssyncset.done $0x0  }
0x93: {  	[sflag:s23] =	ssyncadd.s32 $0xFFFFC000  }
0x94: {  	[spmem:s2] =	stream.indirect.scatter.add.f32 [tilespmem:s21], [sflag:$0x3], $0x80, s28, s20, $0xb8;
	[tilespmem:$0x1E800] =	vst v63  }
0x95: {  	_ =	swait.ge [sflag:s24], $0x4000  }
0x96: {  	[sflag:s24] =	ssyncset.done $0x0  }
0x97: {  	[sflag:s24] =	ssyncadd.s32 $0xFFFFC000  }
0x98: {  	[spmem:s2] =	stream.indirect.scatter.add.f32 [tilespmem:s22], [sflag:$0x4], $0x80, s29, s20, $0xb8;
	[tilespmem:$0x1E800] =	vst v63  }
0x99: {  	_ =	swait.ge [sflag:s25], $0x4000  }
0x9a: {  	[sflag:s25] =	ssyncset.done $0x0  }
0x9b: {  	[sflag:s25] =	ssyncadd.s32 $0xFFFFC000  }
0x9c: {  	_ =	swait.ge [sflag:s26], $0x4000  }
0x9d: {  	s30 =	sadd.s32 $0x1, s30;
	[sflag:s26] =	ssyncset.done $0x0  }
0x9e: {  	p0 =	sne.s32 s30, s8;
	[sflag:s26] =	ssyncadd.s32 $0xFFFFC000  }
.Ltmp2:
0x9f: {  	[bflag:$0x0] =	sbarrier.arrive $0xFFFF;
	(pc) =	sbr.rel @p0 .LBB2_1-.Ltmp2, $4  }
0xa0: {  	[hbm:s7], [sflag:s6] =	dma.local [spmem:s13], $0x2800  }
0xa1: {  	_ =	swait.ge [sflag:s14], $0x2800  }
0xa2: {  	[sflag:s14] =	ssyncset.done $0x0  }
0xa3: {  	[sflag:s14] =	ssyncadd.s32 $0xFFFFD800  }
0xa4: {  	_ =	sfence.sel $0x180000  }
0xa5: {  	[bflag:$0x0] =	sbarrier.arrive $0xFFFF  }
0xa6: {  	_ =	strace $0x90000047  }
0xa7: {  	s0 =	stileid.u32;
	[bflag:$0x2] =	sbarrier.arrive $0xFFFF  }
0xa8: {  	p0 =	sne.s32 s0, $0x0;
	s0 =	rddreg [dreg:$0x3]  }
0xa9: {  	s0 =	sadd.s32 @!p0 $0x100000, s0  }
0xaa: {  	[sflag:s0] =	ssyncadd.tile.s32 @!p0 $0x1;
	_ =	shalt  }
.Lfunc_end2:
_tile_overlayer_lowered:
.L_overlay_start_2:
0xab: {  	(tag) =	ssettag $0x2  }
0xac: {  	s0 =	rddreg [dreg:$0x0];
	s2 =	stileid.u32  }
0xad: {  	s1 =	rddreg [dreg:$0x1];
	p0 =	sne.s32 s2, $0x0  }
0xae: {  	s3 =	rddreg [dreg:$0x2];
	[bflag:$0x3] =	sbarrier.arrive $0xFFFF;
	s2 =	simm.s32 @!p0 $0x1C05  }
0xaf: {  	[timem:s3], [sflag:s2] =	dma.local @!p0 [hbm:s0], s1  }
0xb0: {  	s0 =	simm.s32 @!p0 $0x5  }
0xb1: {  	_ =	swait.ge @!p0 [sflag:s0], s1  }
0xb2: {  	s1 =	ssub.s32 @!p0 $0x0, s1;
	[sflag:s0] =	ssyncset.done @!p0 $0x0  }
0xb3: {  	[sflag:s0] =	ssyncadd.s32 @!p0 s1  }
0xb4: {  	[bflag:$0x3] =	sbarrier.arrive $0xFFFF  }
0xb5: {  	_ =	shalt  }

// kernel: kernel.15.cloned.1.call-start
scs
__scs_entry_jumppad:
0x0: {  	(pc) =	sbr.rel $0x88, $3  }
0x1: {  	(tag) =	ssettag $0x0;
	lr =	simm.s32 $0x1  }
0x2: {  	[smem:$0x3F94] =	sst lr;
	_ =	strace $0xD0000000  }
0x3: {  	_ = 	snop  }
0x4: {  	_ = 	snop  }
0x5: {  	_ = 	snop  }
0x6: {  	_ = 	snop  }
0x7: {  	_ = 	snop  }
__scs_overlays_trampoline_lowered:
0x8: {  	[smem:$0x3FA3] =	sst s0  }
0x9: {  	[smem:$0x3FA4] =	sst s1  }
0xa: {  	[smem:$0x3FA5] =	sst s2  }
0xb: {  	[smem:$0x3FA6] =	sst s3  }
0xc: {  	[smem:$0x3FA7] =	sst s4  }
0xd: {  	[smem:$0x3FA8] =	sst s5  }
0xe: {  	[smem:$0x3FA9] =	sst s6  }
0xf: {  	[smem:$0x3FAA] =	sst s7  }
0x10: {  	[smem:$0x3FAB] =	sst s8  }
0x11: {  	[smem:$0x3FAC] =	sst s9;
	s0 =	simm.s32 @!p0 $0x0  }
0x12: {  	s1 =	sld [smem:$0x3F92];
	s0 =	simm.s32 @p0 $0x1  }
0x13: {  	[smem:$0x3FAD] =	sst s0;
	s0 =	simm.s32 @!p1 $0x0  }
0x14: {  	s2 =	sld [smem:$0x3F91];
	s0 =	simm.s32 @p1 $0x1  }
0x15: {  	[smem:$0x3FAE] =	sst s0;
	s0 =	simm.s32 @!p2 $0x0  }
0x16: {  	s3 =	sld [smem:$0x3FDB];
	s0 =	simm.s32 @p2 $0x1  }
0x17: {  	s4 =	simm.s32 $0x1BF5;
	[smem:$0x3FB0] =	sst s0  }
0x18: {  	s0 =	sld [smem:$0x3F93];
	_ =	swait.ge [sflag:s4], $0x0  }
0x19: {  	s7 =	sld [smem:$0x3F94]  }
0x1a: {  	s8 =	sadd.s32 $0xFFFFE003, lr  }
0x1b: {  	s9 =	sadd.s32 $0xFFFFFEF7, lr;
	s5 =	simm.s32 $0xFFFFFFFF;
	p2 =	slt.u32 s8, $0xFFFFF086  }
0x1c: {  	p1 =	slt.u32 s9, $0xF7A;
	s5 =	simm.s32 @!p2 $0x0  }
0x1d: {  	s5 =	simm.s32 @p1 $0x1;
	p0 =	seq.s32 s7, s2  }
0x1e: {  	s7 =	smul.u32 @!p0 $0xF7A, s2;
	p2 =	seq.s32 @!p0 s5, $0x0  }
0x1f: {  	s9 =	smul.u32 $0xF7A, s1;
	s8 =	simm.s32 @!p0 $0x1BF5;
	p2 =	por !p2, p0  }
0x20: {  	[sflag:s8] =	ssyncset.s32 @!p0 $0xFFFFF086;
	s6 =	sadd.s32 @!p0 s3, s7;
	s7 =	simm.s32 @!p0 $0x108  }
0x21: {  	s3 =	sadd.s32 s3, s9;
	s6 =	sadd.s32 @!p0 $0x88, s6;
	s7 =	simm.s32 @p2 $0x1082  }
0x22: {  	[simem:s7], [sflag:s8] =	dma.local @!p0 [hbm:s6], $0xF7A  }
0x23: {  	s9 =	sor.u32 $0xD0000000, s2;
	s6 =	simm.s32 $0x108;
	_ =	swait.ge @!p0 [sflag:s8], $0x0  }
0x24: {  	s3 =	sadd.s32 $0x88, s3;
	s6 =	simm.s32 @!p1 $0x1082;
	[sflag:s4] =	ssyncset.s32 $0xFFFFF086  }
0x25: {  	[simem:s6], [sflag:s4] =	dma.local [hbm:s3], $0xF7A  }
0x26: {  	[smem:$0x3F94] =	sst s1;
	(tag) =	ssettag s2;
	_ =	strace s9  }
0x27: {  	s1 =	sld [smem:$0x3FA4]  }
0x28: {  	s2 =	sld [smem:$0x3FA5]  }
0x29: {  	s4 =	sld [smem:$0x3FA7]  }
0x2a: {  	p0 =	seq.s32 s5, $0x0;
	s5 =	sld [smem:$0x3FA8]  }
0x2b: {  	s6 =	sld [smem:$0x3FA9]  }
0x2c: {  	s7 =	sld [smem:$0x3FAA]  }
0x2d: {  	s3 =	simm.s32 $0x108;
	s8 =	sld [smem:$0x3FAB]  }
0x2e: {  	s3 =	simm.s32 @!p0 $0x1082;
	s9 =	sld [smem:$0x3FAC]  }
0x2f: {  	lr =	sadd.s32 s0, s3;
	s0 =	sld [smem:$0x3FA3]  }
0x30: {  	s3 =	sld [smem:$0x3FA6]  }
0x31: {  	[smem:$0x3FAF] =	sst s10  }
0x32: {  	s10 =	sld [smem:$0x3FAD];
	_ =	sdelay $0x3  }
0x33: {  	p0 =	seq.s32 s10, $0x1;
	s10 =	sld [smem:$0x3FAF];
	_ =	sdelay $0x3  }
0x34: {  	[smem:$0x3FAF] =	sst s10  }
0x35: {  	s10 =	sld [smem:$0x3FAE];
	_ =	sdelay $0x3  }
0x36: {  	p1 =	seq.s32 s10, $0x1;
	s10 =	sld [smem:$0x3FAF];
	_ =	sdelay $0x3  }
0x37: {  	[smem:$0x3FAF] =	sst s10  }
0x38: {  	s10 =	sld [smem:$0x3FB0]  }
0x39: {  	_ = 	snop;
	(pc) =	sbr.ind lr, $3  }
0x3a: {  	_ = 	snop  }
0x3b: {  	_ = 	snop  }
0x3c: {  	p2 =	seq.s32 s10, $0x1;
	s10 =	sld [smem:$0x3FAF]  }
0x3d: {  	_ =	shalt  }
0x3e: {  	_ =	shalt  }
0x3f: {  	_ =	shalt  }
0x40: {  	_ =	shalt  }
0x41: {  	_ =	shalt  }
0x42: {  	_ =	shalt  }
0x43: {  	_ =	shalt  }
0x44: {  	_ =	shalt  }
0x45: {  	_ =	shalt  }
0x46: {  	_ =	shalt  }
0x47: {  	_ =	shalt  }
0x48: {  	_ =	shalt  }
0x49: {  	_ =	shalt  }
0x4a: {  	_ =	shalt  }
0x4b: {  	_ =	shalt  }
0x4c: {  	_ =	shalt  }
0x4d: {  	_ =	shalt  }
0x4e: {  	_ =	shalt  }
0x4f: {  	_ =	shalt  }
0x50: {  	_ =	shalt  }
0x51: {  	_ =	shalt  }
0x52: {  	_ =	shalt  }
0x53: {  	_ =	shalt  }
0x54: {  	_ =	shalt  }
0x55: {  	_ =	shalt  }
0x56: {  	_ =	shalt  }
0x57: {  	_ =	shalt  }
0x58: {  	_ =	shalt  }
0x59: {  	_ =	shalt  }
0x5a: {  	_ =	shalt  }
0x5b: {  	_ =	shalt  }
0x5c: {  	_ =	shalt  }
0x5d: {  	_ =	shalt  }
0x5e: {  	_ =	shalt  }
0x5f: {  	_ =	shalt  }
0x60: {  	_ =	shalt  }
0x61: {  	_ =	shalt  }
0x62: {  	_ =	shalt  }
0x63: {  	_ =	shalt  }
0x64: {  	_ =	shalt  }
0x65: {  	_ =	shalt  }
0x66: {  	_ =	shalt  }
0x67: {  	_ =	shalt  }
0x68: {  	_ =	shalt  }
0x69: {  	_ =	shalt  }
0x6a: {  	_ =	shalt  }
0x6b: {  	_ =	shalt  }
0x6c: {  	_ =	shalt  }
0x6d: {  	_ =	shalt  }
0x6e: {  	_ =	shalt  }
0x6f: {  	_ =	shalt  }
0x70: {  	_ =	shalt  }
0x71: {  	_ =	shalt  }
0x72: {  	_ =	shalt  }
0x73: {  	_ =	shalt  }
0x74: {  	_ =	shalt  }
0x75: {  	_ =	shalt  }
0x76: {  	_ =	shalt  }
0x77: {  	_ =	shalt  }
0x78: {  	_ =	shalt  }
0x79: {  	_ =	shalt  }
0x7a: {  	_ =	shalt  }
0x7b: {  	_ =	shalt  }
0x7c: {  	_ =	shalt  }
0x7d: {  	_ =	shalt  }
0x7e: {  	_ =	shalt  }
0x7f: {  	_ =	shalt  }
0x80: {  	_ =	shalt  }
0x81: {  	_ =	shalt  }
0x82: {  	_ =	shalt  }
0x83: {  	_ =	shalt  }
0x84: {  	_ =	shalt  }
0x85: {  	_ =	shalt  }
0x86: {  	_ =	shalt  }
0x87: {  	_ =	shalt  }
.Lfunc_end0:
.L_simem_size_0:
called_computation.2_lowered:
.L_overlay_start_0:
0x88: {  	s2 =	sld [smem:$0x3FD9]  }
0x89: {  	s3 =	sld [smem:$0x3FFE];
	_ =	sdelay $0x1  }
0x8a: {  	s1 =	srdreg.scid  }
0x8b: {  	s0 =	sand.u32 $0x1, s1  }
0x8c: {  	s17 =	sshll.u32 s0, $0xA;
	s2 =	sadd.s32 s3, s2  }
0x8d: {  	s2 =	sadd.s32 s2, s17  }
0x8e: {  	[smem:$0x3FBB] =	sst s2  }
0x8f: {  	_ = 	snop  }
0x90: {  	s2 =	sld [smem:$0x3FD0];
	(tm) =	ssettm $0x1  }
0x91: {  	s18 =	sld [smem:$0x3FFB];
	_ =	sdelay $0x3  }
0x92: {  	_ =	strace s18  }
0x93: {  	s3 =	sld [smem:$0x3FFC];
	_ =	sdelay $0x3  }
0x94: {  	_ =	strace s3  }
0x95: {  	s3 =	sld [smem:$0x3FFD];
	_ =	sdelay $0x3  }
0x96: {  	_ =	strace s3  }
0x97: {  	_ =	strace $0x8FFFFFFF  }
0x98: {  	s19 =	sld [smem:$0x3FDB];
	_ =	sdelay $0x1  }
0x99: {  	s4 =	simm.s32 $_scs_section_size  }
0x9a: {  	s5 =	simm.s32 $_size__tile_overlayer_lowered;
	s6 =	simm.s32 $_tile_overlayer_lowered  }
0x9b: {  	s22 =	simm.s32 $0x1BFF;
	s21 =	sshll.u32 s6, $0x1;
	s3 =	sadd.s32 s4, s19  }
0x9c: {  	s7 =	simm.s32 $0x0;
	s20 =	sshll.u32 s5, $0x1;
	s5 =	sadd.s32 s21, s3  }
0x9d: {  	[timem:s7], [sflag:s22] =	dma.local [hbm:s5], s20  }
0x9e: {  	_ =	swait.ge [sflag:s22], s20  }
0x9f: {  	s4 =	ssub.s32 $0x0, s20;
	[sflag:s22] =	ssyncset.done $0x0  }
0xa0: {  	[sflag:s22] =	ssyncadd.s32 s4;
	_ =	sdelay $0x1  }
0xa1: {  	s23 =	simm.s32 $0x1B8B  }
0xa2: {  	_ =	swait.ge [sflag:s23], $0x1  }
0xa3: {  	[sflag:s23] =	ssyncset.done $0x0  }
0xa4: {  	s25 =	simm.s32 $0x1B8E;
	s24 =	sld [smem:$0x3FFE];
	[sflag:s23] =	ssyncadd.s32 $0xFFFFFFFF  }
0xa5: {  	s26 =	simm.s32 $execute0_lowered;
	[smem:$0x3FD2] =	sst s25  }
0xa6: {  	s5 =	sshll.u32 s26, $0x1;
	_ =	strace $0x8000004C;
	[dreg:$0x1] =	wrdreg $0xFFFFFFFF  }
0xa7: {  	s28 =	simm.s32 $_size_execute0_lowered;
	s3 =	sadd.s32 s3, s5;
	[dreg:$0x0] =	wrdreg $0x0  }
0xa8: {  	s5 =	sshll.u32 s28, $0x1;
	[dreg:$0x2] =	wrdreg s3  }
0xa9: {  	[dreg:$0x3] =	wrdreg s5  }
0xaa: {  	[dreg:$0x4] =	wrdreg $0xC0  }
0xab: {  	_ =	task [dreg:s7], $0x5FFFF  }
0xac: {  	[dreg:$0x1] =	wrdreg $0xFFFFFFFF  }
0xad: {  	[dreg:$0x0] =	wrdreg $0x60  }
0xae: {  	[dreg:$0x2] =	wrdreg s24  }
0xaf: {  	[dreg:$0x3] =	wrdreg s2  }
0xb0: {  	[dreg:$0x4] =	wrdreg $0xA8000  }
0xb1: {  	[dreg:$0x5] =	wrdreg $0x9  }
0xb2: {  	_ =	task.clear_ibuf [dreg:s7], $0x6FFFF;
	_ =	strace $0x9000004C  }
0xb3: {  	s29 =	simm.s32 $0x9;
	_ =	strace $0x8000004E  }
0xb4: {  	_ =	swait.ge [sflag:s29], $0x1  }
0xb5: {  	[sflag:s29] =	ssyncadd.s32 $0xFFFFFFFF  }
0xb6: {  	_ =	strace $0x9000004E  }
0xb7: {  	_ =	sfence  }
0xb8: {  	s30 =	sld [smem:$0x0];
	_ =	sdelay $0x2  }
0xb9: {  	s31 =	sshll.u32 s1, $0xD;
	s1 =	sshrl.u32 s1, $0x2  }
0xba: {  	s3 =	sand.u32 $0x4000, s31;
	s1 =	sadd.s32 s1, s30  }
0xbb: {  	s0 =	sor.u32 s3, s0;
	s1 =	sshll.u32 s1, $0x11  }
0xbc: {  	s0 =	sor.u32 s1, s0  }
0xbd: {  	s0 =	sadd.s32 $0x8F2B, s0  }
0xbe: {  	[sflag:s0] =	ssyncadd.remote.s32 $0x1  }
0xbf: {  	_ =	sfence.sel $0xFFFF  }
0xc0: {  	[dreg:$0x0] =	wrdreg $0xFFFFFFFF;
	(pc) =	sbr.abs _section_cstart, $3  }
0xc1: {  	[dreg:$0x1] =	wrdreg $0xFFFFFFFF  }
0xc2: {  	_ =	task.clear_ibuf [dreg:s7], $0x2FFFF;
	_ =	strace $0x9FFFFFFF  }
0xc3: {  	(tm) =	ssettm $0x7FFFFFFF  }
tec
execute0_lowered:
.L_overlay_start_1:
0x0: {  	(tag) =	ssettag $0x1  }
0x1: {  	s0 =	rddreg [dreg:$0x0]  }
0x2: {  	s1 =	rddreg [dreg:$0x1]  }
0x3: {  	s2 =	rddreg [dreg:$0x2]  }
0x4: {  	s3 =	srdreg.scid;
	s4 =	simm.s32 $0x0;
	s23 =	stileid.u32  }
0x5: {  	s14 =	simm.s32 $0x5;
	s19 =	simm.s32 $0x1400;
	s20 =	simm.s32 $0x80  }
0x6: {  	s21 =	simm.s32 $0x2800;
	s22 =	simm.s32 $0x6800;
	s28 =	simm.s32 $0x2700  }
0x7: {  	s29 =	simm.s32 $0x2780;
	s30 =	simm.s32 $0x0;
	s7 =	sand.u32 $0x1, s3  }
0x8: {  	[smem:$0x7FF] =	sst s4;
	s8 =	smul.u32 $0x14000, s23;
	s5 =	sadd.s32 $0x3400, s0  }
0x9: {  	s11 =	sadd.s32 $0x35400, s0;
	s24 =	smul.u32 $0x50000, s23;
	s12 =	sadd.s32 $0x2B400, s0  }
0xa: {  	s26 =	sshll.u32 s23, $0x6;
	s10 =	smul.u32 $0x500, s23;
	s23 =	simm.s32 $0x1  }
0xb: {  	s6 =	smul.u32 $0x140000, s7;
	_ =	strace $0x8000004D;
	s9 =	ssub.s32 $0x2, s7  }
0xc: {  	p0 =	seq.s32 s7, $0x0;
	s25 =	sshrl.u32 s9, $0x1;
	s7 =	sadd.s32 $0x5000, s10  }
0xd: {  	s6 =	sadd.s32 s8, s6;
	s8 =	sshrl.u32 s24, $0x2;
	s9 =	ssub.s32 s9, s25  }
0xe: {  	s10 =	smov.u32 @p0 s7;
	s24 =	simm.s32 $0x2;
	s25 =	simm.s32 $0x3  }
0xf: {  	s6 =	sshrl.u32 s6, $0x3;
	s13 =	sadd.s32 s8, s2;
	s8 =	smax.u32 s9, $0x1  }
0x10: {  	s31 =	sadd.s32 $0x280, s10;
	s9 =	sadd.s32 s11, s10;
	s10 =	sadd.s32 s12, s10  }
0x11: {  	s0 =	sadd.s32 s6, s0;
	s6 =	sor.u32 $0x1C05, s26;
	s15 =	sadd.s32 $0x4000, s13  }
0x12: {  	s16 =	sadd.s32 $0x8000, s13;
	s17 =	sadd.s32 $0xC000, s13;
	s18 =	sadd.s32 $0x10000, s13  }
0x13: {  	s11 =	sadd.s32 s11, s31;
	s12 =	sadd.s32 s12, s31;
	s13 =	sshrl.u32 s13, $0x3  }
0x14: {  	s26 =	simm.s32 $0x4;
	s7 =	sadd.s32 $0x3F400, s0;
	s15 =	sshrl.u32 s15, $0x3  }
0x15: {  	s16 =	sshrl.u32 s16, $0x3;
	s17 =	sshrl.u32 s17, $0x3;
	s18 =	sshrl.u32 s18, $0x3  }
.LBB2_1:
0x16: {  	[spmem:s13], [sflag:s6] =	dma.local [hbm:s1], $0x800  }
0x17: {  	_ =	swait.ge [sflag:s14], $0x800  }
0x18: {  	[sflag:s14] =	ssyncset.done $0x0  }
0x19: {  	[sflag:s14] =	ssyncadd.s32 $0xFFFFF800  }
0x1a: {  	[spmem:s15], [sflag:s6] =	dma.local [hbm:s1], $0x800  }
0x1b: {  	_ =	swait.ge [sflag:s14], $0x800  }
0x1c: {  	[sflag:s14] =	ssyncset.done $0x0  }
0x1d: {  	[sflag:s14] =	ssyncadd.s32 $0xFFFFF800  }
0x1e: {  	[spmem:s16], [sflag:s6] =	dma.local [hbm:s1], $0x800  }
0x1f: {  	_ =	swait.ge [sflag:s14], $0x800  }
0x20: {  	[sflag:s14] =	ssyncset.done $0x0  }
0x21: {  	[sflag:s14] =	ssyncadd.s32 $0xFFFFF800  }
0x22: {  	[spmem:s17], [sflag:s6] =	dma.local [hbm:s1], $0x800  }
0x23: {  	_ =	swait.ge [sflag:s14], $0x800  }
0x24: {  	[sflag:s14] =	ssyncset.done $0x0  }
0x25: {  	[sflag:s14] =	ssyncadd.s32 $0xFFFFF800  }
0x26: {  	[spmem:s18], [sflag:s6] =	dma.local [hbm:s1], $0x800  }
0x27: {  	_ =	swait.ge [sflag:s14], $0x800  }
0x28: {  	[sflag:s14] =	ssyncset.done $0x0  }
0x29: {  	[sflag:s14] =	ssyncadd.s32 $0xFFFFF800  }
0x2a: {  	[bflag:$0x0] =	sbarrier.arrive $0xFFFF  }
0x2b: {  	[tilespmem:s4], [sflag:$0x5] =	stream.linear.gather [hbm4b:s9+s4], $0x1400, $0x38;
	[tilespmem:$0x1E800] =	vst v63  }
0x2c: {  	_ =	swait.ge [sflag:s14], $0x1400  }
0x2d: {  	[sflag:s14] =	ssyncset.done $0x0  }
0x2e: {  	[sflag:s14] =	ssyncadd.s32 $0xFFFFEC00  }
0x2f: {  	[tilespmem:s19], [sflag:$0x5] =	stream.linear.gather [hbm4b:s10+s4], $0x1400, $0x38;
	[tilespmem:$0x1E800] =	vst v63  }
0x30: {  	_ =	swait.ge [sflag:s14], $0x1400  }
0x31: {  	[sflag:s14] =	ssyncset.done $0x0  }
0x32: {  	[sflag:s14] =	ssyncadd.s32 $0xFFFFEC00  }
0x33: {  	[tilespmem:s21], [sflag:$0x1] =	stream.indirect.gather [hbm4b:s5+s20], $0x80, s4, s20, $0xb8;
	[tilespmem:$0x1E800] =	vst v63  }
0x34: {  	_ = 	snop  }
0x35: {  	[tilespmem:s22], [sflag:$0x2] =	stream.indirect.gather [hbm4b:s5+s20], $0x80, s20, s20, $0xb8;
	[tilespmem:$0x1E800] =	vst v63  }
0x36: {  	_ =	swait.ge [sflag:s23], $0x4000  }
0x37: {  	[sflag:s23] =	ssyncset.done $0x0  }
0x38: {  	s0 =	simm.s32 $0x1400;
	[sflag:s23] =	ssyncadd.s32 $0xFFFFC000  }
0x39: {  	[spmem:s2] =	stream.indirect.scatter.add.f32 [tilespmem:s21], [sflag:$0x3], $0x80, s0, s20, $0xb8;
	[tilespmem:$0x1E800] =	vst v63  }
0x3a: {  	_ =	swait.ge [sflag:s24], $0x4000  }
0x3b: {  	[sflag:s24] =	ssyncset.done $0x0  }
0x3c: {  	s3 =	simm.s32 $0x1480;
	[sflag:s24] =	ssyncadd.s32 $0xFFFFC000  }
0x3d: {  	[spmem:s2] =	stream.indirect.scatter.add.f32 [tilespmem:s22], [sflag:$0x4], $0x80, s3, s20, $0xb8;
	[tilespmem:$0x1E800] =	vst v63  }
0x3e: {  	_ =	swait.ge [sflag:s25], $0x4000  }
0x3f: {  	[sflag:s25] =	ssyncset.done $0x0  }
0x40: {  	s3 =	simm.s32 $0x100;
	[sflag:s25] =	ssyncadd.s32 $0xFFFFC000  }
0x41: {  	[tilespmem:s21], [sflag:$0x1] =	stream.indirect.gather [hbm4b:s5+s20], $0x80, s3, s20, $0xb8;
	[tilespmem:$0x1E800] =	vst v63  }
0x42: {  	_ =	swait.ge [sflag:s26], $0x4000  }
0x43: {  	[sflag:s26] =	ssyncset.done $0x0  }
0x44: {  	s31 =	simm.s32 $0x400;
	s0 =	simm.s32 $0x180;
	[sflag:s26] =	ssyncadd.s32 $0xFFFFC000  }
.LBB2_2:
0x45: {  	[tilespmem:s22], [sflag:$0x2] =	stream.indirect.gather [hbm4b:s5+s20], $0x80, s0, s20, $0xb8;
	[tilespmem:$0x1E800] =	vst v63  }
0x46: {  	s0 =	smov.u32 s31  }
0x47: {  	p0 =	sne.s32 s31, $0x4800;
	s31 =	sadd.s32 $0x400, s31;
	_ =	swait.ge [sflag:s23], $0x4000  }
0x48: {  	s0 =	sshra.s32 s0, $0x2;
	[sflag:s23] =	ssyncset.done $0x0  }
0x49: {  	s3 =	sadd.s32 $0x1400, s0;
	[sflag:s23] =	ssyncadd.s32 $0xFFFFC000  }
0x4a: {  	[spmem:s2] =	stream.indirect.scatter.add.f32 [tilespmem:s21], [sflag:$0x3], $0x80, s3, s20, $0xb8;
	[tilespmem:$0x1E800] =	vst v63  }
0x4b: {  	_ =	swait.ge [sflag:s24], $0x4000  }
0x4c: {  	[sflag:s24] =	ssyncset.done $0x0  }
0x4d: {  	s3 =	sadd.s32 $0x1480, s0;
	[sflag:s24] =	ssyncadd.s32 $0xFFFFC000  }
0x4e: {  	[spmem:s2] =	stream.indirect.scatter.add.f32 [tilespmem:s22], [sflag:$0x4], $0x80, s3, s20, $0xb8;
	[tilespmem:$0x1E800] =	vst v63  }
0x4f: {  	_ =	swait.ge [sflag:s25], $0x4000  }
0x50: {  	[sflag:s25] =	ssyncset.done $0x0  }
.Ltmp0:
0x51: {  	s3 =	sadd.s32 $0x100, s0;
	[sflag:s25] =	ssyncadd.s32 $0xFFFFC000;
	(pc) =	sbr.rel @p0 .LBB2_2-.Ltmp0, $4  }
0x52: {  	[tilespmem:s21], [sflag:$0x1] =	stream.indirect.gather [hbm4b:s5+s20], $0x80, s3, s20, $0xb8;
	[tilespmem:$0x1E800] =	vst v63  }
0x53: {  	_ =	swait.ge [sflag:s26], $0x4000  }
0x54: {  	[sflag:s26] =	ssyncset.done $0x0  }
0x55: {  	s0 =	sadd.s32 $0x180, s0;
	[sflag:s26] =	ssyncadd.s32 $0xFFFFC000  }
0x56: {  	[tilespmem:s22], [sflag:$0x2] =	stream.indirect.gather [hbm4b:s5+s20], $0x80, s0, s20, $0xb8;
	[tilespmem:$0x1E800] =	vst v63  }
0x57: {  	_ =	swait.ge [sflag:s23], $0x4000  }
0x58: {  	[sflag:s23] =	ssyncset.done $0x0  }
0x59: {  	[sflag:s23] =	ssyncadd.s32 $0xFFFFC000  }
0x5a: {  	[spmem:s2] =	stream.indirect.scatter.add.f32 [tilespmem:s21], [sflag:$0x3], $0x80, s28, s20, $0xb8;
	[tilespmem:$0x1E800] =	vst v63  }
0x5b: {  	_ =	swait.ge [sflag:s24], $0x4000  }
0x5c: {  	[sflag:s24] =	ssyncset.done $0x0  }
0x5d: {  	[sflag:s24] =	ssyncadd.s32 $0xFFFFC000  }
0x5e: {  	[spmem:s2] =	stream.indirect.scatter.add.f32 [tilespmem:s22], [sflag:$0x4], $0x80, s29, s20, $0xb8;
	[tilespmem:$0x1E800] =	vst v63  }
0x5f: {  	_ =	swait.ge [sflag:s25], $0x4000  }
0x60: {  	[sflag:s25] =	ssyncset.done $0x0  }
0x61: {  	[sflag:s25] =	ssyncadd.s32 $0xFFFFC000  }
0x62: {  	_ =	swait.ge [sflag:s26], $0x4000  }
0x63: {  	[sflag:s26] =	ssyncset.done $0x0  }
0x64: {  	s3 =	simm.s32 $0x0;
	[sflag:s26] =	ssyncadd.s32 $0xFFFFC000  }
0x65: {  	[tilespmem:s3], [sflag:$0x5] =	stream.linear.gather [hbm4b:s11+s3], $0x1400, $0x38;
	[tilespmem:$0x1E800] =	vst v63  }
0x66: {  	_ =	swait.ge [sflag:s14], $0x1400  }
0x67: {  	[sflag:s14] =	ssyncset.done $0x0  }
0x68: {  	[sflag:s14] =	ssyncadd.s32 $0xFFFFEC00  }
0x69: {  	[tilespmem:s19], [sflag:$0x5] =	stream.linear.gather [hbm4b:s12+s3], $0x1400, $0x38;
	[tilespmem:$0x1E800] =	vst v63  }
0x6a: {  	_ =	swait.ge [sflag:s14], $0x1400  }
0x6b: {  	[sflag:s14] =	ssyncset.done $0x0  }
0x6c: {  	[sflag:s14] =	ssyncadd.s32 $0xFFFFEC00  }
0x6d: {  	[tilespmem:s21], [sflag:$0x1] =	stream.indirect.gather [hbm4b:s5+s20], $0x80, s3, s20, $0xb8;
	[tilespmem:$0x1E800] =	vst v63  }
0x6e: {  	_ = 	snop  }
0x6f: {  	[tilespmem:s22], [sflag:$0x2] =	stream.indirect.gather [hbm4b:s5+s20], $0x80, s20, s20, $0xb8;
	[tilespmem:$0x1E800] =	vst v63  }
0x70: {  	_ =	swait.ge [sflag:s23], $0x4000  }
0x71: {  	[sflag:s23] =	ssyncset.done $0x0  }
0x72: {  	s3 =	simm.s32 $0x1400;
	[sflag:s23] =	ssyncadd.s32 $0xFFFFC000  }
0x73: {  	[spmem:s2] =	stream.indirect.scatter.add.f32 [tilespmem:s21], [sflag:$0x3], $0x80, s3, s20, $0xb8;
	[tilespmem:$0x1E800] =	vst v63  }
0x74: {  	_ =	swait.ge [sflag:s24], $0x4000  }
0x75: {  	[sflag:s24] =	ssyncset.done $0x0  }
0x76: {  	s3 =	simm.s32 $0x1480;
	[sflag:s24] =	ssyncadd.s32 $0xFFFFC000  }
0x77: {  	[spmem:s2] =	stream.indirect.scatter.add.f32 [tilespmem:s22], [sflag:$0x4], $0x80, s3, s20, $0xb8;
	[tilespmem:$0x1E800] =	vst v63  }
0x78: {  	_ =	swait.ge [sflag:s25], $0x4000  }
0x79: {  	[sflag:s25] =	ssyncset.done $0x0  }
0x7a: {  	s3 =	simm.s32 $0x100;
	[sflag:s25] =	ssyncadd.s32 $0xFFFFC000  }
0x7b: {  	[tilespmem:s21], [sflag:$0x1] =	stream.indirect.gather [hbm4b:s5+s20], $0x80, s3, s20, $0xb8;
	[tilespmem:$0x1E800] =	vst v63  }
0x7c: {  	_ =	swait.ge [sflag:s26], $0x4000  }
0x7d: {  	[sflag:s26] =	ssyncset.done $0x0  }
0x7e: {  	s31 =	simm.s32 $0x400;
	s0 =	simm.s32 $0x180;
	[sflag:s26] =	ssyncadd.s32 $0xFFFFC000  }
.LBB2_4:
0x7f: {  	[tilespmem:s22], [sflag:$0x2] =	stream.indirect.gather [hbm4b:s5+s20], $0x80, s0, s20, $0xb8;
	[tilespmem:$0x1E800] =	vst v63  }
0x80: {  	s0 =	smov.u32 s31  }
0x81: {  	p0 =	sne.s32 s31, $0x4800;
	s31 =	sadd.s32 $0x400, s31;
	_ =	swait.ge [sflag:s23], $0x4000  }
0x82: {  	s0 =	sshra.s32 s0, $0x2;
	[sflag:s23] =	ssyncset.done $0x0  }
0x83: {  	s3 =	sadd.s32 $0x1400, s0;
	[sflag:s23] =	ssyncadd.s32 $0xFFFFC000  }
0x84: {  	[spmem:s2] =	stream.indirect.scatter.add.f32 [tilespmem:s21], [sflag:$0x3], $0x80, s3, s20, $0xb8;
	[tilespmem:$0x1E800] =	vst v63  }
0x85: {  	_ =	swait.ge [sflag:s24], $0x4000  }
0x86: {  	[sflag:s24] =	ssyncset.done $0x0  }
0x87: {  	s3 =	sadd.s32 $0x1480, s0;
	[sflag:s24] =	ssyncadd.s32 $0xFFFFC000  }
0x88: {  	[spmem:s2] =	stream.indirect.scatter.add.f32 [tilespmem:s22], [sflag:$0x4], $0x80, s3, s20, $0xb8;
	[tilespmem:$0x1E800] =	vst v63  }
0x89: {  	_ =	swait.ge [sflag:s25], $0x4000  }
0x8a: {  	[sflag:s25] =	ssyncset.done $0x0  }
.Ltmp1:
0x8b: {  	s3 =	sadd.s32 $0x100, s0;
	[sflag:s25] =	ssyncadd.s32 $0xFFFFC000;
	(pc) =	sbr.rel @p0 .LBB2_4-.Ltmp1, $4  }
0x8c: {  	[tilespmem:s21], [sflag:$0x1] =	stream.indirect.gather [hbm4b:s5+s20], $0x80, s3, s20, $0xb8;
	[tilespmem:$0x1E800] =	vst v63  }
0x8d: {  	_ =	swait.ge [sflag:s26], $0x4000  }
0x8e: {  	[sflag:s26] =	ssyncset.done $0x0  }
0x8f: {  	s0 =	sadd.s32 $0x180, s0;
	[sflag:s26] =	ssyncadd.s32 $0xFFFFC000  }
0x90: {  	[tilespmem:s22], [sflag:$0x2] =	stream.indirect.gather [hbm4b:s5+s20], $0x80, s0, s20, $0xb8;
	[tilespmem:$0x1E800] =	vst v63  }
0x91: {  	_ =	swait.ge [sflag:s23], $0x4000  }
0x92: {  	[sflag:s23] =	ssyncset.done $0x0  }
0x93: {  	[sflag:s23] =	ssyncadd.s32 $0xFFFFC000  }
0x94: {  	[spmem:s2] =	stream.indirect.scatter.add.f32 [tilespmem:s21], [sflag:$0x3], $0x80, s28, s20, $0xb8;
	[tilespmem:$0x1E800] =	vst v63  }
0x95: {  	_ =	swait.ge [sflag:s24], $0x4000  }
0x96: {  	[sflag:s24] =	ssyncset.done $0x0  }
0x97: {  	[sflag:s24] =	ssyncadd.s32 $0xFFFFC000  }
0x98: {  	[spmem:s2] =	stream.indirect.scatter.add.f32 [tilespmem:s22], [sflag:$0x4], $0x80, s29, s20, $0xb8;
	[tilespmem:$0x1E800] =	vst v63  }
0x99: {  	_ =	swait.ge [sflag:s25], $0x4000  }
0x9a: {  	[sflag:s25] =	ssyncset.done $0x0  }
0x9b: {  	[sflag:s25] =	ssyncadd.s32 $0xFFFFC000  }
0x9c: {  	_ =	swait.ge [sflag:s26], $0x4000  }
0x9d: {  	s30 =	sadd.s32 $0x1, s30;
	[sflag:s26] =	ssyncset.done $0x0  }
0x9e: {  	p0 =	sne.s32 s30, s8;
	[sflag:s26] =	ssyncadd.s32 $0xFFFFC000  }
.Ltmp2:
0x9f: {  	[bflag:$0x0] =	sbarrier.arrive $0xFFFF;
	(pc) =	sbr.rel @p0 .LBB2_1-.Ltmp2, $4  }
0xa0: {  	[hbm:s7], [sflag:s6] =	dma.local [spmem:s13], $0x2800  }
0xa1: {  	_ =	swait.ge [sflag:s14], $0x2800  }
0xa2: {  	[sflag:s14] =	ssyncset.done $0x0  }
0xa3: {  	[sflag:s14] =	ssyncadd.s32 $0xFFFFD800  }
0xa4: {  	_ =	sfence.sel $0x180000  }
0xa5: {  	[bflag:$0x0] =	sbarrier.arrive $0xFFFF  }
0xa6: {  	_ =	strace $0x9000004D  }
0xa7: {  	s0 =	stileid.u32;
	[bflag:$0x2] =	sbarrier.arrive $0xFFFF  }
0xa8: {  	p0 =	sne.s32 s0, $0x0;
	s0 =	rddreg [dreg:$0x3]  }
0xa9: {  	s0 =	sadd.s32 @!p0 $0x100000, s0  }
0xaa: {  	[sflag:s0] =	ssyncadd.tile.s32 @!p0 $0x1;
	_ =	shalt  }
.Lfunc_end2:
_tile_overlayer_lowered:
.L_overlay_start_2:
0xab: {  	(tag) =	ssettag $0x2  }
0xac: {  	s0 =	rddreg [dreg:$0x0];
	s2 =	stileid.u32  }
0xad: {  	s1 =	rddreg [dreg:$0x1];
	p0 =	sne.s32 s2, $0x0  }
0xae: {  	s3 =	rddreg [dreg:$0x2];
	[bflag:$0x3] =	sbarrier.arrive $0xFFFF;
	s2 =	simm.s32 @!p0 $0x1C05  }
0xaf: {  	[timem:s3], [sflag:s2] =	dma.local @!p0 [hbm:s0], s1  }
0xb0: {  	s0 =	simm.s32 @!p0 $0x5  }
0xb1: {  	_ =	swait.ge @!p0 [sflag:s0], s1  }
0xb2: {  	s1 =	ssub.s32 @!p0 $0x0, s1;
	[sflag:s0] =	ssyncset.done @!p0 $0x0  }
0xb3: {  	[sflag:s0] =	ssyncadd.s32 @!p0 s1  }
0xb4: {  	[bflag:$0x3] =	sbarrier.arrive $0xFFFF  }
0xb5: {  	_ =	shalt  }

// kernel: kernel.18.cloned.1.call-start
scs
__scs_entry_jumppad:
0x0: {  	(pc) =	sbr.rel $0x88, $3  }
0x1: {  	(tag) =	ssettag $0x0;
	lr =	simm.s32 $0x1  }
0x2: {  	[smem:$0x3F94] =	sst lr;
	_ =	strace $0xD0000000  }
0x3: {  	_ = 	snop  }
0x4: {  	_ = 	snop  }
0x5: {  	_ = 	snop  }
0x6: {  	_ = 	snop  }
0x7: {  	_ = 	snop  }
__scs_overlays_trampoline_lowered:
0x8: {  	[smem:$0x3FA3] =	sst s0  }
0x9: {  	[smem:$0x3FA4] =	sst s1  }
0xa: {  	[smem:$0x3FA5] =	sst s2  }
0xb: {  	[smem:$0x3FA6] =	sst s3  }
0xc: {  	[smem:$0x3FA7] =	sst s4  }
0xd: {  	[smem:$0x3FA8] =	sst s5  }
0xe: {  	[smem:$0x3FA9] =	sst s6  }
0xf: {  	[smem:$0x3FAA] =	sst s7  }
0x10: {  	[smem:$0x3FAB] =	sst s8  }
0x11: {  	[smem:$0x3FAC] =	sst s9;
	s0 =	simm.s32 @!p0 $0x0  }
0x12: {  	s1 =	sld [smem:$0x3F92];
	s0 =	simm.s32 @p0 $0x1  }
0x13: {  	[smem:$0x3FAD] =	sst s0;
	s0 =	simm.s32 @!p1 $0x0  }
0x14: {  	s2 =	sld [smem:$0x3F91];
	s0 =	simm.s32 @p1 $0x1  }
0x15: {  	[smem:$0x3FAE] =	sst s0;
	s0 =	simm.s32 @!p2 $0x0  }
0x16: {  	s3 =	sld [smem:$0x3FDB];
	s0 =	simm.s32 @p2 $0x1  }
0x17: {  	s4 =	simm.s32 $0x1BF5;
	[smem:$0x3FB0] =	sst s0  }
0x18: {  	s0 =	sld [smem:$0x3F93];
	_ =	swait.ge [sflag:s4], $0x0  }
0x19: {  	s7 =	sld [smem:$0x3F94]  }
0x1a: {  	s8 =	sadd.s32 $0xFFFFE003, lr  }
0x1b: {  	s9 =	sadd.s32 $0xFFFFFEF7, lr;
	s5 =	simm.s32 $0xFFFFFFFF;
	p2 =	slt.u32 s8, $0xFFFFF086  }
0x1c: {  	p1 =	slt.u32 s9, $0xF7A;
	s5 =	simm.s32 @!p2 $0x0  }
0x1d: {  	s5 =	simm.s32 @p1 $0x1;
	p0 =	seq.s32 s7, s2  }
0x1e: {  	s7 =	smul.u32 @!p0 $0xF7A, s2;
	p2 =	seq.s32 @!p0 s5, $0x0  }
0x1f: {  	s9 =	smul.u32 $0xF7A, s1;
	s8 =	simm.s32 @!p0 $0x1BF5;
	p2 =	por !p2, p0  }
0x20: {  	[sflag:s8] =	ssyncset.s32 @!p0 $0xFFFFF086;
	s6 =	sadd.s32 @!p0 s3, s7;
	s7 =	simm.s32 @!p0 $0x108  }
0x21: {  	s3 =	sadd.s32 s3, s9;
	s6 =	sadd.s32 @!p0 $0x88, s6;
	s7 =	simm.s32 @p2 $0x1082  }
0x22: {  	[simem:s7], [sflag:s8] =	dma.local @!p0 [hbm:s6], $0xF7A  }
0x23: {  	s9 =	sor.u32 $0xD0000000, s2;
	s6 =	simm.s32 $0x108;
	_ =	swait.ge @!p0 [sflag:s8], $0x0  }
0x24: {  	s3 =	sadd.s32 $0x88, s3;
	s6 =	simm.s32 @!p1 $0x1082;
	[sflag:s4] =	ssyncset.s32 $0xFFFFF086  }
0x25: {  	[simem:s6], [sflag:s4] =	dma.local [hbm:s3], $0xF7A  }
0x26: {  	[smem:$0x3F94] =	sst s1;
	(tag) =	ssettag s2;
	_ =	strace s9  }
0x27: {  	s1 =	sld [smem:$0x3FA4]  }
0x28: {  	s2 =	sld [smem:$0x3FA5]  }
0x29: {  	s4 =	sld [smem:$0x3FA7]  }
0x2a: {  	p0 =	seq.s32 s5, $0x0;
	s5 =	sld [smem:$0x3FA8]  }
0x2b: {  	s6 =	sld [smem:$0x3FA9]  }
0x2c: {  	s7 =	sld [smem:$0x3FAA]  }
0x2d: {  	s3 =	simm.s32 $0x108;
	s8 =	sld [smem:$0x3FAB]  }
0x2e: {  	s3 =	simm.s32 @!p0 $0x1082;
	s9 =	sld [smem:$0x3FAC]  }
0x2f: {  	lr =	sadd.s32 s0, s3;
	s0 =	sld [smem:$0x3FA3]  }
0x30: {  	s3 =	sld [smem:$0x3FA6]  }
0x31: {  	[smem:$0x3FAF] =	sst s10  }
0x32: {  	s10 =	sld [smem:$0x3FAD];
	_ =	sdelay $0x3  }
0x33: {  	p0 =	seq.s32 s10, $0x1;
	s10 =	sld [smem:$0x3FAF];
	_ =	sdelay $0x3  }
0x34: {  	[smem:$0x3FAF] =	sst s10  }
0x35: {  	s10 =	sld [smem:$0x3FAE];
	_ =	sdelay $0x3  }
0x36: {  	p1 =	seq.s32 s10, $0x1;
	s10 =	sld [smem:$0x3FAF];
	_ =	sdelay $0x3  }
0x37: {  	[smem:$0x3FAF] =	sst s10  }
0x38: {  	s10 =	sld [smem:$0x3FB0]  }
0x39: {  	_ = 	snop;
	(pc) =	sbr.ind lr, $3  }
0x3a: {  	_ = 	snop  }
0x3b: {  	_ = 	snop  }
0x3c: {  	p2 =	seq.s32 s10, $0x1;
	s10 =	sld [smem:$0x3FAF]  }
0x3d: {  	_ =	shalt  }
0x3e: {  	_ =	shalt  }
0x3f: {  	_ =	shalt  }
0x40: {  	_ =	shalt  }
0x41: {  	_ =	shalt  }
0x42: {  	_ =	shalt  }
0x43: {  	_ =	shalt  }
0x44: {  	_ =	shalt  }
0x45: {  	_ =	shalt  }
0x46: {  	_ =	shalt  }
0x47: {  	_ =	shalt  }
0x48: {  	_ =	shalt  }
0x49: {  	_ =	shalt  }
0x4a: {  	_ =	shalt  }
0x4b: {  	_ =	shalt  }
0x4c: {  	_ =	shalt  }
0x4d: {  	_ =	shalt  }
0x4e: {  	_ =	shalt  }
0x4f: {  	_ =	shalt  }
0x50: {  	_ =	shalt  }
0x51: {  	_ =	shalt  }
0x52: {  	_ =	shalt  }
0x53: {  	_ =	shalt  }
0x54: {  	_ =	shalt  }
0x55: {  	_ =	shalt  }
0x56: {  	_ =	shalt  }
0x57: {  	_ =	shalt  }
0x58: {  	_ =	shalt  }
0x59: {  	_ =	shalt  }
0x5a: {  	_ =	shalt  }
0x5b: {  	_ =	shalt  }
0x5c: {  	_ =	shalt  }
0x5d: {  	_ =	shalt  }
0x5e: {  	_ =	shalt  }
0x5f: {  	_ =	shalt  }
0x60: {  	_ =	shalt  }
0x61: {  	_ =	shalt  }
0x62: {  	_ =	shalt  }
0x63: {  	_ =	shalt  }
0x64: {  	_ =	shalt  }
0x65: {  	_ =	shalt  }
0x66: {  	_ =	shalt  }
0x67: {  	_ =	shalt  }
0x68: {  	_ =	shalt  }
0x69: {  	_ =	shalt  }
0x6a: {  	_ =	shalt  }
0x6b: {  	_ =	shalt  }
0x6c: {  	_ =	shalt  }
0x6d: {  	_ =	shalt  }
0x6e: {  	_ =	shalt  }
0x6f: {  	_ =	shalt  }
0x70: {  	_ =	shalt  }
0x71: {  	_ =	shalt  }
0x72: {  	_ =	shalt  }
0x73: {  	_ =	shalt  }
0x74: {  	_ =	shalt  }
0x75: {  	_ =	shalt  }
0x76: {  	_ =	shalt  }
0x77: {  	_ =	shalt  }
0x78: {  	_ =	shalt  }
0x79: {  	_ =	shalt  }
0x7a: {  	_ =	shalt  }
0x7b: {  	_ =	shalt  }
0x7c: {  	_ =	shalt  }
0x7d: {  	_ =	shalt  }
0x7e: {  	_ =	shalt  }
0x7f: {  	_ =	shalt  }
0x80: {  	_ =	shalt  }
0x81: {  	_ =	shalt  }
0x82: {  	_ =	shalt  }
0x83: {  	_ =	shalt  }
0x84: {  	_ =	shalt  }
0x85: {  	_ =	shalt  }
0x86: {  	_ =	shalt  }
0x87: {  	_ =	shalt  }
.Lfunc_end0:
.L_simem_size_0:
called_computation.3_lowered:
.L_overlay_start_0:
0x88: {  	s2 =	sld [smem:$0x3FD9]  }
0x89: {  	s3 =	sld [smem:$0x3FFE];
	_ =	sdelay $0x1  }
0x8a: {  	s1 =	srdreg.scid  }
0x8b: {  	s0 =	sand.u32 $0x1, s1  }
0x8c: {  	s16 =	sshll.u32 s0, $0xA;
	s2 =	sadd.s32 s3, s2  }
0x8d: {  	s2 =	sadd.s32 s2, s16  }
0x8e: {  	[smem:$0x3FBB] =	sst s2  }
0x8f: {  	_ = 	snop  }
0x90: {  	(tm) =	ssettm $0x1  }
0x91: {  	s17 =	sld [smem:$0x3FFB];
	_ =	sdelay $0x3  }
0x92: {  	_ =	strace s17  }
0x93: {  	s2 =	sld [smem:$0x3FFC];
	_ =	sdelay $0x3  }
0x94: {  	_ =	strace s2  }
0x95: {  	s2 =	sld [smem:$0x3FFD];
	_ =	sdelay $0x3  }
0x96: {  	_ =	strace s2  }
0x97: {  	_ =	strace $0x8FFFFFFF  }
0x98: {  	s18 =	sld [smem:$0x3FDB];
	_ =	sdelay $0x1  }
0x99: {  	s19 =	simm.s32 $_scs_section_size  }
0x9a: {  	s4 =	simm.s32 $_size__tile_overlayer_lowered;
	s5 =	simm.s32 $_tile_overlayer_lowered  }
0x9b: {  	s22 =	simm.s32 $0x1BFF;
	s21 =	sshll.u32 s5, $0x1;
	s2 =	sadd.s32 s19, s18  }
0x9c: {  	s6 =	simm.s32 $0x0;
	s20 =	sshll.u32 s4, $0x1;
	s4 =	sadd.s32 s21, s2  }
0x9d: {  	[timem:s6], [sflag:s22] =	dma.local [hbm:s4], s20  }
0x9e: {  	_ =	swait.ge [sflag:s22], s20  }
0x9f: {  	s3 =	ssub.s32 $0x0, s20;
	[sflag:s22] =	ssyncset.done $0x0  }
0xa0: {  	[sflag:s22] =	ssyncadd.s32 s3;
	_ =	sdelay $0x1  }
0xa1: {  	s23 =	simm.s32 $0x1B8B  }
0xa2: {  	_ =	swait.ge [sflag:s23], $0x1  }
0xa3: {  	[sflag:s23] =	ssyncset.done $0x0  }
0xa4: {  	s25 =	simm.s32 $0x1B8E;
	s24 =	sld [smem:$0x3FFE];
	[sflag:s23] =	ssyncadd.s32 $0xFFFFFFFF  }
0xa5: {  	s26 =	simm.s32 $execute0_lowered;
	[smem:$0x3FD2] =	sst s25  }
0xa6: {  	s4 =	sshll.u32 s26, $0x1;
	_ =	strace $0x8000004F;
	[dreg:$0x1] =	wrdreg $0xFFFFFFFF  }
0xa7: {  	s28 =	simm.s32 $_size_execute0_lowered;
	s2 =	sadd.s32 s2, s4;
	[dreg:$0x0] =	wrdreg $0x0  }
0xa8: {  	s4 =	sshll.u32 s28, $0x1;
	[dreg:$0x2] =	wrdreg s2  }
0xa9: {  	[dreg:$0x3] =	wrdreg s4  }
0xaa: {  	[dreg:$0x4] =	wrdreg $0xC0  }
0xab: {  	_ =	task [dreg:s6], $0x5FFFF  }
0xac: {  	[dreg:$0x1] =	wrdreg $0xFFFFFFFF  }
0xad: {  	[dreg:$0x0] =	wrdreg $0x60  }
0xae: {  	[dreg:$0x2] =	wrdreg s24  }
0xaf: {  	[dreg:$0x3] =	wrdreg $0x9  }
0xb0: {  	_ =	task.clear_ibuf [dreg:s6], $0x4FFFF;
	_ =	strace $0x9000004F  }
0xb1: {  	s29 =	simm.s32 $0x9;
	_ =	strace $0x80000051  }
0xb2: {  	_ =	swait.ge [sflag:s29], $0x1  }
0xb3: {  	[sflag:s29] =	ssyncadd.s32 $0xFFFFFFFF  }
0xb4: {  	_ =	strace $0x90000051  }
0xb5: {  	_ =	sfence  }
0xb6: {  	s30 =	sld [smem:$0x0];
	_ =	sdelay $0x2  }
0xb7: {  	s31 =	sshll.u32 s1, $0xD;
	s1 =	sshrl.u32 s1, $0x2  }
0xb8: {  	s3 =	sand.u32 $0x4000, s31;
	s1 =	sadd.s32 s1, s30  }
0xb9: {  	s0 =	sor.u32 s3, s0;
	s1 =	sshll.u32 s1, $0x11  }
0xba: {  	s0 =	sor.u32 s1, s0  }
0xbb: {  	s0 =	sadd.s32 $0x8F2B, s0  }
0xbc: {  	[sflag:s0] =	ssyncadd.remote.s32 $0x1  }
0xbd: {  	_ =	sfence.sel $0xFFFF  }
0xbe: {  	[dreg:$0x0] =	wrdreg $0xFFFFFFFF;
	(pc) =	sbr.abs _section_cstart, $3  }
0xbf: {  	[dreg:$0x1] =	wrdreg $0xFFFFFFFF  }
0xc0: {  	_ =	task.clear_ibuf [dreg:s6], $0x2FFFF;
	_ =	strace $0x9FFFFFFF  }
0xc1: {  	(tm) =	ssettm $0x7FFFFFFF  }
tec
execute0_lowered:
.L_overlay_start_1:
0x0: {  	(tag) =	ssettag $0x1  }
0x1: {  	s0 =	rddreg [dreg:$0x0];
	s3 =	stileid.u32;
	s2 =	simm.s32 $0x0  }
0x2: {  	s1 =	srdreg.scid;
	s12 =	simm.s32 $0x7;
	s13 =	simm.s32 $0x2800  }
0x3: {  	s16 =	simm.s32 $0x80;
	s17 =	simm.s32 $0x5000;
	s18 =	simm.s32 $0xD000  }
0x4: {  	s19 =	simm.s32 $0x9000;
	s20 =	simm.s32 $0x2880;
	s21 =	simm.s32 $0x11000  }
0x5: {  	s22 =	simm.s32 $0x1;
	s23 =	simm.s32 $0x3;
	s24 =	simm.s32 $0x2  }
0x6: {  	s25 =	simm.s32 $0x4;
	s26 =	simm.s32 $0x5;
	s28 =	simm.s32 $0x6  }
0x7: {  	s29 =	simm.s32 $0x0;
	s6 =	smul.u32 $0x50, s3;
	[smem:$0x7FF] =	sst s2  }
0x8: {  	s1 =	sand.u32 $0x1, s1;
	s3 =	sadd.s32 $0x3400, s0;
	s4 =	sadd.s32 $0x3F400, s0  }
0x9: {  	s10 =	sadd.s32 $0x35400, s0;
	s11 =	sadd.s32 $0x2B400, s0;
	_ =	strace $0x80000050  }
0xa: {  	p0 =	seq.s32 s1, $0x0;
	s1 =	ssub.s32 $0x2, s1;
	s5 =	sadd.s32 $0x500, s6  }
.Ltmp0:
0xb: {  	s30 =	sshrl.u32 s1, $0x1;
	s6 =	smov.u32 @p0 s5;
	(pc) =	sbr.rel .LBB2_1-.Ltmp0, $4  }
0xc: {  	s1 =	ssub.s32 s1, s30;
	s5 =	sshll.u32 s6, $0xB;
	s9 =	sshll.u32 s6, $0x4  }
0xd: {  	s7 =	smax.u32 s1, $0x1;
	s0 =	sadd.s32 s5, s0;
	s31 =	sadd.s32 $0x280, s9  }
0xe: {  	s8 =	sadd.s32 s10, s9;
	s9 =	sadd.s32 s11, s9;
	s5 =	sadd.s32 $0x67400, s0  }
0xf: {  	s6 =	sadd.s32 $0x67C00, s0;
	s10 =	sadd.s32 s10, s31;
	s11 =	sadd.s32 s11, s31  }
.LBB2_8:
0x10: {  	s29 =	sadd.s32 $0x1, s29  }
0x11: {  	_ =	swait.ge [sflag:s26], $0x4000;
	p0 =	sne.s32 s29, s7  }
.Ltmp1:
0x12: {  	[sflag:s26] =	ssyncset.done $0x0;
	(pc) =	sbr.rel @!p0 .LBB2_9-.Ltmp1, $4  }
0x13: {  	[sflag:s26] =	ssyncadd.s32 $0xFFFFC000  }
0x14: {  	_ =	swait.ge [sflag:s28], $0x4000  }
0x15: {  	[sflag:s28] =	ssyncset.done $0x0  }
0x16: {  	[sflag:s28] =	ssyncadd.s32 $0xFFFFC000  }
.LBB2_1:
0x17: {  	[tilespmem:s2], [sflag:$0x7] =	stream.linear.gather [hbm4b:s8+s2], $0x1400, $0x38;
	[tilespmem:$0x15000] =	vst v63  }
0x18: {  	_ =	swait.ge [sflag:s12], $0x1400  }
0x19: {  	[sflag:s12] =	ssyncset.done $0x0  }
0x1a: {  	[sflag:s12] =	ssyncadd.s32 $0xFFFFEC00  }
0x1b: {  	[tilespmem:s13], [sflag:$0x7] =	stream.linear.gather [hbm4b:s9+s2], $0x1400, $0x38;
	[tilespmem:$0x15000] =	vst v63  }
0x1c: {  	_ =	swait.ge [sflag:s12], $0x1400  }
0x1d: {  	[sflag:s12] =	ssyncset.done $0x0  }
0x1e: {  	s0 =	simm.s32 $0x1400;
	[sflag:s12] =	ssyncadd.s32 $0xFFFFEC00  }
0x1f: {  	[tilespmem:s0], [sflag:$0x7] =	stream.linear.gather [hbm4b:s10+s2], $0x1400, $0x38;
	[tilespmem:$0x15000] =	vst v63  }
0x20: {  	_ =	swait.ge [sflag:s12], $0x1400  }
0x21: {  	[sflag:s12] =	ssyncset.done $0x0  }
0x22: {  	s31 =	simm.s32 $0x3C00;
	[sflag:s12] =	ssyncadd.s32 $0xFFFFEC00  }
0x23: {  	[tilespmem:s31], [sflag:$0x7] =	stream.linear.gather [hbm4b:s11+s2], $0x1400, $0x38;
	[tilespmem:$0x15000] =	vst v63  }
0x24: {  	_ =	swait.ge [sflag:s12], $0x1400  }
0x25: {  	[sflag:s12] =	ssyncset.done $0x0  }
0x26: {  	[sflag:s12] =	ssyncadd.s32 $0xFFFFEC00  }
0x27: {  	[tilespmem:s17], [sflag:$0x1] =	stream.indirect.gather [hbm4b:s3+s16], $0x80, s2, s16, $0xb8;
	[tilespmem:$0x15000] =	vst v63  }
0x28: {  	_ = 	snop  }
0x29: {  	[tilespmem:s18], [sflag:$0x3] =	stream.indirect.gather [hbm4b:s4+s16], $0x80, s13, s16, $0xb8;
	[tilespmem:$0x15000] =	vst v63  }
0x2a: {  	_ = 	snop  }
0x2b: {  	[tilespmem:s19], [sflag:$0x2] =	stream.indirect.gather [hbm4b:s3+s16], $0x80, s16, s16, $0xb8;
	[tilespmem:$0x15000] =	vst v63  }
0x2c: {  	s30 =	simm.s32 $0x0  }
0x2d: {  	[tilespmem:s21], [sflag:$0x4] =	stream.indirect.gather [hbm4b:s4+s16], $0x80, s20, s16, $0xb8;
	[tilespmem:$0x15000] =	vst v63  }
.LBB2_2:
0x2e: {  	_ =	swait.ge [sflag:s22], $0x4000  }
0x2f: {  	[sflag:s22] =	ssyncset.done $0x0  }
0x30: {  	[sflag:s22] =	ssyncadd.s32 $0xFFFFC000  }
0x31: {  	_ =	swait.ge [sflag:s23], $0x4000  }
0x32: {  	[sflag:s23] =	ssyncset.done $0x0  }
0x33: {  	s31 =	simm.s32 $0x0;
	[sflag:s23] =	ssyncadd.s32 $0xFFFFC000  }
0x34: {  	v7 =	vld [tilespmem:s31+$0xD000]  }
0x35: {  	v11 =	vld [tilespmem:s31+$0xD010]  }
0x36: {  	v5 =	vld [tilespmem:s31+$0xD020]  }
0x37: {  	v4 =	vld [tilespmem:s31+$0xD030]  }
0x38: {  	v3 =	vld [tilespmem:s31+$0xD040]  }
0x39: {  	v2 =	vld [tilespmem:s31+$0xD050]  }
0x3a: {  	v1 =	vld [tilespmem:s31+$0xD060]  }
0x3b: {  	v0 =	vld [tilespmem:s31+$0xD070]  }
0x3c: {  	v12 =	vld [tilespmem:s31+$0x5000]  }
0x3d: {  	v13 =	vld [tilespmem:s31+$0x5010]  }
0x3e: {  	v10 =	vld [tilespmem:s31+$0x5020]  }
0x3f: {  	v9 =	vld [tilespmem:s31+$0x5030]  }
0x40: {  	v8 =	vld [tilespmem:s31+$0x5040]  }
0x41: {  	v6 =	vld [tilespmem:s31+$0x5050];
	v12 =	vadd.f32 v7, v12  }
0x42: {  	s0 =	simm.s32 $0x200;
	v11 =	vadd.f32 v11, v13;
	v7 =	vld [tilespmem:s31+$0x5060]  }
.LBB2_3:
0x43: {  	s1 =	sshra.s32 s0, $0x2;
	p0 =	sne.s32 s0, $0xFE00;
	[tilespmem:s31+$0x5000] =	vst v12;
	v5 =	vadd.f32 v5, v10;
	v10 =	vld [tilespmem:s31+$0x5070]  }
0x44: {  	v12 =	vld [tilespmem:s1+$0xD000];
	[tilespmem:s31+$0x5010] =	vst v11;
	v4 =	vadd.f32 v4, v9  }
0x45: {  	v11 =	vld [tilespmem:s1+$0xD010];
	[tilespmem:s31+$0x5020] =	vst v5;
	v3 =	vadd.f32 v3, v8  }
0x46: {  	v5 =	vld [tilespmem:s1+$0xD020];
	[tilespmem:s31+$0x5030] =	vst v4;
	v2 =	vadd.f32 v2, v6  }
0x47: {  	v4 =	vld [tilespmem:s1+$0xD030];
	[tilespmem:s31+$0x5040] =	vst v3;
	v1 =	vadd.f32 v1, v7  }
0x48: {  	v3 =	vld [tilespmem:s1+$0xD040];
	[tilespmem:s31+$0x5050] =	vst v2;
	v0 =	vadd.f32 v0, v10  }
0x49: {  	v2 =	vld [tilespmem:s1+$0xD050];
	[tilespmem:s31+$0x5060] =	vst v1  }
0x4a: {  	v1 =	vld [tilespmem:s1+$0xD060];
	[tilespmem:s31+$0x5070] =	vst v0;
	s31 =	smov.u32 s1  }
0x4b: {  	v0 =	vld [tilespmem:s31+$0xD070]  }
0x4c: {  	v6 =	vld [tilespmem:s31+$0x5000]  }
0x4d: {  	v7 =	vld [tilespmem:s31+$0x5010]  }
.Ltmp2:
0x4e: {  	v10 =	vld [tilespmem:s31+$0x5020];
	(pc) =	sbr.rel @p0 .LBB2_3-.Ltmp2, $4  }
0x4f: {  	v9 =	vld [tilespmem:s31+$0x5030]  }
0x50: {  	v8 =	vld [tilespmem:s31+$0x5040]  }
0x51: {  	v12 =	vadd.f32 v12, v6;
	v6 =	vld [tilespmem:s31+$0x5050]  }
0x52: {  	s0 =	sadd.s32 $0x200, s0;
	v11 =	vadd.f32 v11, v7;
	v7 =	vld [tilespmem:s31+$0x5060]  }
0x53: {  	[tilespmem:s31+$0x5000] =	vst v12;
	v5 =	vadd.f32 v5, v10;
	v10 =	vld [tilespmem:s31+$0x5070]  }
0x54: {  	[tilespmem:s31+$0x5010] =	vst v11;
	v4 =	vadd.f32 v4, v9  }
0x55: {  	[tilespmem:s31+$0x5020] =	vst v5;
	v3 =	vadd.f32 v3, v8  }
0x56: {  	[tilespmem:s31+$0x5030] =	vst v4;
	v2 =	vadd.f32 v2, v6  }
0x57: {  	[tilespmem:s31+$0x5040] =	vst v3;
	v1 =	vadd.f32 v1, v7  }
0x58: {  	[tilespmem:s31+$0x5050] =	vst v2;
	v0 =	vadd.f32 v0, v10  }
0x59: {  	s0 =	sshll.u32 s30, $0xC;
	[tilespmem:s31+$0x5060] =	vst v1  }
0x5a: {  	p0 =	seq.s32 s30, $0x27;
	s1 =	sadd.s32 s0, s5;
	[tilespmem:s31+$0x5070] =	vst v0  }
0x5b: {  	[hbm4b:s1+s2] =	stream.linear.scatter [tilespmem:s17], [sflag:$0x5], $0x4000, $0x38;
	[tilespmem:$0x15000] =	vst v63  }
0x5c: {  	s1 =	simm.s32 @!p0 $0x5  }
0x5d: {  	_ =	swait.ge @!p0 [sflag:s1], $0x4000  }
0x5e: {  	s14 =	simm.s32 @!p0 $0x80;
	s31 =	sshll.u32 s30, $0x8;
	[sflag:s1] =	ssyncset.done @!p0 $0x0  }
0x5f: {  	s15 =	simm.s32 @!p0 $0x5000;
	[sflag:s1] =	ssyncadd.s32 @!p0 $0xFFFFC000;
	s1 =	sadd.s32 @!p0 $0x100, s31  }
0x60: {  	[tilespmem:s15], [sflag:$0x1] =	stream.indirect.gather @!p0 [hbm4b:s3+s14], $0x80, s1, s14, $0xb8;
	[tilespmem:$0x15000] =	vst v63  }
0x61: {  	s1 =	sadd.s32 @!p0 $0x2900, s31;
	s15 =	simm.s32 @!p0 $0xD000  }
0x62: {  	[tilespmem:s15], [sflag:$0x3] =	stream.indirect.gather @!p0 [hbm4b:s4+s14], $0x80, s1, s14, $0xb8;
	[tilespmem:$0x15000] =	vst v63  }
0x63: {  	_ =	swait.ge [sflag:s24], $0x4000  }
0x64: {  	[sflag:s24] =	ssyncset.done $0x0  }
0x65: {  	[sflag:s24] =	ssyncadd.s32 $0xFFFFC000  }
0x66: {  	_ =	swait.ge [sflag:s25], $0x4000  }
0x67: {  	[sflag:s25] =	ssyncset.done $0x0  }
0x68: {  	s1 =	simm.s32 $0x0;
	[sflag:s25] =	ssyncadd.s32 $0xFFFFC000  }
0x69: {  	v7 =	vld [tilespmem:s1+$0x11000]  }
0x6a: {  	v11 =	vld [tilespmem:s1+$0x11010]  }
0x6b: {  	v5 =	vld [tilespmem:s1+$0x11020]  }
0x6c: {  	v4 =	vld [tilespmem:s1+$0x11030]  }
0x6d: {  	v3 =	vld [tilespmem:s1+$0x11040]  }
0x6e: {  	v2 =	vld [tilespmem:s1+$0x11050]  }
0x6f: {  	v1 =	vld [tilespmem:s1+$0x11060]  }
0x70: {  	v0 =	vld [tilespmem:s1+$0x11070]  }
0x71: {  	v12 =	vld [tilespmem:s1+$0x9000]  }
0x72: {  	v13 =	vld [tilespmem:s1+$0x9010]  }
0x73: {  	v10 =	vld [tilespmem:s1+$0x9020]  }
0x74: {  	v9 =	vld [tilespmem:s1+$0x9030]  }
0x75: {  	v8 =	vld [tilespmem:s1+$0x9040]  }
0x76: {  	v6 =	vld [tilespmem:s1+$0x9050];
	v12 =	vadd.f32 v7, v12  }
0x77: {  	s14 =	simm.s32 $0x200;
	v11 =	vadd.f32 v11, v13;
	v7 =	vld [tilespmem:s1+$0x9060]  }
.LBB2_5:
0x78: {  	s15 =	sshra.s32 s14, $0x2;
	p1 =	sne.s32 s14, $0xFE00;
	[tilespmem:s1+$0x9000] =	vst v12;
	v5 =	vadd.f32 v5, v10;
	v10 =	vld [tilespmem:s1+$0x9070]  }
0x79: {  	v12 =	vld [tilespmem:s15+$0x11000];
	[tilespmem:s1+$0x9010] =	vst v11;
	v4 =	vadd.f32 v4, v9  }
0x7a: {  	v11 =	vld [tilespmem:s15+$0x11010];
	[tilespmem:s1+$0x9020] =	vst v5;
	v3 =	vadd.f32 v3, v8  }
0x7b: {  	v5 =	vld [tilespmem:s15+$0x11020];
	[tilespmem:s1+$0x9030] =	vst v4;
	v2 =	vadd.f32 v2, v6  }
0x7c: {  	v4 =	vld [tilespmem:s15+$0x11030];
	[tilespmem:s1+$0x9040] =	vst v3;
	v1 =	vadd.f32 v1, v7  }
0x7d: {  	v3 =	vld [tilespmem:s15+$0x11040];
	[tilespmem:s1+$0x9050] =	vst v2;
	v0 =	vadd.f32 v0, v10  }
0x7e: {  	v2 =	vld [tilespmem:s15+$0x11050];
	[tilespmem:s1+$0x9060] =	vst v1  }
0x7f: {  	v1 =	vld [tilespmem:s15+$0x11060];
	[tilespmem:s1+$0x9070] =	vst v0;
	s1 =	smov.u32 s15  }
0x80: {  	v0 =	vld [tilespmem:s1+$0x11070]  }
0x81: {  	v6 =	vld [tilespmem:s1+$0x9000]  }
0x82: {  	v7 =	vld [tilespmem:s1+$0x9010]  }
.Ltmp3:
0x83: {  	v10 =	vld [tilespmem:s1+$0x9020];
	(pc) =	sbr.rel @p1 .LBB2_5-.Ltmp3, $4  }
0x84: {  	v9 =	vld [tilespmem:s1+$0x9030]  }
0x85: {  	v8 =	vld [tilespmem:s1+$0x9040]  }
0x86: {  	v12 =	vadd.f32 v12, v6;
	v6 =	vld [tilespmem:s1+$0x9050]  }
0x87: {  	s14 =	sadd.s32 $0x200, s14;
	v11 =	vadd.f32 v11, v7;
	v7 =	vld [tilespmem:s1+$0x9060]  }
0x88: {  	[tilespmem:s1+$0x9000] =	vst v12;
	v5 =	vadd.f32 v5, v10;
	v63 =	vld [tilespmem:s1+$0x9070]  }
0x89: {  	[tilespmem:s1+$0x9010] =	vst v11;
	v4 =	vadd.f32 v4, v9  }
0x8a: {  	[tilespmem:s1+$0x9020] =	vst v5;
	v3 =	vadd.f32 v3, v8  }
0x8b: {  	[tilespmem:s1+$0x9030] =	vst v4;
	v2 =	vadd.f32 v2, v6  }
.Ltmp4:
0x8c: {  	[tilespmem:s1+$0x9040] =	vst v3;
	v1 =	vadd.f32 v1, v7;
	(pc) =	sbr.rel @p0 .LBB2_8-.Ltmp4, $4  }
0x8d: {  	[tilespmem:s1+$0x9050] =	vst v2;
	v0 =	vadd.f32 v0, v63  }
0x8e: {  	[tilespmem:s1+$0x9060] =	vst v1  }
0x8f: {  	s0 =	sadd.s32 s0, s6;
	[tilespmem:s1+$0x9070] =	vst v0  }
0x90: {  	[hbm4b:s0+s2] =	stream.linear.scatter [tilespmem:s19], [sflag:$0x6], $0x4000, $0x38;
	[tilespmem:$0x15000] =	vst v63  }
0x91: {  	_ =	swait.ge [sflag:s28], $0x4000  }
.Ltmp5:
0x92: {  	[sflag:s28] =	ssyncset.done $0x0;
	(pc) =	sbr.rel .LBB2_2-.Ltmp5, $4  }
0x93: {  	s0 =	sadd.s32 $0x180, s31;
	[sflag:s28] =	ssyncadd.s32 $0xFFFFC000  }
0x94: {  	[tilespmem:s19], [sflag:$0x2] =	stream.indirect.gather [hbm4b:s3+s16], $0x80, s0, s16, $0xb8;
	[tilespmem:$0x15000] =	vst v63  }
0x95: {  	s31 =	sadd.s32 $0x2980, s31;
	s30 =	sadd.s32 $0x1, s30  }
0x96: {  	[tilespmem:s21], [sflag:$0x4] =	stream.indirect.gather [hbm4b:s4+s16], $0x80, s31, s16, $0xb8;
	[tilespmem:$0x15000] =	vst v63  }
.LBB2_9:
0x97: {  	_ =	sfence.sel $0x180000  }
0x98: {  	[bflag:$0x0] =	sbarrier.arrive $0xFFFF  }
0x99: {  	_ =	strace $0x90000050  }
0x9a: {  	s0 =	stileid.u32;
	[bflag:$0x2] =	sbarrier.arrive $0xFFFF  }
0x9b: {  	p0 =	sne.s32 s0, $0x0;
	s0 =	rddreg [dreg:$0x1]  }
0x9c: {  	s0 =	sadd.s32 @!p0 $0x100000, s0  }
0x9d: {  	[sflag:s0] =	ssyncadd.tile.s32 @!p0 $0x1;
	_ =	shalt  }
.Lfunc_end2:
_tile_overlayer_lowered:
.L_overlay_start_2:
0x9e: {  	(tag) =	ssettag $0x2  }
0x9f: {  	s0 =	rddreg [dreg:$0x0];
	s2 =	stileid.u32  }
0xa0: {  	s1 =	rddreg [dreg:$0x1];
	p0 =	sne.s32 s2, $0x0  }
0xa1: {  	s3 =	rddreg [dreg:$0x2];
	[bflag:$0x3] =	sbarrier.arrive $0xFFFF;
	s2 =	simm.s32 @!p0 $0x1C07  }
0xa2: {  	[timem:s3], [sflag:s2] =	dma.local @!p0 [hbm:s0], s1  }
0xa3: {  	s0 =	simm.s32 @!p0 $0x7  }
0xa4: {  	_ =	swait.ge @!p0 [sflag:s0], s1  }
0xa5: {  	s1 =	ssub.s32 @!p0 $0x0, s1;
	[sflag:s0] =	ssyncset.done @!p0 $0x0  }
0xa6: {  	[sflag:s0] =	ssyncadd.s32 @!p0 s1  }
0xa7: {  	[bflag:$0x3] =	sbarrier.arrive $0xFFFF  }
0xa8: {  	_ =	shalt  }

// kernel: kernel.9.cloned.1.call-start
scs
__scs_entry_jumppad:
0x0: {  	(pc) =	sbr.rel $0x88, $3  }
0x1: {  	(tag) =	ssettag $0x0;
	lr =	simm.s32 $0x1  }
0x2: {  	[smem:$0x3F94] =	sst lr;
	_ =	strace $0xD0000000  }
0x3: {  	_ = 	snop  }
0x4: {  	_ = 	snop  }
0x5: {  	_ = 	snop  }
0x6: {  	_ = 	snop  }
0x7: {  	_ = 	snop  }
__scs_overlays_trampoline_lowered:
0x8: {  	[smem:$0x3FA3] =	sst s0  }
0x9: {  	[smem:$0x3FA4] =	sst s1  }
0xa: {  	[smem:$0x3FA5] =	sst s2  }
0xb: {  	[smem:$0x3FA6] =	sst s3  }
0xc: {  	[smem:$0x3FA7] =	sst s4  }
0xd: {  	[smem:$0x3FA8] =	sst s5  }
0xe: {  	[smem:$0x3FA9] =	sst s6  }
0xf: {  	[smem:$0x3FAA] =	sst s7  }
0x10: {  	[smem:$0x3FAB] =	sst s8  }
0x11: {  	[smem:$0x3FAC] =	sst s9;
	s0 =	simm.s32 @!p0 $0x0  }
0x12: {  	s1 =	sld [smem:$0x3F92];
	s0 =	simm.s32 @p0 $0x1  }
0x13: {  	[smem:$0x3FAD] =	sst s0;
	s0 =	simm.s32 @!p1 $0x0  }
0x14: {  	s2 =	sld [smem:$0x3F91];
	s0 =	simm.s32 @p1 $0x1  }
0x15: {  	[smem:$0x3FAE] =	sst s0;
	s0 =	simm.s32 @!p2 $0x0  }
0x16: {  	s3 =	sld [smem:$0x3FDB];
	s0 =	simm.s32 @p2 $0x1  }
0x17: {  	s4 =	simm.s32 $0x1BF5;
	[smem:$0x3FB0] =	sst s0  }
0x18: {  	s0 =	sld [smem:$0x3F93];
	_ =	swait.ge [sflag:s4], $0x0  }
0x19: {  	s7 =	sld [smem:$0x3F94]  }
0x1a: {  	s8 =	sadd.s32 $0xFFFFE003, lr  }
0x1b: {  	s9 =	sadd.s32 $0xFFFFFEF7, lr;
	s5 =	simm.s32 $0xFFFFFFFF;
	p2 =	slt.u32 s8, $0xFFFFF086  }
0x1c: {  	p1 =	slt.u32 s9, $0xF7A;
	s5 =	simm.s32 @!p2 $0x0  }
0x1d: {  	s5 =	simm.s32 @p1 $0x1;
	p0 =	seq.s32 s7, s2  }
0x1e: {  	s7 =	smul.u32 @!p0 $0xF7A, s2;
	p2 =	seq.s32 @!p0 s5, $0x0  }
0x1f: {  	s9 =	smul.u32 $0xF7A, s1;
	s8 =	simm.s32 @!p0 $0x1BF5;
	p2 =	por !p2, p0  }
0x20: {  	[sflag:s8] =	ssyncset.s32 @!p0 $0xFFFFF086;
	s6 =	sadd.s32 @!p0 s3, s7;
	s7 =	simm.s32 @!p0 $0x108  }
0x21: {  	s3 =	sadd.s32 s3, s9;
	s6 =	sadd.s32 @!p0 $0x88, s6;
	s7 =	simm.s32 @p2 $0x1082  }
0x22: {  	[simem:s7], [sflag:s8] =	dma.local @!p0 [hbm:s6], $0xF7A  }
0x23: {  	s9 =	sor.u32 $0xD0000000, s2;
	s6 =	simm.s32 $0x108;
	_ =	swait.ge @!p0 [sflag:s8], $0x0  }
0x24: {  	s3 =	sadd.s32 $0x88, s3;
	s6 =	simm.s32 @!p1 $0x1082;
	[sflag:s4] =	ssyncset.s32 $0xFFFFF086  }
0x25: {  	[simem:s6], [sflag:s4] =	dma.local [hbm:s3], $0xF7A  }
0x26: {  	[smem:$0x3F94] =	sst s1;
	(tag) =	ssettag s2;
	_ =	strace s9  }
0x27: {  	s1 =	sld [smem:$0x3FA4]  }
0x28: {  	s2 =	sld [smem:$0x3FA5]  }
0x29: {  	s4 =	sld [smem:$0x3FA7]  }
0x2a: {  	p0 =	seq.s32 s5, $0x0;
	s5 =	sld [smem:$0x3FA8]  }
0x2b: {  	s6 =	sld [smem:$0x3FA9]  }
0x2c: {  	s7 =	sld [smem:$0x3FAA]  }
0x2d: {  	s3 =	simm.s32 $0x108;
	s8 =	sld [smem:$0x3FAB]  }
0x2e: {  	s3 =	simm.s32 @!p0 $0x1082;
	s9 =	sld [smem:$0x3FAC]  }
0x2f: {  	lr =	sadd.s32 s0, s3;
	s0 =	sld [smem:$0x3FA3]  }
0x30: {  	s3 =	sld [smem:$0x3FA6]  }
0x31: {  	[smem:$0x3FAF] =	sst s10  }
0x32: {  	s10 =	sld [smem:$0x3FAD];
	_ =	sdelay $0x3  }
0x33: {  	p0 =	seq.s32 s10, $0x1;
	s10 =	sld [smem:$0x3FAF];
	_ =	sdelay $0x3  }
0x34: {  	[smem:$0x3FAF] =	sst s10  }
0x35: {  	s10 =	sld [smem:$0x3FAE];
	_ =	sdelay $0x3  }
0x36: {  	p1 =	seq.s32 s10, $0x1;
	s10 =	sld [smem:$0x3FAF];
	_ =	sdelay $0x3  }
0x37: {  	[smem:$0x3FAF] =	sst s10  }
0x38: {  	s10 =	sld [smem:$0x3FB0]  }
0x39: {  	_ = 	snop;
	(pc) =	sbr.ind lr, $3  }
0x3a: {  	_ = 	snop  }
0x3b: {  	_ = 	snop  }
0x3c: {  	p2 =	seq.s32 s10, $0x1;
	s10 =	sld [smem:$0x3FAF]  }
0x3d: {  	_ =	shalt  }
0x3e: {  	_ =	shalt  }
0x3f: {  	_ =	shalt  }
0x40: {  	_ =	shalt  }
0x41: {  	_ =	shalt  }
0x42: {  	_ =	shalt  }
0x43: {  	_ =	shalt  }
0x44: {  	_ =	shalt  }
0x45: {  	_ =	shalt  }
0x46: {  	_ =	shalt  }
0x47: {  	_ =	shalt  }
0x48: {  	_ =	shalt  }
0x49: {  	_ =	shalt  }
0x4a: {  	_ =	shalt  }
0x4b: {  	_ =	shalt  }
0x4c: {  	_ =	shalt  }
0x4d: {  	_ =	shalt  }
0x4e: {  	_ =	shalt  }
0x4f: {  	_ =	shalt  }
0x50: {  	_ =	shalt  }
0x51: {  	_ =	shalt  }
0x52: {  	_ =	shalt  }
0x53: {  	_ =	shalt  }
0x54: {  	_ =	shalt  }
0x55: {  	_ =	shalt  }
0x56: {  	_ =	shalt  }
0x57: {  	_ =	shalt  }
0x58: {  	_ =	shalt  }
0x59: {  	_ =	shalt  }
0x5a: {  	_ =	shalt  }
0x5b: {  	_ =	shalt  }
0x5c: {  	_ =	shalt  }
0x5d: {  	_ =	shalt  }
0x5e: {  	_ =	shalt  }
0x5f: {  	_ =	shalt  }
0x60: {  	_ =	shalt  }
0x61: {  	_ =	shalt  }
0x62: {  	_ =	shalt  }
0x63: {  	_ =	shalt  }
0x64: {  	_ =	shalt  }
0x65: {  	_ =	shalt  }
0x66: {  	_ =	shalt  }
0x67: {  	_ =	shalt  }
0x68: {  	_ =	shalt  }
0x69: {  	_ =	shalt  }
0x6a: {  	_ =	shalt  }
0x6b: {  	_ =	shalt  }
0x6c: {  	_ =	shalt  }
0x6d: {  	_ =	shalt  }
0x6e: {  	_ =	shalt  }
0x6f: {  	_ =	shalt  }
0x70: {  	_ =	shalt  }
0x71: {  	_ =	shalt  }
0x72: {  	_ =	shalt  }
0x73: {  	_ =	shalt  }
0x74: {  	_ =	shalt  }
0x75: {  	_ =	shalt  }
0x76: {  	_ =	shalt  }
0x77: {  	_ =	shalt  }
0x78: {  	_ =	shalt  }
0x79: {  	_ =	shalt  }
0x7a: {  	_ =	shalt  }
0x7b: {  	_ =	shalt  }
0x7c: {  	_ =	shalt  }
0x7d: {  	_ =	shalt  }
0x7e: {  	_ =	shalt  }
0x7f: {  	_ =	shalt  }
0x80: {  	_ =	shalt  }
0x81: {  	_ =	shalt  }
0x82: {  	_ =	shalt  }
0x83: {  	_ =	shalt  }
0x84: {  	_ =	shalt  }
0x85: {  	_ =	shalt  }
0x86: {  	_ =	shalt  }
0x87: {  	_ =	shalt  }
.Lfunc_end0:
.L_simem_size_0:
called_computation_lowered:
.L_overlay_start_0:
0x88: {  	s2 =	sld [smem:$0x3FD9]  }
0x89: {  	s3 =	sld [smem:$0x3FFE];
	_ =	sdelay $0x1  }
0x8a: {  	s1 =	srdreg.scid  }
0x8b: {  	s0 =	sand.u32 $0x1, s1  }
0x8c: {  	s17 =	sshll.u32 s0, $0xA;
	s2 =	sadd.s32 s3, s2  }
0x8d: {  	s2 =	sadd.s32 s2, s17  }
0x8e: {  	[smem:$0x3FBB] =	sst s2  }
0x8f: {  	_ = 	snop  }
0x90: {  	s18 =	sld [smem:$0x3FD0];
	(tm) =	ssettm $0x1  }
0x91: {  	s19 =	sld [smem:$0x3FFB];
	_ =	sdelay $0x3  }
0x92: {  	_ =	strace s19  }
0x93: {  	s2 =	sld [smem:$0x3FFC];
	_ =	sdelay $0x3  }
0x94: {  	_ =	strace s2  }
0x95: {  	s2 =	sld [smem:$0x3FFD];
	_ =	sdelay $0x3  }
0x96: {  	_ =	strace s2  }
0x97: {  	_ =	strace $0x8FFFFFFF  }
0x98: {  	s20 =	sld [smem:$0x3FDB];
	_ =	sdelay $0x1  }
0x99: {  	s4 =	simm.s32 $_scs_section_size  }
0x9a: {  	s5 =	simm.s32 $_size__tile_overlayer_lowered;
	s6 =	simm.s32 $_tile_overlayer_lowered  }
0x9b: {  	s7 =	simm.s32 $0x1BFF;
	s21 =	sshll.u32 s6, $0x1;
	s4 =	sadd.s32 s4, s20  }
0x9c: {  	s22 =	simm.s32 $0x0;
	s5 =	sshll.u32 s5, $0x1;
	s6 =	sadd.s32 s21, s4  }
0x9d: {  	[timem:s22], [sflag:s7] =	dma.local [hbm:s6], s5  }
0x9e: {  	_ =	swait.ge [sflag:s7], s5  }
0x9f: {  	s5 =	ssub.s32 $0x0, s5;
	[sflag:s7] =	ssyncset.done $0x0  }
0xa0: {  	[sflag:s7] =	ssyncadd.s32 s5;
	_ =	sdelay $0x1  }
0xa1: {  	s23 =	simm.s32 $0x1B8B  }
0xa2: {  	_ =	swait.ge [sflag:s23], $0x1  }
0xa3: {  	[sflag:s23] =	ssyncset.done $0x0  }
0xa4: {  	[sflag:s23] =	ssyncadd.s32 $0xFFFFFFFF  }
0xa5: {  	s5 =	sld [smem:$0x0]  }
0xa6: {  	s6 =	sand.u32 $0xFFFFFFFE, s1  }
0xa7: {  	p0 =	sne.s32 s1, s6  }
0xa8: {  	s6 =	sshll.u32 @p0 s6, $0xE  }
0xa9: {  	s6 =	sadd.s32 @p0 $0x11B8D, s6;
	s7 =	sshll.u32 @p0 s5, $0x11  }
0xaa: {  	s6 =	sor.u32 @p0 s7, s6  }
0xab: {  	[sflag:s6] =	ssyncadd.remote.s32 @p0 $0x1;
	_ =	sdelay $0x1  }
0xac: {  	s6 =	simm.s32 @p0 $0x1B8D  }
0xad: {  	_ =	swait.eq @p0 [sflag:s6], $0x1  }
0xae: {  	[sflag:s6] =	ssyncadd.s32 @p0 $0xFFFFFFFF  }
0xaf: {  	s7 =	sshll.u32 @!p0 s1, $0xE  }
0xb0: {  	s7 =	sor.u32 @!p0 $0x4000, s7;
	s6 =	simm.s32 @!p0 $0x1B8D  }
0xb1: {  	s5 =	sshll.u32 @!p0 s5, $0x11;
	s7 =	sadd.s32 @!p0 $0x11B8D, s7;
	_ =	swait.eq @!p0 [sflag:s6], $0x1  }
0xb2: {  	s5 =	sor.u32 @!p0 s5, s7;
	[sflag:s6] =	ssyncadd.s32 @!p0 $0xFFFFFFFF  }
0xb3: {  	s25 =	simm.s32 $0x1B8E;
	s24 =	sld [smem:$0x3FFE];
	[sflag:s5] =	ssyncadd.remote.s32 @!p0 $0x1  }
0xb4: {  	s26 =	simm.s32 $execute0_lowered;
	[smem:$0x3FD2] =	sst s25  }
0xb5: {  	s6 =	sshll.u32 s26, $0x1;
	_ =	strace $0x80000049;
	[dreg:$0x1] =	wrdreg $0xFFFFFFFF  }
0xb6: {  	s28 =	simm.s32 $_size_execute0_lowered;
	s4 =	sadd.s32 s4, s6;
	[dreg:$0x0] =	wrdreg $0x0  }
0xb7: {  	s6 =	sshll.u32 s28, $0x1;
	[dreg:$0x2] =	wrdreg s4  }
0xb8: {  	[dreg:$0x3] =	wrdreg s6  }
0xb9: {  	[dreg:$0x4] =	wrdreg $0xC0  }
0xba: {  	_ =	task [dreg:s22], $0x5FFFF  }
0xbb: {  	[dreg:$0x1] =	wrdreg $0xFFFFFFFF  }
0xbc: {  	[dreg:$0x0] =	wrdreg $0x60  }
0xbd: {  	[dreg:$0x2] =	wrdreg s24  }
0xbe: {  	[dreg:$0x3] =	wrdreg s18  }
0xbf: {  	[dreg:$0x4] =	wrdreg $0x68000  }
0xc0: {  	[dreg:$0x5] =	wrdreg $0x9  }
0xc1: {  	_ =	task.clear_ibuf [dreg:s22], $0x6FFFF;
	_ =	strace $0x90000049  }
0xc2: {  	s29 =	simm.s32 $0x9;
	_ =	strace $0x8000004B  }
0xc3: {  	_ =	swait.ge [sflag:s29], $0x1  }
0xc4: {  	[sflag:s29] =	ssyncadd.s32 $0xFFFFFFFF  }
0xc5: {  	_ =	strace $0x9000004B  }
0xc6: {  	_ =	sfence  }
0xc7: {  	s30 =	sld [smem:$0x0];
	_ =	sdelay $0x2  }
0xc8: {  	s31 =	sshll.u32 s1, $0xD;
	s1 =	sshrl.u32 s1, $0x2  }
0xc9: {  	s4 =	sand.u32 $0x4000, s31;
	s1 =	sadd.s32 s1, s30  }
0xca: {  	s0 =	sor.u32 s4, s0;
	s1 =	sshll.u32 s1, $0x11  }
0xcb: {  	s0 =	sor.u32 s1, s0  }
0xcc: {  	s0 =	sadd.s32 $0x8F2B, s0  }
0xcd: {  	[sflag:s0] =	ssyncadd.remote.s32 $0x1  }
0xce: {  	_ =	sfence.sel $0xFFFF  }
0xcf: {  	[dreg:$0x0] =	wrdreg $0xFFFFFFFF;
	(pc) =	sbr.abs _section_cstart, $3  }
0xd0: {  	[dreg:$0x1] =	wrdreg $0xFFFFFFFF  }
0xd1: {  	_ =	task.clear_ibuf [dreg:s22], $0x2FFFF;
	_ =	strace $0x9FFFFFFF  }
0xd2: {  	(tm) =	ssettm $0x7FFFFFFF  }
0xd3: {  	_ =	shalt  }
tec
execute0_lowered:
.L_overlay_start_1:
0x0: {  	(tag) =	ssettag $0x1  }
0x1: {  	s7 =	rddreg [dreg:$0x0]  }
0x2: {  	s0 =	srdreg.scid;
	s2 =	rddreg [dreg:$0x1]  }
0x3: {  	s3 =	rddreg [dreg:$0x2];
	s4 =	simm.s32 $0x0;
	s6 =	sand.u32 $0x1, s0  }
0x4: {  	s17 =	simm.s32 $0x80;
	s0 =	stileid.u32;
	s8 =	smul.u32 $0x140000, s6  }
0x5: {  	s18 =	simm.s32 $0x1;
	s19 =	simm.s32 $0x0;
	s9 =	smul.u32 $0x14000, s0  }
0x6: {  	[smem:$0x7FF] =	sst s4;
	s1 =	sshll.u32 s6, $0x4;
	s29 =	smul.u32 $0x50000, s0  }
0x7: {  	s6 =	ssub.s32 $0x2, s6;
	s31 =	sshll.u32 s0, $0x6;
	s1 =	sor.u32 s0, s1  }
0x8: {  	s30 =	sshrl.u32 s6, $0x1;
	s5 =	smul.u32 $0x500, s1;
	s1 =	rddreg [dreg:$0x3]  }
0x9: {  	_ =	strace $0x8000004A;
	s8 =	sadd.s32 s9, s8;
	s9 =	sshrl.u32 s29, $0x2  }
0xa: {  	s11 =	ssub.s32 s6, s30;
	s6 =	sor.u32 $0x1C02, s31;
	s8 =	sshrl.u32 s8, $0x3  }
0xb: {  	s12 =	sadd.s32 s9, s3;
	s9 =	smax.u32 s11, $0x1;
	s11 =	simm.s32 $0x2  }
0xc: {  	s10 =	sadd.s32 s5, s7;
	s5 =	sadd.s32 $0x8F400, s7;
	s8 =	sadd.s32 s8, s7  }
0xd: {  	s13 =	sadd.s32 $0x4000, s12;
	s14 =	sadd.s32 $0x8000, s12;
	s15 =	sadd.s32 $0xC000, s12  }
0xe: {  	s16 =	sadd.s32 $0x10000, s12;
	s7 =	sadd.s32 $0x2B400, s10;
	s8 =	sadd.s32 $0x8FC00, s8  }
0xf: {  	s10 =	sshrl.u32 s12, $0x3;
	s12 =	sshrl.u32 s13, $0x3;
	s13 =	sshrl.u32 s14, $0x3  }
0x10: {  	s14 =	sshrl.u32 s15, $0x3;
	s15 =	sshrl.u32 s16, $0x3;
	s16 =	simm.s32 $0x2800  }
.LBB2_1:
0x11: {  	[spmem:s10], [sflag:s6] =	dma.local [hbm:s2], $0x800  }
0x12: {  	_ =	swait.ge [sflag:s11], $0x800  }
0x13: {  	[sflag:s11] =	ssyncset.done $0x0  }
0x14: {  	[sflag:s11] =	ssyncadd.s32 $0xFFFFF800  }
0x15: {  	[spmem:s12], [sflag:s6] =	dma.local [hbm:s2], $0x800  }
0x16: {  	_ =	swait.ge [sflag:s11], $0x800  }
0x17: {  	[sflag:s11] =	ssyncset.done $0x0  }
0x18: {  	[sflag:s11] =	ssyncadd.s32 $0xFFFFF800  }
0x19: {  	[spmem:s13], [sflag:s6] =	dma.local [hbm:s2], $0x800  }
0x1a: {  	_ =	swait.ge [sflag:s11], $0x800  }
0x1b: {  	[sflag:s11] =	ssyncset.done $0x0  }
0x1c: {  	[sflag:s11] =	ssyncadd.s32 $0xFFFFF800  }
0x1d: {  	[spmem:s14], [sflag:s6] =	dma.local [hbm:s2], $0x800  }
0x1e: {  	_ =	swait.ge [sflag:s11], $0x800  }
0x1f: {  	[sflag:s11] =	ssyncset.done $0x0  }
0x20: {  	[sflag:s11] =	ssyncadd.s32 $0xFFFFF800  }
0x21: {  	[spmem:s15], [sflag:s6] =	dma.local [hbm:s2], $0x800  }
0x22: {  	_ =	swait.ge [sflag:s11], $0x800  }
0x23: {  	[sflag:s11] =	ssyncset.done $0x0  }
0x24: {  	[sflag:s11] =	ssyncadd.s32 $0xFFFFF800  }
0x25: {  	[bflag:$0x0] =	sbarrier.arrive $0xFFFF  }
0x26: {  	[tilespmem:s16], [sflag:$0x2] =	stream.linear.gather [hbm4b:s5+s4], $0x4000, $0x38;
	[tilespmem:$0x1A800] =	vst v63  }
0x27: {  	_ =	swait.ge [sflag:s11], $0x4000  }
0x28: {  	[sflag:s11] =	ssyncset.done $0x0  }
0x29: {  	[sflag:s11] =	ssyncadd.s32 $0xFFFFC000  }
0x2a: {  	[tilespmem:s4], [sflag:$0x2] =	stream.linear.gather [hbm4b:s7+s4], $0x2800, $0x38;
	[tilespmem:$0x1A800] =	vst v63  }
0x2b: {  	_ =	swait.ge [sflag:s11], $0x2800  }
0x2c: {  	[sflag:s11] =	ssyncset.done $0x0  }
0x2d: {  	s20 =	simm.s32 $0x0;
	[sflag:s11] =	ssyncadd.s32 $0xFFFFD800  }
0x2e: {  	[spmem:s3] =	stream.indirect.scatter.add.f32 [tilespmem:s16], [sflag:$0x1], $0x80, s20, s17, $0xb8;
	[tilespmem:$0x1A800] =	vst v63  }
0x2f: {  	s24 =	simm.s32 $0x80  }
0x30: {  	[spmem:s3] =	stream.indirect.scatter.add.f32 [tilespmem:s16], [sflag:$0x1], $0x80, s24, s17, $0xb8;
	[tilespmem:$0x1A800] =	vst v63  }
0x31: {  	s25 =	simm.s32 $0x100  }
0x32: {  	[spmem:s3] =	stream.indirect.scatter.add.f32 [tilespmem:s16], [sflag:$0x1], $0x80, s25, s17, $0xb8;
	[tilespmem:$0x1A800] =	vst v63  }
0x33: {  	s26 =	simm.s32 $0x180  }
0x34: {  	[spmem:s3] =	stream.indirect.scatter.add.f32 [tilespmem:s16], [sflag:$0x1], $0x80, s26, s17, $0xb8;
	[tilespmem:$0x1A800] =	vst v63  }
0x35: {  	s28 =	simm.s32 $0x200  }
0x36: {  	[spmem:s3] =	stream.indirect.scatter.add.f32 [tilespmem:s16], [sflag:$0x1], $0x80, s28, s17, $0xb8;
	[tilespmem:$0x1A800] =	vst v63  }
0x37: {  	s29 =	simm.s32 $0x280  }
0x38: {  	[spmem:s3] =	stream.indirect.scatter.add.f32 [tilespmem:s16], [sflag:$0x1], $0x80, s29, s17, $0xb8;
	[tilespmem:$0x1A800] =	vst v63  }
0x39: {  	s30 =	simm.s32 $0x300  }
0x3a: {  	[spmem:s3] =	stream.indirect.scatter.add.f32 [tilespmem:s16], [sflag:$0x1], $0x80, s30, s17, $0xb8;
	[tilespmem:$0x1A800] =	vst v63  }
0x3b: {  	s31 =	simm.s32 $0x380  }
0x3c: {  	[spmem:s3] =	stream.indirect.scatter.add.f32 [tilespmem:s16], [sflag:$0x1], $0x80, s31, s17, $0xb8;
	[tilespmem:$0x1A800] =	vst v63  }
0x3d: {  	_ =	swait.ge [sflag:s18], $0x4000  }
0x3e: {  	[sflag:s18] =	ssyncset.done $0x0  }
0x3f: {  	[sflag:s18] =	ssyncadd.s32 $0xFFFFC000  }
0x40: {  	_ =	swait.ge [sflag:s18], $0x4000  }
0x41: {  	[sflag:s18] =	ssyncset.done $0x0  }
0x42: {  	[sflag:s18] =	ssyncadd.s32 $0xFFFFC000  }
0x43: {  	_ =	swait.ge [sflag:s18], $0x4000  }
0x44: {  	[sflag:s18] =	ssyncset.done $0x0  }
0x45: {  	[sflag:s18] =	ssyncadd.s32 $0xFFFFC000  }
0x46: {  	_ =	swait.ge [sflag:s18], $0x4000  }
0x47: {  	[sflag:s18] =	ssyncset.done $0x0  }
0x48: {  	[sflag:s18] =	ssyncadd.s32 $0xFFFFC000  }
0x49: {  	_ =	swait.ge [sflag:s18], $0x4000  }
0x4a: {  	[sflag:s18] =	ssyncset.done $0x0  }
0x4b: {  	[sflag:s18] =	ssyncadd.s32 $0xFFFFC000  }
0x4c: {  	_ =	swait.ge [sflag:s18], $0x4000  }
0x4d: {  	[sflag:s18] =	ssyncset.done $0x0  }
0x4e: {  	[sflag:s18] =	ssyncadd.s32 $0xFFFFC000  }
0x4f: {  	_ =	swait.ge [sflag:s18], $0x4000  }
0x50: {  	[sflag:s18] =	ssyncset.done $0x0  }
0x51: {  	[sflag:s18] =	ssyncadd.s32 $0xFFFFC000  }
0x52: {  	_ =	swait.ge [sflag:s18], $0x4000  }
0x53: {  	s22 =	simm.s32 $0x2000;
	s20 =	simm.s32 $0x1000;
	[sflag:s18] =	ssyncset.done $0x0  }
.LBB2_2:
0x54: {  	s23 =	sshra.s32 s20, $0x2  }
0x55: {  	[sflag:s18] =	ssyncadd.s32 $0xFFFFC000;
	s20 =	smov.u32 s22;
	s21 =	sadd.s32 $0x1000, s22  }
0x56: {  	[spmem:s3] =	stream.indirect.scatter.add.f32 [tilespmem:s16], [sflag:$0x1], $0x80, s23, s17, $0xb8;
	[tilespmem:$0x1A800] =	vst v63  }
0x57: {  	p0 =	sne.s32 s22, $0x9000;
	s22 =	sadd.s32 $0x80, s23  }
0x58: {  	[spmem:s3] =	stream.indirect.scatter.add.f32 [tilespmem:s16], [sflag:$0x1], $0x80, s22, s17, $0xb8;
	[tilespmem:$0x1A800] =	vst v63  }
0x59: {  	s22 =	sadd.s32 $0x100, s23  }
0x5a: {  	[spmem:s3] =	stream.indirect.scatter.add.f32 [tilespmem:s16], [sflag:$0x1], $0x80, s22, s17, $0xb8;
	[tilespmem:$0x1A800] =	vst v63  }
0x5b: {  	s22 =	sadd.s32 $0x180, s23  }
0x5c: {  	[spmem:s3] =	stream.indirect.scatter.add.f32 [tilespmem:s16], [sflag:$0x1], $0x80, s22, s17, $0xb8;
	[tilespmem:$0x1A800] =	vst v63  }
0x5d: {  	s22 =	sadd.s32 $0x200, s23  }
0x5e: {  	[spmem:s3] =	stream.indirect.scatter.add.f32 [tilespmem:s16], [sflag:$0x1], $0x80, s22, s17, $0xb8;
	[tilespmem:$0x1A800] =	vst v63  }
0x5f: {  	s22 =	sadd.s32 $0x280, s23  }
0x60: {  	[spmem:s3] =	stream.indirect.scatter.add.f32 [tilespmem:s16], [sflag:$0x1], $0x80, s22, s17, $0xb8;
	[tilespmem:$0x1A800] =	vst v63  }
0x61: {  	s22 =	sadd.s32 $0x300, s23  }
0x62: {  	[spmem:s3] =	stream.indirect.scatter.add.f32 [tilespmem:s16], [sflag:$0x1], $0x80, s22, s17, $0xb8;
	[tilespmem:$0x1A800] =	vst v63  }
0x63: {  	s22 =	sadd.s32 $0x380, s23  }
0x64: {  	[spmem:s3] =	stream.indirect.scatter.add.f32 [tilespmem:s16], [sflag:$0x1], $0x80, s22, s17, $0xb8;
	[tilespmem:$0x1A800] =	vst v63  }
0x65: {  	_ =	swait.ge [sflag:s18], $0x4000  }
0x66: {  	[sflag:s18] =	ssyncset.done $0x0  }
0x67: {  	[sflag:s18] =	ssyncadd.s32 $0xFFFFC000  }
0x68: {  	_ =	swait.ge [sflag:s18], $0x4000  }
0x69: {  	[sflag:s18] =	ssyncset.done $0x0  }
0x6a: {  	[sflag:s18] =	ssyncadd.s32 $0xFFFFC000  }
0x6b: {  	_ =	swait.ge [sflag:s18], $0x4000  }
0x6c: {  	[sflag:s18] =	ssyncset.done $0x0  }
0x6d: {  	[sflag:s18] =	ssyncadd.s32 $0xFFFFC000  }
0x6e: {  	_ =	swait.ge [sflag:s18], $0x4000  }
0x6f: {  	[sflag:s18] =	ssyncset.done $0x0  }
0x70: {  	[sflag:s18] =	ssyncadd.s32 $0xFFFFC000  }
0x71: {  	_ =	swait.ge [sflag:s18], $0x4000  }
0x72: {  	[sflag:s18] =	ssyncset.done $0x0  }
0x73: {  	[sflag:s18] =	ssyncadd.s32 $0xFFFFC000  }
0x74: {  	_ =	swait.ge [sflag:s18], $0x4000  }
0x75: {  	[sflag:s18] =	ssyncset.done $0x0  }
0x76: {  	[sflag:s18] =	ssyncadd.s32 $0xFFFFC000  }
.Ltmp0:
0x77: {  	_ =	swait.ge [sflag:s18], $0x4000;
	(pc) =	sbr.rel @p0 .LBB2_2-.Ltmp0, $4  }
0x78: {  	[sflag:s18] =	ssyncset.done $0x0  }
0x79: {  	[sflag:s18] =	ssyncadd.s32 $0xFFFFC000  }
0x7a: {  	_ =	swait.ge [sflag:s18], $0x4000  }
0x7b: {  	s22 =	smov.u32 s21;
	[sflag:s18] =	ssyncset.done $0x0  }
0x7c: {  	s20 =	sshra.s32 s20, $0x2;
	[sflag:s18] =	ssyncadd.s32 $0xFFFFC000  }
0x7d: {  	[spmem:s3] =	stream.indirect.scatter.add.f32 [tilespmem:s16], [sflag:$0x1], $0x80, s20, s17, $0xb8;
	[tilespmem:$0x1A800] =	vst v63  }
0x7e: {  	s21 =	sadd.s32 $0x80, s20  }
0x7f: {  	[spmem:s3] =	stream.indirect.scatter.add.f32 [tilespmem:s16], [sflag:$0x1], $0x80, s21, s17, $0xb8;
	[tilespmem:$0x1A800] =	vst v63  }
0x80: {  	s26 =	sadd.s32 $0x100, s20  }
0x81: {  	[spmem:s3] =	stream.indirect.scatter.add.f32 [tilespmem:s16], [sflag:$0x1], $0x80, s26, s17, $0xb8;
	[tilespmem:$0x1A800] =	vst v63  }
0x82: {  	s28 =	sadd.s32 $0x180, s20  }
0x83: {  	[spmem:s3] =	stream.indirect.scatter.add.f32 [tilespmem:s16], [sflag:$0x1], $0x80, s28, s17, $0xb8;
	[tilespmem:$0x1A800] =	vst v63  }
0x84: {  	s29 =	sadd.s32 $0x200, s20  }
0x85: {  	[spmem:s3] =	stream.indirect.scatter.add.f32 [tilespmem:s16], [sflag:$0x1], $0x80, s29, s17, $0xb8;
	[tilespmem:$0x1A800] =	vst v63  }
0x86: {  	s30 =	sadd.s32 $0x280, s20  }
0x87: {  	[spmem:s3] =	stream.indirect.scatter.add.f32 [tilespmem:s16], [sflag:$0x1], $0x80, s30, s17, $0xb8;
	[tilespmem:$0x1A800] =	vst v63  }
0x88: {  	s31 =	sadd.s32 $0x300, s20  }
0x89: {  	[spmem:s3] =	stream.indirect.scatter.add.f32 [tilespmem:s16], [sflag:$0x1], $0x80, s31, s17, $0xb8;
	[tilespmem:$0x1A800] =	vst v63  }
0x8a: {  	s20 =	sadd.s32 $0x380, s20  }
0x8b: {  	[spmem:s3] =	stream.indirect.scatter.add.f32 [tilespmem:s16], [sflag:$0x1], $0x80, s20, s17, $0xb8;
	[tilespmem:$0x1A800] =	vst v63  }
0x8c: {  	_ =	swait.ge [sflag:s18], $0x4000  }
0x8d: {  	[sflag:s18] =	ssyncset.done $0x0  }
0x8e: {  	[sflag:s18] =	ssyncadd.s32 $0xFFFFC000  }
0x8f: {  	_ =	swait.ge [sflag:s18], $0x4000  }
0x90: {  	[sflag:s18] =	ssyncset.done $0x0  }
0x91: {  	[sflag:s18] =	ssyncadd.s32 $0xFFFFC000  }
0x92: {  	_ =	swait.ge [sflag:s18], $0x4000  }
0x93: {  	[sflag:s18] =	ssyncset.done $0x0  }
0x94: {  	[sflag:s18] =	ssyncadd.s32 $0xFFFFC000  }
0x95: {  	_ =	swait.ge [sflag:s18], $0x4000  }
0x96: {  	[sflag:s18] =	ssyncset.done $0x0  }
0x97: {  	[sflag:s18] =	ssyncadd.s32 $0xFFFFC000  }
0x98: {  	_ =	swait.ge [sflag:s18], $0x4000  }
0x99: {  	[sflag:s18] =	ssyncset.done $0x0  }
0x9a: {  	[sflag:s18] =	ssyncadd.s32 $0xFFFFC000  }
0x9b: {  	_ =	swait.ge [sflag:s18], $0x4000  }
0x9c: {  	[sflag:s18] =	ssyncset.done $0x0  }
0x9d: {  	[sflag:s18] =	ssyncadd.s32 $0xFFFFC000  }
0x9e: {  	_ =	swait.ge [sflag:s18], $0x4000  }
0x9f: {  	[sflag:s18] =	ssyncset.done $0x0  }
0xa0: {  	[sflag:s18] =	ssyncadd.s32 $0xFFFFC000  }
0xa1: {  	_ =	swait.ge [sflag:s18], $0x4000  }
0xa2: {  	s19 =	sadd.s32 $0x1, s19;
	[sflag:s18] =	ssyncset.done $0x0  }
0xa3: {  	p0 =	sne.s32 s19, s9;
	[sflag:s18] =	ssyncadd.s32 $0xFFFFC000  }
.Ltmp1:
0xa4: {  	[bflag:$0x0] =	sbarrier.arrive $0xFFFF;
	(pc) =	sbr.rel @p0 .LBB2_1-.Ltmp1, $4  }
0xa5: {  	[hbm:s8], [sflag:s6] =	dma.local [spmem:s10], $0x2800  }
0xa6: {  	_ =	swait.ge [sflag:s11], $0x2800  }
0xa7: {  	[sflag:s11] =	ssyncset.done $0x0  }
0xa8: {  	[sflag:s11] =	ssyncadd.s32 $0xFFFFD800  }
0xa9: {  	_ =	sfence.sel $0x180000  }
0xaa: {  	[bflag:$0x0] =	sbarrier.arrive $0xFFFF  }
0xab: {  	p0 =	sne.s32 s0, $0x0;
	_ =	strace $0x9000004A  }
0xac: {  	s0 =	sadd.s32 @!p0 $0x100000, s1;
	[bflag:$0x2] =	sbarrier.arrive $0xFFFF  }
0xad: {  	[sflag:s0] =	ssyncadd.tile.s32 @!p0 $0x1;
	_ =	shalt  }
.Lfunc_end2:
_tile_overlayer_lowered:
.L_overlay_start_2:
0xae: {  	(tag) =	ssettag $0x2  }
0xaf: {  	s0 =	rddreg [dreg:$0x0];
	s2 =	stileid.u32  }
0xb0: {  	s1 =	rddreg [dreg:$0x1];
	p0 =	sne.s32 s2, $0x0  }
0xb1: {  	s3 =	rddreg [dreg:$0x2];
	[bflag:$0x3] =	sbarrier.arrive $0xFFFF;
	s2 =	simm.s32 @!p0 $0x1C02  }
0xb2: {  	[timem:s3], [sflag:s2] =	dma.local @!p0 [hbm:s0], s1  }
0xb3: {  	s0 =	simm.s32 @!p0 $0x2  }
0xb4: {  	_ =	swait.ge @!p0 [sflag:s0], s1  }
0xb5: {  	s1 =	ssub.s32 @!p0 $0x0, s1;
	[sflag:s0] =	ssyncset.done @!p0 $0x0  }
0xb6: {  	[sflag:s0] =	ssyncadd.s32 @!p0 s1  }
0xb7: {  	[bflag:$0x3] =	sbarrier.arrive $0xFFFF  }
0xb8: {  	_ =	shalt  }

</sc_bundles>
